<compile_context>
chip_gen: v7x
topology: tpu7x:2x2x1
jax: 0.10.2.dev20260603
libtpu: 0.0.44.dev20260713+nightly
codegen_flags: <defaults>
</compile_context>

<pallas_src>
import functools

import jax
import jax.numpy as jnp
from jax import lax
from jax.experimental import pallas as pl
from jax.experimental.pallas import tpu as pltpu
from jax.experimental.pallas import tpu_sc as plsc

C = 21
N = 8
H = 512
W = 512
NC = 2
NS = 16
NW = NC * NS
TH = 8
TW = 128
HT = H // TH
WT = W // TW
SLABS_TOTAL = N * HT * WT
SLABS = SLABS_TOTAL // NW
PIX = TH * TW
VECS = PIX // 16
NBUF = 4
NTC = 2
SLABS_SC = (N - NTC) * HT * WT // NW
F0 = NTC * HT * WT
HBLK = 64

_LN2 = 0.6931471805599453
_SQRT2 = 1.4142135623730951


def _log_f32(p):
    bits = plsc.bitcast(p, jnp.int32)
    e = (bits >> 23) - 127
    m = plsc.bitcast((bits & 0x007FFFFF) | 0x3F800000, jnp.float32)
    big = m > _SQRT2
    m = jnp.where(big, m * 0.5, m)
    ef = jnp.where(big, e + 1, e).astype(jnp.float32)
    r = (m - 1.0) / (m + 1.0)
    r2 = r * r
    poly = r * (2.0 + r2 * (0.6666666666666666 + r2 * (0.4 + r2 * (2.0 / 7.0))))
    return ef * _LN2 + poly


def _body(inp, tgt, alf, out, slab_v, tgt_v, alf_v, acc_v, slab_sem, tgt_sem):
    c = lax.axis_index("c")
    s = lax.axis_index("s")
    wid = s * NC + c

    pltpu.sync_copy(alf, alf_v)
    lane = lax.iota(jnp.int32, 16)

    def start(si, b):
        f = F0 + si * NW + wid
        n = f // (HT * WT)
        rem = f % (HT * WT)
        h0 = (rem // WT) * TH
        w0 = (rem % WT) * TW
        pltpu.async_copy(
            inp.at[n, :, pl.ds(h0, TH), pl.ds(w0, TW)],
            slab_v.at[b],
            slab_sem.at[b],
        )
        pltpu.async_copy(
            tgt.at[n, pl.ds(h0, TH), pl.ds(w0, TW)], tgt_v.at[b], tgt_sem.at[b]
        )

    for b0 in range(NBUF):
        start(b0, b0)

    def pair_loop(g, acc):
        for b in range(NBUF):
            si = g * NBUF + b
            pltpu.make_async_copy(
                inp.at[0, :, pl.ds(0, TH), pl.ds(0, TW)],
                slab_v.at[b],
                slab_sem.at[b],
            ).wait()
            pltpu.make_async_copy(
                tgt.at[0, pl.ds(0, TH), pl.ds(0, TW)], tgt_v.at[b], tgt_sem.at[b]
            ).wait()

            def vec_loop(j, a_in, b=b):
                hi = j >> 3
                wv = (j & 7) * 16
                t = tgt_v[b, hi, pl.ds(wv, 16)]
                h_vec = jnp.full((16,), hi, jnp.int32)
                p = plsc.load_gather(slab_v.at[b], [t, h_vec, wv + lane]) + 1e-10
                a = plsc.load_gather(alf_v, [t])
                omp = 1.0 - p
                return a_in - a * omp * omp * _log_f32(p)

            acc = lax.fori_loop(0, VECS, vec_loop, acc, unroll=4)

            @pl.when(si + NBUF < SLABS_SC)
            def _():
                start(si + NBUF, b)

        return acc

    acc = lax.fori_loop(
        0, SLABS_SC // NBUF, pair_loop, jnp.zeros((16,), jnp.float32)
    )
    acc_v[...] = acc
    pltpu.sync_copy(acc_v, out.at[pl.ds(wid * 16, 16)])


@jax.jit
def _focal_partials(inp, tgt, alf1):
    mesh = plsc.VectorSubcoreMesh(core_axis_name="c", subcore_axis_name="s")
    return pl.kernel(
        _body,
        out_type=jax.ShapeDtypeStruct((NW * 16,), jnp.float32),
        mesh=mesh,
        compiler_params=pltpu.CompilerParams(needs_layout_passes=False),
        scratch_types=[
            pltpu.VMEM((NBUF, C, TH, TW), jnp.float32),
            pltpu.VMEM((NBUF, TH, TW), jnp.int32),
            pltpu.VMEM((C,), jnp.float32),
            pltpu.VMEM((16,), jnp.float32),
            pltpu.SemaphoreType.DMA((NBUF,)),
            pltpu.SemaphoreType.DMA((NBUF,)),
        ],
    )(inp, tgt, alf1)


def _tc_body(alf_ref, x_ref, t_ref, o_ref):
    x = x_ref[0]
    t = t_ref[0]
    cidx = lax.broadcasted_iota(jnp.int32, (C, HBLK, W), 0)
    mask = cidx == t[None]
    p = jnp.sum(jnp.where(mask, x, 0.0), axis=0) + 1e-10
    a = jnp.sum(jnp.where(mask, alf_ref[...], 0.0), axis=0)
    omp = 1.0 - p
    part = jnp.sum(a * omp * omp * (-jnp.log(p)))[None, None]

    @pl.when(pl.program_id(0) == 0)
    def _():
        o_ref[...] = jnp.zeros((1, 1), jnp.float32)

    o_ref[...] += part


@jax.jit
def _focal_loss(inp, tgt, alf1):
    tc_sum = pl.pallas_call(
        _tc_body,
        grid=(NTC * (H // HBLK),),
        in_specs=[
            pl.BlockSpec((C, 1, 1), lambda i: (0, 0, 0)),
            pl.BlockSpec((1, C, HBLK, W), lambda i: (i // (H // HBLK), 0, i % (H // HBLK), 0)),
            pl.BlockSpec((1, HBLK, W), lambda i: (i // (H // HBLK), i % (H // HBLK), 0)),
        ],
        out_specs=pl.BlockSpec((1, 1), lambda i: (0, 0)),
        out_shape=jax.ShapeDtypeStruct((1, 1), jnp.float32),
    )(alf1.reshape(C, 1, 1), inp, tgt)
    partials = _focal_partials(inp, tgt, alf1)
    return (jnp.sum(partials) + tc_sum[0, 0]) / (N * H * W)


def kernel(input, target, alpha, one_hot_codes):
    return _focal_loss(input, target.astype(jnp.int32), alpha.reshape(-1))

# --- scband reference (transcript-rebuilt; emitter-appended) ---
"""Pipeline reference for scband-focal-loss-36094905155689 (READ-ONLY COPY).

The authoritative reference and input builder live on the scoring server;
editing this copy changes nothing except your own understanding.
"""

import jax, jax.numpy as jnp
import numpy as np

CLASS_NUM = 21
GAMMA = 2


def setup_inputs(seed: int = 0) -> dict:
    key = jax.random.key(seed)
    k1, k2 = jax.random.split(key)
    # input is expected to be probabilities (module takes log of gathered probs)
    inp = jax.random.uniform(k1, (8, CLASS_NUM, 512, 512), dtype=jnp.float32)
    target = jax.random.randint(k2, (8, 512, 512), 0, CLASS_NUM, dtype=jnp.int32)
    # buffers sized per init_kwargs (alpha=None -> uniform ones/class_num)
    alpha = jnp.ones((CLASS_NUM, 1), dtype=jnp.float32) / CLASS_NUM
    one_hot_codes = jnp.eye(CLASS_NUM, dtype=jnp.float32)
    return {"input": inp, "target": target, "alpha": alpha, "one_hot_codes": one_hot_codes}


def reference(input, target, alpha, one_hot_codes):
    # input.dim() == 4 branch: NCHW -> NHWC -> [N*H*W, C]
    x = jnp.transpose(input, (0, 2, 3, 1)).reshape(-1, CLASS_NUM)
    t = target.reshape(-1).astype(jnp.int32)
    mask = jnp.take(one_hot_codes, t, axis=0)          # gather rows of eye -> one-hot
    a = jnp.take(alpha, t, axis=0)                     # per-sample alpha [M, 1]
    probs = (x * mask).sum(axis=1).reshape(-1, 1) + 1e-10
    log_probs = jnp.log(probs)
    # gamma > 0 branch
    batch_loss = -a * jnp.power(1.0 - probs, GAMMA) * log_probs
    # size_average=True
    loss = batch_loss.mean()
    return loss

if __name__ == "__main__":
    import jax
    _d = setup_inputs()
    print(jax.jit(kernel)(*tuple(_d.values())))

</pallas_src>

<mosaic_0001>
#map = affine_map<(d0, d1) -> (0, 0, 0, 0)>
#map1 = affine_map<(d0, d1) -> (0, 0, 0)>
#map2 = affine_map<(d0, d1) -> (0)>
module attributes {stable_mosaic.version = 14 : i64} {
  func.func @_body(%arg0: i32, %arg1: i32, %arg2: memref<8x21x512x512xf32, #tpu.memory_space<hbm>>, %arg3: memref<8x512x512xi32, #tpu.memory_space<hbm>>, %arg4: memref<21xf32, #tpu.memory_space<hbm>>, %arg5: memref<512xf32, #tpu.memory_space<hbm>>, %arg6: memref<4x21x8x128xf32, #tpu.memory_space<vmem>>, %arg7: memref<4x8x128xi32, #tpu.memory_space<vmem>>, %arg8: memref<21xf32, #tpu.memory_space<vmem>>, %arg9: memref<16xf32, #tpu.memory_space<vmem>>, %arg10: memref<4x!tpu.dma_semaphore, #tpu.memory_space<semaphore_mem>>, %arg11: memref<4x!tpu.dma_semaphore, #tpu.memory_space<semaphore_mem>>) attributes {dimension_semantics = [#tpu.dimension_semantics<core_parallel>, #tpu.dimension_semantics<subcore_parallel>], iteration_bounds = array<i64: 2, 16>, scalar_prefetch = 0 : i64, scratch_operands = 6 : i64, tpu.core_type = #tpu.core_type<sc_vector_subcore>, window_params = [{transform_indices = #map}, {transform_indices = #map1}, {transform_indices = #map2}, {transform_indices = #map2}]} {
    %mul3A = arith.constant 2 : i32
    %mul3A_0 = arith.muli %arg1, %mul3A : i32
    %add3A = arith.addi %mul3A_0, %arg0 : i32
    "tpu.region"() ({
      %run_scoped3A = tpu.sem_alloc : memref<!tpu.dma_semaphore, #tpu.memory_space<semaphore_mem>>
      tpu.enqueue_dma source(%arg4 : memref<21xf32, #tpu.memory_space<hbm>>) target(%arg8 : memref<21xf32, #tpu.memory_space<vmem>>) target_semaphore(%run_scoped3A : memref<!tpu.dma_semaphore, #tpu.memory_space<semaphore_mem>>)
      tpu.wait_dma2 semaphore(%run_scoped3A : memref<!tpu.dma_semaphore, #tpu.memory_space<semaphore_mem>>) src(%arg4 : memref<21xf32, #tpu.memory_space<hbm>>) dst(%arg8 : memref<21xf32, #tpu.memory_space<vmem>>)
      tpu.yield
    }) : () -> ()
    %iota3A = tpu.iota {dimensions = array<i32: 0>} : vector<16xi32>
    %add3A_1 = arith.constant 512 : i32
    %add3A_2 = arith.addi %add3A_1, %add3A : i32
    %jit3A = arith.constant 256 : i32
    %div3A = arith.divsi %add3A_2, %jit3A : i32
    %sign3A = arith.constant 0 : i32
    %sign3A_3 = arith.cmpi sgt, %add3A_2, %sign3A : i32
    %sign3A_4 = arith.extui %sign3A_3 : i1 to i32
    %sign3A_5 = arith.constant 0 : i32
    %sign3A_6 = arith.cmpi slt, %add3A_2, %sign3A_5 : i32
    %sign3A_7 = arith.extui %sign3A_6 : i1 to i32
    %sign3A_8 = arith.subi %sign3A_4, %sign3A_7 : i32
    %sign3A_9 = arith.constant 0 : i32
    %sign3A_10 = arith.cmpi sgt, %jit3A, %sign3A_9 : i32
    %sign3A_11 = arith.extui %sign3A_10 : i1 to i32
    %sign3A_12 = arith.constant 0 : i32
    %sign3A_13 = arith.cmpi slt, %jit3A, %sign3A_12 : i32
    %sign3A_14 = arith.extui %sign3A_13 : i1 to i32
    %sign3A_15 = arith.subi %sign3A_11, %sign3A_14 : i32
    %ne3A = arith.cmpi ne, %sign3A_8, %sign3A_15 : i32
    %rem3A = arith.remsi %add3A_2, %jit3A : i32
    %ne3A_16 = arith.constant 0 : i32
    %ne3A_17 = arith.cmpi ne, %rem3A, %ne3A_16 : i32
    %and3A = arith.andi %ne3A, %ne3A_17 : i1
    %sub3A = arith.constant 1 : i32
    %sub3A_18 = arith.subi %div3A, %sub3A : i32
    %select_n3A = arith.select %and3A, %sub3A_18, %div3A : i32
    %jit3A_19 = arith.constant 256 : i32
    %eq3A = arith.constant 0 : i32
    %eq3A_20 = arith.cmpi eq, %jit3A_19, %eq3A : i32
    %jit3A_21 = arith.constant 1 : i32
    %select_n3A_22 = arith.select %eq3A_20, %jit3A_21, %jit3A_19 : i32
    %rem3A_23 = arith.remsi %add3A_2, %select_n3A_22 : i32
    %ne3A_24 = arith.constant 0 : i32
    %ne3A_25 = arith.cmpi ne, %rem3A_23, %ne3A_24 : i32
    %lt3A = arith.constant 0 : i32
    %lt3A_26 = arith.cmpi slt, %rem3A_23, %lt3A : i32
    %lt3A_27 = arith.constant 0 : i32
    %lt3A_28 = arith.cmpi slt, %select_n3A_22, %lt3A_27 : i32
    %ne3A_29 = arith.xori %lt3A_26, %lt3A_28 : i1
    %and3A_30 = arith.andi %ne3A_29, %ne3A_25 : i1
    %add3A_31 = arith.addi %rem3A_23, %select_n3A_22 : i32
    %select_n3A_32 = arith.select %and3A_30, %add3A_31, %rem3A_23 : i32
    %jit3A_33 = arith.constant 4 : i32
    %div3A_34 = arith.divsi %select_n3A_32, %jit3A_33 : i32
    %sign3A_35 = arith.constant 0 : i32
    %sign3A_36 = arith.cmpi sgt, %select_n3A_32, %sign3A_35 : i32
    %sign3A_37 = arith.extui %sign3A_36 : i1 to i32
    %sign3A_38 = arith.constant 0 : i32
    %sign3A_39 = arith.cmpi slt, %select_n3A_32, %sign3A_38 : i32
    %sign3A_40 = arith.extui %sign3A_39 : i1 to i32
    %sign3A_41 = arith.subi %sign3A_37, %sign3A_40 : i32
    %sign3A_42 = arith.constant 0 : i32
    %sign3A_43 = arith.cmpi sgt, %jit3A_33, %sign3A_42 : i32
    %sign3A_44 = arith.extui %sign3A_43 : i1 to i32
    %sign3A_45 = arith.constant 0 : i32
    %sign3A_46 = arith.cmpi slt, %jit3A_33, %sign3A_45 : i32
    %sign3A_47 = arith.extui %sign3A_46 : i1 to i32
    %sign3A_48 = arith.subi %sign3A_44, %sign3A_47 : i32
    %ne3A_49 = arith.cmpi ne, %sign3A_41, %sign3A_48 : i32
    %rem3A_50 = arith.remsi %select_n3A_32, %jit3A_33 : i32
    %ne3A_51 = arith.constant 0 : i32
    %ne3A_52 = arith.cmpi ne, %rem3A_50, %ne3A_51 : i32
    %and3A_53 = arith.andi %ne3A_49, %ne3A_52 : i1
    %sub3A_54 = arith.constant 1 : i32
    %sub3A_55 = arith.subi %div3A_34, %sub3A_54 : i32
    %select_n3A_56 = arith.select %and3A_53, %sub3A_55, %div3A_34 : i32
    %mul3A_57 = arith.constant 8 : i32
    %mul3A_58 = arith.muli %select_n3A_56, %mul3A_57 : i32
    %jit3A_59 = arith.constant 4 : i32
    %eq3A_60 = arith.constant 0 : i32
    %eq3A_61 = arith.cmpi eq, %jit3A_59, %eq3A_60 : i32
    %jit3A_62 = arith.constant 1 : i32
    %select_n3A_63 = arith.select %eq3A_61, %jit3A_62, %jit3A_59 : i32
    %rem3A_64 = arith.remsi %select_n3A_32, %select_n3A_63 : i32
    %ne3A_65 = arith.constant 0 : i32
    %ne3A_66 = arith.cmpi ne, %rem3A_64, %ne3A_65 : i32
    %lt3A_67 = arith.constant 0 : i32
    %lt3A_68 = arith.cmpi slt, %rem3A_64, %lt3A_67 : i32
    %lt3A_69 = arith.constant 0 : i32
    %lt3A_70 = arith.cmpi slt, %select_n3A_63, %lt3A_69 : i32
    %ne3A_71 = arith.xori %lt3A_68, %lt3A_70 : i1
    %and3A_72 = arith.andi %ne3A_71, %ne3A_66 : i1
    %add3A_73 = arith.addi %rem3A_64, %select_n3A_63 : i32
    %select_n3A_74 = arith.select %and3A_72, %add3A_73, %rem3A_64 : i32
    %mul3A_75 = arith.constant 128 : i32
    %mul3A_76 = arith.muli %select_n3A_74, %mul3A_75 : i32
    %dma_start3A = arith.constant 0 : i32
    %dma_start3A_77 = arith.constant 0 : i32
    %dma_start3A_78 = arith.constant 0 : i32
    %dma_start3A_79 = arith.constant 0 : i32
    %dma_start3A_80 = arith.constant 0 : i32
    %dma_start3A_81 = tpu.memref_slice %arg6[%dma_start3A, %dma_start3A_78, %dma_start3A_79, %dma_start3A_80] : memref<4x21x8x128xf32, #tpu.memory_space<vmem>> -> memref<1x21x8x128xf32, #tpu.memory_space<vmem>>
    %dma_start3A_82 = tpu.memref_squeeze %dma_start3A_81 : memref<1x21x8x128xf32, #tpu.memory_space<vmem>> -> memref<21x8x128xf32, #tpu.memory_space<vmem>>
    %dma_start3A_83 = arith.constant 0 : i32
    %dma_start3A_84 = tpu.memref_slice %arg2[%select_n3A, %dma_start3A_83, %mul3A_58, %mul3A_76] : memref<8x21x512x512xf32, #tpu.memory_space<hbm>> -> memref<1x21x8x128xf32, #tpu.memory_space<hbm>>
    %dma_start3A_85 = tpu.memref_squeeze %dma_start3A_84 : memref<1x21x8x128xf32, #tpu.memory_space<hbm>> -> memref<21x8x128xf32, #tpu.memory_space<hbm>>
    %dma_start3A_86 = tpu.memref_slice %arg10[%dma_start3A_77] : memref<4x!tpu.dma_semaphore, #tpu.memory_space<semaphore_mem>> -> memref<1x!tpu.dma_semaphore, #tpu.memory_space<semaphore_mem>>
    %dma_start3A_87 = tpu.memref_squeeze %dma_start3A_86 : memref<1x!tpu.dma_semaphore, #tpu.memory_space<semaphore_mem>> -> memref<!tpu.dma_semaphore, #tpu.memory_space<semaphore_mem>>
    %dma_start3A_88 = arith.constant 0 : i32
    %dma_start3A_89 = arith.constant 0 : i32
    %dma_start3A_90 = arith.constant 0 : i32
    %dma_start3A_91 = tpu.memref_slice %arg6[%dma_start3A, %dma_start3A_88, %dma_start3A_89, %dma_start3A_90] : memref<4x21x8x128xf32, #tpu.memory_space<vmem>> -> memref<1x21x8x128xf32, #tpu.memory_space<vmem>>
    %dma_start3A_92 = tpu.memref_squeeze %dma_start3A_91 : memref<1x21x8x128xf32, #tpu.memory_space<vmem>> -> memref<21x8x128xf32, #tpu.memory_space<vmem>>
    %dma_start3A_93 = arith.constant 0 : i32
    %dma_start3A_94 = tpu.memref_slice %arg2[%select_n3A, %dma_start3A_93, %mul3A_58, %mul3A_76] : memref<8x21x512x512xf32, #tpu.memory_space<hbm>> -> memref<1x21x8x128xf32, #tpu.memory_space<hbm>>
    %dma_start3A_95 = tpu.memref_squeeze %dma_start3A_94 : memref<1x21x8x128xf32, #tpu.memory_space<hbm>> -> memref<21x8x128xf32, #tpu.memory_space<hbm>>
    tpu.enqueue_dma source(%dma_start3A_95 : memref<21x8x128xf32, #tpu.memory_space<hbm>>) target(%dma_start3A_92 : memref<21x8x128xf32, #tpu.memory_space<vmem>>) target_semaphore(%dma_start3A_87 : memref<!tpu.dma_semaphore, #tpu.memory_space<semaphore_mem>>)
    %dma_start3A_96 = arith.constant 0 : i32
    %dma_start3A_97 = arith.constant 0 : i32
    %dma_start3A_98 = arith.constant 0 : i32
    %dma_start3A_99 = arith.constant 0 : i32
    %dma_start3A_100 = tpu.memref_slice %arg7[%dma_start3A_96, %dma_start3A_98, %dma_start3A_99] : memref<4x8x128xi32, #tpu.memory_space<vmem>> -> memref<1x8x128xi32, #tpu.memory_space<vmem>>
    %dma_start3A_101 = tpu.memref_squeeze %dma_start3A_100 : memref<1x8x128xi32, #tpu.memory_space<vmem>> -> memref<8x128xi32, #tpu.memory_space<vmem>>
    %dma_start3A_102 = tpu.memref_slice %arg3[%select_n3A, %mul3A_58, %mul3A_76] : memref<8x512x512xi32, #tpu.memory_space<hbm>> -> memref<1x8x128xi32, #tpu.memory_space<hbm>>
    %dma_start3A_103 = tpu.memref_squeeze %dma_start3A_102 : memref<1x8x128xi32, #tpu.memory_space<hbm>> -> memref<8x128xi32, #tpu.memory_space<hbm>>
    %dma_start3A_104 = tpu.memref_slice %arg11[%dma_start3A_97] : memref<4x!tpu.dma_semaphore, #tpu.memory_space<semaphore_mem>> -> memref<1x!tpu.dma_semaphore, #tpu.memory_space<semaphore_mem>>
    %dma_start3A_105 = tpu.memref_squeeze %dma_start3A_104 : memref<1x!tpu.dma_semaphore, #tpu.memory_space<semaphore_mem>> -> memref<!tpu.dma_semaphore, #tpu.memory_space<semaphore_mem>>
    %dma_start3A_106 = arith.constant 0 : i32
    %dma_start3A_107 = arith.constant 0 : i32
    %dma_start3A_108 = tpu.memref_slice %arg7[%dma_start3A_96, %dma_start3A_106, %dma_start3A_107] : memref<4x8x128xi32, #tpu.memory_space<vmem>> -> memref<1x8x128xi32, #tpu.memory_space<vmem>>
    %dma_start3A_109 = tpu.memref_squeeze %dma_start3A_108 : memref<1x8x128xi32, #tpu.memory_space<vmem>> -> memref<8x128xi32, #tpu.memory_space<vmem>>
    %dma_start3A_110 = tpu.memref_slice %arg3[%select_n3A, %mul3A_58, %mul3A_76] : memref<8x512x512xi32, #tpu.memory_space<hbm>> -> memref<1x8x128xi32, #tpu.memory_space<hbm>>
    %dma_start3A_111 = tpu.memref_squeeze %dma_start3A_110 : memref<1x8x128xi32, #tpu.memory_space<hbm>> -> memref<8x128xi32, #tpu.memory_space<hbm>>
    tpu.enqueue_dma source(%dma_start3A_111 : memref<8x128xi32, #tpu.memory_space<hbm>>) target(%dma_start3A_109 : memref<8x128xi32, #tpu.memory_space<vmem>>) target_semaphore(%dma_start3A_105 : memref<!tpu.dma_semaphore, #tpu.memory_space<semaphore_mem>>)
    %add3A_112 = arith.constant 544 : i32
    %add3A_113 = arith.addi %add3A_112, %add3A : i32
    %jit3A_114 = arith.constant 256 : i32
    %div3A_115 = arith.divsi %add3A_113, %jit3A_114 : i32
    %sign3A_116 = arith.constant 0 : i32
    %sign3A_117 = arith.cmpi sgt, %add3A_113, %sign3A_116 : i32
    %sign3A_118 = arith.extui %sign3A_117 : i1 to i32
    %sign3A_119 = arith.constant 0 : i32
    %sign3A_120 = arith.cmpi slt, %add3A_113, %sign3A_119 : i32
    %sign3A_121 = arith.extui %sign3A_120 : i1 to i32
    %sign3A_122 = arith.subi %sign3A_118, %sign3A_121 : i32
    %sign3A_123 = arith.constant 0 : i32
    %sign3A_124 = arith.cmpi sgt, %jit3A_114, %sign3A_123 : i32
    %sign3A_125 = arith.extui %sign3A_124 : i1 to i32
    %sign3A_126 = arith.constant 0 : i32
    %sign3A_127 = arith.cmpi slt, %jit3A_114, %sign3A_126 : i32
    %sign3A_128 = arith.extui %sign3A_127 : i1 to i32
    %sign3A_129 = arith.subi %sign3A_125, %sign3A_128 : i32
    %ne3A_130 = arith.cmpi ne, %sign3A_122, %sign3A_129 : i32
    %rem3A_131 = arith.remsi %add3A_113, %jit3A_114 : i32
    %ne3A_132 = arith.constant 0 : i32
    %ne3A_133 = arith.cmpi ne, %rem3A_131, %ne3A_132 : i32
    %and3A_134 = arith.andi %ne3A_130, %ne3A_133 : i1
    %sub3A_135 = arith.constant 1 : i32
    %sub3A_136 = arith.subi %div3A_115, %sub3A_135 : i32
    %select_n3A_137 = arith.select %and3A_134, %sub3A_136, %div3A_115 : i32
    %jit3A_138 = arith.constant 256 : i32
    %eq3A_139 = arith.constant 0 : i32
    %eq3A_140 = arith.cmpi eq, %jit3A_138, %eq3A_139 : i32
    %jit3A_141 = arith.constant 1 : i32
    %select_n3A_142 = arith.select %eq3A_140, %jit3A_141, %jit3A_138 : i32
    %rem3A_143 = arith.remsi %add3A_113, %select_n3A_142 : i32
    %ne3A_144 = arith.constant 0 : i32
    %ne3A_145 = arith.cmpi ne, %rem3A_143, %ne3A_144 : i32
    %lt3A_146 = arith.constant 0 : i32
    %lt3A_147 = arith.cmpi slt, %rem3A_143, %lt3A_146 : i32
    %lt3A_148 = arith.constant 0 : i32
    %lt3A_149 = arith.cmpi slt, %select_n3A_142, %lt3A_148 : i32
    %ne3A_150 = arith.xori %lt3A_147, %lt3A_149 : i1
    %and3A_151 = arith.andi %ne3A_150, %ne3A_145 : i1
    %add3A_152 = arith.addi %rem3A_143, %select_n3A_142 : i32
    %select_n3A_153 = arith.select %and3A_151, %add3A_152, %rem3A_143 : i32
    %jit3A_154 = arith.constant 4 : i32
    %div3A_155 = arith.divsi %select_n3A_153, %jit3A_154 : i32
    %sign3A_156 = arith.constant 0 : i32
    %sign3A_157 = arith.cmpi sgt, %select_n3A_153, %sign3A_156 : i32
    %sign3A_158 = arith.extui %sign3A_157 : i1 to i32
    %sign3A_159 = arith.constant 0 : i32
    %sign3A_160 = arith.cmpi slt, %select_n3A_153, %sign3A_159 : i32
    %sign3A_161 = arith.extui %sign3A_160 : i1 to i32
    %sign3A_162 = arith.subi %sign3A_158, %sign3A_161 : i32
    %sign3A_163 = arith.constant 0 : i32
    %sign3A_164 = arith.cmpi sgt, %jit3A_154, %sign3A_163 : i32
    %sign3A_165 = arith.extui %sign3A_164 : i1 to i32
    %sign3A_166 = arith.constant 0 : i32
    %sign3A_167 = arith.cmpi slt, %jit3A_154, %sign3A_166 : i32
    %sign3A_168 = arith.extui %sign3A_167 : i1 to i32
    %sign3A_169 = arith.subi %sign3A_165, %sign3A_168 : i32
    %ne3A_170 = arith.cmpi ne, %sign3A_162, %sign3A_169 : i32
    %rem3A_171 = arith.remsi %select_n3A_153, %jit3A_154 : i32
    %ne3A_172 = arith.constant 0 : i32
    %ne3A_173 = arith.cmpi ne, %rem3A_171, %ne3A_172 : i32
    %and3A_174 = arith.andi %ne3A_170, %ne3A_173 : i1
    %sub3A_175 = arith.constant 1 : i32
    %sub3A_176 = arith.subi %div3A_155, %sub3A_175 : i32
    %select_n3A_177 = arith.select %and3A_174, %sub3A_176, %div3A_155 : i32
    %mul3A_178 = arith.constant 8 : i32
    %mul3A_179 = arith.muli %select_n3A_177, %mul3A_178 : i32
    %jit3A_180 = arith.constant 4 : i32
    %eq3A_181 = arith.constant 0 : i32
    %eq3A_182 = arith.cmpi eq, %jit3A_180, %eq3A_181 : i32
    %jit3A_183 = arith.constant 1 : i32
    %select_n3A_184 = arith.select %eq3A_182, %jit3A_183, %jit3A_180 : i32
    %rem3A_185 = arith.remsi %select_n3A_153, %select_n3A_184 : i32
    %ne3A_186 = arith.constant 0 : i32
    %ne3A_187 = arith.cmpi ne, %rem3A_185, %ne3A_186 : i32
    %lt3A_188 = arith.constant 0 : i32
    %lt3A_189 = arith.cmpi slt, %rem3A_185, %lt3A_188 : i32
    %lt3A_190 = arith.constant 0 : i32
    %lt3A_191 = arith.cmpi slt, %select_n3A_184, %lt3A_190 : i32
    %ne3A_192 = arith.xori %lt3A_189, %lt3A_191 : i1
    %and3A_193 = arith.andi %ne3A_192, %ne3A_187 : i1
    %add3A_194 = arith.addi %rem3A_185, %select_n3A_184 : i32
    %select_n3A_195 = arith.select %and3A_193, %add3A_194, %rem3A_185 : i32
    %mul3A_196 = arith.constant 128 : i32
    %mul3A_197 = arith.muli %select_n3A_195, %mul3A_196 : i32
    %dma_start3A_198 = arith.constant 1 : i32
    %dma_start3A_199 = arith.constant 1 : i32
    %dma_start3A_200 = arith.constant 0 : i32
    %dma_start3A_201 = arith.constant 0 : i32
    %dma_start3A_202 = arith.constant 0 : i32
    %dma_start3A_203 = tpu.memref_slice %arg6[%dma_start3A_198, %dma_start3A_200, %dma_start3A_201, %dma_start3A_202] : memref<4x21x8x128xf32, #tpu.memory_space<vmem>> -> memref<1x21x8x128xf32, #tpu.memory_space<vmem>>
    %dma_start3A_204 = tpu.memref_squeeze %dma_start3A_203 : memref<1x21x8x128xf32, #tpu.memory_space<vmem>> -> memref<21x8x128xf32, #tpu.memory_space<vmem>>
    %dma_start3A_205 = arith.constant 0 : i32
    %dma_start3A_206 = tpu.memref_slice %arg2[%select_n3A_137, %dma_start3A_205, %mul3A_179, %mul3A_197] : memref<8x21x512x512xf32, #tpu.memory_space<hbm>> -> memref<1x21x8x128xf32, #tpu.memory_space<hbm>>
    %dma_start3A_207 = tpu.memref_squeeze %dma_start3A_206 : memref<1x21x8x128xf32, #tpu.memory_space<hbm>> -> memref<21x8x128xf32, #tpu.memory_space<hbm>>
    %dma_start3A_208 = tpu.memref_slice %arg10[%dma_start3A_199] : memref<4x!tpu.dma_semaphore, #tpu.memory_space<semaphore_mem>> -> memref<1x!tpu.dma_semaphore, #tpu.memory_space<semaphore_mem>>
    %dma_start3A_209 = tpu.memref_squeeze %dma_start3A_208 : memref<1x!tpu.dma_semaphore, #tpu.memory_space<semaphore_mem>> -> memref<!tpu.dma_semaphore, #tpu.memory_space<semaphore_mem>>
    %dma_start3A_210 = arith.constant 0 : i32
    %dma_start3A_211 = arith.constant 0 : i32
    %dma_start3A_212 = arith.constant 0 : i32
    %dma_start3A_213 = tpu.memref_slice %arg6[%dma_start3A_198, %dma_start3A_210, %dma_start3A_211, %dma_start3A_212] : memref<4x21x8x128xf32, #tpu.memory_space<vmem>> -> memref<1x21x8x128xf32, #tpu.memory_space<vmem>>
    %dma_start3A_214 = tpu.memref_squeeze %dma_start3A_213 : memref<1x21x8x128xf32, #tpu.memory_space<vmem>> -> memref<21x8x128xf32, #tpu.memory_space<vmem>>
    %dma_start3A_215 = arith.constant 0 : i32
    %dma_start3A_216 = tpu.memref_slice %arg2[%select_n3A_137, %dma_start3A_215, %mul3A_179, %mul3A_197] : memref<8x21x512x512xf32, #tpu.memory_space<hbm>> -> memref<1x21x8x128xf32, #tpu.memory_space<hbm>>
    %dma_start3A_217 = tpu.memref_squeeze %dma_start3A_216 : memref<1x21x8x128xf32, #tpu.memory_space<hbm>> -> memref<21x8x128xf32, #tpu.memory_space<hbm>>
    tpu.enqueue_dma source(%dma_start3A_217 : memref<21x8x128xf32, #tpu.memory_space<hbm>>) target(%dma_start3A_214 : memref<21x8x128xf32, #tpu.memory_space<vmem>>) target_semaphore(%dma_start3A_209 : memref<!tpu.dma_semaphore, #tpu.memory_space<semaphore_mem>>)
    %dma_start3A_218 = arith.constant 1 : i32
    %dma_start3A_219 = arith.constant 1 : i32
    %dma_start3A_220 = arith.constant 0 : i32
    %dma_start3A_221 = arith.constant 0 : i32
    %dma_start3A_222 = tpu.memref_slice %arg7[%dma_start3A_218, %dma_start3A_220, %dma_start3A_221] : memref<4x8x128xi32, #tpu.memory_space<vmem>> -> memref<1x8x128xi32, #tpu.memory_space<vmem>>
    %dma_start3A_223 = tpu.memref_squeeze %dma_start3A_222 : memref<1x8x128xi32, #tpu.memory_space<vmem>> -> memref<8x128xi32, #tpu.memory_space<vmem>>
    %dma_start3A_224 = tpu.memref_slice %arg3[%select_n3A_137, %mul3A_179, %mul3A_197] : memref<8x512x512xi32, #tpu.memory_space<hbm>> -> memref<1x8x128xi32, #tpu.memory_space<hbm>>
    %dma_start3A_225 = tpu.memref_squeeze %dma_start3A_224 : memref<1x8x128xi32, #tpu.memory_space<hbm>> -> memref<8x128xi32, #tpu.memory_space<hbm>>
    %dma_start3A_226 = tpu.memref_slice %arg11[%dma_start3A_219] : memref<4x!tpu.dma_semaphore, #tpu.memory_space<semaphore_mem>> -> memref<1x!tpu.dma_semaphore, #tpu.memory_space<semaphore_mem>>
    %dma_start3A_227 = tpu.memref_squeeze %dma_start3A_226 : memref<1x!tpu.dma_semaphore, #tpu.memory_space<semaphore_mem>> -> memref<!tpu.dma_semaphore, #tpu.memory_space<semaphore_mem>>
    %dma_start3A_228 = arith.constant 0 : i32
    %dma_start3A_229 = arith.constant 0 : i32
    %dma_start3A_230 = tpu.memref_slice %arg7[%dma_start3A_218, %dma_start3A_228, %dma_start3A_229] : memref<4x8x128xi32, #tpu.memory_space<vmem>> -> memref<1x8x128xi32, #tpu.memory_space<vmem>>
    %dma_start3A_231 = tpu.memref_squeeze %dma_start3A_230 : memref<1x8x128xi32, #tpu.memory_space<vmem>> -> memref<8x128xi32, #tpu.memory_space<vmem>>
    %dma_start3A_232 = tpu.memref_slice %arg3[%select_n3A_137, %mul3A_179, %mul3A_197] : memref<8x512x512xi32, #tpu.memory_space<hbm>> -> memref<1x8x128xi32, #tpu.memory_space<hbm>>
    %dma_start3A_233 = tpu.memref_squeeze %dma_start3A_232 : memref<1x8x128xi32, #tpu.memory_space<hbm>> -> memref<8x128xi32, #tpu.memory_space<hbm>>
    tpu.enqueue_dma source(%dma_start3A_233 : memref<8x128xi32, #tpu.memory_space<hbm>>) target(%dma_start3A_231 : memref<8x128xi32, #tpu.memory_space<vmem>>) target_semaphore(%dma_start3A_227 : memref<!tpu.dma_semaphore, #tpu.memory_space<semaphore_mem>>)
    %add3A_234 = arith.constant 576 : i32
    %add3A_235 = arith.addi %add3A_234, %add3A : i32
    %jit3A_236 = arith.constant 256 : i32
    %div3A_237 = arith.divsi %add3A_235, %jit3A_236 : i32
    %sign3A_238 = arith.constant 0 : i32
    %sign3A_239 = arith.cmpi sgt, %add3A_235, %sign3A_238 : i32
    %sign3A_240 = arith.extui %sign3A_239 : i1 to i32
    %sign3A_241 = arith.constant 0 : i32
    %sign3A_242 = arith.cmpi slt, %add3A_235, %sign3A_241 : i32
    %sign3A_243 = arith.extui %sign3A_242 : i1 to i32
    %sign3A_244 = arith.subi %sign3A_240, %sign3A_243 : i32
    %sign3A_245 = arith.constant 0 : i32
    %sign3A_246 = arith.cmpi sgt, %jit3A_236, %sign3A_245 : i32
    %sign3A_247 = arith.extui %sign3A_246 : i1 to i32
    %sign3A_248 = arith.constant 0 : i32
    %sign3A_249 = arith.cmpi slt, %jit3A_236, %sign3A_248 : i32
    %sign3A_250 = arith.extui %sign3A_249 : i1 to i32
    %sign3A_251 = arith.subi %sign3A_247, %sign3A_250 : i32
    %ne3A_252 = arith.cmpi ne, %sign3A_244, %sign3A_251 : i32
    %rem3A_253 = arith.remsi %add3A_235, %jit3A_236 : i32
    %ne3A_254 = arith.constant 0 : i32
    %ne3A_255 = arith.cmpi ne, %rem3A_253, %ne3A_254 : i32
    %and3A_256 = arith.andi %ne3A_252, %ne3A_255 : i1
    %sub3A_257 = arith.constant 1 : i32
    %sub3A_258 = arith.subi %div3A_237, %sub3A_257 : i32
    %select_n3A_259 = arith.select %and3A_256, %sub3A_258, %div3A_237 : i32
    %jit3A_260 = arith.constant 256 : i32
    %eq3A_261 = arith.constant 0 : i32
    %eq3A_262 = arith.cmpi eq, %jit3A_260, %eq3A_261 : i32
    %jit3A_263 = arith.constant 1 : i32
    %select_n3A_264 = arith.select %eq3A_262, %jit3A_263, %jit3A_260 : i32
    %rem3A_265 = arith.remsi %add3A_235, %select_n3A_264 : i32
    %ne3A_266 = arith.constant 0 : i32
    %ne3A_267 = arith.cmpi ne, %rem3A_265, %ne3A_266 : i32
    %lt3A_268 = arith.constant 0 : i32
    %lt3A_269 = arith.cmpi slt, %rem3A_265, %lt3A_268 : i32
    %lt3A_270 = arith.constant 0 : i32
    %lt3A_271 = arith.cmpi slt, %select_n3A_264, %lt3A_270 : i32
    %ne3A_272 = arith.xori %lt3A_269, %lt3A_271 : i1
    %and3A_273 = arith.andi %ne3A_272, %ne3A_267 : i1
    %add3A_274 = arith.addi %rem3A_265, %select_n3A_264 : i32
    %select_n3A_275 = arith.select %and3A_273, %add3A_274, %rem3A_265 : i32
    %jit3A_276 = arith.constant 4 : i32
    %div3A_277 = arith.divsi %select_n3A_275, %jit3A_276 : i32
    %sign3A_278 = arith.constant 0 : i32
    %sign3A_279 = arith.cmpi sgt, %select_n3A_275, %sign3A_278 : i32
    %sign3A_280 = arith.extui %sign3A_279 : i1 to i32
    %sign3A_281 = arith.constant 0 : i32
    %sign3A_282 = arith.cmpi slt, %select_n3A_275, %sign3A_281 : i32
    %sign3A_283 = arith.extui %sign3A_282 : i1 to i32
    %sign3A_284 = arith.subi %sign3A_280, %sign3A_283 : i32
    %sign3A_285 = arith.constant 0 : i32
    %sign3A_286 = arith.cmpi sgt, %jit3A_276, %sign3A_285 : i32
    %sign3A_287 = arith.extui %sign3A_286 : i1 to i32
    %sign3A_288 = arith.constant 0 : i32
    %sign3A_289 = arith.cmpi slt, %jit3A_276, %sign3A_288 : i32
    %sign3A_290 = arith.extui %sign3A_289 : i1 to i32
    %sign3A_291 = arith.subi %sign3A_287, %sign3A_290 : i32
    %ne3A_292 = arith.cmpi ne, %sign3A_284, %sign3A_291 : i32
    %rem3A_293 = arith.remsi %select_n3A_275, %jit3A_276 : i32
    %ne3A_294 = arith.constant 0 : i32
    %ne3A_295 = arith.cmpi ne, %rem3A_293, %ne3A_294 : i32
    %and3A_296 = arith.andi %ne3A_292, %ne3A_295 : i1
    %sub3A_297 = arith.constant 1 : i32
    %sub3A_298 = arith.subi %div3A_277, %sub3A_297 : i32
    %select_n3A_299 = arith.select %and3A_296, %sub3A_298, %div3A_277 : i32
    %mul3A_300 = arith.constant 8 : i32
    %mul3A_301 = arith.muli %select_n3A_299, %mul3A_300 : i32
    %jit3A_302 = arith.constant 4 : i32
    %eq3A_303 = arith.constant 0 : i32
    %eq3A_304 = arith.cmpi eq, %jit3A_302, %eq3A_303 : i32
    %jit3A_305 = arith.constant 1 : i32
    %select_n3A_306 = arith.select %eq3A_304, %jit3A_305, %jit3A_302 : i32
    %rem3A_307 = arith.remsi %select_n3A_275, %select_n3A_306 : i32
    %ne3A_308 = arith.constant 0 : i32
    %ne3A_309 = arith.cmpi ne, %rem3A_307, %ne3A_308 : i32
    %lt3A_310 = arith.constant 0 : i32
    %lt3A_311 = arith.cmpi slt, %rem3A_307, %lt3A_310 : i32
    %lt3A_312 = arith.constant 0 : i32
    %lt3A_313 = arith.cmpi slt, %select_n3A_306, %lt3A_312 : i32
    %ne3A_314 = arith.xori %lt3A_311, %lt3A_313 : i1
    %and3A_315 = arith.andi %ne3A_314, %ne3A_309 : i1
    %add3A_316 = arith.addi %rem3A_307, %select_n3A_306 : i32
    %select_n3A_317 = arith.select %and3A_315, %add3A_316, %rem3A_307 : i32
    %mul3A_318 = arith.constant 128 : i32
    %mul3A_319 = arith.muli %select_n3A_317, %mul3A_318 : i32
    %dma_start3A_320 = arith.constant 2 : i32
    %dma_start3A_321 = arith.constant 2 : i32
    %dma_start3A_322 = arith.constant 0 : i32
    %dma_start3A_323 = arith.constant 0 : i32
    %dma_start3A_324 = arith.constant 0 : i32
    %dma_start3A_325 = tpu.memref_slice %arg6[%dma_start3A_320, %dma_start3A_322, %dma_start3A_323, %dma_start3A_324] : memref<4x21x8x128xf32, #tpu.memory_space<vmem>> -> memref<1x21x8x128xf32, #tpu.memory_space<vmem>>
    %dma_start3A_326 = tpu.memref_squeeze %dma_start3A_325 : memref<1x21x8x128xf32, #tpu.memory_space<vmem>> -> memref<21x8x128xf32, #tpu.memory_space<vmem>>
    %dma_start3A_327 = arith.constant 0 : i32
    %dma_start3A_328 = tpu.memref_slice %arg2[%select_n3A_259, %dma_start3A_327, %mul3A_301, %mul3A_319] : memref<8x21x512x512xf32, #tpu.memory_space<hbm>> -> memref<1x21x8x128xf32, #tpu.memory_space<hbm>>
    %dma_start3A_329 = tpu.memref_squeeze %dma_start3A_328 : memref<1x21x8x128xf32, #tpu.memory_space<hbm>> -> memref<21x8x128xf32, #tpu.memory_space<hbm>>
    %dma_start3A_330 = tpu.memref_slice %arg10[%dma_start3A_321] : memref<4x!tpu.dma_semaphore, #tpu.memory_space<semaphore_mem>> -> memref<1x!tpu.dma_semaphore, #tpu.memory_space<semaphore_mem>>
    %dma_start3A_331 = tpu.memref_squeeze %dma_start3A_330 : memref<1x!tpu.dma_semaphore, #tpu.memory_space<semaphore_mem>> -> memref<!tpu.dma_semaphore, #tpu.memory_space<semaphore_mem>>
    %dma_start3A_332 = arith.constant 0 : i32
    %dma_start3A_333 = arith.constant 0 : i32
    %dma_start3A_334 = arith.constant 0 : i32
    %dma_start3A_335 = tpu.memref_slice %arg6[%dma_start3A_320, %dma_start3A_332, %dma_start3A_333, %dma_start3A_334] : memref<4x21x8x128xf32, #tpu.memory_space<vmem>> -> memref<1x21x8x128xf32, #tpu.memory_space<vmem>>
    %dma_start3A_336 = tpu.memref_squeeze %dma_start3A_335 : memref<1x21x8x128xf32, #tpu.memory_space<vmem>> -> memref<21x8x128xf32, #tpu.memory_space<vmem>>
    %dma_start3A_337 = arith.constant 0 : i32
    %dma_start3A_338 = tpu.memref_slice %arg2[%select_n3A_259, %dma_start3A_337, %mul3A_301, %mul3A_319] : memref<8x21x512x512xf32, #tpu.memory_space<hbm>> -> memref<1x21x8x128xf32, #tpu.memory_space<hbm>>
    %dma_start3A_339 = tpu.memref_squeeze %dma_start3A_338 : memref<1x21x8x128xf32, #tpu.memory_space<hbm>> -> memref<21x8x128xf32, #tpu.memory_space<hbm>>
    tpu.enqueue_dma source(%dma_start3A_339 : memref<21x8x128xf32, #tpu.memory_space<hbm>>) target(%dma_start3A_336 : memref<21x8x128xf32, #tpu.memory_space<vmem>>) target_semaphore(%dma_start3A_331 : memref<!tpu.dma_semaphore, #tpu.memory_space<semaphore_mem>>)
    %dma_start3A_340 = arith.constant 2 : i32
    %dma_start3A_341 = arith.constant 2 : i32
    %dma_start3A_342 = arith.constant 0 : i32
    %dma_start3A_343 = arith.constant 0 : i32
    %dma_start3A_344 = tpu.memref_slice %arg7[%dma_start3A_340, %dma_start3A_342, %dma_start3A_343] : memref<4x8x128xi32, #tpu.memory_space<vmem>> -> memref<1x8x128xi32, #tpu.memory_space<vmem>>
    %dma_start3A_345 = tpu.memref_squeeze %dma_start3A_344 : memref<1x8x128xi32, #tpu.memory_space<vmem>> -> memref<8x128xi32, #tpu.memory_space<vmem>>
    %dma_start3A_346 = tpu.memref_slice %arg3[%select_n3A_259, %mul3A_301, %mul3A_319] : memref<8x512x512xi32, #tpu.memory_space<hbm>> -> memref<1x8x128xi32, #tpu.memory_space<hbm>>
    %dma_start3A_347 = tpu.memref_squeeze %dma_start3A_346 : memref<1x8x128xi32, #tpu.memory_space<hbm>> -> memref<8x128xi32, #tpu.memory_space<hbm>>
    %dma_start3A_348 = tpu.memref_slice %arg11[%dma_start3A_341] : memref<4x!tpu.dma_semaphore, #tpu.memory_space<semaphore_mem>> -> memref<1x!tpu.dma_semaphore, #tpu.memory_space<semaphore_mem>>
    %dma_start3A_349 = tpu.memref_squeeze %dma_start3A_348 : memref<1x!tpu.dma_semaphore, #tpu.memory_space<semaphore_mem>> -> memref<!tpu.dma_semaphore, #tpu.memory_space<semaphore_mem>>
    %dma_start3A_350 = arith.constant 0 : i32
    %dma_start3A_351 = arith.constant 0 : i32
    %dma_start3A_352 = tpu.memref_slice %arg7[%dma_start3A_340, %dma_start3A_350, %dma_start3A_351] : memref<4x8x128xi32, #tpu.memory_space<vmem>> -> memref<1x8x128xi32, #tpu.memory_space<vmem>>
    %dma_start3A_353 = tpu.memref_squeeze %dma_start3A_352 : memref<1x8x128xi32, #tpu.memory_space<vmem>> -> memref<8x128xi32, #tpu.memory_space<vmem>>
    %dma_start3A_354 = tpu.memref_slice %arg3[%select_n3A_259, %mul3A_301, %mul3A_319] : memref<8x512x512xi32, #tpu.memory_space<hbm>> -> memref<1x8x128xi32, #tpu.memory_space<hbm>>
    %dma_start3A_355 = tpu.memref_squeeze %dma_start3A_354 : memref<1x8x128xi32, #tpu.memory_space<hbm>> -> memref<8x128xi32, #tpu.memory_space<hbm>>
    tpu.enqueue_dma source(%dma_start3A_355 : memref<8x128xi32, #tpu.memory_space<hbm>>) target(%dma_start3A_353 : memref<8x128xi32, #tpu.memory_space<vmem>>) target_semaphore(%dma_start3A_349 : memref<!tpu.dma_semaphore, #tpu.memory_space<semaphore_mem>>)
    %add3A_356 = arith.constant 608 : i32
    %add3A_357 = arith.addi %add3A_356, %add3A : i32
    %jit3A_358 = arith.constant 256 : i32
    %div3A_359 = arith.divsi %add3A_357, %jit3A_358 : i32
    %sign3A_360 = arith.constant 0 : i32
    %sign3A_361 = arith.cmpi sgt, %add3A_357, %sign3A_360 : i32
    %sign3A_362 = arith.extui %sign3A_361 : i1 to i32
    %sign3A_363 = arith.constant 0 : i32
    %sign3A_364 = arith.cmpi slt, %add3A_357, %sign3A_363 : i32
    %sign3A_365 = arith.extui %sign3A_364 : i1 to i32
    %sign3A_366 = arith.subi %sign3A_362, %sign3A_365 : i32
    %sign3A_367 = arith.constant 0 : i32
    %sign3A_368 = arith.cmpi sgt, %jit3A_358, %sign3A_367 : i32
    %sign3A_369 = arith.extui %sign3A_368 : i1 to i32
    %sign3A_370 = arith.constant 0 : i32
    %sign3A_371 = arith.cmpi slt, %jit3A_358, %sign3A_370 : i32
    %sign3A_372 = arith.extui %sign3A_371 : i1 to i32
    %sign3A_373 = arith.subi %sign3A_369, %sign3A_372 : i32
    %ne3A_374 = arith.cmpi ne, %sign3A_366, %sign3A_373 : i32
    %rem3A_375 = arith.remsi %add3A_357, %jit3A_358 : i32
    %ne3A_376 = arith.constant 0 : i32
    %ne3A_377 = arith.cmpi ne, %rem3A_375, %ne3A_376 : i32
    %and3A_378 = arith.andi %ne3A_374, %ne3A_377 : i1
    %sub3A_379 = arith.constant 1 : i32
    %sub3A_380 = arith.subi %div3A_359, %sub3A_379 : i32
    %select_n3A_381 = arith.select %and3A_378, %sub3A_380, %div3A_359 : i32
    %jit3A_382 = arith.constant 256 : i32
    %eq3A_383 = arith.constant 0 : i32
    %eq3A_384 = arith.cmpi eq, %jit3A_382, %eq3A_383 : i32
    %jit3A_385 = arith.constant 1 : i32
    %select_n3A_386 = arith.select %eq3A_384, %jit3A_385, %jit3A_382 : i32
    %rem3A_387 = arith.remsi %add3A_357, %select_n3A_386 : i32
    %ne3A_388 = arith.constant 0 : i32
    %ne3A_389 = arith.cmpi ne, %rem3A_387, %ne3A_388 : i32
    %lt3A_390 = arith.constant 0 : i32
    %lt3A_391 = arith.cmpi slt, %rem3A_387, %lt3A_390 : i32
    %lt3A_392 = arith.constant 0 : i32
    %lt3A_393 = arith.cmpi slt, %select_n3A_386, %lt3A_392 : i32
    %ne3A_394 = arith.xori %lt3A_391, %lt3A_393 : i1
    %and3A_395 = arith.andi %ne3A_394, %ne3A_389 : i1
    %add3A_396 = arith.addi %rem3A_387, %select_n3A_386 : i32
    %select_n3A_397 = arith.select %and3A_395, %add3A_396, %rem3A_387 : i32
    %jit3A_398 = arith.constant 4 : i32
    %div3A_399 = arith.divsi %select_n3A_397, %jit3A_398 : i32
    %sign3A_400 = arith.constant 0 : i32
    %sign3A_401 = arith.cmpi sgt, %select_n3A_397, %sign3A_400 : i32
    %sign3A_402 = arith.extui %sign3A_401 : i1 to i32
    %sign3A_403 = arith.constant 0 : i32
    %sign3A_404 = arith.cmpi slt, %select_n3A_397, %sign3A_403 : i32
    %sign3A_405 = arith.extui %sign3A_404 : i1 to i32
    %sign3A_406 = arith.subi %sign3A_402, %sign3A_405 : i32
    %sign3A_407 = arith.constant 0 : i32
    %sign3A_408 = arith.cmpi sgt, %jit3A_398, %sign3A_407 : i32
    %sign3A_409 = arith.extui %sign3A_408 : i1 to i32
    %sign3A_410 = arith.constant 0 : i32
    %sign3A_411 = arith.cmpi slt, %jit3A_398, %sign3A_410 : i32
    %sign3A_412 = arith.extui %sign3A_411 : i1 to i32
    %sign3A_413 = arith.subi %sign3A_409, %sign3A_412 : i32
    %ne3A_414 = arith.cmpi ne, %sign3A_406, %sign3A_413 : i32
    %rem3A_415 = arith.remsi %select_n3A_397, %jit3A_398 : i32
    %ne3A_416 = arith.constant 0 : i32
    %ne3A_417 = arith.cmpi ne, %rem3A_415, %ne3A_416 : i32
    %and3A_418 = arith.andi %ne3A_414, %ne3A_417 : i1
    %sub3A_419 = arith.constant 1 : i32
    %sub3A_420 = arith.subi %div3A_399, %sub3A_419 : i32
    %select_n3A_421 = arith.select %and3A_418, %sub3A_420, %div3A_399 : i32
    %mul3A_422 = arith.constant 8 : i32
    %mul3A_423 = arith.muli %select_n3A_421, %mul3A_422 : i32
    %jit3A_424 = arith.constant 4 : i32
    %eq3A_425 = arith.constant 0 : i32
    %eq3A_426 = arith.cmpi eq, %jit3A_424, %eq3A_425 : i32
    %jit3A_427 = arith.constant 1 : i32
    %select_n3A_428 = arith.select %eq3A_426, %jit3A_427, %jit3A_424 : i32
    %rem3A_429 = arith.remsi %select_n3A_397, %select_n3A_428 : i32
    %ne3A_430 = arith.constant 0 : i32
    %ne3A_431 = arith.cmpi ne, %rem3A_429, %ne3A_430 : i32
    %lt3A_432 = arith.constant 0 : i32
    %lt3A_433 = arith.cmpi slt, %rem3A_429, %lt3A_432 : i32
    %lt3A_434 = arith.constant 0 : i32
    %lt3A_435 = arith.cmpi slt, %select_n3A_428, %lt3A_434 : i32
    %ne3A_436 = arith.xori %lt3A_433, %lt3A_435 : i1
    %and3A_437 = arith.andi %ne3A_436, %ne3A_431 : i1
    %add3A_438 = arith.addi %rem3A_429, %select_n3A_428 : i32
    %select_n3A_439 = arith.select %and3A_437, %add3A_438, %rem3A_429 : i32
    %mul3A_440 = arith.constant 128 : i32
    %mul3A_441 = arith.muli %select_n3A_439, %mul3A_440 : i32
    %dma_start3A_442 = arith.constant 3 : i32
    %dma_start3A_443 = arith.constant 3 : i32
    %dma_start3A_444 = arith.constant 0 : i32
    %dma_start3A_445 = arith.constant 0 : i32
    %dma_start3A_446 = arith.constant 0 : i32
    %dma_start3A_447 = tpu.memref_slice %arg6[%dma_start3A_442, %dma_start3A_444, %dma_start3A_445, %dma_start3A_446] : memref<4x21x8x128xf32, #tpu.memory_space<vmem>> -> memref<1x21x8x128xf32, #tpu.memory_space<vmem>>
    %dma_start3A_448 = tpu.memref_squeeze %dma_start3A_447 : memref<1x21x8x128xf32, #tpu.memory_space<vmem>> -> memref<21x8x128xf32, #tpu.memory_space<vmem>>
    %dma_start3A_449 = arith.constant 0 : i32
    %dma_start3A_450 = tpu.memref_slice %arg2[%select_n3A_381, %dma_start3A_449, %mul3A_423, %mul3A_441] : memref<8x21x512x512xf32, #tpu.memory_space<hbm>> -> memref<1x21x8x128xf32, #tpu.memory_space<hbm>>
    %dma_start3A_451 = tpu.memref_squeeze %dma_start3A_450 : memref<1x21x8x128xf32, #tpu.memory_space<hbm>> -> memref<21x8x128xf32, #tpu.memory_space<hbm>>
    %dma_start3A_452 = tpu.memref_slice %arg10[%dma_start3A_443] : memref<4x!tpu.dma_semaphore, #tpu.memory_space<semaphore_mem>> -> memref<1x!tpu.dma_semaphore, #tpu.memory_space<semaphore_mem>>
    %dma_start3A_453 = tpu.memref_squeeze %dma_start3A_452 : memref<1x!tpu.dma_semaphore, #tpu.memory_space<semaphore_mem>> -> memref<!tpu.dma_semaphore, #tpu.memory_space<semaphore_mem>>
    %dma_start3A_454 = arith.constant 0 : i32
    %dma_start3A_455 = arith.constant 0 : i32
    %dma_start3A_456 = arith.constant 0 : i32
    %dma_start3A_457 = tpu.memref_slice %arg6[%dma_start3A_442, %dma_start3A_454, %dma_start3A_455, %dma_start3A_456] : memref<4x21x8x128xf32, #tpu.memory_space<vmem>> -> memref<1x21x8x128xf32, #tpu.memory_space<vmem>>
    %dma_start3A_458 = tpu.memref_squeeze %dma_start3A_457 : memref<1x21x8x128xf32, #tpu.memory_space<vmem>> -> memref<21x8x128xf32, #tpu.memory_space<vmem>>
    %dma_start3A_459 = arith.constant 0 : i32
    %dma_start3A_460 = tpu.memref_slice %arg2[%select_n3A_381, %dma_start3A_459, %mul3A_423, %mul3A_441] : memref<8x21x512x512xf32, #tpu.memory_space<hbm>> -> memref<1x21x8x128xf32, #tpu.memory_space<hbm>>
    %dma_start3A_461 = tpu.memref_squeeze %dma_start3A_460 : memref<1x21x8x128xf32, #tpu.memory_space<hbm>> -> memref<21x8x128xf32, #tpu.memory_space<hbm>>
    tpu.enqueue_dma source(%dma_start3A_461 : memref<21x8x128xf32, #tpu.memory_space<hbm>>) target(%dma_start3A_458 : memref<21x8x128xf32, #tpu.memory_space<vmem>>) target_semaphore(%dma_start3A_453 : memref<!tpu.dma_semaphore, #tpu.memory_space<semaphore_mem>>)
    %dma_start3A_462 = arith.constant 3 : i32
    %dma_start3A_463 = arith.constant 3 : i32
    %dma_start3A_464 = arith.constant 0 : i32
    %dma_start3A_465 = arith.constant 0 : i32
    %dma_start3A_466 = tpu.memref_slice %arg7[%dma_start3A_462, %dma_start3A_464, %dma_start3A_465] : memref<4x8x128xi32, #tpu.memory_space<vmem>> -> memref<1x8x128xi32, #tpu.memory_space<vmem>>
    %dma_start3A_467 = tpu.memref_squeeze %dma_start3A_466 : memref<1x8x128xi32, #tpu.memory_space<vmem>> -> memref<8x128xi32, #tpu.memory_space<vmem>>
    %dma_start3A_468 = tpu.memref_slice %arg3[%select_n3A_381, %mul3A_423, %mul3A_441] : memref<8x512x512xi32, #tpu.memory_space<hbm>> -> memref<1x8x128xi32, #tpu.memory_space<hbm>>
    %dma_start3A_469 = tpu.memref_squeeze %dma_start3A_468 : memref<1x8x128xi32, #tpu.memory_space<hbm>> -> memref<8x128xi32, #tpu.memory_space<hbm>>
    %dma_start3A_470 = tpu.memref_slice %arg11[%dma_start3A_463] : memref<4x!tpu.dma_semaphore, #tpu.memory_space<semaphore_mem>> -> memref<1x!tpu.dma_semaphore, #tpu.memory_space<semaphore_mem>>
    %dma_start3A_471 = tpu.memref_squeeze %dma_start3A_470 : memref<1x!tpu.dma_semaphore, #tpu.memory_space<semaphore_mem>> -> memref<!tpu.dma_semaphore, #tpu.memory_space<semaphore_mem>>
    %dma_start3A_472 = arith.constant 0 : i32
    %dma_start3A_473 = arith.constant 0 : i32
    %dma_start3A_474 = tpu.memref_slice %arg7[%dma_start3A_462, %dma_start3A_472, %dma_start3A_473] : memref<4x8x128xi32, #tpu.memory_space<vmem>> -> memref<1x8x128xi32, #tpu.memory_space<vmem>>
    %dma_start3A_475 = tpu.memref_squeeze %dma_start3A_474 : memref<1x8x128xi32, #tpu.memory_space<vmem>> -> memref<8x128xi32, #tpu.memory_space<vmem>>
    %dma_start3A_476 = tpu.memref_slice %arg3[%select_n3A_381, %mul3A_423, %mul3A_441] : memref<8x512x512xi32, #tpu.memory_space<hbm>> -> memref<1x8x128xi32, #tpu.memory_space<hbm>>
    %dma_start3A_477 = tpu.memref_squeeze %dma_start3A_476 : memref<1x8x128xi32, #tpu.memory_space<hbm>> -> memref<8x128xi32, #tpu.memory_space<hbm>>
    tpu.enqueue_dma source(%dma_start3A_477 : memref<8x128xi32, #tpu.memory_space<hbm>>) target(%dma_start3A_475 : memref<8x128xi32, #tpu.memory_space<vmem>>) target_semaphore(%dma_start3A_471 : memref<!tpu.dma_semaphore, #tpu.memory_space<semaphore_mem>>)
    %broadcast_in_dim3A = arith.constant 0.000000e+00 : f32
    %broadcast_in_dim3A_478 = vector.broadcast %broadcast_in_dim3A : f32 to vector<16xf32>
    %scan3A = arith.constant 0 : i32
    %scan3A_479 = arith.constant 12 : i32
    %scan3A_480 = arith.addi %scan3A, %scan3A_479 : i32
    %scan3A_481 = arith.constant 1 : i32
    %scan3A_482 = scf.for %scan3A_487 = %scan3A to %scan3A_480 step %scan3A_481 iter_args(%scan3A_488 = %broadcast_in_dim3A_478) -> (vector<16xf32>)  : i32 {
      %mul3A_489 = arith.constant 4 : i32
      %mul3A_490 = arith.muli %scan3A_487, %mul3A_489 : i32
      %add3A_491 = arith.constant 0 : i32
      %add3A_492 = arith.addi %mul3A_490, %add3A_491 : i32
      %dma_wait3A = arith.constant 0 : i32
      %dma_wait3A_493 = arith.constant 0 : i32
      %dma_wait3A_494 = arith.constant 0 : i32
      %dma_wait3A_495 = arith.constant 0 : i32
      %dma_wait3A_496 = arith.constant 0 : i32
      %dma_wait3A_497 = arith.constant 0 : i32
      %dma_wait3A_498 = tpu.memref_slice %arg6[%dma_wait3A_493, %dma_wait3A_495, %dma_wait3A_496, %dma_wait3A_497] : memref<4x21x8x128xf32, #tpu.memory_space<vmem>> -> memref<1x21x8x128xf32, #tpu.memory_space<vmem>>
      %dma_wait3A_499 = tpu.memref_squeeze %dma_wait3A_498 : memref<1x21x8x128xf32, #tpu.memory_space<vmem>> -> memref<21x8x128xf32, #tpu.memory_space<vmem>>
      %dma_wait3A_500 = arith.constant 0 : i32
      %dma_wait3A_501 = arith.constant 0 : i32
      %dma_wait3A_502 = arith.constant 0 : i32
      %dma_wait3A_503 = tpu.memref_slice %arg2[%dma_wait3A, %dma_wait3A_500, %dma_wait3A_501, %dma_wait3A_502] : memref<8x21x512x512xf32, #tpu.memory_space<hbm>> -> memref<1x21x8x128xf32, #tpu.memory_space<hbm>>
      %dma_wait3A_504 = tpu.memref_squeeze %dma_wait3A_503 : memref<1x21x8x128xf32, #tpu.memory_space<hbm>> -> memref<21x8x128xf32, #tpu.memory_space<hbm>>
      %dma_wait3A_505 = tpu.memref_slice %arg10[%dma_wait3A_494] : memref<4x!tpu.dma_semaphore, #tpu.memory_space<semaphore_mem>> -> memref<1x!tpu.dma_semaphore, #tpu.memory_space<semaphore_mem>>
      %dma_wait3A_506 = tpu.memref_squeeze %dma_wait3A_505 : memref<1x!tpu.dma_semaphore, #tpu.memory_space<semaphore_mem>> -> memref<!tpu.dma_semaphore, #tpu.memory_space<semaphore_mem>>
      %dma_wait3A_507 = arith.constant 0 : i32
      %dma_wait3A_508 = arith.constant 0 : i32
      %dma_wait3A_509 = arith.constant 0 : i32
      %dma_wait3A_510 = tpu.memref_slice %arg6[%dma_wait3A_493, %dma_wait3A_507, %dma_wait3A_508, %dma_wait3A_509] : memref<4x21x8x128xf32, #tpu.memory_space<vmem>> -> memref<1x21x8x128xf32, #tpu.memory_space<vmem>>
      %dma_wait3A_511 = tpu.memref_squeeze %dma_wait3A_510 : memref<1x21x8x128xf32, #tpu.memory_space<vmem>> -> memref<21x8x128xf32, #tpu.memory_space<vmem>>
      %dma_wait3A_512 = arith.constant 0 : i32
      %dma_wait3A_513 = arith.constant 0 : i32
      %dma_wait3A_514 = arith.constant 0 : i32
      %dma_wait3A_515 = tpu.memref_slice %arg2[%dma_wait3A, %dma_wait3A_512, %dma_wait3A_513, %dma_wait3A_514] : memref<8x21x512x512xf32, #tpu.memory_space<hbm>> -> memref<1x21x8x128xf32, #tpu.memory_space<hbm>>
      %dma_wait3A_516 = tpu.memref_squeeze %dma_wait3A_515 : memref<1x21x8x128xf32, #tpu.memory_space<hbm>> -> memref<21x8x128xf32, #tpu.memory_space<hbm>>
      tpu.wait_dma2 semaphore(%dma_wait3A_506 : memref<!tpu.dma_semaphore, #tpu.memory_space<semaphore_mem>>) src(%dma_wait3A_516 : memref<21x8x128xf32, #tpu.memory_space<hbm>>) dst(%dma_wait3A_511 : memref<21x8x128xf32, #tpu.memory_space<vmem>>)
      %dma_wait3A_517 = arith.constant 0 : i32
      %dma_wait3A_518 = arith.constant 0 : i32
      %dma_wait3A_519 = arith.constant 0 : i32
      %dma_wait3A_520 = arith.constant 0 : i32
      %dma_wait3A_521 = arith.constant 0 : i32
      %dma_wait3A_522 = tpu.memref_slice %arg7[%dma_wait3A_518, %dma_wait3A_520, %dma_wait3A_521] : memref<4x8x128xi32, #tpu.memory_space<vmem>> -> memref<1x8x128xi32, #tpu.memory_space<vmem>>
      %dma_wait3A_523 = tpu.memref_squeeze %dma_wait3A_522 : memref<1x8x128xi32, #tpu.memory_space<vmem>> -> memref<8x128xi32, #tpu.memory_space<vmem>>
      %dma_wait3A_524 = arith.constant 0 : i32
      %dma_wait3A_525 = arith.constant 0 : i32
      %dma_wait3A_526 = tpu.memref_slice %arg3[%dma_wait3A_517, %dma_wait3A_524, %dma_wait3A_525] : memref<8x512x512xi32, #tpu.memory_space<hbm>> -> memref<1x8x128xi32, #tpu.memory_space<hbm>>
      %dma_wait3A_527 = tpu.memref_squeeze %dma_wait3A_526 : memref<1x8x128xi32, #tpu.memory_space<hbm>> -> memref<8x128xi32, #tpu.memory_space<hbm>>
      %dma_wait3A_528 = tpu.memref_slice %arg11[%dma_wait3A_519] : memref<4x!tpu.dma_semaphore, #tpu.memory_space<semaphore_mem>> -> memref<1x!tpu.dma_semaphore, #tpu.memory_space<semaphore_mem>>
      %dma_wait3A_529 = tpu.memref_squeeze %dma_wait3A_528 : memref<1x!tpu.dma_semaphore, #tpu.memory_space<semaphore_mem>> -> memref<!tpu.dma_semaphore, #tpu.memory_space<semaphore_mem>>
      %dma_wait3A_530 = arith.constant 0 : i32
      %dma_wait3A_531 = arith.constant 0 : i32
      %dma_wait3A_532 = tpu.memref_slice %arg7[%dma_wait3A_518, %dma_wait3A_530, %dma_wait3A_531] : memref<4x8x128xi32, #tpu.memory_space<vmem>> -> memref<1x8x128xi32, #tpu.memory_space<vmem>>
      %dma_wait3A_533 = tpu.memref_squeeze %dma_wait3A_532 : memref<1x8x128xi32, #tpu.memory_space<vmem>> -> memref<8x128xi32, #tpu.memory_space<vmem>>
      %dma_wait3A_534 = arith.constant 0 : i32
      %dma_wait3A_535 = arith.constant 0 : i32
      %dma_wait3A_536 = tpu.memref_slice %arg3[%dma_wait3A_517, %dma_wait3A_534, %dma_wait3A_535] : memref<8x512x512xi32, #tpu.memory_space<hbm>> -> memref<1x8x128xi32, #tpu.memory_space<hbm>>
      %dma_wait3A_537 = tpu.memref_squeeze %dma_wait3A_536 : memref<1x8x128xi32, #tpu.memory_space<hbm>> -> memref<8x128xi32, #tpu.memory_space<hbm>>
      tpu.wait_dma2 semaphore(%dma_wait3A_529 : memref<!tpu.dma_semaphore, #tpu.memory_space<semaphore_mem>>) src(%dma_wait3A_537 : memref<8x128xi32, #tpu.memory_space<hbm>>) dst(%dma_wait3A_533 : memref<8x128xi32, #tpu.memory_space<vmem>>)
      %scan3A_538 = arith.constant 0 : i32
      %scan3A_539 = arith.constant 64 : i32
      %scan3A_540 = arith.addi %scan3A_538, %scan3A_539 : i32
      %scan3A_541 = arith.constant 4 : i32
      %scan3A_542 = scf.for %scan3A_738 = %scan3A_538 to %scan3A_540 step %scan3A_541 iter_args(%scan3A_739 = %scan3A_488) -> (vector<16xf32>)  : i32 {
        %shift_right_arithmetic3A = arith.constant 3 : i32
        %shift_right_arithmetic3A_740 = arith.shrsi %scan3A_738, %shift_right_arithmetic3A : i32
        %and3A_741 = arith.constant 7 : i32
        %and3A_742 = arith.andi %scan3A_738, %and3A_741 : i32
        %mul3A_743 = arith.constant 16 : i32
        %mul3A_744 = arith.muli %and3A_742, %mul3A_743 : i32
        %get3A = arith.constant 0 : i32
        %get3A_745 = arith.index_cast %get3A : i32 to index
        %get3A_746 = arith.index_cast %shift_right_arithmetic3A_740 : i32 to index
        %get3A_747 = arith.index_cast %mul3A_744 : i32 to index
        %get3A_748 = tpu.vector_load %arg7[%get3A_745, %get3A_746, %get3A_747] {strides = array<i32>} : memref<4x8x128xi32, #tpu.memory_space<vmem>>, vector<16xi32>,
        %broadcast_in_dim3A_749 = vector.broadcast %shift_right_arithmetic3A_740 : i32 to vector<16xi32>
        %add3A_750 = vector.broadcast %mul3A_744 : i32 to vector<16xi32>
        %add3A_751 = arith.addi %add3A_750, %iota3A : vector<16xi32>
        %gather3A = arith.constant 0 : i32
        %gather3A_752 = arith.constant 0 : i32
        %gather3A_753 = arith.constant 0 : i32
        %gather3A_754 = arith.constant 0 : i32
        %gather3A_755 = tpu.memref_slice %arg6[%gather3A, %gather3A_752, %gather3A_753, %gather3A_754] : memref<4x21x8x128xf32, #tpu.memory_space<vmem>> -> memref<1x21x8x128xf32, #tpu.memory_space<vmem>>
        %gather3A_756 = tpu.memref_squeeze %gather3A_755 : memref<1x21x8x128xf32, #tpu.memory_space<vmem>> -> memref<21x8x128xf32, #tpu.memory_space<vmem>>
        %gather3A_757 = tpu.vector_load_idx %gather3A_756[%get3A_748, %broadcast_in_dim3A_749, %add3A_751] : memref<21x8x128xf32, #tpu.memory_space<vmem>>[vector<16xi32>, vector<16xi32>, vector<16xi32>], vector<16xf32>,
        %add3A_758 = arith.constant 1.000000e-10 : f32
        %add3A_759 = vector.broadcast %add3A_758 : f32 to vector<16xf32>
        %add3A_760 = arith.addf %gather3A_757, %add3A_759 : vector<16xf32>
        %gather3A_761 = tpu.vector_load_idx %arg8[%get3A_748] : memref<21xf32, #tpu.memory_space<vmem>>[vector<16xi32>], vector<16xf32>,
        %sub3A_762 = arith.constant 1.000000e+00 : f32
        %sub3A_763 = vector.broadcast %sub3A_762 : f32 to vector<16xf32>
        %sub3A_764 = arith.subf %sub3A_763, %add3A_760 : vector<16xf32>
        %mul3A_765 = arith.mulf %gather3A_761, %sub3A_764 : vector<16xf32>
        %mul3A_766 = arith.mulf %mul3A_765, %sub3A_764 : vector<16xf32>
        %bitcast3A = vector.bitcast %add3A_760 : vector<16xf32> to vector<16xi32>
        %shift_right_arithmetic3A_767 = arith.constant 23 : i32
        %shift_right_arithmetic3A_768 = vector.broadcast %shift_right_arithmetic3A_767 : i32 to vector<16xi32>
        %shift_right_arithmetic3A_769 = arith.shrsi %bitcast3A, %shift_right_arithmetic3A_768 : vector<16xi32>
        %sub3A_770 = arith.constant 127 : i32
        %sub3A_771 = vector.broadcast %sub3A_770 : i32 to vector<16xi32>
        %sub3A_772 = arith.subi %shift_right_arithmetic3A_769, %sub3A_771 : vector<16xi32>
        %and3A_773 = arith.constant 8388607 : i32
        %and3A_774 = vector.broadcast %and3A_773 : i32 to vector<16xi32>
        %and3A_775 = arith.andi %bitcast3A, %and3A_774 : vector<16xi32>
        %or3A = arith.constant 1065353216 : i32
        %or3A_776 = vector.broadcast %or3A : i32 to vector<16xi32>
        %or3A_777 = arith.ori %and3A_775, %or3A_776 : vector<16xi32>
        %bitcast3A_778 = vector.bitcast %or3A_777 : vector<16xi32> to vector<16xf32>
        %gt3A = arith.constant 1.41421354 : f32
        %gt3A_779 = vector.broadcast %gt3A : f32 to vector<16xf32>
        %gt3A_780 = arith.cmpf ogt, %bitcast3A_778, %gt3A_779 : vector<16xf32>
        %mul3A_781 = arith.constant 5.000000e-01 : f32
        %mul3A_782 = vector.broadcast %mul3A_781 : f32 to vector<16xf32>
        %mul3A_783 = arith.mulf %bitcast3A_778, %mul3A_782 : vector<16xf32>
        %select_n3A_784 = arith.select %gt3A_780, %mul3A_783, %bitcast3A_778 : vector<16xi1>, vector<16xf32>
        %add3A_785 = arith.constant 1 : i32
        %add3A_786 = vector.broadcast %add3A_785 : i32 to vector<16xi32>
        %add3A_787 = arith.addi %sub3A_772, %add3A_786 : vector<16xi32>
        %select_n3A_788 = arith.select %gt3A_780, %add3A_787, %sub3A_772 : vector<16xi1>, vector<16xi32>
        %convert_element_type3A_789 = arith.sitofp %select_n3A_788 : vector<16xi32> to vector<16xf32>
        %sub3A_790 = arith.constant 1.000000e+00 : f32
        %sub3A_791 = vector.broadcast %sub3A_790 : f32 to vector<16xf32>
        %sub3A_792 = arith.subf %select_n3A_784, %sub3A_791 : vector<16xf32>
        %add3A_793 = arith.constant 1.000000e+00 : f32
        %add3A_794 = vector.broadcast %add3A_793 : f32 to vector<16xf32>
        %add3A_795 = arith.addf %select_n3A_784, %add3A_794 : vector<16xf32>
        %div3A_796 = arith.divf %sub3A_792, %add3A_795 : vector<16xf32>
        %mul3A_797 = arith.mulf %div3A_796, %div3A_796 : vector<16xf32>
        %mul3A_798 = arith.constant 0.285714298 : f32
        %mul3A_799 = vector.broadcast %mul3A_798 : f32 to vector<16xf32>
        %mul3A_800 = arith.mulf %mul3A_797, %mul3A_799 : vector<16xf32>
        %add3A_801 = arith.constant 4.000000e-01 : f32
        %add3A_802 = vector.broadcast %add3A_801 : f32 to vector<16xf32>
        %add3A_803 = arith.addf %add3A_802, %mul3A_800 : vector<16xf32>
        %mul3A_804 = arith.mulf %mul3A_797, %add3A_803 : vector<16xf32>
        %add3A_805 = arith.constant 0.666666686 : f32
        %add3A_806 = vector.broadcast %add3A_805 : f32 to vector<16xf32>
        %add3A_807 = arith.addf %add3A_806, %mul3A_804 : vector<16xf32>
        %mul3A_808 = arith.mulf %mul3A_797, %add3A_807 : vector<16xf32>
        %add3A_809 = arith.constant 2.000000e+00 : f32
        %add3A_810 = vector.broadcast %add3A_809 : f32 to vector<16xf32>
        %add3A_811 = arith.addf %add3A_810, %mul3A_808 : vector<16xf32>
        %mul3A_812 = arith.mulf %div3A_796, %add3A_811 : vector<16xf32>
        %mul3A_813 = arith.constant 0.693147182 : f32
        %mul3A_814 = vector.broadcast %mul3A_813 : f32 to vector<16xf32>
        %mul3A_815 = arith.mulf %convert_element_type3A_789, %mul3A_814 : vector<16xf32>
        %add3A_816 = arith.addf %mul3A_815, %mul3A_812 : vector<16xf32>
        %mul3A_817 = arith.mulf %mul3A_766, %add3A_816 : vector<16xf32>
        %sub3A_818 = arith.subf %scan3A_739, %mul3A_817 : vector<16xf32>
        %scan3A_819 = arith.constant 1 : i32
        %scan3A_820 = arith.addi %scan3A_738, %scan3A_819 : i32
        %shift_right_arithmetic3A_821 = arith.constant 3 : i32
        %shift_right_arithmetic3A_822 = arith.shrsi %scan3A_820, %shift_right_arithmetic3A_821 : i32
        %and3A_823 = arith.constant 7 : i32
        %and3A_824 = arith.andi %scan3A_820, %and3A_823 : i32
        %mul3A_825 = arith.constant 16 : i32
        %mul3A_826 = arith.muli %and3A_824, %mul3A_825 : i32
        %get3A_827 = arith.constant 0 : i32
        %get3A_828 = arith.index_cast %get3A_827 : i32 to index
        %get3A_829 = arith.index_cast %shift_right_arithmetic3A_822 : i32 to index
        %get3A_830 = arith.index_cast %mul3A_826 : i32 to index
        %get3A_831 = tpu.vector_load %arg7[%get3A_828, %get3A_829, %get3A_830] {strides = array<i32>} : memref<4x8x128xi32, #tpu.memory_space<vmem>>, vector<16xi32>,
        %broadcast_in_dim3A_832 = vector.broadcast %shift_right_arithmetic3A_822 : i32 to vector<16xi32>
        %add3A_833 = vector.broadcast %mul3A_826 : i32 to vector<16xi32>
        %add3A_834 = arith.addi %add3A_833, %iota3A : vector<16xi32>
        %gather3A_835 = arith.constant 0 : i32
        %gather3A_836 = arith.constant 0 : i32
        %gather3A_837 = arith.constant 0 : i32
        %gather3A_838 = arith.constant 0 : i32
        %gather3A_839 = tpu.memref_slice %arg6[%gather3A_835, %gather3A_836, %gather3A_837, %gather3A_838] : memref<4x21x8x128xf32, #tpu.memory_space<vmem>> -> memref<1x21x8x128xf32, #tpu.memory_space<vmem>>
        %gather3A_840 = tpu.memref_squeeze %gather3A_839 : memref<1x21x8x128xf32, #tpu.memory_space<vmem>> -> memref<21x8x128xf32, #tpu.memory_space<vmem>>
        %gather3A_841 = tpu.vector_load_idx %gather3A_840[%get3A_831, %broadcast_in_dim3A_832, %add3A_834] : memref<21x8x128xf32, #tpu.memory_space<vmem>>[vector<16xi32>, vector<16xi32>, vector<16xi32>], vector<16xf32>,
        %add3A_842 = arith.constant 1.000000e-10 : f32
        %add3A_843 = vector.broadcast %add3A_842 : f32 to vector<16xf32>
        %add3A_844 = arith.addf %gather3A_841, %add3A_843 : vector<16xf32>
        %gather3A_845 = tpu.vector_load_idx %arg8[%get3A_831] : memref<21xf32, #tpu.memory_space<vmem>>[vector<16xi32>], vector<16xf32>,
        %sub3A_846 = arith.constant 1.000000e+00 : f32
        %sub3A_847 = vector.broadcast %sub3A_846 : f32 to vector<16xf32>
        %sub3A_848 = arith.subf %sub3A_847, %add3A_844 : vector<16xf32>
        %mul3A_849 = arith.mulf %gather3A_845, %sub3A_848 : vector<16xf32>
        %mul3A_850 = arith.mulf %mul3A_849, %sub3A_848 : vector<16xf32>
        %bitcast3A_851 = vector.bitcast %add3A_844 : vector<16xf32> to vector<16xi32>
        %shift_right_arithmetic3A_852 = arith.constant 23 : i32
        %shift_right_arithmetic3A_853 = vector.broadcast %shift_right_arithmetic3A_852 : i32 to vector<16xi32>
        %shift_right_arithmetic3A_854 = arith.shrsi %bitcast3A_851, %shift_right_arithmetic3A_853 : vector<16xi32>
        %sub3A_855 = arith.constant 127 : i32
        %sub3A_856 = vector.broadcast %sub3A_855 : i32 to vector<16xi32>
        %sub3A_857 = arith.subi %shift_right_arithmetic3A_854, %sub3A_856 : vector<16xi32>
        %and3A_858 = arith.constant 8388607 : i32
        %and3A_859 = vector.broadcast %and3A_858 : i32 to vector<16xi32>
        %and3A_860 = arith.andi %bitcast3A_851, %and3A_859 : vector<16xi32>
        %or3A_861 = arith.constant 1065353216 : i32
        %or3A_862 = vector.broadcast %or3A_861 : i32 to vector<16xi32>
        %or3A_863 = arith.ori %and3A_860, %or3A_862 : vector<16xi32>
        %bitcast3A_864 = vector.bitcast %or3A_863 : vector<16xi32> to vector<16xf32>
        %gt3A_865 = arith.constant 1.41421354 : f32
        %gt3A_866 = vector.broadcast %gt3A_865 : f32 to vector<16xf32>
        %gt3A_867 = arith.cmpf ogt, %bitcast3A_864, %gt3A_866 : vector<16xf32>
        %mul3A_868 = arith.constant 5.000000e-01 : f32
        %mul3A_869 = vector.broadcast %mul3A_868 : f32 to vector<16xf32>
        %mul3A_870 = arith.mulf %bitcast3A_864, %mul3A_869 : vector<16xf32>
        %select_n3A_871 = arith.select %gt3A_867, %mul3A_870, %bitcast3A_864 : vector<16xi1>, vector<16xf32>
        %add3A_872 = arith.constant 1 : i32
        %add3A_873 = vector.broadcast %add3A_872 : i32 to vector<16xi32>
        %add3A_874 = arith.addi %sub3A_857, %add3A_873 : vector<16xi32>
        %select_n3A_875 = arith.select %gt3A_867, %add3A_874, %sub3A_857 : vector<16xi1>, vector<16xi32>
        %convert_element_type3A_876 = arith.sitofp %select_n3A_875 : vector<16xi32> to vector<16xf32>
        %sub3A_877 = arith.constant 1.000000e+00 : f32
        %sub3A_878 = vector.broadcast %sub3A_877 : f32 to vector<16xf32>
        %sub3A_879 = arith.subf %select_n3A_871, %sub3A_878 : vector<16xf32>
        %add3A_880 = arith.constant 1.000000e+00 : f32
        %add3A_881 = vector.broadcast %add3A_880 : f32 to vector<16xf32>
        %add3A_882 = arith.addf %select_n3A_871, %add3A_881 : vector<16xf32>
        %div3A_883 = arith.divf %sub3A_879, %add3A_882 : vector<16xf32>
        %mul3A_884 = arith.mulf %div3A_883, %div3A_883 : vector<16xf32>
        %mul3A_885 = arith.constant 0.285714298 : f32
        %mul3A_886 = vector.broadcast %mul3A_885 : f32 to vector<16xf32>
        %mul3A_887 = arith.mulf %mul3A_884, %mul3A_886 : vector<16xf32>
        %add3A_888 = arith.constant 4.000000e-01 : f32
        %add3A_889 = vector.broadcast %add3A_888 : f32 to vector<16xf32>
        %add3A_890 = arith.addf %add3A_889, %mul3A_887 : vector<16xf32>
        %mul3A_891 = arith.mulf %mul3A_884, %add3A_890 : vector<16xf32>
        %add3A_892 = arith.constant 0.666666686 : f32
        %add3A_893 = vector.broadcast %add3A_892 : f32 to vector<16xf32>
        %add3A_894 = arith.addf %add3A_893, %mul3A_891 : vector<16xf32>
        %mul3A_895 = arith.mulf %mul3A_884, %add3A_894 : vector<16xf32>
        %add3A_896 = arith.constant 2.000000e+00 : f32
        %add3A_897 = vector.broadcast %add3A_896 : f32 to vector<16xf32>
        %add3A_898 = arith.addf %add3A_897, %mul3A_895 : vector<16xf32>
        %mul3A_899 = arith.mulf %div3A_883, %add3A_898 : vector<16xf32>
        %mul3A_900 = arith.constant 0.693147182 : f32
        %mul3A_901 = vector.broadcast %mul3A_900 : f32 to vector<16xf32>
        %mul3A_902 = arith.mulf %convert_element_type3A_876, %mul3A_901 : vector<16xf32>
        %add3A_903 = arith.addf %mul3A_902, %mul3A_899 : vector<16xf32>
        %mul3A_904 = arith.mulf %mul3A_850, %add3A_903 : vector<16xf32>
        %sub3A_905 = arith.subf %sub3A_818, %mul3A_904 : vector<16xf32>
        %scan3A_906 = arith.constant 2 : i32
        %scan3A_907 = arith.addi %scan3A_738, %scan3A_906 : i32
        %shift_right_arithmetic3A_908 = arith.constant 3 : i32
        %shift_right_arithmetic3A_909 = arith.shrsi %scan3A_907, %shift_right_arithmetic3A_908 : i32
        %and3A_910 = arith.constant 7 : i32
        %and3A_911 = arith.andi %scan3A_907, %and3A_910 : i32
        %mul3A_912 = arith.constant 16 : i32
        %mul3A_913 = arith.muli %and3A_911, %mul3A_912 : i32
        %get3A_914 = arith.constant 0 : i32
        %get3A_915 = arith.index_cast %get3A_914 : i32 to index
        %get3A_916 = arith.index_cast %shift_right_arithmetic3A_909 : i32 to index
        %get3A_917 = arith.index_cast %mul3A_913 : i32 to index
        %get3A_918 = tpu.vector_load %arg7[%get3A_915, %get3A_916, %get3A_917] {strides = array<i32>} : memref<4x8x128xi32, #tpu.memory_space<vmem>>, vector<16xi32>,
        %broadcast_in_dim3A_919 = vector.broadcast %shift_right_arithmetic3A_909 : i32 to vector<16xi32>
        %add3A_920 = vector.broadcast %mul3A_913 : i32 to vector<16xi32>
        %add3A_921 = arith.addi %add3A_920, %iota3A : vector<16xi32>
        %gather3A_922 = arith.constant 0 : i32
        %gather3A_923 = arith.constant 0 : i32
        %gather3A_924 = arith.constant 0 : i32
        %gather3A_925 = arith.constant 0 : i32
        %gather3A_926 = tpu.memref_slice %arg6[%gather3A_922, %gather3A_923, %gather3A_924, %gather3A_925] : memref<4x21x8x128xf32, #tpu.memory_space<vmem>> -> memref<1x21x8x128xf32, #tpu.memory_space<vmem>>
        %gather3A_927 = tpu.memref_squeeze %gather3A_926 : memref<1x21x8x128xf32, #tpu.memory_space<vmem>> -> memref<21x8x128xf32, #tpu.memory_space<vmem>>
        %gather3A_928 = tpu.vector_load_idx %gather3A_927[%get3A_918, %broadcast_in_dim3A_919, %add3A_921] : memref<21x8x128xf32, #tpu.memory_space<vmem>>[vector<16xi32>, vector<16xi32>, vector<16xi32>], vector<16xf32>,
        %add3A_929 = arith.constant 1.000000e-10 : f32
        %add3A_930 = vector.broadcast %add3A_929 : f32 to vector<16xf32>
        %add3A_931 = arith.addf %gather3A_928, %add3A_930 : vector<16xf32>
        %gather3A_932 = tpu.vector_load_idx %arg8[%get3A_918] : memref<21xf32, #tpu.memory_space<vmem>>[vector<16xi32>], vector<16xf32>,
        %sub3A_933 = arith.constant 1.000000e+00 : f32
        %sub3A_934 = vector.broadcast %sub3A_933 : f32 to vector<16xf32>
        %sub3A_935 = arith.subf %sub3A_934, %add3A_931 : vector<16xf32>
        %mul3A_936 = arith.mulf %gather3A_932, %sub3A_935 : vector<16xf32>
        %mul3A_937 = arith.mulf %mul3A_936, %sub3A_935 : vector<16xf32>
        %bitcast3A_938 = vector.bitcast %add3A_931 : vector<16xf32> to vector<16xi32>
        %shift_right_arithmetic3A_939 = arith.constant 23 : i32
        %shift_right_arithmetic3A_940 = vector.broadcast %shift_right_arithmetic3A_939 : i32 to vector<16xi32>
        %shift_right_arithmetic3A_941 = arith.shrsi %bitcast3A_938, %shift_right_arithmetic3A_940 : vector<16xi32>
        %sub3A_942 = arith.constant 127 : i32
        %sub3A_943 = vector.broadcast %sub3A_942 : i32 to vector<16xi32>
        %sub3A_944 = arith.subi %shift_right_arithmetic3A_941, %sub3A_943 : vector<16xi32>
        %and3A_945 = arith.constant 8388607 : i32
        %and3A_946 = vector.broadcast %and3A_945 : i32 to vector<16xi32>
        %and3A_947 = arith.andi %bitcast3A_938, %and3A_946 : vector<16xi32>
        %or3A_948 = arith.constant 1065353216 : i32
        %or3A_949 = vector.broadcast %or3A_948 : i32 to vector<16xi32>
        %or3A_950 = arith.ori %and3A_947, %or3A_949 : vector<16xi32>
        %bitcast3A_951 = vector.bitcast %or3A_950 : vector<16xi32> to vector<16xf32>
        %gt3A_952 = arith.constant 1.41421354 : f32
        %gt3A_953 = vector.broadcast %gt3A_952 : f32 to vector<16xf32>
        %gt3A_954 = arith.cmpf ogt, %bitcast3A_951, %gt3A_953 : vector<16xf32>
        %mul3A_955 = arith.constant 5.000000e-01 : f32
        %mul3A_956 = vector.broadcast %mul3A_955 : f32 to vector<16xf32>
        %mul3A_957 = arith.mulf %bitcast3A_951, %mul3A_956 : vector<16xf32>
        %select_n3A_958 = arith.select %gt3A_954, %mul3A_957, %bitcast3A_951 : vector<16xi1>, vector<16xf32>
        %add3A_959 = arith.constant 1 : i32
        %add3A_960 = vector.broadcast %add3A_959 : i32 to vector<16xi32>
        %add3A_961 = arith.addi %sub3A_944, %add3A_960 : vector<16xi32>
        %select_n3A_962 = arith.select %gt3A_954, %add3A_961, %sub3A_944 : vector<16xi1>, vector<16xi32>
        %convert_element_type3A_963 = arith.sitofp %select_n3A_962 : vector<16xi32> to vector<16xf32>
        %sub3A_964 = arith.constant 1.000000e+00 : f32
        %sub3A_965 = vector.broadcast %sub3A_964 : f32 to vector<16xf32>
        %sub3A_966 = arith.subf %select_n3A_958, %sub3A_965 : vector<16xf32>
        %add3A_967 = arith.constant 1.000000e+00 : f32
        %add3A_968 = vector.broadcast %add3A_967 : f32 to vector<16xf32>
        %add3A_969 = arith.addf %select_n3A_958, %add3A_968 : vector<16xf32>
        %div3A_970 = arith.divf %sub3A_966, %add3A_969 : vector<16xf32>
        %mul3A_971 = arith.mulf %div3A_970, %div3A_970 : vector<16xf32>
        %mul3A_972 = arith.constant 0.285714298 : f32
        %mul3A_973 = vector.broadcast %mul3A_972 : f32 to vector<16xf32>
        %mul3A_974 = arith.mulf %mul3A_971, %mul3A_973 : vector<16xf32>
        %add3A_975 = arith.constant 4.000000e-01 : f32
        %add3A_976 = vector.broadcast %add3A_975 : f32 to vector<16xf32>
        %add3A_977 = arith.addf %add3A_976, %mul3A_974 : vector<16xf32>
        %mul3A_978 = arith.mulf %mul3A_971, %add3A_977 : vector<16xf32>
        %add3A_979 = arith.constant 0.666666686 : f32
        %add3A_980 = vector.broadcast %add3A_979 : f32 to vector<16xf32>
        %add3A_981 = arith.addf %add3A_980, %mul3A_978 : vector<16xf32>
        %mul3A_982 = arith.mulf %mul3A_971, %add3A_981 : vector<16xf32>
        %add3A_983 = arith.constant 2.000000e+00 : f32
        %add3A_984 = vector.broadcast %add3A_983 : f32 to vector<16xf32>
        %add3A_985 = arith.addf %add3A_984, %mul3A_982 : vector<16xf32>
        %mul3A_986 = arith.mulf %div3A_970, %add3A_985 : vector<16xf32>
        %mul3A_987 = arith.constant 0.693147182 : f32
        %mul3A_988 = vector.broadcast %mul3A_987 : f32 to vector<16xf32>
        %mul3A_989 = arith.mulf %convert_element_type3A_963, %mul3A_988 : vector<16xf32>
        %add3A_990 = arith.addf %mul3A_989, %mul3A_986 : vector<16xf32>
        %mul3A_991 = arith.mulf %mul3A_937, %add3A_990 : vector<16xf32>
        %sub3A_992 = arith.subf %sub3A_905, %mul3A_991 : vector<16xf32>
        %scan3A_993 = arith.constant 3 : i32
        %scan3A_994 = arith.addi %scan3A_738, %scan3A_993 : i32
        %shift_right_arithmetic3A_995 = arith.constant 3 : i32
        %shift_right_arithmetic3A_996 = arith.shrsi %scan3A_994, %shift_right_arithmetic3A_995 : i32
        %and3A_997 = arith.constant 7 : i32
        %and3A_998 = arith.andi %scan3A_994, %and3A_997 : i32
        %mul3A_999 = arith.constant 16 : i32
        %mul3A_1000 = arith.muli %and3A_998, %mul3A_999 : i32
        %get3A_1001 = arith.constant 0 : i32
        %get3A_1002 = arith.index_cast %get3A_1001 : i32 to index
        %get3A_1003 = arith.index_cast %shift_right_arithmetic3A_996 : i32 to index
        %get3A_1004 = arith.index_cast %mul3A_1000 : i32 to index
        %get3A_1005 = tpu.vector_load %arg7[%get3A_1002, %get3A_1003, %get3A_1004] {strides = array<i32>} : memref<4x8x128xi32, #tpu.memory_space<vmem>>, vector<16xi32>,
        %broadcast_in_dim3A_1006 = vector.broadcast %shift_right_arithmetic3A_996 : i32 to vector<16xi32>
        %add3A_1007 = vector.broadcast %mul3A_1000 : i32 to vector<16xi32>
        %add3A_1008 = arith.addi %add3A_1007, %iota3A : vector<16xi32>
        %gather3A_1009 = arith.constant 0 : i32
        %gather3A_1010 = arith.constant 0 : i32
        %gather3A_1011 = arith.constant 0 : i32
        %gather3A_1012 = arith.constant 0 : i32
        %gather3A_1013 = tpu.memref_slice %arg6[%gather3A_1009, %gather3A_1010, %gather3A_1011, %gather3A_1012] : memref<4x21x8x128xf32, #tpu.memory_space<vmem>> -> memref<1x21x8x128xf32, #tpu.memory_space<vmem>>
        %gather3A_1014 = tpu.memref_squeeze %gather3A_1013 : memref<1x21x8x128xf32, #tpu.memory_space<vmem>> -> memref<21x8x128xf32, #tpu.memory_space<vmem>>
        %gather3A_1015 = tpu.vector_load_idx %gather3A_1014[%get3A_1005, %broadcast_in_dim3A_1006, %add3A_1008] : memref<21x8x128xf32, #tpu.memory_space<vmem>>[vector<16xi32>, vector<16xi32>, vector<16xi32>], vector<16xf32>,
        %add3A_1016 = arith.constant 1.000000e-10 : f32
        %add3A_1017 = vector.broadcast %add3A_1016 : f32 to vector<16xf32>
        %add3A_1018 = arith.addf %gather3A_1015, %add3A_1017 : vector<16xf32>
        %gather3A_1019 = tpu.vector_load_idx %arg8[%get3A_1005] : memref<21xf32, #tpu.memory_space<vmem>>[vector<16xi32>], vector<16xf32>,
        %sub3A_1020 = arith.constant 1.000000e+00 : f32
        %sub3A_1021 = vector.broadcast %sub3A_1020 : f32 to vector<16xf32>
        %sub3A_1022 = arith.subf %sub3A_1021, %add3A_1018 : vector<16xf32>
        %mul3A_1023 = arith.mulf %gather3A_1019, %sub3A_1022 : vector<16xf32>
        %mul3A_1024 = arith.mulf %mul3A_1023, %sub3A_1022 : vector<16xf32>
        %bitcast3A_1025 = vector.bitcast %add3A_1018 : vector<16xf32> to vector<16xi32>
        %shift_right_arithmetic3A_1026 = arith.constant 23 : i32
        %shift_right_arithmetic3A_1027 = vector.broadcast %shift_right_arithmetic3A_1026 : i32 to vector<16xi32>
        %shift_right_arithmetic3A_1028 = arith.shrsi %bitcast3A_1025, %shift_right_arithmetic3A_1027 : vector<16xi32>
        %sub3A_1029 = arith.constant 127 : i32
        %sub3A_1030 = vector.broadcast %sub3A_1029 : i32 to vector<16xi32>
        %sub3A_1031 = arith.subi %shift_right_arithmetic3A_1028, %sub3A_1030 : vector<16xi32>
        %and3A_1032 = arith.constant 8388607 : i32
        %and3A_1033 = vector.broadcast %and3A_1032 : i32 to vector<16xi32>
        %and3A_1034 = arith.andi %bitcast3A_1025, %and3A_1033 : vector<16xi32>
        %or3A_1035 = arith.constant 1065353216 : i32
        %or3A_1036 = vector.broadcast %or3A_1035 : i32 to vector<16xi32>
        %or3A_1037 = arith.ori %and3A_1034, %or3A_1036 : vector<16xi32>
        %bitcast3A_1038 = vector.bitcast %or3A_1037 : vector<16xi32> to vector<16xf32>
        %gt3A_1039 = arith.constant 1.41421354 : f32
        %gt3A_1040 = vector.broadcast %gt3A_1039 : f32 to vector<16xf32>
        %gt3A_1041 = arith.cmpf ogt, %bitcast3A_1038, %gt3A_1040 : vector<16xf32>
        %mul3A_1042 = arith.constant 5.000000e-01 : f32
        %mul3A_1043 = vector.broadcast %mul3A_1042 : f32 to vector<16xf32>
        %mul3A_1044 = arith.mulf %bitcast3A_1038, %mul3A_1043 : vector<16xf32>
        %select_n3A_1045 = arith.select %gt3A_1041, %mul3A_1044, %bitcast3A_1038 : vector<16xi1>, vector<16xf32>
        %add3A_1046 = arith.constant 1 : i32
        %add3A_1047 = vector.broadcast %add3A_1046 : i32 to vector<16xi32>
        %add3A_1048 = arith.addi %sub3A_1031, %add3A_1047 : vector<16xi32>
        %select_n3A_1049 = arith.select %gt3A_1041, %add3A_1048, %sub3A_1031 : vector<16xi1>, vector<16xi32>
        %convert_element_type3A_1050 = arith.sitofp %select_n3A_1049 : vector<16xi32> to vector<16xf32>
        %sub3A_1051 = arith.constant 1.000000e+00 : f32
        %sub3A_1052 = vector.broadcast %sub3A_1051 : f32 to vector<16xf32>
        %sub3A_1053 = arith.subf %select_n3A_1045, %sub3A_1052 : vector<16xf32>
        %add3A_1054 = arith.constant 1.000000e+00 : f32
        %add3A_1055 = vector.broadcast %add3A_1054 : f32 to vector<16xf32>
        %add3A_1056 = arith.addf %select_n3A_1045, %add3A_1055 : vector<16xf32>
        %div3A_1057 = arith.divf %sub3A_1053, %add3A_1056 : vector<16xf32>
        %mul3A_1058 = arith.mulf %div3A_1057, %div3A_1057 : vector<16xf32>
        %mul3A_1059 = arith.constant 0.285714298 : f32
        %mul3A_1060 = vector.broadcast %mul3A_1059 : f32 to vector<16xf32>
        %mul3A_1061 = arith.mulf %mul3A_1058, %mul3A_1060 : vector<16xf32>
        %add3A_1062 = arith.constant 4.000000e-01 : f32
        %add3A_1063 = vector.broadcast %add3A_1062 : f32 to vector<16xf32>
        %add3A_1064 = arith.addf %add3A_1063, %mul3A_1061 : vector<16xf32>
        %mul3A_1065 = arith.mulf %mul3A_1058, %add3A_1064 : vector<16xf32>
        %add3A_1066 = arith.constant 0.666666686 : f32
        %add3A_1067 = vector.broadcast %add3A_1066 : f32 to vector<16xf32>
        %add3A_1068 = arith.addf %add3A_1067, %mul3A_1065 : vector<16xf32>
        %mul3A_1069 = arith.mulf %mul3A_1058, %add3A_1068 : vector<16xf32>
        %add3A_1070 = arith.constant 2.000000e+00 : f32
        %add3A_1071 = vector.broadcast %add3A_1070 : f32 to vector<16xf32>
        %add3A_1072 = arith.addf %add3A_1071, %mul3A_1069 : vector<16xf32>
        %mul3A_1073 = arith.mulf %div3A_1057, %add3A_1072 : vector<16xf32>
        %mul3A_1074 = arith.constant 0.693147182 : f32
        %mul3A_1075 = vector.broadcast %mul3A_1074 : f32 to vector<16xf32>
        %mul3A_1076 = arith.mulf %convert_element_type3A_1050, %mul3A_1075 : vector<16xf32>
        %add3A_1077 = arith.addf %mul3A_1076, %mul3A_1073 : vector<16xf32>
        %mul3A_1078 = arith.mulf %mul3A_1024, %add3A_1077 : vector<16xf32>
        %sub3A_1079 = arith.subf %sub3A_992, %mul3A_1078 : vector<16xf32>
        scf.yield %sub3A_1079 : vector<16xf32>
      }
      %scan3A_543 = arith.constant 64 : i32
      %add3A_544 = arith.constant 4 : i32
      %add3A_545 = arith.addi %add3A_492, %add3A_544 : i32
      %lt3A_546 = arith.constant 48 : i32
      %lt3A_547 = arith.cmpi slt, %add3A_545, %lt3A_546 : i32
      %convert_element_type3A = arith.extui %lt3A_547 : i1 to i32
      %cond3A = arith.constant 0 : i32
      %cond3A_548 = arith.cmpi ne, %convert_element_type3A, %cond3A : i32
      scf.if %cond3A_548 {
        %add3A_738 = arith.constant 4 : i32
        %add3A_739 = arith.addi %add3A_492, %add3A_738 : i32
        %mul3A_740 = arith.constant 32 : i32
        %mul3A_741 = arith.muli %add3A_739, %mul3A_740 : i32
        %add3A_742 = arith.constant 512 : i32
        %add3A_743 = arith.addi %add3A_742, %mul3A_741 : i32
        %add3A_744 = arith.addi %add3A_743, %add3A : i32
        %jit3A_745 = arith.constant 256 : i32
        %div3A_746 = arith.divsi %add3A_744, %jit3A_745 : i32
        %sign3A_747 = arith.constant 0 : i32
        %sign3A_748 = arith.cmpi sgt, %add3A_744, %sign3A_747 : i32
        %sign3A_749 = arith.extui %sign3A_748 : i1 to i32
        %sign3A_750 = arith.constant 0 : i32
        %sign3A_751 = arith.cmpi slt, %add3A_744, %sign3A_750 : i32
        %sign3A_752 = arith.extui %sign3A_751 : i1 to i32
        %sign3A_753 = arith.subi %sign3A_749, %sign3A_752 : i32
        %sign3A_754 = arith.constant 0 : i32
        %sign3A_755 = arith.cmpi sgt, %jit3A_745, %sign3A_754 : i32
        %sign3A_756 = arith.extui %sign3A_755 : i1 to i32
        %sign3A_757 = arith.constant 0 : i32
        %sign3A_758 = arith.cmpi slt, %jit3A_745, %sign3A_757 : i32
        %sign3A_759 = arith.extui %sign3A_758 : i1 to i32
        %sign3A_760 = arith.subi %sign3A_756, %sign3A_759 : i32
        %ne3A_761 = arith.cmpi ne, %sign3A_753, %sign3A_760 : i32
        %rem3A_762 = arith.remsi %add3A_744, %jit3A_745 : i32
        %ne3A_763 = arith.constant 0 : i32
        %ne3A_764 = arith.cmpi ne, %rem3A_762, %ne3A_763 : i32
        %and3A_765 = arith.andi %ne3A_761, %ne3A_764 : i1
        %sub3A_766 = arith.constant 1 : i32
        %sub3A_767 = arith.subi %div3A_746, %sub3A_766 : i32
        %select_n3A_768 = arith.select %and3A_765, %sub3A_767, %div3A_746 : i32
        %jit3A_769 = arith.constant 256 : i32
        %eq3A_770 = arith.constant 0 : i32
        %eq3A_771 = arith.cmpi eq, %jit3A_769, %eq3A_770 : i32
        %jit3A_772 = arith.constant 1 : i32
        %select_n3A_773 = arith.select %eq3A_771, %jit3A_772, %jit3A_769 : i32
        %rem3A_774 = arith.remsi %add3A_744, %select_n3A_773 : i32
        %ne3A_775 = arith.constant 0 : i32
        %ne3A_776 = arith.cmpi ne, %rem3A_774, %ne3A_775 : i32
        %lt3A_777 = arith.constant 0 : i32
        %lt3A_778 = arith.cmpi slt, %rem3A_774, %lt3A_777 : i32
        %lt3A_779 = arith.constant 0 : i32
        %lt3A_780 = arith.cmpi slt, %select_n3A_773, %lt3A_779 : i32
        %ne3A_781 = arith.xori %lt3A_778, %lt3A_780 : i1
        %and3A_782 = arith.andi %ne3A_781, %ne3A_776 : i1
        %add3A_783 = arith.addi %rem3A_774, %select_n3A_773 : i32
        %select_n3A_784 = arith.select %and3A_782, %add3A_783, %rem3A_774 : i32
        %jit3A_785 = arith.constant 4 : i32
        %div3A_786 = arith.divsi %select_n3A_784, %jit3A_785 : i32
        %sign3A_787 = arith.constant 0 : i32
        %sign3A_788 = arith.cmpi sgt, %select_n3A_784, %sign3A_787 : i32
        %sign3A_789 = arith.extui %sign3A_788 : i1 to i32
        %sign3A_790 = arith.constant 0 : i32
        %sign3A_791 = arith.cmpi slt, %select_n3A_784, %sign3A_790 : i32
        %sign3A_792 = arith.extui %sign3A_791 : i1 to i32
        %sign3A_793 = arith.subi %sign3A_789, %sign3A_792 : i32
        %sign3A_794 = arith.constant 0 : i32
        %sign3A_795 = arith.cmpi sgt, %jit3A_785, %sign3A_794 : i32
        %sign3A_796 = arith.extui %sign3A_795 : i1 to i32
        %sign3A_797 = arith.constant 0 : i32
        %sign3A_798 = arith.cmpi slt, %jit3A_785, %sign3A_797 : i32
        %sign3A_799 = arith.extui %sign3A_798 : i1 to i32
        %sign3A_800 = arith.subi %sign3A_796, %sign3A_799 : i32
        %ne3A_801 = arith.cmpi ne, %sign3A_793, %sign3A_800 : i32
        %rem3A_802 = arith.remsi %select_n3A_784, %jit3A_785 : i32
        %ne3A_803 = arith.constant 0 : i32
        %ne3A_804 = arith.cmpi ne, %rem3A_802, %ne3A_803 : i32
        %and3A_805 = arith.andi %ne3A_801, %ne3A_804 : i1
        %sub3A_806 = arith.constant 1 : i32
        %sub3A_807 = arith.subi %div3A_786, %sub3A_806 : i32
        %select_n3A_808 = arith.select %and3A_805, %sub3A_807, %div3A_786 : i32
        %mul3A_809 = arith.constant 8 : i32
        %mul3A_810 = arith.muli %select_n3A_808, %mul3A_809 : i32
        %jit3A_811 = arith.constant 4 : i32
        %eq3A_812 = arith.constant 0 : i32
        %eq3A_813 = arith.cmpi eq, %jit3A_811, %eq3A_812 : i32
        %jit3A_814 = arith.constant 1 : i32
        %select_n3A_815 = arith.select %eq3A_813, %jit3A_814, %jit3A_811 : i32
        %rem3A_816 = arith.remsi %select_n3A_784, %select_n3A_815 : i32
        %ne3A_817 = arith.constant 0 : i32
        %ne3A_818 = arith.cmpi ne, %rem3A_816, %ne3A_817 : i32
        %lt3A_819 = arith.constant 0 : i32
        %lt3A_820 = arith.cmpi slt, %rem3A_816, %lt3A_819 : i32
        %lt3A_821 = arith.constant 0 : i32
        %lt3A_822 = arith.cmpi slt, %select_n3A_815, %lt3A_821 : i32
        %ne3A_823 = arith.xori %lt3A_820, %lt3A_822 : i1
        %and3A_824 = arith.andi %ne3A_823, %ne3A_818 : i1
        %add3A_825 = arith.addi %rem3A_816, %select_n3A_815 : i32
        %select_n3A_826 = arith.select %and3A_824, %add3A_825, %rem3A_816 : i32
        %mul3A_827 = arith.constant 128 : i32
        %mul3A_828 = arith.muli %select_n3A_826, %mul3A_827 : i32
        %dma_start3A_829 = arith.constant 0 : i32
        %dma_start3A_830 = arith.constant 0 : i32
        %dma_start3A_831 = arith.constant 0 : i32
        %dma_start3A_832 = arith.constant 0 : i32
        %dma_start3A_833 = arith.constant 0 : i32
        %dma_start3A_834 = tpu.memref_slice %arg6[%dma_start3A_829, %dma_start3A_831, %dma_start3A_832, %dma_start3A_833] : memref<4x21x8x128xf32, #tpu.memory_space<vmem>> -> memref<1x21x8x128xf32, #tpu.memory_space<vmem>>
        %dma_start3A_835 = tpu.memref_squeeze %dma_start3A_834 : memref<1x21x8x128xf32, #tpu.memory_space<vmem>> -> memref<21x8x128xf32, #tpu.memory_space<vmem>>
        %dma_start3A_836 = arith.constant 0 : i32
        %dma_start3A_837 = tpu.memref_slice %arg2[%select_n3A_768, %dma_start3A_836, %mul3A_810, %mul3A_828] : memref<8x21x512x512xf32, #tpu.memory_space<hbm>> -> memref<1x21x8x128xf32, #tpu.memory_space<hbm>>
        %dma_start3A_838 = tpu.memref_squeeze %dma_start3A_837 : memref<1x21x8x128xf32, #tpu.memory_space<hbm>> -> memref<21x8x128xf32, #tpu.memory_space<hbm>>
        %dma_start3A_839 = tpu.memref_slice %arg10[%dma_start3A_830] : memref<4x!tpu.dma_semaphore, #tpu.memory_space<semaphore_mem>> -> memref<1x!tpu.dma_semaphore, #tpu.memory_space<semaphore_mem>>
        %dma_start3A_840 = tpu.memref_squeeze %dma_start3A_839 : memref<1x!tpu.dma_semaphore, #tpu.memory_space<semaphore_mem>> -> memref<!tpu.dma_semaphore, #tpu.memory_space<semaphore_mem>>
        %dma_start3A_841 = arith.constant 0 : i32
        %dma_start3A_842 = arith.constant 0 : i32
        %dma_start3A_843 = arith.constant 0 : i32
        %dma_start3A_844 = tpu.memref_slice %arg6[%dma_start3A_829, %dma_start3A_841, %dma_start3A_842, %dma_start3A_843] : memref<4x21x8x128xf32, #tpu.memory_space<vmem>> -> memref<1x21x8x128xf32, #tpu.memory_space<vmem>>
        %dma_start3A_845 = tpu.memref_squeeze %dma_start3A_844 : memref<1x21x8x128xf32, #tpu.memory_space<vmem>> -> memref<21x8x128xf32, #tpu.memory_space<vmem>>
        %dma_start3A_846 = arith.constant 0 : i32
        %dma_start3A_847 = tpu.memref_slice %arg2[%select_n3A_768, %dma_start3A_846, %mul3A_810, %mul3A_828] : memref<8x21x512x512xf32, #tpu.memory_space<hbm>> -> memref<1x21x8x128xf32, #tpu.memory_space<hbm>>
        %dma_start3A_848 = tpu.memref_squeeze %dma_start3A_847 : memref<1x21x8x128xf32, #tpu.memory_space<hbm>> -> memref<21x8x128xf32, #tpu.memory_space<hbm>>
        tpu.enqueue_dma source(%dma_start3A_848 : memref<21x8x128xf32, #tpu.memory_space<hbm>>) target(%dma_start3A_845 : memref<21x8x128xf32, #tpu.memory_space<vmem>>) target_semaphore(%dma_start3A_840 : memref<!tpu.dma_semaphore, #tpu.memory_space<semaphore_mem>>)
        %dma_start3A_849 = arith.constant 0 : i32
        %dma_start3A_850 = arith.constant 0 : i32
        %dma_start3A_851 = arith.constant 0 : i32
        %dma_start3A_852 = arith.constant 0 : i32
        %dma_start3A_853 = tpu.memref_slice %arg7[%dma_start3A_849, %dma_start3A_851, %dma_start3A_852] : memref<4x8x128xi32, #tpu.memory_space<vmem>> -> memref<1x8x128xi32, #tpu.memory_space<vmem>>
        %dma_start3A_854 = tpu.memref_squeeze %dma_start3A_853 : memref<1x8x128xi32, #tpu.memory_space<vmem>> -> memref<8x128xi32, #tpu.memory_space<vmem>>
        %dma_start3A_855 = tpu.memref_slice %arg3[%select_n3A_768, %mul3A_810, %mul3A_828] : memref<8x512x512xi32, #tpu.memory_space<hbm>> -> memref<1x8x128xi32, #tpu.memory_space<hbm>>
        %dma_start3A_856 = tpu.memref_squeeze %dma_start3A_855 : memref<1x8x128xi32, #tpu.memory_space<hbm>> -> memref<8x128xi32, #tpu.memory_space<hbm>>
        %dma_start3A_857 = tpu.memref_slice %arg11[%dma_start3A_850] : memref<4x!tpu.dma_semaphore, #tpu.memory_space<semaphore_mem>> -> memref<1x!tpu.dma_semaphore, #tpu.memory_space<semaphore_mem>>
        %dma_start3A_858 = tpu.memref_squeeze %dma_start3A_857 : memref<1x!tpu.dma_semaphore, #tpu.memory_space<semaphore_mem>> -> memref<!tpu.dma_semaphore, #tpu.memory_space<semaphore_mem>>
        %dma_start3A_859 = arith.constant 0 : i32
        %dma_start3A_860 = arith.constant 0 : i32
        %dma_start3A_861 = tpu.memref_slice %arg7[%dma_start3A_849, %dma_start3A_859, %dma_start3A_860] : memref<4x8x128xi32, #tpu.memory_space<vmem>> -> memref<1x8x128xi32, #tpu.memory_space<vmem>>
        %dma_start3A_862 = tpu.memref_squeeze %dma_start3A_861 : memref<1x8x128xi32, #tpu.memory_space<vmem>> -> memref<8x128xi32, #tpu.memory_space<vmem>>
        %dma_start3A_863 = tpu.memref_slice %arg3[%select_n3A_768, %mul3A_810, %mul3A_828] : memref<8x512x512xi32, #tpu.memory_space<hbm>> -> memref<1x8x128xi32, #tpu.memory_space<hbm>>
        %dma_start3A_864 = tpu.memref_squeeze %dma_start3A_863 : memref<1x8x128xi32, #tpu.memory_space<hbm>> -> memref<8x128xi32, #tpu.memory_space<hbm>>
        tpu.enqueue_dma source(%dma_start3A_864 : memref<8x128xi32, #tpu.memory_space<hbm>>) target(%dma_start3A_862 : memref<8x128xi32, #tpu.memory_space<vmem>>) target_semaphore(%dma_start3A_858 : memref<!tpu.dma_semaphore, #tpu.memory_space<semaphore_mem>>)
      } else {
      }
      %mul3A_549 = arith.constant 4 : i32
      %mul3A_550 = arith.muli %scan3A_487, %mul3A_549 : i32
      %add3A_551 = arith.constant 1 : i32
      %add3A_552 = arith.addi %mul3A_550, %add3A_551 : i32
      %dma_wait3A_553 = arith.constant 0 : i32
      %dma_wait3A_554 = arith.constant 1 : i32
      %dma_wait3A_555 = arith.constant 1 : i32
      %dma_wait3A_556 = arith.constant 0 : i32
      %dma_wait3A_557 = arith.constant 0 : i32
      %dma_wait3A_558 = arith.constant 0 : i32
      %dma_wait3A_559 = tpu.memref_slice %arg6[%dma_wait3A_554, %dma_wait3A_556, %dma_wait3A_557, %dma_wait3A_558] : memref<4x21x8x128xf32, #tpu.memory_space<vmem>> -> memref<1x21x8x128xf32, #tpu.memory_space<vmem>>
      %dma_wait3A_560 = tpu.memref_squeeze %dma_wait3A_559 : memref<1x21x8x128xf32, #tpu.memory_space<vmem>> -> memref<21x8x128xf32, #tpu.memory_space<vmem>>
      %dma_wait3A_561 = arith.constant 0 : i32
      %dma_wait3A_562 = arith.constant 0 : i32
      %dma_wait3A_563 = arith.constant 0 : i32
      %dma_wait3A_564 = tpu.memref_slice %arg2[%dma_wait3A_553, %dma_wait3A_561, %dma_wait3A_562, %dma_wait3A_563] : memref<8x21x512x512xf32, #tpu.memory_space<hbm>> -> memref<1x21x8x128xf32, #tpu.memory_space<hbm>>
      %dma_wait3A_565 = tpu.memref_squeeze %dma_wait3A_564 : memref<1x21x8x128xf32, #tpu.memory_space<hbm>> -> memref<21x8x128xf32, #tpu.memory_space<hbm>>
      %dma_wait3A_566 = tpu.memref_slice %arg10[%dma_wait3A_555] : memref<4x!tpu.dma_semaphore, #tpu.memory_space<semaphore_mem>> -> memref<1x!tpu.dma_semaphore, #tpu.memory_space<semaphore_mem>>
      %dma_wait3A_567 = tpu.memref_squeeze %dma_wait3A_566 : memref<1x!tpu.dma_semaphore, #tpu.memory_space<semaphore_mem>> -> memref<!tpu.dma_semaphore, #tpu.memory_space<semaphore_mem>>
      %dma_wait3A_568 = arith.constant 0 : i32
      %dma_wait3A_569 = arith.constant 0 : i32
      %dma_wait3A_570 = arith.constant 0 : i32
      %dma_wait3A_571 = tpu.memref_slice %arg6[%dma_wait3A_554, %dma_wait3A_568, %dma_wait3A_569, %dma_wait3A_570] : memref<4x21x8x128xf32, #tpu.memory_space<vmem>> -> memref<1x21x8x128xf32, #tpu.memory_space<vmem>>
      %dma_wait3A_572 = tpu.memref_squeeze %dma_wait3A_571 : memref<1x21x8x128xf32, #tpu.memory_space<vmem>> -> memref<21x8x128xf32, #tpu.memory_space<vmem>>
      %dma_wait3A_573 = arith.constant 0 : i32
      %dma_wait3A_574 = arith.constant 0 : i32
      %dma_wait3A_575 = arith.constant 0 : i32
      %dma_wait3A_576 = tpu.memref_slice %arg2[%dma_wait3A_553, %dma_wait3A_573, %dma_wait3A_574, %dma_wait3A_575] : memref<8x21x512x512xf32, #tpu.memory_space<hbm>> -> memref<1x21x8x128xf32, #tpu.memory_space<hbm>>
      %dma_wait3A_577 = tpu.memref_squeeze %dma_wait3A_576 : memref<1x21x8x128xf32, #tpu.memory_space<hbm>> -> memref<21x8x128xf32, #tpu.memory_space<hbm>>
      tpu.wait_dma2 semaphore(%dma_wait3A_567 : memref<!tpu.dma_semaphore, #tpu.memory_space<semaphore_mem>>) src(%dma_wait3A_577 : memref<21x8x128xf32, #tpu.memory_space<hbm>>) dst(%dma_wait3A_572 : memref<21x8x128xf32, #tpu.memory_space<vmem>>)
      %dma_wait3A_578 = arith.constant 0 : i32
      %dma_wait3A_579 = arith.constant 1 : i32
      %dma_wait3A_580 = arith.constant 1 : i32
      %dma_wait3A_581 = arith.constant 0 : i32
      %dma_wait3A_582 = arith.constant 0 : i32
      %dma_wait3A_583 = tpu.memref_slice %arg7[%dma_wait3A_579, %dma_wait3A_581, %dma_wait3A_582] : memref<4x8x128xi32, #tpu.memory_space<vmem>> -> memref<1x8x128xi32, #tpu.memory_space<vmem>>
      %dma_wait3A_584 = tpu.memref_squeeze %dma_wait3A_583 : memref<1x8x128xi32, #tpu.memory_space<vmem>> -> memref<8x128xi32, #tpu.memory_space<vmem>>
      %dma_wait3A_585 = arith.constant 0 : i32
      %dma_wait3A_586 = arith.constant 0 : i32
      %dma_wait3A_587 = tpu.memref_slice %arg3[%dma_wait3A_578, %dma_wait3A_585, %dma_wait3A_586] : memref<8x512x512xi32, #tpu.memory_space<hbm>> -> memref<1x8x128xi32, #tpu.memory_space<hbm>>
      %dma_wait3A_588 = tpu.memref_squeeze %dma_wait3A_587 : memref<1x8x128xi32, #tpu.memory_space<hbm>> -> memref<8x128xi32, #tpu.memory_space<hbm>>
      %dma_wait3A_589 = tpu.memref_slice %arg11[%dma_wait3A_580] : memref<4x!tpu.dma_semaphore, #tpu.memory_space<semaphore_mem>> -> memref<1x!tpu.dma_semaphore, #tpu.memory_space<semaphore_mem>>
      %dma_wait3A_590 = tpu.memref_squeeze %dma_wait3A_589 : memref<1x!tpu.dma_semaphore, #tpu.memory_space<semaphore_mem>> -> memref<!tpu.dma_semaphore, #tpu.memory_space<semaphore_mem>>
      %dma_wait3A_591 = arith.constant 0 : i32
      %dma_wait3A_592 = arith.constant 0 : i32
      %dma_wait3A_593 = tpu.memref_slice %arg7[%dma_wait3A_579, %dma_wait3A_591, %dma_wait3A_592] : memref<4x8x128xi32, #tpu.memory_space<vmem>> -> memref<1x8x128xi32, #tpu.memory_space<vmem>>
      %dma_wait3A_594 = tpu.memref_squeeze %dma_wait3A_593 : memref<1x8x128xi32, #tpu.memory_space<vmem>> -> memref<8x128xi32, #tpu.memory_space<vmem>>
      %dma_wait3A_595 = arith.constant 0 : i32
      %dma_wait3A_596 = arith.constant 0 : i32
      %dma_wait3A_597 = tpu.memref_slice %arg3[%dma_wait3A_578, %dma_wait3A_595, %dma_wait3A_596] : memref<8x512x512xi32, #tpu.memory_space<hbm>> -> memref<1x8x128xi32, #tpu.memory_space<hbm>>
      %dma_wait3A_598 = tpu.memref_squeeze %dma_wait3A_597 : memref<1x8x128xi32, #tpu.memory_space<hbm>> -> memref<8x128xi32, #tpu.memory_space<hbm>>
      tpu.wait_dma2 semaphore(%dma_wait3A_590 : memref<!tpu.dma_semaphore, #tpu.memory_space<semaphore_mem>>) src(%dma_wait3A_598 : memref<8x128xi32, #tpu.memory_space<hbm>>) dst(%dma_wait3A_594 : memref<8x128xi32, #tpu.memory_space<vmem>>)
      %scan3A_599 = arith.constant 0 : i32
      %scan3A_600 = arith.constant 64 : i32
      %scan3A_601 = arith.addi %scan3A_599, %scan3A_600 : i32
      %scan3A_602 = arith.constant 4 : i32
      %scan3A_603 = scf.for %scan3A_738 = %scan3A_599 to %scan3A_601 step %scan3A_602 iter_args(%scan3A_739 = %scan3A_542) -> (vector<16xf32>)  : i32 {
        %shift_right_arithmetic3A = arith.constant 3 : i32
        %shift_right_arithmetic3A_740 = arith.shrsi %scan3A_738, %shift_right_arithmetic3A : i32
        %and3A_741 = arith.constant 7 : i32
        %and3A_742 = arith.andi %scan3A_738, %and3A_741 : i32
        %mul3A_743 = arith.constant 16 : i32
        %mul3A_744 = arith.muli %and3A_742, %mul3A_743 : i32
        %get3A = arith.constant 1 : i32
        %get3A_745 = arith.index_cast %get3A : i32 to index
        %get3A_746 = arith.index_cast %shift_right_arithmetic3A_740 : i32 to index
        %get3A_747 = arith.index_cast %mul3A_744 : i32 to index
        %get3A_748 = tpu.vector_load %arg7[%get3A_745, %get3A_746, %get3A_747] {strides = array<i32>} : memref<4x8x128xi32, #tpu.memory_space<vmem>>, vector<16xi32>,
        %broadcast_in_dim3A_749 = vector.broadcast %shift_right_arithmetic3A_740 : i32 to vector<16xi32>
        %add3A_750 = vector.broadcast %mul3A_744 : i32 to vector<16xi32>
        %add3A_751 = arith.addi %add3A_750, %iota3A : vector<16xi32>
        %gather3A = arith.constant 1 : i32
        %gather3A_752 = arith.constant 0 : i32
        %gather3A_753 = arith.constant 0 : i32
        %gather3A_754 = arith.constant 0 : i32
        %gather3A_755 = tpu.memref_slice %arg6[%gather3A, %gather3A_752, %gather3A_753, %gather3A_754] : memref<4x21x8x128xf32, #tpu.memory_space<vmem>> -> memref<1x21x8x128xf32, #tpu.memory_space<vmem>>
        %gather3A_756 = tpu.memref_squeeze %gather3A_755 : memref<1x21x8x128xf32, #tpu.memory_space<vmem>> -> memref<21x8x128xf32, #tpu.memory_space<vmem>>
        %gather3A_757 = tpu.vector_load_idx %gather3A_756[%get3A_748, %broadcast_in_dim3A_749, %add3A_751] : memref<21x8x128xf32, #tpu.memory_space<vmem>>[vector<16xi32>, vector<16xi32>, vector<16xi32>], vector<16xf32>,
        %add3A_758 = arith.constant 1.000000e-10 : f32
        %add3A_759 = vector.broadcast %add3A_758 : f32 to vector<16xf32>
        %add3A_760 = arith.addf %gather3A_757, %add3A_759 : vector<16xf32>
        %gather3A_761 = tpu.vector_load_idx %arg8[%get3A_748] : memref<21xf32, #tpu.memory_space<vmem>>[vector<16xi32>], vector<16xf32>,
        %sub3A_762 = arith.constant 1.000000e+00 : f32
        %sub3A_763 = vector.broadcast %sub3A_762 : f32 to vector<16xf32>
        %sub3A_764 = arith.subf %sub3A_763, %add3A_760 : vector<16xf32>
        %mul3A_765 = arith.mulf %gather3A_761, %sub3A_764 : vector<16xf32>
        %mul3A_766 = arith.mulf %mul3A_765, %sub3A_764 : vector<16xf32>
        %bitcast3A = vector.bitcast %add3A_760 : vector<16xf32> to vector<16xi32>
        %shift_right_arithmetic3A_767 = arith.constant 23 : i32
        %shift_right_arithmetic3A_768 = vector.broadcast %shift_right_arithmetic3A_767 : i32 to vector<16xi32>
        %shift_right_arithmetic3A_769 = arith.shrsi %bitcast3A, %shift_right_arithmetic3A_768 : vector<16xi32>
        %sub3A_770 = arith.constant 127 : i32
        %sub3A_771 = vector.broadcast %sub3A_770 : i32 to vector<16xi32>
        %sub3A_772 = arith.subi %shift_right_arithmetic3A_769, %sub3A_771 : vector<16xi32>
        %and3A_773 = arith.constant 8388607 : i32
        %and3A_774 = vector.broadcast %and3A_773 : i32 to vector<16xi32>
        %and3A_775 = arith.andi %bitcast3A, %and3A_774 : vector<16xi32>
        %or3A = arith.constant 1065353216 : i32
        %or3A_776 = vector.broadcast %or3A : i32 to vector<16xi32>
        %or3A_777 = arith.ori %and3A_775, %or3A_776 : vector<16xi32>
        %bitcast3A_778 = vector.bitcast %or3A_777 : vector<16xi32> to vector<16xf32>
        %gt3A = arith.constant 1.41421354 : f32
        %gt3A_779 = vector.broadcast %gt3A : f32 to vector<16xf32>
        %gt3A_780 = arith.cmpf ogt, %bitcast3A_778, %gt3A_779 : vector<16xf32>
        %mul3A_781 = arith.constant 5.000000e-01 : f32
        %mul3A_782 = vector.broadcast %mul3A_781 : f32 to vector<16xf32>
        %mul3A_783 = arith.mulf %bitcast3A_778, %mul3A_782 : vector<16xf32>
        %select_n3A_784 = arith.select %gt3A_780, %mul3A_783, %bitcast3A_778 : vector<16xi1>, vector<16xf32>
        %add3A_785 = arith.constant 1 : i32
        %add3A_786 = vector.broadcast %add3A_785 : i32 to vector<16xi32>
        %add3A_787 = arith.addi %sub3A_772, %add3A_786 : vector<16xi32>
        %select_n3A_788 = arith.select %gt3A_780, %add3A_787, %sub3A_772 : vector<16xi1>, vector<16xi32>
        %convert_element_type3A_789 = arith.sitofp %select_n3A_788 : vector<16xi32> to vector<16xf32>
        %sub3A_790 = arith.constant 1.000000e+00 : f32
        %sub3A_791 = vector.broadcast %sub3A_790 : f32 to vector<16xf32>
        %sub3A_792 = arith.subf %select_n3A_784, %sub3A_791 : vector<16xf32>
        %add3A_793 = arith.constant 1.000000e+00 : f32
        %add3A_794 = vector.broadcast %add3A_793 : f32 to vector<16xf32>
        %add3A_795 = arith.addf %select_n3A_784, %add3A_794 : vector<16xf32>
        %div3A_796 = arith.divf %sub3A_792, %add3A_795 : vector<16xf32>
        %mul3A_797 = arith.mulf %div3A_796, %div3A_796 : vector<16xf32>
        %mul3A_798 = arith.constant 0.285714298 : f32
        %mul3A_799 = vector.broadcast %mul3A_798 : f32 to vector<16xf32>
        %mul3A_800 = arith.mulf %mul3A_797, %mul3A_799 : vector<16xf32>
        %add3A_801 = arith.constant 4.000000e-01 : f32
        %add3A_802 = vector.broadcast %add3A_801 : f32 to vector<16xf32>
        %add3A_803 = arith.addf %add3A_802, %mul3A_800 : vector<16xf32>
        %mul3A_804 = arith.mulf %mul3A_797, %add3A_803 : vector<16xf32>
        %add3A_805 = arith.constant 0.666666686 : f32
        %add3A_806 = vector.broadcast %add3A_805 : f32 to vector<16xf32>
        %add3A_807 = arith.addf %add3A_806, %mul3A_804 : vector<16xf32>
        %mul3A_808 = arith.mulf %mul3A_797, %add3A_807 : vector<16xf32>
        %add3A_809 = arith.constant 2.000000e+00 : f32
        %add3A_810 = vector.broadcast %add3A_809 : f32 to vector<16xf32>
        %add3A_811 = arith.addf %add3A_810, %mul3A_808 : vector<16xf32>
        %mul3A_812 = arith.mulf %div3A_796, %add3A_811 : vector<16xf32>
        %mul3A_813 = arith.constant 0.693147182 : f32
        %mul3A_814 = vector.broadcast %mul3A_813 : f32 to vector<16xf32>
        %mul3A_815 = arith.mulf %convert_element_type3A_789, %mul3A_814 : vector<16xf32>
        %add3A_816 = arith.addf %mul3A_815, %mul3A_812 : vector<16xf32>
        %mul3A_817 = arith.mulf %mul3A_766, %add3A_816 : vector<16xf32>
        %sub3A_818 = arith.subf %scan3A_739, %mul3A_817 : vector<16xf32>
        %scan3A_819 = arith.constant 1 : i32
        %scan3A_820 = arith.addi %scan3A_738, %scan3A_819 : i32
        %shift_right_arithmetic3A_821 = arith.constant 3 : i32
        %shift_right_arithmetic3A_822 = arith.shrsi %scan3A_820, %shift_right_arithmetic3A_821 : i32
        %and3A_823 = arith.constant 7 : i32
        %and3A_824 = arith.andi %scan3A_820, %and3A_823 : i32
        %mul3A_825 = arith.constant 16 : i32
        %mul3A_826 = arith.muli %and3A_824, %mul3A_825 : i32
        %get3A_827 = arith.constant 1 : i32
        %get3A_828 = arith.index_cast %get3A_827 : i32 to index
        %get3A_829 = arith.index_cast %shift_right_arithmetic3A_822 : i32 to index
        %get3A_830 = arith.index_cast %mul3A_826 : i32 to index
        %get3A_831 = tpu.vector_load %arg7[%get3A_828, %get3A_829, %get3A_830] {strides = array<i32>} : memref<4x8x128xi32, #tpu.memory_space<vmem>>, vector<16xi32>,
        %broadcast_in_dim3A_832 = vector.broadcast %shift_right_arithmetic3A_822 : i32 to vector<16xi32>
        %add3A_833 = vector.broadcast %mul3A_826 : i32 to vector<16xi32>
        %add3A_834 = arith.addi %add3A_833, %iota3A : vector<16xi32>
        %gather3A_835 = arith.constant 1 : i32
        %gather3A_836 = arith.constant 0 : i32
        %gather3A_837 = arith.constant 0 : i32
        %gather3A_838 = arith.constant 0 : i32
        %gather3A_839 = tpu.memref_slice %arg6[%gather3A_835, %gather3A_836, %gather3A_837, %gather3A_838] : memref<4x21x8x128xf32, #tpu.memory_space<vmem>> -> memref<1x21x8x128xf32, #tpu.memory_space<vmem>>
        %gather3A_840 = tpu.memref_squeeze %gather3A_839 : memref<1x21x8x128xf32, #tpu.memory_space<vmem>> -> memref<21x8x128xf32, #tpu.memory_space<vmem>>
        %gather3A_841 = tpu.vector_load_idx %gather3A_840[%get3A_831, %broadcast_in_dim3A_832, %add3A_834] : memref<21x8x128xf32, #tpu.memory_space<vmem>>[vector<16xi32>, vector<16xi32>, vector<16xi32>], vector<16xf32>,
        %add3A_842 = arith.constant 1.000000e-10 : f32
        %add3A_843 = vector.broadcast %add3A_842 : f32 to vector<16xf32>
        %add3A_844 = arith.addf %gather3A_841, %add3A_843 : vector<16xf32>
        %gather3A_845 = tpu.vector_load_idx %arg8[%get3A_831] : memref<21xf32, #tpu.memory_space<vmem>>[vector<16xi32>], vector<16xf32>,
        %sub3A_846 = arith.constant 1.000000e+00 : f32
        %sub3A_847 = vector.broadcast %sub3A_846 : f32 to vector<16xf32>
        %sub3A_848 = arith.subf %sub3A_847, %add3A_844 : vector<16xf32>
        %mul3A_849 = arith.mulf %gather3A_845, %sub3A_848 : vector<16xf32>
        %mul3A_850 = arith.mulf %mul3A_849, %sub3A_848 : vector<16xf32>
        %bitcast3A_851 = vector.bitcast %add3A_844 : vector<16xf32> to vector<16xi32>
        %shift_right_arithmetic3A_852 = arith.constant 23 : i32
        %shift_right_arithmetic3A_853 = vector.broadcast %shift_right_arithmetic3A_852 : i32 to vector<16xi32>
        %shift_right_arithmetic3A_854 = arith.shrsi %bitcast3A_851, %shift_right_arithmetic3A_853 : vector<16xi32>
        %sub3A_855 = arith.constant 127 : i32
        %sub3A_856 = vector.broadcast %sub3A_855 : i32 to vector<16xi32>
        %sub3A_857 = arith.subi %shift_right_arithmetic3A_854, %sub3A_856 : vector<16xi32>
        %and3A_858 = arith.constant 8388607 : i32
        %and3A_859 = vector.broadcast %and3A_858 : i32 to vector<16xi32>
        %and3A_860 = arith.andi %bitcast3A_851, %and3A_859 : vector<16xi32>
        %or3A_861 = arith.constant 1065353216 : i32
        %or3A_862 = vector.broadcast %or3A_861 : i32 to vector<16xi32>
        %or3A_863 = arith.ori %and3A_860, %or3A_862 : vector<16xi32>
        %bitcast3A_864 = vector.bitcast %or3A_863 : vector<16xi32> to vector<16xf32>
        %gt3A_865 = arith.constant 1.41421354 : f32
        %gt3A_866 = vector.broadcast %gt3A_865 : f32 to vector<16xf32>
        %gt3A_867 = arith.cmpf ogt, %bitcast3A_864, %gt3A_866 : vector<16xf32>
        %mul3A_868 = arith.constant 5.000000e-01 : f32
        %mul3A_869 = vector.broadcast %mul3A_868 : f32 to vector<16xf32>
        %mul3A_870 = arith.mulf %bitcast3A_864, %mul3A_869 : vector<16xf32>
        %select_n3A_871 = arith.select %gt3A_867, %mul3A_870, %bitcast3A_864 : vector<16xi1>, vector<16xf32>
        %add3A_872 = arith.constant 1 : i32
        %add3A_873 = vector.broadcast %add3A_872 : i32 to vector<16xi32>
        %add3A_874 = arith.addi %sub3A_857, %add3A_873 : vector<16xi32>
        %select_n3A_875 = arith.select %gt3A_867, %add3A_874, %sub3A_857 : vector<16xi1>, vector<16xi32>
        %convert_element_type3A_876 = arith.sitofp %select_n3A_875 : vector<16xi32> to vector<16xf32>
        %sub3A_877 = arith.constant 1.000000e+00 : f32
        %sub3A_878 = vector.broadcast %sub3A_877 : f32 to vector<16xf32>
        %sub3A_879 = arith.subf %select_n3A_871, %sub3A_878 : vector<16xf32>
        %add3A_880 = arith.constant 1.000000e+00 : f32
        %add3A_881 = vector.broadcast %add3A_880 : f32 to vector<16xf32>
        %add3A_882 = arith.addf %select_n3A_871, %add3A_881 : vector<16xf32>
        %div3A_883 = arith.divf %sub3A_879, %add3A_882 : vector<16xf32>
        %mul3A_884 = arith.mulf %div3A_883, %div3A_883 : vector<16xf32>
        %mul3A_885 = arith.constant 0.285714298 : f32
        %mul3A_886 = vector.broadcast %mul3A_885 : f32 to vector<16xf32>
        %mul3A_887 = arith.mulf %mul3A_884, %mul3A_886 : vector<16xf32>
        %add3A_888 = arith.constant 4.000000e-01 : f32
        %add3A_889 = vector.broadcast %add3A_888 : f32 to vector<16xf32>
        %add3A_890 = arith.addf %add3A_889, %mul3A_887 : vector<16xf32>
        %mul3A_891 = arith.mulf %mul3A_884, %add3A_890 : vector<16xf32>
        %add3A_892 = arith.constant 0.666666686 : f32
        %add3A_893 = vector.broadcast %add3A_892 : f32 to vector<16xf32>
        %add3A_894 = arith.addf %add3A_893, %mul3A_891 : vector<16xf32>
        %mul3A_895 = arith.mulf %mul3A_884, %add3A_894 : vector<16xf32>
        %add3A_896 = arith.constant 2.000000e+00 : f32
        %add3A_897 = vector.broadcast %add3A_896 : f32 to vector<16xf32>
        %add3A_898 = arith.addf %add3A_897, %mul3A_895 : vector<16xf32>
        %mul3A_899 = arith.mulf %div3A_883, %add3A_898 : vector<16xf32>
        %mul3A_900 = arith.constant 0.693147182 : f32
        %mul3A_901 = vector.broadcast %mul3A_900 : f32 to vector<16xf32>
        %mul3A_902 = arith.mulf %convert_element_type3A_876, %mul3A_901 : vector<16xf32>
        %add3A_903 = arith.addf %mul3A_902, %mul3A_899 : vector<16xf32>
        %mul3A_904 = arith.mulf %mul3A_850, %add3A_903 : vector<16xf32>
        %sub3A_905 = arith.subf %sub3A_818, %mul3A_904 : vector<16xf32>
        %scan3A_906 = arith.constant 2 : i32
        %scan3A_907 = arith.addi %scan3A_738, %scan3A_906 : i32
        %shift_right_arithmetic3A_908 = arith.constant 3 : i32
        %shift_right_arithmetic3A_909 = arith.shrsi %scan3A_907, %shift_right_arithmetic3A_908 : i32
        %and3A_910 = arith.constant 7 : i32
        %and3A_911 = arith.andi %scan3A_907, %and3A_910 : i32
        %mul3A_912 = arith.constant 16 : i32
        %mul3A_913 = arith.muli %and3A_911, %mul3A_912 : i32
        %get3A_914 = arith.constant 1 : i32
        %get3A_915 = arith.index_cast %get3A_914 : i32 to index
        %get3A_916 = arith.index_cast %shift_right_arithmetic3A_909 : i32 to index
        %get3A_917 = arith.index_cast %mul3A_913 : i32 to index
        %get3A_918 = tpu.vector_load %arg7[%get3A_915, %get3A_916, %get3A_917] {strides = array<i32>} : memref<4x8x128xi32, #tpu.memory_space<vmem>>, vector<16xi32>,
        %broadcast_in_dim3A_919 = vector.broadcast %shift_right_arithmetic3A_909 : i32 to vector<16xi32>
        %add3A_920 = vector.broadcast %mul3A_913 : i32 to vector<16xi32>
        %add3A_921 = arith.addi %add3A_920, %iota3A : vector<16xi32>
        %gather3A_922 = arith.constant 1 : i32
        %gather3A_923 = arith.constant 0 : i32
        %gather3A_924 = arith.constant 0 : i32
        %gather3A_925 = arith.constant 0 : i32
        %gather3A_926 = tpu.memref_slice %arg6[%gather3A_922, %gather3A_923, %gather3A_924, %gather3A_925] : memref<4x21x8x128xf32, #tpu.memory_space<vmem>> -> memref<1x21x8x128xf32, #tpu.memory_space<vmem>>
        %gather3A_927 = tpu.memref_squeeze %gather3A_926 : memref<1x21x8x128xf32, #tpu.memory_space<vmem>> -> memref<21x8x128xf32, #tpu.memory_space<vmem>>
        %gather3A_928 = tpu.vector_load_idx %gather3A_927[%get3A_918, %broadcast_in_dim3A_919, %add3A_921] : memref<21x8x128xf32, #tpu.memory_space<vmem>>[vector<16xi32>, vector<16xi32>, vector<16xi32>], vector<16xf32>,
        %add3A_929 = arith.constant 1.000000e-10 : f32
        %add3A_930 = vector.broadcast %add3A_929 : f32 to vector<16xf32>
        %add3A_931 = arith.addf %gather3A_928, %add3A_930 : vector<16xf32>
        %gather3A_932 = tpu.vector_load_idx %arg8[%get3A_918] : memref<21xf32, #tpu.memory_space<vmem>>[vector<16xi32>], vector<16xf32>,
        %sub3A_933 = arith.constant 1.000000e+00 : f32
        %sub3A_934 = vector.broadcast %sub3A_933 : f32 to vector<16xf32>
        %sub3A_935 = arith.subf %sub3A_934, %add3A_931 : vector<16xf32>
        %mul3A_936 = arith.mulf %gather3A_932, %sub3A_935 : vector<16xf32>
        %mul3A_937 = arith.mulf %mul3A_936, %sub3A_935 : vector<16xf32>
        %bitcast3A_938 = vector.bitcast %add3A_931 : vector<16xf32> to vector<16xi32>
        %shift_right_arithmetic3A_939 = arith.constant 23 : i32
        %shift_right_arithmetic3A_940 = vector.broadcast %shift_right_arithmetic3A_939 : i32 to vector<16xi32>
        %shift_right_arithmetic3A_941 = arith.shrsi %bitcast3A_938, %shift_right_arithmetic3A_940 : vector<16xi32>
        %sub3A_942 = arith.constant 127 : i32
        %sub3A_943 = vector.broadcast %sub3A_942 : i32 to vector<16xi32>
        %sub3A_944 = arith.subi %shift_right_arithmetic3A_941, %sub3A_943 : vector<16xi32>
        %and3A_945 = arith.constant 8388607 : i32
        %and3A_946 = vector.broadcast %and3A_945 : i32 to vector<16xi32>
        %and3A_947 = arith.andi %bitcast3A_938, %and3A_946 : vector<16xi32>
        %or3A_948 = arith.constant 1065353216 : i32
        %or3A_949 = vector.broadcast %or3A_948 : i32 to vector<16xi32>
        %or3A_950 = arith.ori %and3A_947, %or3A_949 : vector<16xi32>
        %bitcast3A_951 = vector.bitcast %or3A_950 : vector<16xi32> to vector<16xf32>
        %gt3A_952 = arith.constant 1.41421354 : f32
        %gt3A_953 = vector.broadcast %gt3A_952 : f32 to vector<16xf32>
        %gt3A_954 = arith.cmpf ogt, %bitcast3A_951, %gt3A_953 : vector<16xf32>
        %mul3A_955 = arith.constant 5.000000e-01 : f32
        %mul3A_956 = vector.broadcast %mul3A_955 : f32 to vector<16xf32>
        %mul3A_957 = arith.mulf %bitcast3A_951, %mul3A_956 : vector<16xf32>
        %select_n3A_958 = arith.select %gt3A_954, %mul3A_957, %bitcast3A_951 : vector<16xi1>, vector<16xf32>
        %add3A_959 = arith.constant 1 : i32
        %add3A_960 = vector.broadcast %add3A_959 : i32 to vector<16xi32>
        %add3A_961 = arith.addi %sub3A_944, %add3A_960 : vector<16xi32>
        %select_n3A_962 = arith.select %gt3A_954, %add3A_961, %sub3A_944 : vector<16xi1>, vector<16xi32>
        %convert_element_type3A_963 = arith.sitofp %select_n3A_962 : vector<16xi32> to vector<16xf32>
        %sub3A_964 = arith.constant 1.000000e+00 : f32
        %sub3A_965 = vector.broadcast %sub3A_964 : f32 to vector<16xf32>
        %sub3A_966 = arith.subf %select_n3A_958, %sub3A_965 : vector<16xf32>
        %add3A_967 = arith.constant 1.000000e+00 : f32
        %add3A_968 = vector.broadcast %add3A_967 : f32 to vector<16xf32>
        %add3A_969 = arith.addf %select_n3A_958, %add3A_968 : vector<16xf32>
        %div3A_970 = arith.divf %sub3A_966, %add3A_969 : vector<16xf32>
        %mul3A_971 = arith.mulf %div3A_970, %div3A_970 : vector<16xf32>
        %mul3A_972 = arith.constant 0.285714298 : f32
        %mul3A_973 = vector.broadcast %mul3A_972 : f32 to vector<16xf32>
        %mul3A_974 = arith.mulf %mul3A_971, %mul3A_973 : vector<16xf32>
        %add3A_975 = arith.constant 4.000000e-01 : f32
        %add3A_976 = vector.broadcast %add3A_975 : f32 to vector<16xf32>
        %add3A_977 = arith.addf %add3A_976, %mul3A_974 : vector<16xf32>
        %mul3A_978 = arith.mulf %mul3A_971, %add3A_977 : vector<16xf32>
        %add3A_979 = arith.constant 0.666666686 : f32
        %add3A_980 = vector.broadcast %add3A_979 : f32 to vector<16xf32>
        %add3A_981 = arith.addf %add3A_980, %mul3A_978 : vector<16xf32>
        %mul3A_982 = arith.mulf %mul3A_971, %add3A_981 : vector<16xf32>
        %add3A_983 = arith.constant 2.000000e+00 : f32
        %add3A_984 = vector.broadcast %add3A_983 : f32 to vector<16xf32>
        %add3A_985 = arith.addf %add3A_984, %mul3A_982 : vector<16xf32>
        %mul3A_986 = arith.mulf %div3A_970, %add3A_985 : vector<16xf32>
        %mul3A_987 = arith.constant 0.693147182 : f32
        %mul3A_988 = vector.broadcast %mul3A_987 : f32 to vector<16xf32>
        %mul3A_989 = arith.mulf %convert_element_type3A_963, %mul3A_988 : vector<16xf32>
        %add3A_990 = arith.addf %mul3A_989, %mul3A_986 : vector<16xf32>
        %mul3A_991 = arith.mulf %mul3A_937, %add3A_990 : vector<16xf32>
        %sub3A_992 = arith.subf %sub3A_905, %mul3A_991 : vector<16xf32>
        %scan3A_993 = arith.constant 3 : i32
        %scan3A_994 = arith.addi %scan3A_738, %scan3A_993 : i32
        %shift_right_arithmetic3A_995 = arith.constant 3 : i32
        %shift_right_arithmetic3A_996 = arith.shrsi %scan3A_994, %shift_right_arithmetic3A_995 : i32
        %and3A_997 = arith.constant 7 : i32
        %and3A_998 = arith.andi %scan3A_994, %and3A_997 : i32
        %mul3A_999 = arith.constant 16 : i32
        %mul3A_1000 = arith.muli %and3A_998, %mul3A_999 : i32
        %get3A_1001 = arith.constant 1 : i32
        %get3A_1002 = arith.index_cast %get3A_1001 : i32 to index
        %get3A_1003 = arith.index_cast %shift_right_arithmetic3A_996 : i32 to index
        %get3A_1004 = arith.index_cast %mul3A_1000 : i32 to index
        %get3A_1005 = tpu.vector_load %arg7[%get3A_1002, %get3A_1003, %get3A_1004] {strides = array<i32>} : memref<4x8x128xi32, #tpu.memory_space<vmem>>, vector<16xi32>,
        %broadcast_in_dim3A_1006 = vector.broadcast %shift_right_arithmetic3A_996 : i32 to vector<16xi32>
        %add3A_1007 = vector.broadcast %mul3A_1000 : i32 to vector<16xi32>
        %add3A_1008 = arith.addi %add3A_1007, %iota3A : vector<16xi32>
        %gather3A_1009 = arith.constant 1 : i32
        %gather3A_1010 = arith.constant 0 : i32
        %gather3A_1011 = arith.constant 0 : i32
        %gather3A_1012 = arith.constant 0 : i32
        %gather3A_1013 = tpu.memref_slice %arg6[%gather3A_1009, %gather3A_1010, %gather3A_1011, %gather3A_1012] : memref<4x21x8x128xf32, #tpu.memory_space<vmem>> -> memref<1x21x8x128xf32, #tpu.memory_space<vmem>>
        %gather3A_1014 = tpu.memref_squeeze %gather3A_1013 : memref<1x21x8x128xf32, #tpu.memory_space<vmem>> -> memref<21x8x128xf32, #tpu.memory_space<vmem>>
        %gather3A_1015 = tpu.vector_load_idx %gather3A_1014[%get3A_1005, %broadcast_in_dim3A_1006, %add3A_1008] : memref<21x8x128xf32, #tpu.memory_space<vmem>>[vector<16xi32>, vector<16xi32>, vector<16xi32>], vector<16xf32>,
        %add3A_1016 = arith.constant 1.000000e-10 : f32
        %add3A_1017 = vector.broadcast %add3A_1016 : f32 to vector<16xf32>
        %add3A_1018 = arith.addf %gather3A_1015, %add3A_1017 : vector<16xf32>
        %gather3A_1019 = tpu.vector_load_idx %arg8[%get3A_1005] : memref<21xf32, #tpu.memory_space<vmem>>[vector<16xi32>], vector<16xf32>,
        %sub3A_1020 = arith.constant 1.000000e+00 : f32
        %sub3A_1021 = vector.broadcast %sub3A_1020 : f32 to vector<16xf32>
        %sub3A_1022 = arith.subf %sub3A_1021, %add3A_1018 : vector<16xf32>
        %mul3A_1023 = arith.mulf %gather3A_1019, %sub3A_1022 : vector<16xf32>
        %mul3A_1024 = arith.mulf %mul3A_1023, %sub3A_1022 : vector<16xf32>
        %bitcast3A_1025 = vector.bitcast %add3A_1018 : vector<16xf32> to vector<16xi32>
        %shift_right_arithmetic3A_1026 = arith.constant 23 : i32
        %shift_right_arithmetic3A_1027 = vector.broadcast %shift_right_arithmetic3A_1026 : i32 to vector<16xi32>
        %shift_right_arithmetic3A_1028 = arith.shrsi %bitcast3A_1025, %shift_right_arithmetic3A_1027 : vector<16xi32>
        %sub3A_1029 = arith.constant 127 : i32
        %sub3A_1030 = vector.broadcast %sub3A_1029 : i32 to vector<16xi32>
        %sub3A_1031 = arith.subi %shift_right_arithmetic3A_1028, %sub3A_1030 : vector<16xi32>
        %and3A_1032 = arith.constant 8388607 : i32
        %and3A_1033 = vector.broadcast %and3A_1032 : i32 to vector<16xi32>
        %and3A_1034 = arith.andi %bitcast3A_1025, %and3A_1033 : vector<16xi32>
        %or3A_1035 = arith.constant 1065353216 : i32
        %or3A_1036 = vector.broadcast %or3A_1035 : i32 to vector<16xi32>
        %or3A_1037 = arith.ori %and3A_1034, %or3A_1036 : vector<16xi32>
        %bitcast3A_1038 = vector.bitcast %or3A_1037 : vector<16xi32> to vector<16xf32>
        %gt3A_1039 = arith.constant 1.41421354 : f32
        %gt3A_1040 = vector.broadcast %gt3A_1039 : f32 to vector<16xf32>
        %gt3A_1041 = arith.cmpf ogt, %bitcast3A_1038, %gt3A_1040 : vector<16xf32>
        %mul3A_1042 = arith.constant 5.000000e-01 : f32
        %mul3A_1043 = vector.broadcast %mul3A_1042 : f32 to vector<16xf32>
        %mul3A_1044 = arith.mulf %bitcast3A_1038, %mul3A_1043 : vector<16xf32>
        %select_n3A_1045 = arith.select %gt3A_1041, %mul3A_1044, %bitcast3A_1038 : vector<16xi1>, vector<16xf32>
        %add3A_1046 = arith.constant 1 : i32
        %add3A_1047 = vector.broadcast %add3A_1046 : i32 to vector<16xi32>
        %add3A_1048 = arith.addi %sub3A_1031, %add3A_1047 : vector<16xi32>
        %select_n3A_1049 = arith.select %gt3A_1041, %add3A_1048, %sub3A_1031 : vector<16xi1>, vector<16xi32>
        %convert_element_type3A_1050 = arith.sitofp %select_n3A_1049 : vector<16xi32> to vector<16xf32>
        %sub3A_1051 = arith.constant 1.000000e+00 : f32
        %sub3A_1052 = vector.broadcast %sub3A_1051 : f32 to vector<16xf32>
        %sub3A_1053 = arith.subf %select_n3A_1045, %sub3A_1052 : vector<16xf32>
        %add3A_1054 = arith.constant 1.000000e+00 : f32
        %add3A_1055 = vector.broadcast %add3A_1054 : f32 to vector<16xf32>
        %add3A_1056 = arith.addf %select_n3A_1045, %add3A_1055 : vector<16xf32>
        %div3A_1057 = arith.divf %sub3A_1053, %add3A_1056 : vector<16xf32>
        %mul3A_1058 = arith.mulf %div3A_1057, %div3A_1057 : vector<16xf32>
        %mul3A_1059 = arith.constant 0.285714298 : f32
        %mul3A_1060 = vector.broadcast %mul3A_1059 : f32 to vector<16xf32>
        %mul3A_1061 = arith.mulf %mul3A_1058, %mul3A_1060 : vector<16xf32>
        %add3A_1062 = arith.constant 4.000000e-01 : f32
        %add3A_1063 = vector.broadcast %add3A_1062 : f32 to vector<16xf32>
        %add3A_1064 = arith.addf %add3A_1063, %mul3A_1061 : vector<16xf32>
        %mul3A_1065 = arith.mulf %mul3A_1058, %add3A_1064 : vector<16xf32>
        %add3A_1066 = arith.constant 0.666666686 : f32
        %add3A_1067 = vector.broadcast %add3A_1066 : f32 to vector<16xf32>
        %add3A_1068 = arith.addf %add3A_1067, %mul3A_1065 : vector<16xf32>
        %mul3A_1069 = arith.mulf %mul3A_1058, %add3A_1068 : vector<16xf32>
        %add3A_1070 = arith.constant 2.000000e+00 : f32
        %add3A_1071 = vector.broadcast %add3A_1070 : f32 to vector<16xf32>
        %add3A_1072 = arith.addf %add3A_1071, %mul3A_1069 : vector<16xf32>
        %mul3A_1073 = arith.mulf %div3A_1057, %add3A_1072 : vector<16xf32>
        %mul3A_1074 = arith.constant 0.693147182 : f32
        %mul3A_1075 = vector.broadcast %mul3A_1074 : f32 to vector<16xf32>
        %mul3A_1076 = arith.mulf %convert_element_type3A_1050, %mul3A_1075 : vector<16xf32>
        %add3A_1077 = arith.addf %mul3A_1076, %mul3A_1073 : vector<16xf32>
        %mul3A_1078 = arith.mulf %mul3A_1024, %add3A_1077 : vector<16xf32>
        %sub3A_1079 = arith.subf %sub3A_992, %mul3A_1078 : vector<16xf32>
        scf.yield %sub3A_1079 : vector<16xf32>
      }
      %scan3A_604 = arith.constant 64 : i32
      %add3A_605 = arith.constant 4 : i32
      %add3A_606 = arith.addi %add3A_552, %add3A_605 : i32
      %lt3A_607 = arith.constant 48 : i32
      %lt3A_608 = arith.cmpi slt, %add3A_606, %lt3A_607 : i32
      %convert_element_type3A_609 = arith.extui %lt3A_608 : i1 to i32
      %cond3A_610 = arith.constant 0 : i32
      %cond3A_611 = arith.cmpi ne, %convert_element_type3A_609, %cond3A_610 : i32
      scf.if %cond3A_611 {
        %add3A_738 = arith.constant 4 : i32
        %add3A_739 = arith.addi %add3A_552, %add3A_738 : i32
        %mul3A_740 = arith.constant 32 : i32
        %mul3A_741 = arith.muli %add3A_739, %mul3A_740 : i32
        %add3A_742 = arith.constant 512 : i32
        %add3A_743 = arith.addi %add3A_742, %mul3A_741 : i32
        %add3A_744 = arith.addi %add3A_743, %add3A : i32
        %jit3A_745 = arith.constant 256 : i32
        %div3A_746 = arith.divsi %add3A_744, %jit3A_745 : i32
        %sign3A_747 = arith.constant 0 : i32
        %sign3A_748 = arith.cmpi sgt, %add3A_744, %sign3A_747 : i32
        %sign3A_749 = arith.extui %sign3A_748 : i1 to i32
        %sign3A_750 = arith.constant 0 : i32
        %sign3A_751 = arith.cmpi slt, %add3A_744, %sign3A_750 : i32
        %sign3A_752 = arith.extui %sign3A_751 : i1 to i32
        %sign3A_753 = arith.subi %sign3A_749, %sign3A_752 : i32
        %sign3A_754 = arith.constant 0 : i32
        %sign3A_755 = arith.cmpi sgt, %jit3A_745, %sign3A_754 : i32
        %sign3A_756 = arith.extui %sign3A_755 : i1 to i32
        %sign3A_757 = arith.constant 0 : i32
        %sign3A_758 = arith.cmpi slt, %jit3A_745, %sign3A_757 : i32
        %sign3A_759 = arith.extui %sign3A_758 : i1 to i32
        %sign3A_760 = arith.subi %sign3A_756, %sign3A_759 : i32
        %ne3A_761 = arith.cmpi ne, %sign3A_753, %sign3A_760 : i32
        %rem3A_762 = arith.remsi %add3A_744, %jit3A_745 : i32
        %ne3A_763 = arith.constant 0 : i32
        %ne3A_764 = arith.cmpi ne, %rem3A_762, %ne3A_763 : i32
        %and3A_765 = arith.andi %ne3A_761, %ne3A_764 : i1
        %sub3A_766 = arith.constant 1 : i32
        %sub3A_767 = arith.subi %div3A_746, %sub3A_766 : i32
        %select_n3A_768 = arith.select %and3A_765, %sub3A_767, %div3A_746 : i32
        %jit3A_769 = arith.constant 256 : i32
        %eq3A_770 = arith.constant 0 : i32
        %eq3A_771 = arith.cmpi eq, %jit3A_769, %eq3A_770 : i32
        %jit3A_772 = arith.constant 1 : i32
        %select_n3A_773 = arith.select %eq3A_771, %jit3A_772, %jit3A_769 : i32
        %rem3A_774 = arith.remsi %add3A_744, %select_n3A_773 : i32
        %ne3A_775 = arith.constant 0 : i32
        %ne3A_776 = arith.cmpi ne, %rem3A_774, %ne3A_775 : i32
        %lt3A_777 = arith.constant 0 : i32
        %lt3A_778 = arith.cmpi slt, %rem3A_774, %lt3A_777 : i32
        %lt3A_779 = arith.constant 0 : i32
        %lt3A_780 = arith.cmpi slt, %select_n3A_773, %lt3A_779 : i32
        %ne3A_781 = arith.xori %lt3A_778, %lt3A_780 : i1
        %and3A_782 = arith.andi %ne3A_781, %ne3A_776 : i1
        %add3A_783 = arith.addi %rem3A_774, %select_n3A_773 : i32
        %select_n3A_784 = arith.select %and3A_782, %add3A_783, %rem3A_774 : i32
        %jit3A_785 = arith.constant 4 : i32
        %div3A_786 = arith.divsi %select_n3A_784, %jit3A_785 : i32
        %sign3A_787 = arith.constant 0 : i32
        %sign3A_788 = arith.cmpi sgt, %select_n3A_784, %sign3A_787 : i32
        %sign3A_789 = arith.extui %sign3A_788 : i1 to i32
        %sign3A_790 = arith.constant 0 : i32
        %sign3A_791 = arith.cmpi slt, %select_n3A_784, %sign3A_790 : i32
        %sign3A_792 = arith.extui %sign3A_791 : i1 to i32
        %sign3A_793 = arith.subi %sign3A_789, %sign3A_792 : i32
        %sign3A_794 = arith.constant 0 : i32
        %sign3A_795 = arith.cmpi sgt, %jit3A_785, %sign3A_794 : i32
        %sign3A_796 = arith.extui %sign3A_795 : i1 to i32
        %sign3A_797 = arith.constant 0 : i32
        %sign3A_798 = arith.cmpi slt, %jit3A_785, %sign3A_797 : i32
        %sign3A_799 = arith.extui %sign3A_798 : i1 to i32
        %sign3A_800 = arith.subi %sign3A_796, %sign3A_799 : i32
        %ne3A_801 = arith.cmpi ne, %sign3A_793, %sign3A_800 : i32
        %rem3A_802 = arith.remsi %select_n3A_784, %jit3A_785 : i32
        %ne3A_803 = arith.constant 0 : i32
        %ne3A_804 = arith.cmpi ne, %rem3A_802, %ne3A_803 : i32
        %and3A_805 = arith.andi %ne3A_801, %ne3A_804 : i1
        %sub3A_806 = arith.constant 1 : i32
        %sub3A_807 = arith.subi %div3A_786, %sub3A_806 : i32
        %select_n3A_808 = arith.select %and3A_805, %sub3A_807, %div3A_786 : i32
        %mul3A_809 = arith.constant 8 : i32
        %mul3A_810 = arith.muli %select_n3A_808, %mul3A_809 : i32
        %jit3A_811 = arith.constant 4 : i32
        %eq3A_812 = arith.constant 0 : i32
        %eq3A_813 = arith.cmpi eq, %jit3A_811, %eq3A_812 : i32
        %jit3A_814 = arith.constant 1 : i32
        %select_n3A_815 = arith.select %eq3A_813, %jit3A_814, %jit3A_811 : i32
        %rem3A_816 = arith.remsi %select_n3A_784, %select_n3A_815 : i32
        %ne3A_817 = arith.constant 0 : i32
        %ne3A_818 = arith.cmpi ne, %rem3A_816, %ne3A_817 : i32
        %lt3A_819 = arith.constant 0 : i32
        %lt3A_820 = arith.cmpi slt, %rem3A_816, %lt3A_819 : i32
        %lt3A_821 = arith.constant 0 : i32
        %lt3A_822 = arith.cmpi slt, %select_n3A_815, %lt3A_821 : i32
        %ne3A_823 = arith.xori %lt3A_820, %lt3A_822 : i1
        %and3A_824 = arith.andi %ne3A_823, %ne3A_818 : i1
        %add3A_825 = arith.addi %rem3A_816, %select_n3A_815 : i32
        %select_n3A_826 = arith.select %and3A_824, %add3A_825, %rem3A_816 : i32
        %mul3A_827 = arith.constant 128 : i32
        %mul3A_828 = arith.muli %select_n3A_826, %mul3A_827 : i32
        %dma_start3A_829 = arith.constant 1 : i32
        %dma_start3A_830 = arith.constant 1 : i32
        %dma_start3A_831 = arith.constant 0 : i32
        %dma_start3A_832 = arith.constant 0 : i32
        %dma_start3A_833 = arith.constant 0 : i32
        %dma_start3A_834 = tpu.memref_slice %arg6[%dma_start3A_829, %dma_start3A_831, %dma_start3A_832, %dma_start3A_833] : memref<4x21x8x128xf32, #tpu.memory_space<vmem>> -> memref<1x21x8x128xf32, #tpu.memory_space<vmem>>
        %dma_start3A_835 = tpu.memref_squeeze %dma_start3A_834 : memref<1x21x8x128xf32, #tpu.memory_space<vmem>> -> memref<21x8x128xf32, #tpu.memory_space<vmem>>
        %dma_start3A_836 = arith.constant 0 : i32
        %dma_start3A_837 = tpu.memref_slice %arg2[%select_n3A_768, %dma_start3A_836, %mul3A_810, %mul3A_828] : memref<8x21x512x512xf32, #tpu.memory_space<hbm>> -> memref<1x21x8x128xf32, #tpu.memory_space<hbm>>
        %dma_start3A_838 = tpu.memref_squeeze %dma_start3A_837 : memref<1x21x8x128xf32, #tpu.memory_space<hbm>> -> memref<21x8x128xf32, #tpu.memory_space<hbm>>
        %dma_start3A_839 = tpu.memref_slice %arg10[%dma_start3A_830] : memref<4x!tpu.dma_semaphore, #tpu.memory_space<semaphore_mem>> -> memref<1x!tpu.dma_semaphore, #tpu.memory_space<semaphore_mem>>
        %dma_start3A_840 = tpu.memref_squeeze %dma_start3A_839 : memref<1x!tpu.dma_semaphore, #tpu.memory_space<semaphore_mem>> -> memref<!tpu.dma_semaphore, #tpu.memory_space<semaphore_mem>>
        %dma_start3A_841 = arith.constant 0 : i32
        %dma_start3A_842 = arith.constant 0 : i32
        %dma_start3A_843 = arith.constant 0 : i32
        %dma_start3A_844 = tpu.memref_slice %arg6[%dma_start3A_829, %dma_start3A_841, %dma_start3A_842, %dma_start3A_843] : memref<4x21x8x128xf32, #tpu.memory_space<vmem>> -> memref<1x21x8x128xf32, #tpu.memory_space<vmem>>
        %dma_start3A_845 = tpu.memref_squeeze %dma_start3A_844 : memref<1x21x8x128xf32, #tpu.memory_space<vmem>> -> memref<21x8x128xf32, #tpu.memory_space<vmem>>
        %dma_start3A_846 = arith.constant 0 : i32
        %dma_start3A_847 = tpu.memref_slice %arg2[%select_n3A_768, %dma_start3A_846, %mul3A_810, %mul3A_828] : memref<8x21x512x512xf32, #tpu.memory_space<hbm>> -> memref<1x21x8x128xf32, #tpu.memory_space<hbm>>
        %dma_start3A_848 = tpu.memref_squeeze %dma_start3A_847 : memref<1x21x8x128xf32, #tpu.memory_space<hbm>> -> memref<21x8x128xf32, #tpu.memory_space<hbm>>
        tpu.enqueue_dma source(%dma_start3A_848 : memref<21x8x128xf32, #tpu.memory_space<hbm>>) target(%dma_start3A_845 : memref<21x8x128xf32, #tpu.memory_space<vmem>>) target_semaphore(%dma_start3A_840 : memref<!tpu.dma_semaphore, #tpu.memory_space<semaphore_mem>>)
        %dma_start3A_849 = arith.constant 1 : i32
        %dma_start3A_850 = arith.constant 1 : i32
        %dma_start3A_851 = arith.constant 0 : i32
        %dma_start3A_852 = arith.constant 0 : i32
        %dma_start3A_853 = tpu.memref_slice %arg7[%dma_start3A_849, %dma_start3A_851, %dma_start3A_852] : memref<4x8x128xi32, #tpu.memory_space<vmem>> -> memref<1x8x128xi32, #tpu.memory_space<vmem>>
        %dma_start3A_854 = tpu.memref_squeeze %dma_start3A_853 : memref<1x8x128xi32, #tpu.memory_space<vmem>> -> memref<8x128xi32, #tpu.memory_space<vmem>>
        %dma_start3A_855 = tpu.memref_slice %arg3[%select_n3A_768, %mul3A_810, %mul3A_828] : memref<8x512x512xi32, #tpu.memory_space<hbm>> -> memref<1x8x128xi32, #tpu.memory_space<hbm>>
        %dma_start3A_856 = tpu.memref_squeeze %dma_start3A_855 : memref<1x8x128xi32, #tpu.memory_space<hbm>> -> memref<8x128xi32, #tpu.memory_space<hbm>>
        %dma_start3A_857 = tpu.memref_slice %arg11[%dma_start3A_850] : memref<4x!tpu.dma_semaphore, #tpu.memory_space<semaphore_mem>> -> memref<1x!tpu.dma_semaphore, #tpu.memory_space<semaphore_mem>>
        %dma_start3A_858 = tpu.memref_squeeze %dma_start3A_857 : memref<1x!tpu.dma_semaphore, #tpu.memory_space<semaphore_mem>> -> memref<!tpu.dma_semaphore, #tpu.memory_space<semaphore_mem>>
        %dma_start3A_859 = arith.constant 0 : i32
        %dma_start3A_860 = arith.constant 0 : i32
        %dma_start3A_861 = tpu.memref_slice %arg7[%dma_start3A_849, %dma_start3A_859, %dma_start3A_860] : memref<4x8x128xi32, #tpu.memory_space<vmem>> -> memref<1x8x128xi32, #tpu.memory_space<vmem>>
        %dma_start3A_862 = tpu.memref_squeeze %dma_start3A_861 : memref<1x8x128xi32, #tpu.memory_space<vmem>> -> memref<8x128xi32, #tpu.memory_space<vmem>>
        %dma_start3A_863 = tpu.memref_slice %arg3[%select_n3A_768, %mul3A_810, %mul3A_828] : memref<8x512x512xi32, #tpu.memory_space<hbm>> -> memref<1x8x128xi32, #tpu.memory_space<hbm>>
        %dma_start3A_864 = tpu.memref_squeeze %dma_start3A_863 : memref<1x8x128xi32, #tpu.memory_space<hbm>> -> memref<8x128xi32, #tpu.memory_space<hbm>>
        tpu.enqueue_dma source(%dma_start3A_864 : memref<8x128xi32, #tpu.memory_space<hbm>>) target(%dma_start3A_862 : memref<8x128xi32, #tpu.memory_space<vmem>>) target_semaphore(%dma_start3A_858 : memref<!tpu.dma_semaphore, #tpu.memory_space<semaphore_mem>>)
      } else {
      }
      %mul3A_612 = arith.constant 4 : i32
      %mul3A_613 = arith.muli %scan3A_487, %mul3A_612 : i32
      %add3A_614 = arith.constant 2 : i32
      %add3A_615 = arith.addi %mul3A_613, %add3A_614 : i32
      %dma_wait3A_616 = arith.constant 0 : i32
      %dma_wait3A_617 = arith.constant 2 : i32
      %dma_wait3A_618 = arith.constant 2 : i32
      %dma_wait3A_619 = arith.constant 0 : i32
      %dma_wait3A_620 = arith.constant 0 : i32
      %dma_wait3A_621 = arith.constant 0 : i32
      %dma_wait3A_622 = tpu.memref_slice %arg6[%dma_wait3A_617, %dma_wait3A_619, %dma_wait3A_620, %dma_wait3A_621] : memref<4x21x8x128xf32, #tpu.memory_space<vmem>> -> memref<1x21x8x128xf32, #tpu.memory_space<vmem>>
      %dma_wait3A_623 = tpu.memref_squeeze %dma_wait3A_622 : memref<1x21x8x128xf32, #tpu.memory_space<vmem>> -> memref<21x8x128xf32, #tpu.memory_space<vmem>>
      %dma_wait3A_624 = arith.constant 0 : i32
      %dma_wait3A_625 = arith.constant 0 : i32
      %dma_wait3A_626 = arith.constant 0 : i32
      %dma_wait3A_627 = tpu.memref_slice %arg2[%dma_wait3A_616, %dma_wait3A_624, %dma_wait3A_625, %dma_wait3A_626] : memref<8x21x512x512xf32, #tpu.memory_space<hbm>> -> memref<1x21x8x128xf32, #tpu.memory_space<hbm>>
      %dma_wait3A_628 = tpu.memref_squeeze %dma_wait3A_627 : memref<1x21x8x128xf32, #tpu.memory_space<hbm>> -> memref<21x8x128xf32, #tpu.memory_space<hbm>>
      %dma_wait3A_629 = tpu.memref_slice %arg10[%dma_wait3A_618] : memref<4x!tpu.dma_semaphore, #tpu.memory_space<semaphore_mem>> -> memref<1x!tpu.dma_semaphore, #tpu.memory_space<semaphore_mem>>
      %dma_wait3A_630 = tpu.memref_squeeze %dma_wait3A_629 : memref<1x!tpu.dma_semaphore, #tpu.memory_space<semaphore_mem>> -> memref<!tpu.dma_semaphore, #tpu.memory_space<semaphore_mem>>
      %dma_wait3A_631 = arith.constant 0 : i32
      %dma_wait3A_632 = arith.constant 0 : i32
      %dma_wait3A_633 = arith.constant 0 : i32
      %dma_wait3A_634 = tpu.memref_slice %arg6[%dma_wait3A_617, %dma_wait3A_631, %dma_wait3A_632, %dma_wait3A_633] : memref<4x21x8x128xf32, #tpu.memory_space<vmem>> -> memref<1x21x8x128xf32, #tpu.memory_space<vmem>>
      %dma_wait3A_635 = tpu.memref_squeeze %dma_wait3A_634 : memref<1x21x8x128xf32, #tpu.memory_space<vmem>> -> memref<21x8x128xf32, #tpu.memory_space<vmem>>
      %dma_wait3A_636 = arith.constant 0 : i32
      %dma_wait3A_637 = arith.constant 0 : i32
      %dma_wait3A_638 = arith.constant 0 : i32
      %dma_wait3A_639 = tpu.memref_slice %arg2[%dma_wait3A_616, %dma_wait3A_636, %dma_wait3A_637, %dma_wait3A_638] : memref<8x21x512x512xf32, #tpu.memory_space<hbm>> -> memref<1x21x8x128xf32, #tpu.memory_space<hbm>>
      %dma_wait3A_640 = tpu.memref_squeeze %dma_wait3A_639 : memref<1x21x8x128xf32, #tpu.memory_space<hbm>> -> memref<21x8x128xf32, #tpu.memory_space<hbm>>
      tpu.wait_dma2 semaphore(%dma_wait3A_630 : memref<!tpu.dma_semaphore, #tpu.memory_space<semaphore_mem>>) src(%dma_wait3A_640 : memref<21x8x128xf32, #tpu.memory_space<hbm>>) dst(%dma_wait3A_635 : memref<21x8x128xf32, #tpu.memory_space<vmem>>)
      %dma_wait3A_641 = arith.constant 0 : i32
      %dma_wait3A_642 = arith.constant 2 : i32
      %dma_wait3A_643 = arith.constant 2 : i32
      %dma_wait3A_644 = arith.constant 0 : i32
      %dma_wait3A_645 = arith.constant 0 : i32
      %dma_wait3A_646 = tpu.memref_slice %arg7[%dma_wait3A_642, %dma_wait3A_644, %dma_wait3A_645] : memref<4x8x128xi32, #tpu.memory_space<vmem>> -> memref<1x8x128xi32, #tpu.memory_space<vmem>>
      %dma_wait3A_647 = tpu.memref_squeeze %dma_wait3A_646 : memref<1x8x128xi32, #tpu.memory_space<vmem>> -> memref<8x128xi32, #tpu.memory_space<vmem>>
      %dma_wait3A_648 = arith.constant 0 : i32
      %dma_wait3A_649 = arith.constant 0 : i32
      %dma_wait3A_650 = tpu.memref_slice %arg3[%dma_wait3A_641, %dma_wait3A_648, %dma_wait3A_649] : memref<8x512x512xi32, #tpu.memory_space<hbm>> -> memref<1x8x128xi32, #tpu.memory_space<hbm>>
      %dma_wait3A_651 = tpu.memref_squeeze %dma_wait3A_650 : memref<1x8x128xi32, #tpu.memory_space<hbm>> -> memref<8x128xi32, #tpu.memory_space<hbm>>
      %dma_wait3A_652 = tpu.memref_slice %arg11[%dma_wait3A_643] : memref<4x!tpu.dma_semaphore, #tpu.memory_space<semaphore_mem>> -> memref<1x!tpu.dma_semaphore, #tpu.memory_space<semaphore_mem>>
      %dma_wait3A_653 = tpu.memref_squeeze %dma_wait3A_652 : memref<1x!tpu.dma_semaphore, #tpu.memory_space<semaphore_mem>> -> memref<!tpu.dma_semaphore, #tpu.memory_space<semaphore_mem>>
      %dma_wait3A_654 = arith.constant 0 : i32
      %dma_wait3A_655 = arith.constant 0 : i32
      %dma_wait3A_656 = tpu.memref_slice %arg7[%dma_wait3A_642, %dma_wait3A_654, %dma_wait3A_655] : memref<4x8x128xi32, #tpu.memory_space<vmem>> -> memref<1x8x128xi32, #tpu.memory_space<vmem>>
      %dma_wait3A_657 = tpu.memref_squeeze %dma_wait3A_656 : memref<1x8x128xi32, #tpu.memory_space<vmem>> -> memref<8x128xi32, #tpu.memory_space<vmem>>
      %dma_wait3A_658 = arith.constant 0 : i32
      %dma_wait3A_659 = arith.constant 0 : i32
      %dma_wait3A_660 = tpu.memref_slice %arg3[%dma_wait3A_641, %dma_wait3A_658, %dma_wait3A_659] : memref<8x512x512xi32, #tpu.memory_space<hbm>> -> memref<1x8x128xi32, #tpu.memory_space<hbm>>
      %dma_wait3A_661 = tpu.memref_squeeze %dma_wait3A_660 : memref<1x8x128xi32, #tpu.memory_space<hbm>> -> memref<8x128xi32, #tpu.memory_space<hbm>>
      tpu.wait_dma2 semaphore(%dma_wait3A_653 : memref<!tpu.dma_semaphore, #tpu.memory_space<semaphore_mem>>) src(%dma_wait3A_661 : memref<8x128xi32, #tpu.memory_space<hbm>>) dst(%dma_wait3A_657 : memref<8x128xi32, #tpu.memory_space<vmem>>)
      %scan3A_662 = arith.constant 0 : i32
      %scan3A_663 = arith.constant 64 : i32
      %scan3A_664 = arith.addi %scan3A_662, %scan3A_663 : i32
      %scan3A_665 = arith.constant 4 : i32
      %scan3A_666 = scf.for %scan3A_738 = %scan3A_662 to %scan3A_664 step %scan3A_665 iter_args(%scan3A_739 = %scan3A_603) -> (vector<16xf32>)  : i32 {
        %shift_right_arithmetic3A = arith.constant 3 : i32
        %shift_right_arithmetic3A_740 = arith.shrsi %scan3A_738, %shift_right_arithmetic3A : i32
        %and3A_741 = arith.constant 7 : i32
        %and3A_742 = arith.andi %scan3A_738, %and3A_741 : i32
        %mul3A_743 = arith.constant 16 : i32
        %mul3A_744 = arith.muli %and3A_742, %mul3A_743 : i32
        %get3A = arith.constant 2 : i32
        %get3A_745 = arith.index_cast %get3A : i32 to index
        %get3A_746 = arith.index_cast %shift_right_arithmetic3A_740 : i32 to index
        %get3A_747 = arith.index_cast %mul3A_744 : i32 to index
        %get3A_748 = tpu.vector_load %arg7[%get3A_745, %get3A_746, %get3A_747] {strides = array<i32>} : memref<4x8x128xi32, #tpu.memory_space<vmem>>, vector<16xi32>,
        %broadcast_in_dim3A_749 = vector.broadcast %shift_right_arithmetic3A_740 : i32 to vector<16xi32>
        %add3A_750 = vector.broadcast %mul3A_744 : i32 to vector<16xi32>
        %add3A_751 = arith.addi %add3A_750, %iota3A : vector<16xi32>
        %gather3A = arith.constant 2 : i32
        %gather3A_752 = arith.constant 0 : i32
        %gather3A_753 = arith.constant 0 : i32
        %gather3A_754 = arith.constant 0 : i32
        %gather3A_755 = tpu.memref_slice %arg6[%gather3A, %gather3A_752, %gather3A_753, %gather3A_754] : memref<4x21x8x128xf32, #tpu.memory_space<vmem>> -> memref<1x21x8x128xf32, #tpu.memory_space<vmem>>
        %gather3A_756 = tpu.memref_squeeze %gather3A_755 : memref<1x21x8x128xf32, #tpu.memory_space<vmem>> -> memref<21x8x128xf32, #tpu.memory_space<vmem>>
        %gather3A_757 = tpu.vector_load_idx %gather3A_756[%get3A_748, %broadcast_in_dim3A_749, %add3A_751] : memref<21x8x128xf32, #tpu.memory_space<vmem>>[vector<16xi32>, vector<16xi32>, vector<16xi32>], vector<16xf32>,
        %add3A_758 = arith.constant 1.000000e-10 : f32
        %add3A_759 = vector.broadcast %add3A_758 : f32 to vector<16xf32>
        %add3A_760 = arith.addf %gather3A_757, %add3A_759 : vector<16xf32>
        %gather3A_761 = tpu.vector_load_idx %arg8[%get3A_748] : memref<21xf32, #tpu.memory_space<vmem>>[vector<16xi32>], vector<16xf32>,
        %sub3A_762 = arith.constant 1.000000e+00 : f32
        %sub3A_763 = vector.broadcast %sub3A_762 : f32 to vector<16xf32>
        %sub3A_764 = arith.subf %sub3A_763, %add3A_760 : vector<16xf32>
        %mul3A_765 = arith.mulf %gather3A_761, %sub3A_764 : vector<16xf32>
        %mul3A_766 = arith.mulf %mul3A_765, %sub3A_764 : vector<16xf32>
        %bitcast3A = vector.bitcast %add3A_760 : vector<16xf32> to vector<16xi32>
        %shift_right_arithmetic3A_767 = arith.constant 23 : i32
        %shift_right_arithmetic3A_768 = vector.broadcast %shift_right_arithmetic3A_767 : i32 to vector<16xi32>
        %shift_right_arithmetic3A_769 = arith.shrsi %bitcast3A, %shift_right_arithmetic3A_768 : vector<16xi32>
        %sub3A_770 = arith.constant 127 : i32
        %sub3A_771 = vector.broadcast %sub3A_770 : i32 to vector<16xi32>
        %sub3A_772 = arith.subi %shift_right_arithmetic3A_769, %sub3A_771 : vector<16xi32>
        %and3A_773 = arith.constant 8388607 : i32
        %and3A_774 = vector.broadcast %and3A_773 : i32 to vector<16xi32>
        %and3A_775 = arith.andi %bitcast3A, %and3A_774 : vector<16xi32>
        %or3A = arith.constant 1065353216 : i32
        %or3A_776 = vector.broadcast %or3A : i32 to vector<16xi32>
        %or3A_777 = arith.ori %and3A_775, %or3A_776 : vector<16xi32>
        %bitcast3A_778 = vector.bitcast %or3A_777 : vector<16xi32> to vector<16xf32>
        %gt3A = arith.constant 1.41421354 : f32
        %gt3A_779 = vector.broadcast %gt3A : f32 to vector<16xf32>
        %gt3A_780 = arith.cmpf ogt, %bitcast3A_778, %gt3A_779 : vector<16xf32>
        %mul3A_781 = arith.constant 5.000000e-01 : f32
        %mul3A_782 = vector.broadcast %mul3A_781 : f32 to vector<16xf32>
        %mul3A_783 = arith.mulf %bitcast3A_778, %mul3A_782 : vector<16xf32>
        %select_n3A_784 = arith.select %gt3A_780, %mul3A_783, %bitcast3A_778 : vector<16xi1>, vector<16xf32>
        %add3A_785 = arith.constant 1 : i32
        %add3A_786 = vector.broadcast %add3A_785 : i32 to vector<16xi32>
        %add3A_787 = arith.addi %sub3A_772, %add3A_786 : vector<16xi32>
        %select_n3A_788 = arith.select %gt3A_780, %add3A_787, %sub3A_772 : vector<16xi1>, vector<16xi32>
        %convert_element_type3A_789 = arith.sitofp %select_n3A_788 : vector<16xi32> to vector<16xf32>
        %sub3A_790 = arith.constant 1.000000e+00 : f32
        %sub3A_791 = vector.broadcast %sub3A_790 : f32 to vector<16xf32>
        %sub3A_792 = arith.subf %select_n3A_784, %sub3A_791 : vector<16xf32>
        %add3A_793 = arith.constant 1.000000e+00 : f32
        %add3A_794 = vector.broadcast %add3A_793 : f32 to vector<16xf32>
        %add3A_795 = arith.addf %select_n3A_784, %add3A_794 : vector<16xf32>
        %div3A_796 = arith.divf %sub3A_792, %add3A_795 : vector<16xf32>
        %mul3A_797 = arith.mulf %div3A_796, %div3A_796 : vector<16xf32>
        %mul3A_798 = arith.constant 0.285714298 : f32
        %mul3A_799 = vector.broadcast %mul3A_798 : f32 to vector<16xf32>
        %mul3A_800 = arith.mulf %mul3A_797, %mul3A_799 : vector<16xf32>
        %add3A_801 = arith.constant 4.000000e-01 : f32
        %add3A_802 = vector.broadcast %add3A_801 : f32 to vector<16xf32>
        %add3A_803 = arith.addf %add3A_802, %mul3A_800 : vector<16xf32>
        %mul3A_804 = arith.mulf %mul3A_797, %add3A_803 : vector<16xf32>
        %add3A_805 = arith.constant 0.666666686 : f32
        %add3A_806 = vector.broadcast %add3A_805 : f32 to vector<16xf32>
        %add3A_807 = arith.addf %add3A_806, %mul3A_804 : vector<16xf32>
        %mul3A_808 = arith.mulf %mul3A_797, %add3A_807 : vector<16xf32>
        %add3A_809 = arith.constant 2.000000e+00 : f32
        %add3A_810 = vector.broadcast %add3A_809 : f32 to vector<16xf32>
        %add3A_811 = arith.addf %add3A_810, %mul3A_808 : vector<16xf32>
        %mul3A_812 = arith.mulf %div3A_796, %add3A_811 : vector<16xf32>
        %mul3A_813 = arith.constant 0.693147182 : f32
        %mul3A_814 = vector.broadcast %mul3A_813 : f32 to vector<16xf32>
        %mul3A_815 = arith.mulf %convert_element_type3A_789, %mul3A_814 : vector<16xf32>
        %add3A_816 = arith.addf %mul3A_815, %mul3A_812 : vector<16xf32>
        %mul3A_817 = arith.mulf %mul3A_766, %add3A_816 : vector<16xf32>
        %sub3A_818 = arith.subf %scan3A_739, %mul3A_817 : vector<16xf32>
        %scan3A_819 = arith.constant 1 : i32
        %scan3A_820 = arith.addi %scan3A_738, %scan3A_819 : i32
        %shift_right_arithmetic3A_821 = arith.constant 3 : i32
        %shift_right_arithmetic3A_822 = arith.shrsi %scan3A_820, %shift_right_arithmetic3A_821 : i32
        %and3A_823 = arith.constant 7 : i32
        %and3A_824 = arith.andi %scan3A_820, %and3A_823 : i32
        %mul3A_825 = arith.constant 16 : i32
        %mul3A_826 = arith.muli %and3A_824, %mul3A_825 : i32
        %get3A_827 = arith.constant 2 : i32
        %get3A_828 = arith.index_cast %get3A_827 : i32 to index
        %get3A_829 = arith.index_cast %shift_right_arithmetic3A_822 : i32 to index
        %get3A_830 = arith.index_cast %mul3A_826 : i32 to index
        %get3A_831 = tpu.vector_load %arg7[%get3A_828, %get3A_829, %get3A_830] {strides = array<i32>} : memref<4x8x128xi32, #tpu.memory_space<vmem>>, vector<16xi32>,
        %broadcast_in_dim3A_832 = vector.broadcast %shift_right_arithmetic3A_822 : i32 to vector<16xi32>
        %add3A_833 = vector.broadcast %mul3A_826 : i32 to vector<16xi32>
        %add3A_834 = arith.addi %add3A_833, %iota3A : vector<16xi32>
        %gather3A_835 = arith.constant 2 : i32
        %gather3A_836 = arith.constant 0 : i32
        %gather3A_837 = arith.constant 0 : i32
        %gather3A_838 = arith.constant 0 : i32
        %gather3A_839 = tpu.memref_slice %arg6[%gather3A_835, %gather3A_836, %gather3A_837, %gather3A_838] : memref<4x21x8x128xf32, #tpu.memory_space<vmem>> -> memref<1x21x8x128xf32, #tpu.memory_space<vmem>>
        %gather3A_840 = tpu.memref_squeeze %gather3A_839 : memref<1x21x8x128xf32, #tpu.memory_space<vmem>> -> memref<21x8x128xf32, #tpu.memory_space<vmem>>
        %gather3A_841 = tpu.vector_load_idx %gather3A_840[%get3A_831, %broadcast_in_dim3A_832, %add3A_834] : memref<21x8x128xf32, #tpu.memory_space<vmem>>[vector<16xi32>, vector<16xi32>, vector<16xi32>], vector<16xf32>,
        %add3A_842 = arith.constant 1.000000e-10 : f32
        %add3A_843 = vector.broadcast %add3A_842 : f32 to vector<16xf32>
        %add3A_844 = arith.addf %gather3A_841, %add3A_843 : vector<16xf32>
        %gather3A_845 = tpu.vector_load_idx %arg8[%get3A_831] : memref<21xf32, #tpu.memory_space<vmem>>[vector<16xi32>], vector<16xf32>,
        %sub3A_846 = arith.constant 1.000000e+00 : f32
        %sub3A_847 = vector.broadcast %sub3A_846 : f32 to vector<16xf32>
        %sub3A_848 = arith.subf %sub3A_847, %add3A_844 : vector<16xf32>
        %mul3A_849 = arith.mulf %gather3A_845, %sub3A_848 : vector<16xf32>
        %mul3A_850 = arith.mulf %mul3A_849, %sub3A_848 : vector<16xf32>
        %bitcast3A_851 = vector.bitcast %add3A_844 : vector<16xf32> to vector<16xi32>
        %shift_right_arithmetic3A_852 = arith.constant 23 : i32
        %shift_right_arithmetic3A_853 = vector.broadcast %shift_right_arithmetic3A_852 : i32 to vector<16xi32>
        %shift_right_arithmetic3A_854 = arith.shrsi %bitcast3A_851, %shift_right_arithmetic3A_853 : vector<16xi32>
        %sub3A_855 = arith.constant 127 : i32
        %sub3A_856 = vector.broadcast %sub3A_855 : i32 to vector<16xi32>
        %sub3A_857 = arith.subi %shift_right_arithmetic3A_854, %sub3A_856 : vector<16xi32>
        %and3A_858 = arith.constant 8388607 : i32
        %and3A_859 = vector.broadcast %and3A_858 : i32 to vector<16xi32>
        %and3A_860 = arith.andi %bitcast3A_851, %and3A_859 : vector<16xi32>
        %or3A_861 = arith.constant 1065353216 : i32
        %or3A_862 = vector.broadcast %or3A_861 : i32 to vector<16xi32>
        %or3A_863 = arith.ori %and3A_860, %or3A_862 : vector<16xi32>
        %bitcast3A_864 = vector.bitcast %or3A_863 : vector<16xi32> to vector<16xf32>
        %gt3A_865 = arith.constant 1.41421354 : f32
        %gt3A_866 = vector.broadcast %gt3A_865 : f32 to vector<16xf32>
        %gt3A_867 = arith.cmpf ogt, %bitcast3A_864, %gt3A_866 : vector<16xf32>
        %mul3A_868 = arith.constant 5.000000e-01 : f32
        %mul3A_869 = vector.broadcast %mul3A_868 : f32 to vector<16xf32>
        %mul3A_870 = arith.mulf %bitcast3A_864, %mul3A_869 : vector<16xf32>
        %select_n3A_871 = arith.select %gt3A_867, %mul3A_870, %bitcast3A_864 : vector<16xi1>, vector<16xf32>
        %add3A_872 = arith.constant 1 : i32
        %add3A_873 = vector.broadcast %add3A_872 : i32 to vector<16xi32>
        %add3A_874 = arith.addi %sub3A_857, %add3A_873 : vector<16xi32>
        %select_n3A_875 = arith.select %gt3A_867, %add3A_874, %sub3A_857 : vector<16xi1>, vector<16xi32>
        %convert_element_type3A_876 = arith.sitofp %select_n3A_875 : vector<16xi32> to vector<16xf32>
        %sub3A_877 = arith.constant 1.000000e+00 : f32
        %sub3A_878 = vector.broadcast %sub3A_877 : f32 to vector<16xf32>
        %sub3A_879 = arith.subf %select_n3A_871, %sub3A_878 : vector<16xf32>
        %add3A_880 = arith.constant 1.000000e+00 : f32
        %add3A_881 = vector.broadcast %add3A_880 : f32 to vector<16xf32>
        %add3A_882 = arith.addf %select_n3A_871, %add3A_881 : vector<16xf32>
        %div3A_883 = arith.divf %sub3A_879, %add3A_882 : vector<16xf32>
        %mul3A_884 = arith.mulf %div3A_883, %div3A_883 : vector<16xf32>
        %mul3A_885 = arith.constant 0.285714298 : f32
        %mul3A_886 = vector.broadcast %mul3A_885 : f32 to vector<16xf32>
        %mul3A_887 = arith.mulf %mul3A_884, %mul3A_886 : vector<16xf32>
        %add3A_888 = arith.constant 4.000000e-01 : f32
        %add3A_889 = vector.broadcast %add3A_888 : f32 to vector<16xf32>
        %add3A_890 = arith.addf %add3A_889, %mul3A_887 : vector<16xf32>
        %mul3A_891 = arith.mulf %mul3A_884, %add3A_890 : vector<16xf32>
        %add3A_892 = arith.constant 0.666666686 : f32
        %add3A_893 = vector.broadcast %add3A_892 : f32 to vector<16xf32>
        %add3A_894 = arith.addf %add3A_893, %mul3A_891 : vector<16xf32>
        %mul3A_895 = arith.mulf %mul3A_884, %add3A_894 : vector<16xf32>
        %add3A_896 = arith.constant 2.000000e+00 : f32
        %add3A_897 = vector.broadcast %add3A_896 : f32 to vector<16xf32>
        %add3A_898 = arith.addf %add3A_897, %mul3A_895 : vector<16xf32>
        %mul3A_899 = arith.mulf %div3A_883, %add3A_898 : vector<16xf32>
        %mul3A_900 = arith.constant 0.693147182 : f32
        %mul3A_901 = vector.broadcast %mul3A_900 : f32 to vector<16xf32>
        %mul3A_902 = arith.mulf %convert_element_type3A_876, %mul3A_901 : vector<16xf32>
        %add3A_903 = arith.addf %mul3A_902, %mul3A_899 : vector<16xf32>
        %mul3A_904 = arith.mulf %mul3A_850, %add3A_903 : vector<16xf32>
        %sub3A_905 = arith.subf %sub3A_818, %mul3A_904 : vector<16xf32>
        %scan3A_906 = arith.constant 2 : i32
        %scan3A_907 = arith.addi %scan3A_738, %scan3A_906 : i32
        %shift_right_arithmetic3A_908 = arith.constant 3 : i32
        %shift_right_arithmetic3A_909 = arith.shrsi %scan3A_907, %shift_right_arithmetic3A_908 : i32
        %and3A_910 = arith.constant 7 : i32
        %and3A_911 = arith.andi %scan3A_907, %and3A_910 : i32
        %mul3A_912 = arith.constant 16 : i32
        %mul3A_913 = arith.muli %and3A_911, %mul3A_912 : i32
        %get3A_914 = arith.constant 2 : i32
        %get3A_915 = arith.index_cast %get3A_914 : i32 to index
        %get3A_916 = arith.index_cast %shift_right_arithmetic3A_909 : i32 to index
        %get3A_917 = arith.index_cast %mul3A_913 : i32 to index
        %get3A_918 = tpu.vector_load %arg7[%get3A_915, %get3A_916, %get3A_917] {strides = array<i32>} : memref<4x8x128xi32, #tpu.memory_space<vmem>>, vector<16xi32>,
        %broadcast_in_dim3A_919 = vector.broadcast %shift_right_arithmetic3A_909 : i32 to vector<16xi32>
        %add3A_920 = vector.broadcast %mul3A_913 : i32 to vector<16xi32>
        %add3A_921 = arith.addi %add3A_920, %iota3A : vector<16xi32>
        %gather3A_922 = arith.constant 2 : i32
        %gather3A_923 = arith.constant 0 : i32
        %gather3A_924 = arith.constant 0 : i32
        %gather3A_925 = arith.constant 0 : i32
        %gather3A_926 = tpu.memref_slice %arg6[%gather3A_922, %gather3A_923, %gather3A_924, %gather3A_925] : memref<4x21x8x128xf32, #tpu.memory_space<vmem>> -> memref<1x21x8x128xf32, #tpu.memory_space<vmem>>
        %gather3A_927 = tpu.memref_squeeze %gather3A_926 : memref<1x21x8x128xf32, #tpu.memory_space<vmem>> -> memref<21x8x128xf32, #tpu.memory_space<vmem>>
        %gather3A_928 = tpu.vector_load_idx %gather3A_927[%get3A_918, %broadcast_in_dim3A_919, %add3A_921] : memref<21x8x128xf32, #tpu.memory_space<vmem>>[vector<16xi32>, vector<16xi32>, vector<16xi32>], vector<16xf32>,
        %add3A_929 = arith.constant 1.000000e-10 : f32
        %add3A_930 = vector.broadcast %add3A_929 : f32 to vector<16xf32>
        %add3A_931 = arith.addf %gather3A_928, %add3A_930 : vector<16xf32>
        %gather3A_932 = tpu.vector_load_idx %arg8[%get3A_918] : memref<21xf32, #tpu.memory_space<vmem>>[vector<16xi32>], vector<16xf32>,
        %sub3A_933 = arith.constant 1.000000e+00 : f32
        %sub3A_934 = vector.broadcast %sub3A_933 : f32 to vector<16xf32>
        %sub3A_935 = arith.subf %sub3A_934, %add3A_931 : vector<16xf32>
        %mul3A_936 = arith.mulf %gather3A_932, %sub3A_935 : vector<16xf32>
        %mul3A_937 = arith.mulf %mul3A_936, %sub3A_935 : vector<16xf32>
        %bitcast3A_938 = vector.bitcast %add3A_931 : vector<16xf32> to vector<16xi32>
        %shift_right_arithmetic3A_939 = arith.constant 23 : i32
        %shift_right_arithmetic3A_940 = vector.broadcast %shift_right_arithmetic3A_939 : i32 to vector<16xi32>
        %shift_right_arithmetic3A_941 = arith.shrsi %bitcast3A_938, %shift_right_arithmetic3A_940 : vector<16xi32>
        %sub3A_942 = arith.constant 127 : i32
        %sub3A_943 = vector.broadcast %sub3A_942 : i32 to vector<16xi32>
        %sub3A_944 = arith.subi %shift_right_arithmetic3A_941, %sub3A_943 : vector<16xi32>
        %and3A_945 = arith.constant 8388607 : i32
        %and3A_946 = vector.broadcast %and3A_945 : i32 to vector<16xi32>
        %and3A_947 = arith.andi %bitcast3A_938, %and3A_946 : vector<16xi32>
        %or3A_948 = arith.constant 1065353216 : i32
        %or3A_949 = vector.broadcast %or3A_948 : i32 to vector<16xi32>
        %or3A_950 = arith.ori %and3A_947, %or3A_949 : vector<16xi32>
        %bitcast3A_951 = vector.bitcast %or3A_950 : vector<16xi32> to vector<16xf32>
        %gt3A_952 = arith.constant 1.41421354 : f32
        %gt3A_953 = vector.broadcast %gt3A_952 : f32 to vector<16xf32>
        %gt3A_954 = arith.cmpf ogt, %bitcast3A_951, %gt3A_953 : vector<16xf32>
        %mul3A_955 = arith.constant 5.000000e-01 : f32
        %mul3A_956 = vector.broadcast %mul3A_955 : f32 to vector<16xf32>
        %mul3A_957 = arith.mulf %bitcast3A_951, %mul3A_956 : vector<16xf32>
        %select_n3A_958 = arith.select %gt3A_954, %mul3A_957, %bitcast3A_951 : vector<16xi1>, vector<16xf32>
        %add3A_959 = arith.constant 1 : i32
        %add3A_960 = vector.broadcast %add3A_959 : i32 to vector<16xi32>
        %add3A_961 = arith.addi %sub3A_944, %add3A_960 : vector<16xi32>
        %select_n3A_962 = arith.select %gt3A_954, %add3A_961, %sub3A_944 : vector<16xi1>, vector<16xi32>
        %convert_element_type3A_963 = arith.sitofp %select_n3A_962 : vector<16xi32> to vector<16xf32>
        %sub3A_964 = arith.constant 1.000000e+00 : f32
        %sub3A_965 = vector.broadcast %sub3A_964 : f32 to vector<16xf32>
        %sub3A_966 = arith.subf %select_n3A_958, %sub3A_965 : vector<16xf32>
        %add3A_967 = arith.constant 1.000000e+00 : f32
        %add3A_968 = vector.broadcast %add3A_967 : f32 to vector<16xf32>
        %add3A_969 = arith.addf %select_n3A_958, %add3A_968 : vector<16xf32>
        %div3A_970 = arith.divf %sub3A_966, %add3A_969 : vector<16xf32>
        %mul3A_971 = arith.mulf %div3A_970, %div3A_970 : vector<16xf32>
        %mul3A_972 = arith.constant 0.285714298 : f32
        %mul3A_973 = vector.broadcast %mul3A_972 : f32 to vector<16xf32>
        %mul3A_974 = arith.mulf %mul3A_971, %mul3A_973 : vector<16xf32>
        %add3A_975 = arith.constant 4.000000e-01 : f32
        %add3A_976 = vector.broadcast %add3A_975 : f32 to vector<16xf32>
        %add3A_977 = arith.addf %add3A_976, %mul3A_974 : vector<16xf32>
        %mul3A_978 = arith.mulf %mul3A_971, %add3A_977 : vector<16xf32>
        %add3A_979 = arith.constant 0.666666686 : f32
        %add3A_980 = vector.broadcast %add3A_979 : f32 to vector<16xf32>
        %add3A_981 = arith.addf %add3A_980, %mul3A_978 : vector<16xf32>
        %mul3A_982 = arith.mulf %mul3A_971, %add3A_981 : vector<16xf32>
        %add3A_983 = arith.constant 2.000000e+00 : f32
        %add3A_984 = vector.broadcast %add3A_983 : f32 to vector<16xf32>
        %add3A_985 = arith.addf %add3A_984, %mul3A_982 : vector<16xf32>
        %mul3A_986 = arith.mulf %div3A_970, %add3A_985 : vector<16xf32>
        %mul3A_987 = arith.constant 0.693147182 : f32
        %mul3A_988 = vector.broadcast %mul3A_987 : f32 to vector<16xf32>
        %mul3A_989 = arith.mulf %convert_element_type3A_963, %mul3A_988 : vector<16xf32>
        %add3A_990 = arith.addf %mul3A_989, %mul3A_986 : vector<16xf32>
        %mul3A_991 = arith.mulf %mul3A_937, %add3A_990 : vector<16xf32>
        %sub3A_992 = arith.subf %sub3A_905, %mul3A_991 : vector<16xf32>
        %scan3A_993 = arith.constant 3 : i32
        %scan3A_994 = arith.addi %scan3A_738, %scan3A_993 : i32
        %shift_right_arithmetic3A_995 = arith.constant 3 : i32
        %shift_right_arithmetic3A_996 = arith.shrsi %scan3A_994, %shift_right_arithmetic3A_995 : i32
        %and3A_997 = arith.constant 7 : i32
        %and3A_998 = arith.andi %scan3A_994, %and3A_997 : i32
        %mul3A_999 = arith.constant 16 : i32
        %mul3A_1000 = arith.muli %and3A_998, %mul3A_999 : i32
        %get3A_1001 = arith.constant 2 : i32
        %get3A_1002 = arith.index_cast %get3A_1001 : i32 to index
        %get3A_1003 = arith.index_cast %shift_right_arithmetic3A_996 : i32 to index
        %get3A_1004 = arith.index_cast %mul3A_1000 : i32 to index
        %get3A_1005 = tpu.vector_load %arg7[%get3A_1002, %get3A_1003, %get3A_1004] {strides = array<i32>} : memref<4x8x128xi32, #tpu.memory_space<vmem>>, vector<16xi32>,
        %broadcast_in_dim3A_1006 = vector.broadcast %shift_right_arithmetic3A_996 : i32 to vector<16xi32>
        %add3A_1007 = vector.broadcast %mul3A_1000 : i32 to vector<16xi32>
        %add3A_1008 = arith.addi %add3A_1007, %iota3A : vector<16xi32>
        %gather3A_1009 = arith.constant 2 : i32
        %gather3A_1010 = arith.constant 0 : i32
        %gather3A_1011 = arith.constant 0 : i32
        %gather3A_1012 = arith.constant 0 : i32
        %gather3A_1013 = tpu.memref_slice %arg6[%gather3A_1009, %gather3A_1010, %gather3A_1011, %gather3A_1012] : memref<4x21x8x128xf32, #tpu.memory_space<vmem>> -> memref<1x21x8x128xf32, #tpu.memory_space<vmem>>
        %gather3A_1014 = tpu.memref_squeeze %gather3A_1013 : memref<1x21x8x128xf32, #tpu.memory_space<vmem>> -> memref<21x8x128xf32, #tpu.memory_space<vmem>>
        %gather3A_1015 = tpu.vector_load_idx %gather3A_1014[%get3A_1005, %broadcast_in_dim3A_1006, %add3A_1008] : memref<21x8x128xf32, #tpu.memory_space<vmem>>[vector<16xi32>, vector<16xi32>, vector<16xi32>], vector<16xf32>,
        %add3A_1016 = arith.constant 1.000000e-10 : f32
        %add3A_1017 = vector.broadcast %add3A_1016 : f32 to vector<16xf32>
        %add3A_1018 = arith.addf %gather3A_1015, %add3A_1017 : vector<16xf32>
        %gather3A_1019 = tpu.vector_load_idx %arg8[%get3A_1005] : memref<21xf32, #tpu.memory_space<vmem>>[vector<16xi32>], vector<16xf32>,
        %sub3A_1020 = arith.constant 1.000000e+00 : f32
        %sub3A_1021 = vector.broadcast %sub3A_1020 : f32 to vector<16xf32>
        %sub3A_1022 = arith.subf %sub3A_1021, %add3A_1018 : vector<16xf32>
        %mul3A_1023 = arith.mulf %gather3A_1019, %sub3A_1022 : vector<16xf32>
        %mul3A_1024 = arith.mulf %mul3A_1023, %sub3A_1022 : vector<16xf32>
        %bitcast3A_1025 = vector.bitcast %add3A_1018 : vector<16xf32> to vector<16xi32>
        %shift_right_arithmetic3A_1026 = arith.constant 23 : i32
        %shift_right_arithmetic3A_1027 = vector.broadcast %shift_right_arithmetic3A_1026 : i32 to vector<16xi32>
        %shift_right_arithmetic3A_1028 = arith.shrsi %bitcast3A_1025, %shift_right_arithmetic3A_1027 : vector<16xi32>
        %sub3A_1029 = arith.constant 127 : i32
        %sub3A_1030 = vector.broadcast %sub3A_1029 : i32 to vector<16xi32>
        %sub3A_1031 = arith.subi %shift_right_arithmetic3A_1028, %sub3A_1030 : vector<16xi32>
        %and3A_1032 = arith.constant 8388607 : i32
        %and3A_1033 = vector.broadcast %and3A_1032 : i32 to vector<16xi32>
        %and3A_1034 = arith.andi %bitcast3A_1025, %and3A_1033 : vector<16xi32>
        %or3A_1035 = arith.constant 1065353216 : i32
        %or3A_1036 = vector.broadcast %or3A_1035 : i32 to vector<16xi32>
        %or3A_1037 = arith.ori %and3A_1034, %or3A_1036 : vector<16xi32>
        %bitcast3A_1038 = vector.bitcast %or3A_1037 : vector<16xi32> to vector<16xf32>
        %gt3A_1039 = arith.constant 1.41421354 : f32
        %gt3A_1040 = vector.broadcast %gt3A_1039 : f32 to vector<16xf32>
        %gt3A_1041 = arith.cmpf ogt, %bitcast3A_1038, %gt3A_1040 : vector<16xf32>
        %mul3A_1042 = arith.constant 5.000000e-01 : f32
        %mul3A_1043 = vector.broadcast %mul3A_1042 : f32 to vector<16xf32>
        %mul3A_1044 = arith.mulf %bitcast3A_1038, %mul3A_1043 : vector<16xf32>
        %select_n3A_1045 = arith.select %gt3A_1041, %mul3A_1044, %bitcast3A_1038 : vector<16xi1>, vector<16xf32>
        %add3A_1046 = arith.constant 1 : i32
        %add3A_1047 = vector.broadcast %add3A_1046 : i32 to vector<16xi32>
        %add3A_1048 = arith.addi %sub3A_1031, %add3A_1047 : vector<16xi32>
        %select_n3A_1049 = arith.select %gt3A_1041, %add3A_1048, %sub3A_1031 : vector<16xi1>, vector<16xi32>
        %convert_element_type3A_1050 = arith.sitofp %select_n3A_1049 : vector<16xi32> to vector<16xf32>
        %sub3A_1051 = arith.constant 1.000000e+00 : f32
        %sub3A_1052 = vector.broadcast %sub3A_1051 : f32 to vector<16xf32>
        %sub3A_1053 = arith.subf %select_n3A_1045, %sub3A_1052 : vector<16xf32>
        %add3A_1054 = arith.constant 1.000000e+00 : f32
        %add3A_1055 = vector.broadcast %add3A_1054 : f32 to vector<16xf32>
        %add3A_1056 = arith.addf %select_n3A_1045, %add3A_1055 : vector<16xf32>
        %div3A_1057 = arith.divf %sub3A_1053, %add3A_1056 : vector<16xf32>
        %mul3A_1058 = arith.mulf %div3A_1057, %div3A_1057 : vector<16xf32>
        %mul3A_1059 = arith.constant 0.285714298 : f32
        %mul3A_1060 = vector.broadcast %mul3A_1059 : f32 to vector<16xf32>
        %mul3A_1061 = arith.mulf %mul3A_1058, %mul3A_1060 : vector<16xf32>
        %add3A_1062 = arith.constant 4.000000e-01 : f32
        %add3A_1063 = vector.broadcast %add3A_1062 : f32 to vector<16xf32>
        %add3A_1064 = arith.addf %add3A_1063, %mul3A_1061 : vector<16xf32>
        %mul3A_1065 = arith.mulf %mul3A_1058, %add3A_1064 : vector<16xf32>
        %add3A_1066 = arith.constant 0.666666686 : f32
        %add3A_1067 = vector.broadcast %add3A_1066 : f32 to vector<16xf32>
        %add3A_1068 = arith.addf %add3A_1067, %mul3A_1065 : vector<16xf32>
        %mul3A_1069 = arith.mulf %mul3A_1058, %add3A_1068 : vector<16xf32>
        %add3A_1070 = arith.constant 2.000000e+00 : f32
        %add3A_1071 = vector.broadcast %add3A_1070 : f32 to vector<16xf32>
        %add3A_1072 = arith.addf %add3A_1071, %mul3A_1069 : vector<16xf32>
        %mul3A_1073 = arith.mulf %div3A_1057, %add3A_1072 : vector<16xf32>
        %mul3A_1074 = arith.constant 0.693147182 : f32
        %mul3A_1075 = vector.broadcast %mul3A_1074 : f32 to vector<16xf32>
        %mul3A_1076 = arith.mulf %convert_element_type3A_1050, %mul3A_1075 : vector<16xf32>
        %add3A_1077 = arith.addf %mul3A_1076, %mul3A_1073 : vector<16xf32>
        %mul3A_1078 = arith.mulf %mul3A_1024, %add3A_1077 : vector<16xf32>
        %sub3A_1079 = arith.subf %sub3A_992, %mul3A_1078 : vector<16xf32>
        scf.yield %sub3A_1079 : vector<16xf32>
      }
      %scan3A_667 = arith.constant 64 : i32
      %add3A_668 = arith.constant 4 : i32
      %add3A_669 = arith.addi %add3A_615, %add3A_668 : i32
      %lt3A_670 = arith.constant 48 : i32
      %lt3A_671 = arith.cmpi slt, %add3A_669, %lt3A_670 : i32
      %convert_element_type3A_672 = arith.extui %lt3A_671 : i1 to i32
      %cond3A_673 = arith.constant 0 : i32
      %cond3A_674 = arith.cmpi ne, %convert_element_type3A_672, %cond3A_673 : i32
      scf.if %cond3A_674 {
        %add3A_738 = arith.constant 4 : i32
        %add3A_739 = arith.addi %add3A_615, %add3A_738 : i32
        %mul3A_740 = arith.constant 32 : i32
        %mul3A_741 = arith.muli %add3A_739, %mul3A_740 : i32
        %add3A_742 = arith.constant 512 : i32
        %add3A_743 = arith.addi %add3A_742, %mul3A_741 : i32
        %add3A_744 = arith.addi %add3A_743, %add3A : i32
        %jit3A_745 = arith.constant 256 : i32
        %div3A_746 = arith.divsi %add3A_744, %jit3A_745 : i32
        %sign3A_747 = arith.constant 0 : i32
        %sign3A_748 = arith.cmpi sgt, %add3A_744, %sign3A_747 : i32
        %sign3A_749 = arith.extui %sign3A_748 : i1 to i32
        %sign3A_750 = arith.constant 0 : i32
        %sign3A_751 = arith.cmpi slt, %add3A_744, %sign3A_750 : i32
        %sign3A_752 = arith.extui %sign3A_751 : i1 to i32
        %sign3A_753 = arith.subi %sign3A_749, %sign3A_752 : i32
        %sign3A_754 = arith.constant 0 : i32
        %sign3A_755 = arith.cmpi sgt, %jit3A_745, %sign3A_754 : i32
        %sign3A_756 = arith.extui %sign3A_755 : i1 to i32
        %sign3A_757 = arith.constant 0 : i32
        %sign3A_758 = arith.cmpi slt, %jit3A_745, %sign3A_757 : i32
        %sign3A_759 = arith.extui %sign3A_758 : i1 to i32
        %sign3A_760 = arith.subi %sign3A_756, %sign3A_759 : i32
        %ne3A_761 = arith.cmpi ne, %sign3A_753, %sign3A_760 : i32
        %rem3A_762 = arith.remsi %add3A_744, %jit3A_745 : i32
        %ne3A_763 = arith.constant 0 : i32
        %ne3A_764 = arith.cmpi ne, %rem3A_762, %ne3A_763 : i32
        %and3A_765 = arith.andi %ne3A_761, %ne3A_764 : i1
        %sub3A_766 = arith.constant 1 : i32
        %sub3A_767 = arith.subi %div3A_746, %sub3A_766 : i32
        %select_n3A_768 = arith.select %and3A_765, %sub3A_767, %div3A_746 : i32
        %jit3A_769 = arith.constant 256 : i32
        %eq3A_770 = arith.constant 0 : i32
        %eq3A_771 = arith.cmpi eq, %jit3A_769, %eq3A_770 : i32
        %jit3A_772 = arith.constant 1 : i32
        %select_n3A_773 = arith.select %eq3A_771, %jit3A_772, %jit3A_769 : i32
        %rem3A_774 = arith.remsi %add3A_744, %select_n3A_773 : i32
        %ne3A_775 = arith.constant 0 : i32
        %ne3A_776 = arith.cmpi ne, %rem3A_774, %ne3A_775 : i32
        %lt3A_777 = arith.constant 0 : i32
        %lt3A_778 = arith.cmpi slt, %rem3A_774, %lt3A_777 : i32
        %lt3A_779 = arith.constant 0 : i32
        %lt3A_780 = arith.cmpi slt, %select_n3A_773, %lt3A_779 : i32
        %ne3A_781 = arith.xori %lt3A_778, %lt3A_780 : i1
        %and3A_782 = arith.andi %ne3A_781, %ne3A_776 : i1
        %add3A_783 = arith.addi %rem3A_774, %select_n3A_773 : i32
        %select_n3A_784 = arith.select %and3A_782, %add3A_783, %rem3A_774 : i32
        %jit3A_785 = arith.constant 4 : i32
        %div3A_786 = arith.divsi %select_n3A_784, %jit3A_785 : i32
        %sign3A_787 = arith.constant 0 : i32
        %sign3A_788 = arith.cmpi sgt, %select_n3A_784, %sign3A_787 : i32
        %sign3A_789 = arith.extui %sign3A_788 : i1 to i32
        %sign3A_790 = arith.constant 0 : i32
        %sign3A_791 = arith.cmpi slt, %select_n3A_784, %sign3A_790 : i32
        %sign3A_792 = arith.extui %sign3A_791 : i1 to i32
        %sign3A_793 = arith.subi %sign3A_789, %sign3A_792 : i32
        %sign3A_794 = arith.constant 0 : i32
        %sign3A_795 = arith.cmpi sgt, %jit3A_785, %sign3A_794 : i32
        %sign3A_796 = arith.extui %sign3A_795 : i1 to i32
        %sign3A_797 = arith.constant 0 : i32
        %sign3A_798 = arith.cmpi slt, %jit3A_785, %sign3A_797 : i32
        %sign3A_799 = arith.extui %sign3A_798 : i1 to i32
        %sign3A_800 = arith.subi %sign3A_796, %sign3A_799 : i32
        %ne3A_801 = arith.cmpi ne, %sign3A_793, %sign3A_800 : i32
        %rem3A_802 = arith.remsi %select_n3A_784, %jit3A_785 : i32
        %ne3A_803 = arith.constant 0 : i32
        %ne3A_804 = arith.cmpi ne, %rem3A_802, %ne3A_803 : i32
        %and3A_805 = arith.andi %ne3A_801, %ne3A_804 : i1
        %sub3A_806 = arith.constant 1 : i32
        %sub3A_807 = arith.subi %div3A_786, %sub3A_806 : i32
        %select_n3A_808 = arith.select %and3A_805, %sub3A_807, %div3A_786 : i32
        %mul3A_809 = arith.constant 8 : i32
        %mul3A_810 = arith.muli %select_n3A_808, %mul3A_809 : i32
        %jit3A_811 = arith.constant 4 : i32
        %eq3A_812 = arith.constant 0 : i32
        %eq3A_813 = arith.cmpi eq, %jit3A_811, %eq3A_812 : i32
        %jit3A_814 = arith.constant 1 : i32
        %select_n3A_815 = arith.select %eq3A_813, %jit3A_814, %jit3A_811 : i32
        %rem3A_816 = arith.remsi %select_n3A_784, %select_n3A_815 : i32
        %ne3A_817 = arith.constant 0 : i32
        %ne3A_818 = arith.cmpi ne, %rem3A_816, %ne3A_817 : i32
        %lt3A_819 = arith.constant 0 : i32
        %lt3A_820 = arith.cmpi slt, %rem3A_816, %lt3A_819 : i32
        %lt3A_821 = arith.constant 0 : i32
        %lt3A_822 = arith.cmpi slt, %select_n3A_815, %lt3A_821 : i32
        %ne3A_823 = arith.xori %lt3A_820, %lt3A_822 : i1
        %and3A_824 = arith.andi %ne3A_823, %ne3A_818 : i1
        %add3A_825 = arith.addi %rem3A_816, %select_n3A_815 : i32
        %select_n3A_826 = arith.select %and3A_824, %add3A_825, %rem3A_816 : i32
        %mul3A_827 = arith.constant 128 : i32
        %mul3A_828 = arith.muli %select_n3A_826, %mul3A_827 : i32
        %dma_start3A_829 = arith.constant 2 : i32
        %dma_start3A_830 = arith.constant 2 : i32
        %dma_start3A_831 = arith.constant 0 : i32
        %dma_start3A_832 = arith.constant 0 : i32
        %dma_start3A_833 = arith.constant 0 : i32
        %dma_start3A_834 = tpu.memref_slice %arg6[%dma_start3A_829, %dma_start3A_831, %dma_start3A_832, %dma_start3A_833] : memref<4x21x8x128xf32, #tpu.memory_space<vmem>> -> memref<1x21x8x128xf32, #tpu.memory_space<vmem>>
        %dma_start3A_835 = tpu.memref_squeeze %dma_start3A_834 : memref<1x21x8x128xf32, #tpu.memory_space<vmem>> -> memref<21x8x128xf32, #tpu.memory_space<vmem>>
        %dma_start3A_836 = arith.constant 0 : i32
        %dma_start3A_837 = tpu.memref_slice %arg2[%select_n3A_768, %dma_start3A_836, %mul3A_810, %mul3A_828] : memref<8x21x512x512xf32, #tpu.memory_space<hbm>> -> memref<1x21x8x128xf32, #tpu.memory_space<hbm>>
        %dma_start3A_838 = tpu.memref_squeeze %dma_start3A_837 : memref<1x21x8x128xf32, #tpu.memory_space<hbm>> -> memref<21x8x128xf32, #tpu.memory_space<hbm>>
        %dma_start3A_839 = tpu.memref_slice %arg10[%dma_start3A_830] : memref<4x!tpu.dma_semaphore, #tpu.memory_space<semaphore_mem>> -> memref<1x!tpu.dma_semaphore, #tpu.memory_space<semaphore_mem>>
        %dma_start3A_840 = tpu.memref_squeeze %dma_start3A_839 : memref<1x!tpu.dma_semaphore, #tpu.memory_space<semaphore_mem>> -> memref<!tpu.dma_semaphore, #tpu.memory_space<semaphore_mem>>
        %dma_start3A_841 = arith.constant 0 : i32
        %dma_start3A_842 = arith.constant 0 : i32
        %dma_start3A_843 = arith.constant 0 : i32
        %dma_start3A_844 = tpu.memref_slice %arg6[%dma_start3A_829, %dma_start3A_841, %dma_start3A_842, %dma_start3A_843] : memref<4x21x8x128xf32, #tpu.memory_space<vmem>> -> memref<1x21x8x128xf32, #tpu.memory_space<vmem>>
        %dma_start3A_845 = tpu.memref_squeeze %dma_start3A_844 : memref<1x21x8x128xf32, #tpu.memory_space<vmem>> -> memref<21x8x128xf32, #tpu.memory_space<vmem>>
        %dma_start3A_846 = arith.constant 0 : i32
        %dma_start3A_847 = tpu.memref_slice %arg2[%select_n3A_768, %dma_start3A_846, %mul3A_810, %mul3A_828] : memref<8x21x512x512xf32, #tpu.memory_space<hbm>> -> memref<1x21x8x128xf32, #tpu.memory_space<hbm>>
        %dma_start3A_848 = tpu.memref_squeeze %dma_start3A_847 : memref<1x21x8x128xf32, #tpu.memory_space<hbm>> -> memref<21x8x128xf32, #tpu.memory_space<hbm>>
        tpu.enqueue_dma source(%dma_start3A_848 : memref<21x8x128xf32, #tpu.memory_space<hbm>>) target(%dma_start3A_845 : memref<21x8x128xf32, #tpu.memory_space<vmem>>) target_semaphore(%dma_start3A_840 : memref<!tpu.dma_semaphore, #tpu.memory_space<semaphore_mem>>)
        %dma_start3A_849 = arith.constant 2 : i32
        %dma_start3A_850 = arith.constant 2 : i32
        %dma_start3A_851 = arith.constant 0 : i32
        %dma_start3A_852 = arith.constant 0 : i32
        %dma_start3A_853 = tpu.memref_slice %arg7[%dma_start3A_849, %dma_start3A_851, %dma_start3A_852] : memref<4x8x128xi32, #tpu.memory_space<vmem>> -> memref<1x8x128xi32, #tpu.memory_space<vmem>>
        %dma_start3A_854 = tpu.memref_squeeze %dma_start3A_853 : memref<1x8x128xi32, #tpu.memory_space<vmem>> -> memref<8x128xi32, #tpu.memory_space<vmem>>
        %dma_start3A_855 = tpu.memref_slice %arg3[%select_n3A_768, %mul3A_810, %mul3A_828] : memref<8x512x512xi32, #tpu.memory_space<hbm>> -> memref<1x8x128xi32, #tpu.memory_space<hbm>>
        %dma_start3A_856 = tpu.memref_squeeze %dma_start3A_855 : memref<1x8x128xi32, #tpu.memory_space<hbm>> -> memref<8x128xi32, #tpu.memory_space<hbm>>
        %dma_start3A_857 = tpu.memref_slice %arg11[%dma_start3A_850] : memref<4x!tpu.dma_semaphore, #tpu.memory_space<semaphore_mem>> -> memref<1x!tpu.dma_semaphore, #tpu.memory_space<semaphore_mem>>
        %dma_start3A_858 = tpu.memref_squeeze %dma_start3A_857 : memref<1x!tpu.dma_semaphore, #tpu.memory_space<semaphore_mem>> -> memref<!tpu.dma_semaphore, #tpu.memory_space<semaphore_mem>>
        %dma_start3A_859 = arith.constant 0 : i32
        %dma_start3A_860 = arith.constant 0 : i32
        %dma_start3A_861 = tpu.memref_slice %arg7[%dma_start3A_849, %dma_start3A_859, %dma_start3A_860] : memref<4x8x128xi32, #tpu.memory_space<vmem>> -> memref<1x8x128xi32, #tpu.memory_space<vmem>>
        %dma_start3A_862 = tpu.memref_squeeze %dma_start3A_861 : memref<1x8x128xi32, #tpu.memory_space<vmem>> -> memref<8x128xi32, #tpu.memory_space<vmem>>
        %dma_start3A_863 = tpu.memref_slice %arg3[%select_n3A_768, %mul3A_810, %mul3A_828] : memref<8x512x512xi32, #tpu.memory_space<hbm>> -> memref<1x8x128xi32, #tpu.memory_space<hbm>>
        %dma_start3A_864 = tpu.memref_squeeze %dma_start3A_863 : memref<1x8x128xi32, #tpu.memory_space<hbm>> -> memref<8x128xi32, #tpu.memory_space<hbm>>
        tpu.enqueue_dma source(%dma_start3A_864 : memref<8x128xi32, #tpu.memory_space<hbm>>) target(%dma_start3A_862 : memref<8x128xi32, #tpu.memory_space<vmem>>) target_semaphore(%dma_start3A_858 : memref<!tpu.dma_semaphore, #tpu.memory_space<semaphore_mem>>)
      } else {
      }
      %mul3A_675 = arith.constant 4 : i32
      %mul3A_676 = arith.muli %scan3A_487, %mul3A_675 : i32
      %add3A_677 = arith.constant 3 : i32
      %add3A_678 = arith.addi %mul3A_676, %add3A_677 : i32
      %dma_wait3A_679 = arith.constant 0 : i32
      %dma_wait3A_680 = arith.constant 3 : i32
      %dma_wait3A_681 = arith.constant 3 : i32
      %dma_wait3A_682 = arith.constant 0 : i32
      %dma_wait3A_683 = arith.constant 0 : i32
      %dma_wait3A_684 = arith.constant 0 : i32
      %dma_wait3A_685 = tpu.memref_slice %arg6[%dma_wait3A_680, %dma_wait3A_682, %dma_wait3A_683, %dma_wait3A_684] : memref<4x21x8x128xf32, #tpu.memory_space<vmem>> -> memref<1x21x8x128xf32, #tpu.memory_space<vmem>>
      %dma_wait3A_686 = tpu.memref_squeeze %dma_wait3A_685 : memref<1x21x8x128xf32, #tpu.memory_space<vmem>> -> memref<21x8x128xf32, #tpu.memory_space<vmem>>
      %dma_wait3A_687 = arith.constant 0 : i32
      %dma_wait3A_688 = arith.constant 0 : i32
      %dma_wait3A_689 = arith.constant 0 : i32
      %dma_wait3A_690 = tpu.memref_slice %arg2[%dma_wait3A_679, %dma_wait3A_687, %dma_wait3A_688, %dma_wait3A_689] : memref<8x21x512x512xf32, #tpu.memory_space<hbm>> -> memref<1x21x8x128xf32, #tpu.memory_space<hbm>>
      %dma_wait3A_691 = tpu.memref_squeeze %dma_wait3A_690 : memref<1x21x8x128xf32, #tpu.memory_space<hbm>> -> memref<21x8x128xf32, #tpu.memory_space<hbm>>
      %dma_wait3A_692 = tpu.memref_slice %arg10[%dma_wait3A_681] : memref<4x!tpu.dma_semaphore, #tpu.memory_space<semaphore_mem>> -> memref<1x!tpu.dma_semaphore, #tpu.memory_space<semaphore_mem>>
      %dma_wait3A_693 = tpu.memref_squeeze %dma_wait3A_692 : memref<1x!tpu.dma_semaphore, #tpu.memory_space<semaphore_mem>> -> memref<!tpu.dma_semaphore, #tpu.memory_space<semaphore_mem>>
      %dma_wait3A_694 = arith.constant 0 : i32
      %dma_wait3A_695 = arith.constant 0 : i32
      %dma_wait3A_696 = arith.constant 0 : i32
      %dma_wait3A_697 = tpu.memref_slice %arg6[%dma_wait3A_680, %dma_wait3A_694, %dma_wait3A_695, %dma_wait3A_696] : memref<4x21x8x128xf32, #tpu.memory_space<vmem>> -> memref<1x21x8x128xf32, #tpu.memory_space<vmem>>
      %dma_wait3A_698 = tpu.memref_squeeze %dma_wait3A_697 : memref<1x21x8x128xf32, #tpu.memory_space<vmem>> -> memref<21x8x128xf32, #tpu.memory_space<vmem>>
      %dma_wait3A_699 = arith.constant 0 : i32
      %dma_wait3A_700 = arith.constant 0 : i32
      %dma_wait3A_701 = arith.constant 0 : i32
      %dma_wait3A_702 = tpu.memref_slice %arg2[%dma_wait3A_679, %dma_wait3A_699, %dma_wait3A_700, %dma_wait3A_701] : memref<8x21x512x512xf32, #tpu.memory_space<hbm>> -> memref<1x21x8x128xf32, #tpu.memory_space<hbm>>
      %dma_wait3A_703 = tpu.memref_squeeze %dma_wait3A_702 : memref<1x21x8x128xf32, #tpu.memory_space<hbm>> -> memref<21x8x128xf32, #tpu.memory_space<hbm>>
      tpu.wait_dma2 semaphore(%dma_wait3A_693 : memref<!tpu.dma_semaphore, #tpu.memory_space<semaphore_mem>>) src(%dma_wait3A_703 : memref<21x8x128xf32, #tpu.memory_space<hbm>>) dst(%dma_wait3A_698 : memref<21x8x128xf32, #tpu.memory_space<vmem>>)
      %dma_wait3A_704 = arith.constant 0 : i32
      %dma_wait3A_705 = arith.constant 3 : i32
      %dma_wait3A_706 = arith.constant 3 : i32
      %dma_wait3A_707 = arith.constant 0 : i32
      %dma_wait3A_708 = arith.constant 0 : i32
      %dma_wait3A_709 = tpu.memref_slice %arg7[%dma_wait3A_705, %dma_wait3A_707, %dma_wait3A_708] : memref<4x8x128xi32, #tpu.memory_space<vmem>> -> memref<1x8x128xi32, #tpu.memory_space<vmem>>
      %dma_wait3A_710 = tpu.memref_squeeze %dma_wait3A_709 : memref<1x8x128xi32, #tpu.memory_space<vmem>> -> memref<8x128xi32, #tpu.memory_space<vmem>>
      %dma_wait3A_711 = arith.constant 0 : i32
      %dma_wait3A_712 = arith.constant 0 : i32
      %dma_wait3A_713 = tpu.memref_slice %arg3[%dma_wait3A_704, %dma_wait3A_711, %dma_wait3A_712] : memref<8x512x512xi32, #tpu.memory_space<hbm>> -> memref<1x8x128xi32, #tpu.memory_space<hbm>>
      %dma_wait3A_714 = tpu.memref_squeeze %dma_wait3A_713 : memref<1x8x128xi32, #tpu.memory_space<hbm>> -> memref<8x128xi32, #tpu.memory_space<hbm>>
      %dma_wait3A_715 = tpu.memref_slice %arg11[%dma_wait3A_706] : memref<4x!tpu.dma_semaphore, #tpu.memory_space<semaphore_mem>> -> memref<1x!tpu.dma_semaphore, #tpu.memory_space<semaphore_mem>>
      %dma_wait3A_716 = tpu.memref_squeeze %dma_wait3A_715 : memref<1x!tpu.dma_semaphore, #tpu.memory_space<semaphore_mem>> -> memref<!tpu.dma_semaphore, #tpu.memory_space<semaphore_mem>>
      %dma_wait3A_717 = arith.constant 0 : i32
      %dma_wait3A_718 = arith.constant 0 : i32
      %dma_wait3A_719 = tpu.memref_slice %arg7[%dma_wait3A_705, %dma_wait3A_717, %dma_wait3A_718] : memref<4x8x128xi32, #tpu.memory_space<vmem>> -> memref<1x8x128xi32, #tpu.memory_space<vmem>>
      %dma_wait3A_720 = tpu.memref_squeeze %dma_wait3A_719 : memref<1x8x128xi32, #tpu.memory_space<vmem>> -> memref<8x128xi32, #tpu.memory_space<vmem>>
      %dma_wait3A_721 = arith.constant 0 : i32
      %dma_wait3A_722 = arith.constant 0 : i32
      %dma_wait3A_723 = tpu.memref_slice %arg3[%dma_wait3A_704, %dma_wait3A_721, %dma_wait3A_722] : memref<8x512x512xi32, #tpu.memory_space<hbm>> -> memref<1x8x128xi32, #tpu.memory_space<hbm>>
      %dma_wait3A_724 = tpu.memref_squeeze %dma_wait3A_723 : memref<1x8x128xi32, #tpu.memory_space<hbm>> -> memref<8x128xi32, #tpu.memory_space<hbm>>
      tpu.wait_dma2 semaphore(%dma_wait3A_716 : memref<!tpu.dma_semaphore, #tpu.memory_space<semaphore_mem>>) src(%dma_wait3A_724 : memref<8x128xi32, #tpu.memory_space<hbm>>) dst(%dma_wait3A_720 : memref<8x128xi32, #tpu.memory_space<vmem>>)
      %scan3A_725 = arith.constant 0 : i32
      %scan3A_726 = arith.constant 64 : i32
      %scan3A_727 = arith.addi %scan3A_725, %scan3A_726 : i32
      %scan3A_728 = arith.constant 4 : i32
      %scan3A_729 = scf.for %scan3A_738 = %scan3A_725 to %scan3A_727 step %scan3A_728 iter_args(%scan3A_739 = %scan3A_666) -> (vector<16xf32>)  : i32 {
        %shift_right_arithmetic3A = arith.constant 3 : i32
        %shift_right_arithmetic3A_740 = arith.shrsi %scan3A_738, %shift_right_arithmetic3A : i32
        %and3A_741 = arith.constant 7 : i32
        %and3A_742 = arith.andi %scan3A_738, %and3A_741 : i32
        %mul3A_743 = arith.constant 16 : i32
        %mul3A_744 = arith.muli %and3A_742, %mul3A_743 : i32
        %get3A = arith.constant 3 : i32
        %get3A_745 = arith.index_cast %get3A : i32 to index
        %get3A_746 = arith.index_cast %shift_right_arithmetic3A_740 : i32 to index
        %get3A_747 = arith.index_cast %mul3A_744 : i32 to index
        %get3A_748 = tpu.vector_load %arg7[%get3A_745, %get3A_746, %get3A_747] {strides = array<i32>} : memref<4x8x128xi32, #tpu.memory_space<vmem>>, vector<16xi32>,
        %broadcast_in_dim3A_749 = vector.broadcast %shift_right_arithmetic3A_740 : i32 to vector<16xi32>
        %add3A_750 = vector.broadcast %mul3A_744 : i32 to vector<16xi32>
        %add3A_751 = arith.addi %add3A_750, %iota3A : vector<16xi32>
        %gather3A = arith.constant 3 : i32
        %gather3A_752 = arith.constant 0 : i32
        %gather3A_753 = arith.constant 0 : i32
        %gather3A_754 = arith.constant 0 : i32
        %gather3A_755 = tpu.memref_slice %arg6[%gather3A, %gather3A_752, %gather3A_753, %gather3A_754] : memref<4x21x8x128xf32, #tpu.memory_space<vmem>> -> memref<1x21x8x128xf32, #tpu.memory_space<vmem>>
        %gather3A_756 = tpu.memref_squeeze %gather3A_755 : memref<1x21x8x128xf32, #tpu.memory_space<vmem>> -> memref<21x8x128xf32, #tpu.memory_space<vmem>>
        %gather3A_757 = tpu.vector_load_idx %gather3A_756[%get3A_748, %broadcast_in_dim3A_749, %add3A_751] : memref<21x8x128xf32, #tpu.memory_space<vmem>>[vector<16xi32>, vector<16xi32>, vector<16xi32>], vector<16xf32>,
        %add3A_758 = arith.constant 1.000000e-10 : f32
        %add3A_759 = vector.broadcast %add3A_758 : f32 to vector<16xf32>
        %add3A_760 = arith.addf %gather3A_757, %add3A_759 : vector<16xf32>
        %gather3A_761 = tpu.vector_load_idx %arg8[%get3A_748] : memref<21xf32, #tpu.memory_space<vmem>>[vector<16xi32>], vector<16xf32>,
        %sub3A_762 = arith.constant 1.000000e+00 : f32
        %sub3A_763 = vector.broadcast %sub3A_762 : f32 to vector<16xf32>
        %sub3A_764 = arith.subf %sub3A_763, %add3A_760 : vector<16xf32>
        %mul3A_765 = arith.mulf %gather3A_761, %sub3A_764 : vector<16xf32>
        %mul3A_766 = arith.mulf %mul3A_765, %sub3A_764 : vector<16xf32>
        %bitcast3A = vector.bitcast %add3A_760 : vector<16xf32> to vector<16xi32>
        %shift_right_arithmetic3A_767 = arith.constant 23 : i32
        %shift_right_arithmetic3A_768 = vector.broadcast %shift_right_arithmetic3A_767 : i32 to vector<16xi32>
        %shift_right_arithmetic3A_769 = arith.shrsi %bitcast3A, %shift_right_arithmetic3A_768 : vector<16xi32>
        %sub3A_770 = arith.constant 127 : i32
        %sub3A_771 = vector.broadcast %sub3A_770 : i32 to vector<16xi32>
        %sub3A_772 = arith.subi %shift_right_arithmetic3A_769, %sub3A_771 : vector<16xi32>
        %and3A_773 = arith.constant 8388607 : i32
        %and3A_774 = vector.broadcast %and3A_773 : i32 to vector<16xi32>
        %and3A_775 = arith.andi %bitcast3A, %and3A_774 : vector<16xi32>
        %or3A = arith.constant 1065353216 : i32
        %or3A_776 = vector.broadcast %or3A : i32 to vector<16xi32>
        %or3A_777 = arith.ori %and3A_775, %or3A_776 : vector<16xi32>
        %bitcast3A_778 = vector.bitcast %or3A_777 : vector<16xi32> to vector<16xf32>
        %gt3A = arith.constant 1.41421354 : f32
        %gt3A_779 = vector.broadcast %gt3A : f32 to vector<16xf32>
        %gt3A_780 = arith.cmpf ogt, %bitcast3A_778, %gt3A_779 : vector<16xf32>
        %mul3A_781 = arith.constant 5.000000e-01 : f32
        %mul3A_782 = vector.broadcast %mul3A_781 : f32 to vector<16xf32>
        %mul3A_783 = arith.mulf %bitcast3A_778, %mul3A_782 : vector<16xf32>
        %select_n3A_784 = arith.select %gt3A_780, %mul3A_783, %bitcast3A_778 : vector<16xi1>, vector<16xf32>
        %add3A_785 = arith.constant 1 : i32
        %add3A_786 = vector.broadcast %add3A_785 : i32 to vector<16xi32>
        %add3A_787 = arith.addi %sub3A_772, %add3A_786 : vector<16xi32>
        %select_n3A_788 = arith.select %gt3A_780, %add3A_787, %sub3A_772 : vector<16xi1>, vector<16xi32>
        %convert_element_type3A_789 = arith.sitofp %select_n3A_788 : vector<16xi32> to vector<16xf32>
        %sub3A_790 = arith.constant 1.000000e+00 : f32
        %sub3A_791 = vector.broadcast %sub3A_790 : f32 to vector<16xf32>
        %sub3A_792 = arith.subf %select_n3A_784, %sub3A_791 : vector<16xf32>
        %add3A_793 = arith.constant 1.000000e+00 : f32
        %add3A_794 = vector.broadcast %add3A_793 : f32 to vector<16xf32>
        %add3A_795 = arith.addf %select_n3A_784, %add3A_794 : vector<16xf32>
        %div3A_796 = arith.divf %sub3A_792, %add3A_795 : vector<16xf32>
        %mul3A_797 = arith.mulf %div3A_796, %div3A_796 : vector<16xf32>
        %mul3A_798 = arith.constant 0.285714298 : f32
        %mul3A_799 = vector.broadcast %mul3A_798 : f32 to vector<16xf32>
        %mul3A_800 = arith.mulf %mul3A_797, %mul3A_799 : vector<16xf32>
        %add3A_801 = arith.constant 4.000000e-01 : f32
        %add3A_802 = vector.broadcast %add3A_801 : f32 to vector<16xf32>
        %add3A_803 = arith.addf %add3A_802, %mul3A_800 : vector<16xf32>
        %mul3A_804 = arith.mulf %mul3A_797, %add3A_803 : vector<16xf32>
        %add3A_805 = arith.constant 0.666666686 : f32
        %add3A_806 = vector.broadcast %add3A_805 : f32 to vector<16xf32>
        %add3A_807 = arith.addf %add3A_806, %mul3A_804 : vector<16xf32>
        %mul3A_808 = arith.mulf %mul3A_797, %add3A_807 : vector<16xf32>
        %add3A_809 = arith.constant 2.000000e+00 : f32
        %add3A_810 = vector.broadcast %add3A_809 : f32 to vector<16xf32>
        %add3A_811 = arith.addf %add3A_810, %mul3A_808 : vector<16xf32>
        %mul3A_812 = arith.mulf %div3A_796, %add3A_811 : vector<16xf32>
        %mul3A_813 = arith.constant 0.693147182 : f32
        %mul3A_814 = vector.broadcast %mul3A_813 : f32 to vector<16xf32>
        %mul3A_815 = arith.mulf %convert_element_type3A_789, %mul3A_814 : vector<16xf32>
        %add3A_816 = arith.addf %mul3A_815, %mul3A_812 : vector<16xf32>
        %mul3A_817 = arith.mulf %mul3A_766, %add3A_816 : vector<16xf32>
        %sub3A_818 = arith.subf %scan3A_739, %mul3A_817 : vector<16xf32>
        %scan3A_819 = arith.constant 1 : i32
        %scan3A_820 = arith.addi %scan3A_738, %scan3A_819 : i32
        %shift_right_arithmetic3A_821 = arith.constant 3 : i32
        %shift_right_arithmetic3A_822 = arith.shrsi %scan3A_820, %shift_right_arithmetic3A_821 : i32
        %and3A_823 = arith.constant 7 : i32
        %and3A_824 = arith.andi %scan3A_820, %and3A_823 : i32
        %mul3A_825 = arith.constant 16 : i32
        %mul3A_826 = arith.muli %and3A_824, %mul3A_825 : i32
        %get3A_827 = arith.constant 3 : i32
        %get3A_828 = arith.index_cast %get3A_827 : i32 to index
        %get3A_829 = arith.index_cast %shift_right_arithmetic3A_822 : i32 to index
        %get3A_830 = arith.index_cast %mul3A_826 : i32 to index
        %get3A_831 = tpu.vector_load %arg7[%get3A_828, %get3A_829, %get3A_830] {strides = array<i32>} : memref<4x8x128xi32, #tpu.memory_space<vmem>>, vector<16xi32>,
        %broadcast_in_dim3A_832 = vector.broadcast %shift_right_arithmetic3A_822 : i32 to vector<16xi32>
        %add3A_833 = vector.broadcast %mul3A_826 : i32 to vector<16xi32>
        %add3A_834 = arith.addi %add3A_833, %iota3A : vector<16xi32>
        %gather3A_835 = arith.constant 3 : i32
        %gather3A_836 = arith.constant 0 : i32
        %gather3A_837 = arith.constant 0 : i32
        %gather3A_838 = arith.constant 0 : i32
        %gather3A_839 = tpu.memref_slice %arg6[%gather3A_835, %gather3A_836, %gather3A_837, %gather3A_838] : memref<4x21x8x128xf32, #tpu.memory_space<vmem>> -> memref<1x21x8x128xf32, #tpu.memory_space<vmem>>
        %gather3A_840 = tpu.memref_squeeze %gather3A_839 : memref<1x21x8x128xf32, #tpu.memory_space<vmem>> -> memref<21x8x128xf32, #tpu.memory_space<vmem>>
        %gather3A_841 = tpu.vector_load_idx %gather3A_840[%get3A_831, %broadcast_in_dim3A_832, %add3A_834] : memref<21x8x128xf32, #tpu.memory_space<vmem>>[vector<16xi32>, vector<16xi32>, vector<16xi32>], vector<16xf32>,
        %add3A_842 = arith.constant 1.000000e-10 : f32
        %add3A_843 = vector.broadcast %add3A_842 : f32 to vector<16xf32>
        %add3A_844 = arith.addf %gather3A_841, %add3A_843 : vector<16xf32>
        %gather3A_845 = tpu.vector_load_idx %arg8[%get3A_831] : memref<21xf32, #tpu.memory_space<vmem>>[vector<16xi32>], vector<16xf32>,
        %sub3A_846 = arith.constant 1.000000e+00 : f32
        %sub3A_847 = vector.broadcast %sub3A_846 : f32 to vector<16xf32>
        %sub3A_848 = arith.subf %sub3A_847, %add3A_844 : vector<16xf32>
        %mul3A_849 = arith.mulf %gather3A_845, %sub3A_848 : vector<16xf32>
        %mul3A_850 = arith.mulf %mul3A_849, %sub3A_848 : vector<16xf32>
        %bitcast3A_851 = vector.bitcast %add3A_844 : vector<16xf32> to vector<16xi32>
        %shift_right_arithmetic3A_852 = arith.constant 23 : i32
        %shift_right_arithmetic3A_853 = vector.broadcast %shift_right_arithmetic3A_852 : i32 to vector<16xi32>
        %shift_right_arithmetic3A_854 = arith.shrsi %bitcast3A_851, %shift_right_arithmetic3A_853 : vector<16xi32>
        %sub3A_855 = arith.constant 127 : i32
        %sub3A_856 = vector.broadcast %sub3A_855 : i32 to vector<16xi32>
        %sub3A_857 = arith.subi %shift_right_arithmetic3A_854, %sub3A_856 : vector<16xi32>
        %and3A_858 = arith.constant 8388607 : i32
        %and3A_859 = vector.broadcast %and3A_858 : i32 to vector<16xi32>
        %and3A_860 = arith.andi %bitcast3A_851, %and3A_859 : vector<16xi32>
        %or3A_861 = arith.constant 1065353216 : i32
        %or3A_862 = vector.broadcast %or3A_861 : i32 to vector<16xi32>
        %or3A_863 = arith.ori %and3A_860, %or3A_862 : vector<16xi32>
        %bitcast3A_864 = vector.bitcast %or3A_863 : vector<16xi32> to vector<16xf32>
        %gt3A_865 = arith.constant 1.41421354 : f32
        %gt3A_866 = vector.broadcast %gt3A_865 : f32 to vector<16xf32>
        %gt3A_867 = arith.cmpf ogt, %bitcast3A_864, %gt3A_866 : vector<16xf32>
        %mul3A_868 = arith.constant 5.000000e-01 : f32
        %mul3A_869 = vector.broadcast %mul3A_868 : f32 to vector<16xf32>
        %mul3A_870 = arith.mulf %bitcast3A_864, %mul3A_869 : vector<16xf32>
        %select_n3A_871 = arith.select %gt3A_867, %mul3A_870, %bitcast3A_864 : vector<16xi1>, vector<16xf32>
        %add3A_872 = arith.constant 1 : i32
        %add3A_873 = vector.broadcast %add3A_872 : i32 to vector<16xi32>
        %add3A_874 = arith.addi %sub3A_857, %add3A_873 : vector<16xi32>
        %select_n3A_875 = arith.select %gt3A_867, %add3A_874, %sub3A_857 : vector<16xi1>, vector<16xi32>
        %convert_element_type3A_876 = arith.sitofp %select_n3A_875 : vector<16xi32> to vector<16xf32>
        %sub3A_877 = arith.constant 1.000000e+00 : f32
        %sub3A_878 = vector.broadcast %sub3A_877 : f32 to vector<16xf32>
        %sub3A_879 = arith.subf %select_n3A_871, %sub3A_878 : vector<16xf32>
        %add3A_880 = arith.constant 1.000000e+00 : f32
        %add3A_881 = vector.broadcast %add3A_880 : f32 to vector<16xf32>
        %add3A_882 = arith.addf %select_n3A_871, %add3A_881 : vector<16xf32>
        %div3A_883 = arith.divf %sub3A_879, %add3A_882 : vector<16xf32>
        %mul3A_884 = arith.mulf %div3A_883, %div3A_883 : vector<16xf32>
        %mul3A_885 = arith.constant 0.285714298 : f32
        %mul3A_886 = vector.broadcast %mul3A_885 : f32 to vector<16xf32>
        %mul3A_887 = arith.mulf %mul3A_884, %mul3A_886 : vector<16xf32>
        %add3A_888 = arith.constant 4.000000e-01 : f32
        %add3A_889 = vector.broadcast %add3A_888 : f32 to vector<16xf32>
        %add3A_890 = arith.addf %add3A_889, %mul3A_887 : vector<16xf32>
        %mul3A_891 = arith.mulf %mul3A_884, %add3A_890 : vector<16xf32>
        %add3A_892 = arith.constant 0.666666686 : f32
        %add3A_893 = vector.broadcast %add3A_892 : f32 to vector<16xf32>
        %add3A_894 = arith.addf %add3A_893, %mul3A_891 : vector<16xf32>
        %mul3A_895 = arith.mulf %mul3A_884, %add3A_894 : vector<16xf32>
        %add3A_896 = arith.constant 2.000000e+00 : f32
        %add3A_897 = vector.broadcast %add3A_896 : f32 to vector<16xf32>
        %add3A_898 = arith.addf %add3A_897, %mul3A_895 : vector<16xf32>
        %mul3A_899 = arith.mulf %div3A_883, %add3A_898 : vector<16xf32>
        %mul3A_900 = arith.constant 0.693147182 : f32
        %mul3A_901 = vector.broadcast %mul3A_900 : f32 to vector<16xf32>
        %mul3A_902 = arith.mulf %convert_element_type3A_876, %mul3A_901 : vector<16xf32>
        %add3A_903 = arith.addf %mul3A_902, %mul3A_899 : vector<16xf32>
        %mul3A_904 = arith.mulf %mul3A_850, %add3A_903 : vector<16xf32>
        %sub3A_905 = arith.subf %sub3A_818, %mul3A_904 : vector<16xf32>
        %scan3A_906 = arith.constant 2 : i32
        %scan3A_907 = arith.addi %scan3A_738, %scan3A_906 : i32
        %shift_right_arithmetic3A_908 = arith.constant 3 : i32
        %shift_right_arithmetic3A_909 = arith.shrsi %scan3A_907, %shift_right_arithmetic3A_908 : i32
        %and3A_910 = arith.constant 7 : i32
        %and3A_911 = arith.andi %scan3A_907, %and3A_910 : i32
        %mul3A_912 = arith.constant 16 : i32
        %mul3A_913 = arith.muli %and3A_911, %mul3A_912 : i32
        %get3A_914 = arith.constant 3 : i32
        %get3A_915 = arith.index_cast %get3A_914 : i32 to index
        %get3A_916 = arith.index_cast %shift_right_arithmetic3A_909 : i32 to index
        %get3A_917 = arith.index_cast %mul3A_913 : i32 to index
        %get3A_918 = tpu.vector_load %arg7[%get3A_915, %get3A_916, %get3A_917] {strides = array<i32>} : memref<4x8x128xi32, #tpu.memory_space<vmem>>, vector<16xi32>,
        %broadcast_in_dim3A_919 = vector.broadcast %shift_right_arithmetic3A_909 : i32 to vector<16xi32>
        %add3A_920 = vector.broadcast %mul3A_913 : i32 to vector<16xi32>
        %add3A_921 = arith.addi %add3A_920, %iota3A : vector<16xi32>
        %gather3A_922 = arith.constant 3 : i32
        %gather3A_923 = arith.constant 0 : i32
        %gather3A_924 = arith.constant 0 : i32
        %gather3A_925 = arith.constant 0 : i32
        %gather3A_926 = tpu.memref_slice %arg6[%gather3A_922, %gather3A_923, %gather3A_924, %gather3A_925] : memref<4x21x8x128xf32, #tpu.memory_space<vmem>> -> memref<1x21x8x128xf32, #tpu.memory_space<vmem>>
        %gather3A_927 = tpu.memref_squeeze %gather3A_926 : memref<1x21x8x128xf32, #tpu.memory_space<vmem>> -> memref<21x8x128xf32, #tpu.memory_space<vmem>>
        %gather3A_928 = tpu.vector_load_idx %gather3A_927[%get3A_918, %broadcast_in_dim3A_919, %add3A_921] : memref<21x8x128xf32, #tpu.memory_space<vmem>>[vector<16xi32>, vector<16xi32>, vector<16xi32>], vector<16xf32>,
        %add3A_929 = arith.constant 1.000000e-10 : f32
        %add3A_930 = vector.broadcast %add3A_929 : f32 to vector<16xf32>
        %add3A_931 = arith.addf %gather3A_928, %add3A_930 : vector<16xf32>
        %gather3A_932 = tpu.vector_load_idx %arg8[%get3A_918] : memref<21xf32, #tpu.memory_space<vmem>>[vector<16xi32>], vector<16xf32>,
        %sub3A_933 = arith.constant 1.000000e+00 : f32
        %sub3A_934 = vector.broadcast %sub3A_933 : f32 to vector<16xf32>
        %sub3A_935 = arith.subf %sub3A_934, %add3A_931 : vector<16xf32>
        %mul3A_936 = arith.mulf %gather3A_932, %sub3A_935 : vector<16xf32>
        %mul3A_937 = arith.mulf %mul3A_936, %sub3A_935 : vector<16xf32>
        %bitcast3A_938 = vector.bitcast %add3A_931 : vector<16xf32> to vector<16xi32>
        %shift_right_arithmetic3A_939 = arith.constant 23 : i32
        %shift_right_arithmetic3A_940 = vector.broadcast %shift_right_arithmetic3A_939 : i32 to vector<16xi32>
        %shift_right_arithmetic3A_941 = arith.shrsi %bitcast3A_938, %shift_right_arithmetic3A_940 : vector<16xi32>
        %sub3A_942 = arith.constant 127 : i32
        %sub3A_943 = vector.broadcast %sub3A_942 : i32 to vector<16xi32>
        %sub3A_944 = arith.subi %shift_right_arithmetic3A_941, %sub3A_943 : vector<16xi32>
        %and3A_945 = arith.constant 8388607 : i32
        %and3A_946 = vector.broadcast %and3A_945 : i32 to vector<16xi32>
        %and3A_947 = arith.andi %bitcast3A_938, %and3A_946 : vector<16xi32>
        %or3A_948 = arith.constant 1065353216 : i32
        %or3A_949 = vector.broadcast %or3A_948 : i32 to vector<16xi32>
        %or3A_950 = arith.ori %and3A_947, %or3A_949 : vector<16xi32>
        %bitcast3A_951 = vector.bitcast %or3A_950 : vector<16xi32> to vector<16xf32>
        %gt3A_952 = arith.constant 1.41421354 : f32
        %gt3A_953 = vector.broadcast %gt3A_952 : f32 to vector<16xf32>
        %gt3A_954 = arith.cmpf ogt, %bitcast3A_951, %gt3A_953 : vector<16xf32>
        %mul3A_955 = arith.constant 5.000000e-01 : f32
        %mul3A_956 = vector.broadcast %mul3A_955 : f32 to vector<16xf32>
        %mul3A_957 = arith.mulf %bitcast3A_951, %mul3A_956 : vector<16xf32>
        %select_n3A_958 = arith.select %gt3A_954, %mul3A_957, %bitcast3A_951 : vector<16xi1>, vector<16xf32>
        %add3A_959 = arith.constant 1 : i32
        %add3A_960 = vector.broadcast %add3A_959 : i32 to vector<16xi32>
        %add3A_961 = arith.addi %sub3A_944, %add3A_960 : vector<16xi32>
        %select_n3A_962 = arith.select %gt3A_954, %add3A_961, %sub3A_944 : vector<16xi1>, vector<16xi32>
        %convert_element_type3A_963 = arith.sitofp %select_n3A_962 : vector<16xi32> to vector<16xf32>
        %sub3A_964 = arith.constant 1.000000e+00 : f32
        %sub3A_965 = vector.broadcast %sub3A_964 : f32 to vector<16xf32>
        %sub3A_966 = arith.subf %select_n3A_958, %sub3A_965 : vector<16xf32>
        %add3A_967 = arith.constant 1.000000e+00 : f32
        %add3A_968 = vector.broadcast %add3A_967 : f32 to vector<16xf32>
        %add3A_969 = arith.addf %select_n3A_958, %add3A_968 : vector<16xf32>
        %div3A_970 = arith.divf %sub3A_966, %add3A_969 : vector<16xf32>
        %mul3A_971 = arith.mulf %div3A_970, %div3A_970 : vector<16xf32>
        %mul3A_972 = arith.constant 0.285714298 : f32
        %mul3A_973 = vector.broadcast %mul3A_972 : f32 to vector<16xf32>
        %mul3A_974 = arith.mulf %mul3A_971, %mul3A_973 : vector<16xf32>
        %add3A_975 = arith.constant 4.000000e-01 : f32
        %add3A_976 = vector.broadcast %add3A_975 : f32 to vector<16xf32>
        %add3A_977 = arith.addf %add3A_976, %mul3A_974 : vector<16xf32>
        %mul3A_978 = arith.mulf %mul3A_971, %add3A_977 : vector<16xf32>
        %add3A_979 = arith.constant 0.666666686 : f32
        %add3A_980 = vector.broadcast %add3A_979 : f32 to vector<16xf32>
        %add3A_981 = arith.addf %add3A_980, %mul3A_978 : vector<16xf32>
        %mul3A_982 = arith.mulf %mul3A_971, %add3A_981 : vector<16xf32>
        %add3A_983 = arith.constant 2.000000e+00 : f32
        %add3A_984 = vector.broadcast %add3A_983 : f32 to vector<16xf32>
        %add3A_985 = arith.addf %add3A_984, %mul3A_982 : vector<16xf32>
        %mul3A_986 = arith.mulf %div3A_970, %add3A_985 : vector<16xf32>
        %mul3A_987 = arith.constant 0.693147182 : f32
        %mul3A_988 = vector.broadcast %mul3A_987 : f32 to vector<16xf32>
        %mul3A_989 = arith.mulf %convert_element_type3A_963, %mul3A_988 : vector<16xf32>
        %add3A_990 = arith.addf %mul3A_989, %mul3A_986 : vector<16xf32>
        %mul3A_991 = arith.mulf %mul3A_937, %add3A_990 : vector<16xf32>
        %sub3A_992 = arith.subf %sub3A_905, %mul3A_991 : vector<16xf32>
        %scan3A_993 = arith.constant 3 : i32
        %scan3A_994 = arith.addi %scan3A_738, %scan3A_993 : i32
        %shift_right_arithmetic3A_995 = arith.constant 3 : i32
        %shift_right_arithmetic3A_996 = arith.shrsi %scan3A_994, %shift_right_arithmetic3A_995 : i32
        %and3A_997 = arith.constant 7 : i32
        %and3A_998 = arith.andi %scan3A_994, %and3A_997 : i32
        %mul3A_999 = arith.constant 16 : i32
        %mul3A_1000 = arith.muli %and3A_998, %mul3A_999 : i32
        %get3A_1001 = arith.constant 3 : i32
        %get3A_1002 = arith.index_cast %get3A_1001 : i32 to index
        %get3A_1003 = arith.index_cast %shift_right_arithmetic3A_996 : i32 to index
        %get3A_1004 = arith.index_cast %mul3A_1000 : i32 to index
        %get3A_1005 = tpu.vector_load %arg7[%get3A_1002, %get3A_1003, %get3A_1004] {strides = array<i32>} : memref<4x8x128xi32, #tpu.memory_space<vmem>>, vector<16xi32>,
        %broadcast_in_dim3A_1006 = vector.broadcast %shift_right_arithmetic3A_996 : i32 to vector<16xi32>
        %add3A_1007 = vector.broadcast %mul3A_1000 : i32 to vector<16xi32>
        %add3A_1008 = arith.addi %add3A_1007, %iota3A : vector<16xi32>
        %gather3A_1009 = arith.constant 3 : i32
        %gather3A_1010 = arith.constant 0 : i32
        %gather3A_1011 = arith.constant 0 : i32
        %gather3A_1012 = arith.constant 0 : i32
        %gather3A_1013 = tpu.memref_slice %arg6[%gather3A_1009, %gather3A_1010, %gather3A_1011, %gather3A_1012] : memref<4x21x8x128xf32, #tpu.memory_space<vmem>> -> memref<1x21x8x128xf32, #tpu.memory_space<vmem>>
        %gather3A_1014 = tpu.memref_squeeze %gather3A_1013 : memref<1x21x8x128xf32, #tpu.memory_space<vmem>> -> memref<21x8x128xf32, #tpu.memory_space<vmem>>
        %gather3A_1015 = tpu.vector_load_idx %gather3A_1014[%get3A_1005, %broadcast_in_dim3A_1006, %add3A_1008] : memref<21x8x128xf32, #tpu.memory_space<vmem>>[vector<16xi32>, vector<16xi32>, vector<16xi32>], vector<16xf32>,
        %add3A_1016 = arith.constant 1.000000e-10 : f32
        %add3A_1017 = vector.broadcast %add3A_1016 : f32 to vector<16xf32>
        %add3A_1018 = arith.addf %gather3A_1015, %add3A_1017 : vector<16xf32>
        %gather3A_1019 = tpu.vector_load_idx %arg8[%get3A_1005] : memref<21xf32, #tpu.memory_space<vmem>>[vector<16xi32>], vector<16xf32>,
        %sub3A_1020 = arith.constant 1.000000e+00 : f32
        %sub3A_1021 = vector.broadcast %sub3A_1020 : f32 to vector<16xf32>
        %sub3A_1022 = arith.subf %sub3A_1021, %add3A_1018 : vector<16xf32>
        %mul3A_1023 = arith.mulf %gather3A_1019, %sub3A_1022 : vector<16xf32>
        %mul3A_1024 = arith.mulf %mul3A_1023, %sub3A_1022 : vector<16xf32>
        %bitcast3A_1025 = vector.bitcast %add3A_1018 : vector<16xf32> to vector<16xi32>
        %shift_right_arithmetic3A_1026 = arith.constant 23 : i32
        %shift_right_arithmetic3A_1027 = vector.broadcast %shift_right_arithmetic3A_1026 : i32 to vector<16xi32>
        %shift_right_arithmetic3A_1028 = arith.shrsi %bitcast3A_1025, %shift_right_arithmetic3A_1027 : vector<16xi32>
        %sub3A_1029 = arith.constant 127 : i32
        %sub3A_1030 = vector.broadcast %sub3A_1029 : i32 to vector<16xi32>
        %sub3A_1031 = arith.subi %shift_right_arithmetic3A_1028, %sub3A_1030 : vector<16xi32>
        %and3A_1032 = arith.constant 8388607 : i32
        %and3A_1033 = vector.broadcast %and3A_1032 : i32 to vector<16xi32>
        %and3A_1034 = arith.andi %bitcast3A_1025, %and3A_1033 : vector<16xi32>
        %or3A_1035 = arith.constant 1065353216 : i32
        %or3A_1036 = vector.broadcast %or3A_1035 : i32 to vector<16xi32>
        %or3A_1037 = arith.ori %and3A_1034, %or3A_1036 : vector<16xi32>
        %bitcast3A_1038 = vector.bitcast %or3A_1037 : vector<16xi32> to vector<16xf32>
        %gt3A_1039 = arith.constant 1.41421354 : f32
        %gt3A_1040 = vector.broadcast %gt3A_1039 : f32 to vector<16xf32>
        %gt3A_1041 = arith.cmpf ogt, %bitcast3A_1038, %gt3A_1040 : vector<16xf32>
        %mul3A_1042 = arith.constant 5.000000e-01 : f32
        %mul3A_1043 = vector.broadcast %mul3A_1042 : f32 to vector<16xf32>
        %mul3A_1044 = arith.mulf %bitcast3A_1038, %mul3A_1043 : vector<16xf32>
        %select_n3A_1045 = arith.select %gt3A_1041, %mul3A_1044, %bitcast3A_1038 : vector<16xi1>, vector<16xf32>
        %add3A_1046 = arith.constant 1 : i32
        %add3A_1047 = vector.broadcast %add3A_1046 : i32 to vector<16xi32>
        %add3A_1048 = arith.addi %sub3A_1031, %add3A_1047 : vector<16xi32>
        %select_n3A_1049 = arith.select %gt3A_1041, %add3A_1048, %sub3A_1031 : vector<16xi1>, vector<16xi32>
        %convert_element_type3A_1050 = arith.sitofp %select_n3A_1049 : vector<16xi32> to vector<16xf32>
        %sub3A_1051 = arith.constant 1.000000e+00 : f32
        %sub3A_1052 = vector.broadcast %sub3A_1051 : f32 to vector<16xf32>
        %sub3A_1053 = arith.subf %select_n3A_1045, %sub3A_1052 : vector<16xf32>
        %add3A_1054 = arith.constant 1.000000e+00 : f32
        %add3A_1055 = vector.broadcast %add3A_1054 : f32 to vector<16xf32>
        %add3A_1056 = arith.addf %select_n3A_1045, %add3A_1055 : vector<16xf32>
        %div3A_1057 = arith.divf %sub3A_1053, %add3A_1056 : vector<16xf32>
        %mul3A_1058 = arith.mulf %div3A_1057, %div3A_1057 : vector<16xf32>
        %mul3A_1059 = arith.constant 0.285714298 : f32
        %mul3A_1060 = vector.broadcast %mul3A_1059 : f32 to vector<16xf32>
        %mul3A_1061 = arith.mulf %mul3A_1058, %mul3A_1060 : vector<16xf32>
        %add3A_1062 = arith.constant 4.000000e-01 : f32
        %add3A_1063 = vector.broadcast %add3A_1062 : f32 to vector<16xf32>
        %add3A_1064 = arith.addf %add3A_1063, %mul3A_1061 : vector<16xf32>
        %mul3A_1065 = arith.mulf %mul3A_1058, %add3A_1064 : vector<16xf32>
        %add3A_1066 = arith.constant 0.666666686 : f32
        %add3A_1067 = vector.broadcast %add3A_1066 : f32 to vector<16xf32>
        %add3A_1068 = arith.addf %add3A_1067, %mul3A_1065 : vector<16xf32>
        %mul3A_1069 = arith.mulf %mul3A_1058, %add3A_1068 : vector<16xf32>
        %add3A_1070 = arith.constant 2.000000e+00 : f32
        %add3A_1071 = vector.broadcast %add3A_1070 : f32 to vector<16xf32>
        %add3A_1072 = arith.addf %add3A_1071, %mul3A_1069 : vector<16xf32>
        %mul3A_1073 = arith.mulf %div3A_1057, %add3A_1072 : vector<16xf32>
        %mul3A_1074 = arith.constant 0.693147182 : f32
        %mul3A_1075 = vector.broadcast %mul3A_1074 : f32 to vector<16xf32>
        %mul3A_1076 = arith.mulf %convert_element_type3A_1050, %mul3A_1075 : vector<16xf32>
        %add3A_1077 = arith.addf %mul3A_1076, %mul3A_1073 : vector<16xf32>
        %mul3A_1078 = arith.mulf %mul3A_1024, %add3A_1077 : vector<16xf32>
        %sub3A_1079 = arith.subf %sub3A_992, %mul3A_1078 : vector<16xf32>
        scf.yield %sub3A_1079 : vector<16xf32>
      }
      %scan3A_730 = arith.constant 64 : i32
      %add3A_731 = arith.constant 4 : i32
      %add3A_732 = arith.addi %add3A_678, %add3A_731 : i32
      %lt3A_733 = arith.constant 48 : i32
      %lt3A_734 = arith.cmpi slt, %add3A_732, %lt3A_733 : i32
      %convert_element_type3A_735 = arith.extui %lt3A_734 : i1 to i32
      %cond3A_736 = arith.constant 0 : i32
      %cond3A_737 = arith.cmpi ne, %convert_element_type3A_735, %cond3A_736 : i32
      scf.if %cond3A_737 {
        %add3A_738 = arith.constant 4 : i32
        %add3A_739 = arith.addi %add3A_678, %add3A_738 : i32
        %mul3A_740 = arith.constant 32 : i32
        %mul3A_741 = arith.muli %add3A_739, %mul3A_740 : i32
        %add3A_742 = arith.constant 512 : i32
        %add3A_743 = arith.addi %add3A_742, %mul3A_741 : i32
        %add3A_744 = arith.addi %add3A_743, %add3A : i32
        %jit3A_745 = arith.constant 256 : i32
        %div3A_746 = arith.divsi %add3A_744, %jit3A_745 : i32
        %sign3A_747 = arith.constant 0 : i32
        %sign3A_748 = arith.cmpi sgt, %add3A_744, %sign3A_747 : i32
        %sign3A_749 = arith.extui %sign3A_748 : i1 to i32
        %sign3A_750 = arith.constant 0 : i32
        %sign3A_751 = arith.cmpi slt, %add3A_744, %sign3A_750 : i32
        %sign3A_752 = arith.extui %sign3A_751 : i1 to i32
        %sign3A_753 = arith.subi %sign3A_749, %sign3A_752 : i32
        %sign3A_754 = arith.constant 0 : i32
        %sign3A_755 = arith.cmpi sgt, %jit3A_745, %sign3A_754 : i32
        %sign3A_756 = arith.extui %sign3A_755 : i1 to i32
        %sign3A_757 = arith.constant 0 : i32
        %sign3A_758 = arith.cmpi slt, %jit3A_745, %sign3A_757 : i32
        %sign3A_759 = arith.extui %sign3A_758 : i1 to i32
        %sign3A_760 = arith.subi %sign3A_756, %sign3A_759 : i32
        %ne3A_761 = arith.cmpi ne, %sign3A_753, %sign3A_760 : i32
        %rem3A_762 = arith.remsi %add3A_744, %jit3A_745 : i32
        %ne3A_763 = arith.constant 0 : i32
        %ne3A_764 = arith.cmpi ne, %rem3A_762, %ne3A_763 : i32
        %and3A_765 = arith.andi %ne3A_761, %ne3A_764 : i1
        %sub3A_766 = arith.constant 1 : i32
        %sub3A_767 = arith.subi %div3A_746, %sub3A_766 : i32
        %select_n3A_768 = arith.select %and3A_765, %sub3A_767, %div3A_746 : i32
        %jit3A_769 = arith.constant 256 : i32
        %eq3A_770 = arith.constant 0 : i32
        %eq3A_771 = arith.cmpi eq, %jit3A_769, %eq3A_770 : i32
        %jit3A_772 = arith.constant 1 : i32
        %select_n3A_773 = arith.select %eq3A_771, %jit3A_772, %jit3A_769 : i32
        %rem3A_774 = arith.remsi %add3A_744, %select_n3A_773 : i32
        %ne3A_775 = arith.constant 0 : i32
        %ne3A_776 = arith.cmpi ne, %rem3A_774, %ne3A_775 : i32
        %lt3A_777 = arith.constant 0 : i32
        %lt3A_778 = arith.cmpi slt, %rem3A_774, %lt3A_777 : i32
        %lt3A_779 = arith.constant 0 : i32
        %lt3A_780 = arith.cmpi slt, %select_n3A_773, %lt3A_779 : i32
        %ne3A_781 = arith.xori %lt3A_778, %lt3A_780 : i1
        %and3A_782 = arith.andi %ne3A_781, %ne3A_776 : i1
        %add3A_783 = arith.addi %rem3A_774, %select_n3A_773 : i32
        %select_n3A_784 = arith.select %and3A_782, %add3A_783, %rem3A_774 : i32
        %jit3A_785 = arith.constant 4 : i32
        %div3A_786 = arith.divsi %select_n3A_784, %jit3A_785 : i32
        %sign3A_787 = arith.constant 0 : i32
        %sign3A_788 = arith.cmpi sgt, %select_n3A_784, %sign3A_787 : i32
        %sign3A_789 = arith.extui %sign3A_788 : i1 to i32
        %sign3A_790 = arith.constant 0 : i32
        %sign3A_791 = arith.cmpi slt, %select_n3A_784, %sign3A_790 : i32
        %sign3A_792 = arith.extui %sign3A_791 : i1 to i32
        %sign3A_793 = arith.subi %sign3A_789, %sign3A_792 : i32
        %sign3A_794 = arith.constant 0 : i32
        %sign3A_795 = arith.cmpi sgt, %jit3A_785, %sign3A_794 : i32
        %sign3A_796 = arith.extui %sign3A_795 : i1 to i32
        %sign3A_797 = arith.constant 0 : i32
        %sign3A_798 = arith.cmpi slt, %jit3A_785, %sign3A_797 : i32
        %sign3A_799 = arith.extui %sign3A_798 : i1 to i32
        %sign3A_800 = arith.subi %sign3A_796, %sign3A_799 : i32
        %ne3A_801 = arith.cmpi ne, %sign3A_793, %sign3A_800 : i32
        %rem3A_802 = arith.remsi %select_n3A_784, %jit3A_785 : i32
        %ne3A_803 = arith.constant 0 : i32
        %ne3A_804 = arith.cmpi ne, %rem3A_802, %ne3A_803 : i32
        %and3A_805 = arith.andi %ne3A_801, %ne3A_804 : i1
        %sub3A_806 = arith.constant 1 : i32
        %sub3A_807 = arith.subi %div3A_786, %sub3A_806 : i32
        %select_n3A_808 = arith.select %and3A_805, %sub3A_807, %div3A_786 : i32
        %mul3A_809 = arith.constant 8 : i32
        %mul3A_810 = arith.muli %select_n3A_808, %mul3A_809 : i32
        %jit3A_811 = arith.constant 4 : i32
        %eq3A_812 = arith.constant 0 : i32
        %eq3A_813 = arith.cmpi eq, %jit3A_811, %eq3A_812 : i32
        %jit3A_814 = arith.constant 1 : i32
        %select_n3A_815 = arith.select %eq3A_813, %jit3A_814, %jit3A_811 : i32
        %rem3A_816 = arith.remsi %select_n3A_784, %select_n3A_815 : i32
        %ne3A_817 = arith.constant 0 : i32
        %ne3A_818 = arith.cmpi ne, %rem3A_816, %ne3A_817 : i32
        %lt3A_819 = arith.constant 0 : i32
        %lt3A_820 = arith.cmpi slt, %rem3A_816, %lt3A_819 : i32
        %lt3A_821 = arith.constant 0 : i32
        %lt3A_822 = arith.cmpi slt, %select_n3A_815, %lt3A_821 : i32
        %ne3A_823 = arith.xori %lt3A_820, %lt3A_822 : i1
        %and3A_824 = arith.andi %ne3A_823, %ne3A_818 : i1
        %add3A_825 = arith.addi %rem3A_816, %select_n3A_815 : i32
        %select_n3A_826 = arith.select %and3A_824, %add3A_825, %rem3A_816 : i32
        %mul3A_827 = arith.constant 128 : i32
        %mul3A_828 = arith.muli %select_n3A_826, %mul3A_827 : i32
        %dma_start3A_829 = arith.constant 3 : i32
        %dma_start3A_830 = arith.constant 3 : i32
        %dma_start3A_831 = arith.constant 0 : i32
        %dma_start3A_832 = arith.constant 0 : i32
        %dma_start3A_833 = arith.constant 0 : i32
        %dma_start3A_834 = tpu.memref_slice %arg6[%dma_start3A_829, %dma_start3A_831, %dma_start3A_832, %dma_start3A_833] : memref<4x21x8x128xf32, #tpu.memory_space<vmem>> -> memref<1x21x8x128xf32, #tpu.memory_space<vmem>>
        %dma_start3A_835 = tpu.memref_squeeze %dma_start3A_834 : memref<1x21x8x128xf32, #tpu.memory_space<vmem>> -> memref<21x8x128xf32, #tpu.memory_space<vmem>>
        %dma_start3A_836 = arith.constant 0 : i32
        %dma_start3A_837 = tpu.memref_slice %arg2[%select_n3A_768, %dma_start3A_836, %mul3A_810, %mul3A_828] : memref<8x21x512x512xf32, #tpu.memory_space<hbm>> -> memref<1x21x8x128xf32, #tpu.memory_space<hbm>>
        %dma_start3A_838 = tpu.memref_squeeze %dma_start3A_837 : memref<1x21x8x128xf32, #tpu.memory_space<hbm>> -> memref<21x8x128xf32, #tpu.memory_space<hbm>>
        %dma_start3A_839 = tpu.memref_slice %arg10[%dma_start3A_830] : memref<4x!tpu.dma_semaphore, #tpu.memory_space<semaphore_mem>> -> memref<1x!tpu.dma_semaphore, #tpu.memory_space<semaphore_mem>>
        %dma_start3A_840 = tpu.memref_squeeze %dma_start3A_839 : memref<1x!tpu.dma_semaphore, #tpu.memory_space<semaphore_mem>> -> memref<!tpu.dma_semaphore, #tpu.memory_space<semaphore_mem>>
        %dma_start3A_841 = arith.constant 0 : i32
        %dma_start3A_842 = arith.constant 0 : i32
        %dma_start3A_843 = arith.constant 0 : i32
        %dma_start3A_844 = tpu.memref_slice %arg6[%dma_start3A_829, %dma_start3A_841, %dma_start3A_842, %dma_start3A_843] : memref<4x21x8x128xf32, #tpu.memory_space<vmem>> -> memref<1x21x8x128xf32, #tpu.memory_space<vmem>>
        %dma_start3A_845 = tpu.memref_squeeze %dma_start3A_844 : memref<1x21x8x128xf32, #tpu.memory_space<vmem>> -> memref<21x8x128xf32, #tpu.memory_space<vmem>>
        %dma_start3A_846 = arith.constant 0 : i32
        %dma_start3A_847 = tpu.memref_slice %arg2[%select_n3A_768, %dma_start3A_846, %mul3A_810, %mul3A_828] : memref<8x21x512x512xf32, #tpu.memory_space<hbm>> -> memref<1x21x8x128xf32, #tpu.memory_space<hbm>>
        %dma_start3A_848 = tpu.memref_squeeze %dma_start3A_847 : memref<1x21x8x128xf32, #tpu.memory_space<hbm>> -> memref<21x8x128xf32, #tpu.memory_space<hbm>>
        tpu.enqueue_dma source(%dma_start3A_848 : memref<21x8x128xf32, #tpu.memory_space<hbm>>) target(%dma_start3A_845 : memref<21x8x128xf32, #tpu.memory_space<vmem>>) target_semaphore(%dma_start3A_840 : memref<!tpu.dma_semaphore, #tpu.memory_space<semaphore_mem>>)
        %dma_start3A_849 = arith.constant 3 : i32
        %dma_start3A_850 = arith.constant 3 : i32
        %dma_start3A_851 = arith.constant 0 : i32
        %dma_start3A_852 = arith.constant 0 : i32
        %dma_start3A_853 = tpu.memref_slice %arg7[%dma_start3A_849, %dma_start3A_851, %dma_start3A_852] : memref<4x8x128xi32, #tpu.memory_space<vmem>> -> memref<1x8x128xi32, #tpu.memory_space<vmem>>
        %dma_start3A_854 = tpu.memref_squeeze %dma_start3A_853 : memref<1x8x128xi32, #tpu.memory_space<vmem>> -> memref<8x128xi32, #tpu.memory_space<vmem>>
        %dma_start3A_855 = tpu.memref_slice %arg3[%select_n3A_768, %mul3A_810, %mul3A_828] : memref<8x512x512xi32, #tpu.memory_space<hbm>> -> memref<1x8x128xi32, #tpu.memory_space<hbm>>
        %dma_start3A_856 = tpu.memref_squeeze %dma_start3A_855 : memref<1x8x128xi32, #tpu.memory_space<hbm>> -> memref<8x128xi32, #tpu.memory_space<hbm>>
        %dma_start3A_857 = tpu.memref_slice %arg11[%dma_start3A_850] : memref<4x!tpu.dma_semaphore, #tpu.memory_space<semaphore_mem>> -> memref<1x!tpu.dma_semaphore, #tpu.memory_space<semaphore_mem>>
        %dma_start3A_858 = tpu.memref_squeeze %dma_start3A_857 : memref<1x!tpu.dma_semaphore, #tpu.memory_space<semaphore_mem>> -> memref<!tpu.dma_semaphore, #tpu.memory_space<semaphore_mem>>
        %dma_start3A_859 = arith.constant 0 : i32
        %dma_start3A_860 = arith.constant 0 : i32
        %dma_start3A_861 = tpu.memref_slice %arg7[%dma_start3A_849, %dma_start3A_859, %dma_start3A_860] : memref<4x8x128xi32, #tpu.memory_space<vmem>> -> memref<1x8x128xi32, #tpu.memory_space<vmem>>
        %dma_start3A_862 = tpu.memref_squeeze %dma_start3A_861 : memref<1x8x128xi32, #tpu.memory_space<vmem>> -> memref<8x128xi32, #tpu.memory_space<vmem>>
        %dma_start3A_863 = tpu.memref_slice %arg3[%select_n3A_768, %mul3A_810, %mul3A_828] : memref<8x512x512xi32, #tpu.memory_space<hbm>> -> memref<1x8x128xi32, #tpu.memory_space<hbm>>
        %dma_start3A_864 = tpu.memref_squeeze %dma_start3A_863 : memref<1x8x128xi32, #tpu.memory_space<hbm>> -> memref<8x128xi32, #tpu.memory_space<hbm>>
        tpu.enqueue_dma source(%dma_start3A_864 : memref<8x128xi32, #tpu.memory_space<hbm>>) target(%dma_start3A_862 : memref<8x128xi32, #tpu.memory_space<vmem>>) target_semaphore(%dma_start3A_858 : memref<!tpu.dma_semaphore, #tpu.memory_space<semaphore_mem>>)
      } else {
      }
      scf.yield %scan3A_729 : vector<16xf32>
    }
    %scan3A_483 = arith.constant 12 : i32
    %swap3A = arith.constant 0 : index
    %swap3A_484 = tpu.vector_load %arg9[%swap3A] {strides = array<i32>} : memref<16xf32, #tpu.memory_space<vmem>>, vector<16xf32>,
    tpu.vector_store %arg9[%swap3A], %scan3A_482 {strides = array<i32>} : memref<16xf32, #tpu.memory_space<vmem>>, vector<16xf32>,
    %mul3A_485 = arith.constant 16 : i32
    %mul3A_486 = arith.muli %add3A, %mul3A_485 : i32
    "tpu.region"() ({
      %run_scoped3A = tpu.sem_alloc : memref<!tpu.dma_semaphore, #tpu.memory_space<semaphore_mem>>
      %dma_start3A_487 = tpu.memref_slice %arg5[%mul3A_486] : memref<512xf32, #tpu.memory_space<hbm>> -> memref<16xf32, #tpu.memory_space<hbm>>
      %dma_start3A_488 = tpu.memref_slice %arg5[%mul3A_486] : memref<512xf32, #tpu.memory_space<hbm>> -> memref<16xf32, #tpu.memory_space<hbm>>
      tpu.enqueue_dma source(%arg9 : memref<16xf32, #tpu.memory_space<vmem>>) target(%dma_start3A_488 : memref<16xf32, #tpu.memory_space<hbm>>) target_semaphore(%run_scoped3A : memref<!tpu.dma_semaphore, #tpu.memory_space<semaphore_mem>>)
      %dma_wait3A = tpu.memref_slice %arg5[%mul3A_486] : memref<512xf32, #tpu.memory_space<hbm>> -> memref<16xf32, #tpu.memory_space<hbm>>
      %dma_wait3A_489 = tpu.memref_slice %arg5[%mul3A_486] : memref<512xf32, #tpu.memory_space<hbm>> -> memref<16xf32, #tpu.memory_space<hbm>>
      tpu.wait_dma2 semaphore(%run_scoped3A : memref<!tpu.dma_semaphore, #tpu.memory_space<semaphore_mem>>) src(%arg9 : memref<16xf32, #tpu.memory_space<vmem>>) dst(%dma_wait3A_489 : memref<16xf32, #tpu.memory_space<hbm>>)
      tpu.yield
    }) : () -> ()
    return
  }
}

</mosaic_0001>

<sc_bundles>
// kernel: _focal_partials.3.cloned.1.call-start
scs
__scs_entry_jumppad:
0x0: {  	(pc) =	sbr.rel $0x88, $3  }
0x1: {  	(tag) =	ssettag $0x0;
	lr =	simm.s32 $0x1  }
0x2: {  	[smem:$0x3F9E] =	sst lr;
	_ =	strace $0xD0000000  }
0x3: {  	_ = 	snop  }
0x4: {  	_ = 	snop  }
0x5: {  	_ = 	snop  }
0x6: {  	_ = 	snop  }
0x7: {  	_ = 	snop  }
__scs_overlays_trampoline_lowered:
0x8: {  	[smem:$0x3FAD] =	sst s0  }
0x9: {  	[smem:$0x3FAE] =	sst s1  }
0xa: {  	[smem:$0x3FAF] =	sst s2  }
0xb: {  	[smem:$0x3FB0] =	sst s3  }
0xc: {  	[smem:$0x3FB1] =	sst s4  }
0xd: {  	[smem:$0x3FB2] =	sst s5  }
0xe: {  	[smem:$0x3FB3] =	sst s6  }
0xf: {  	[smem:$0x3FB4] =	sst s7  }
0x10: {  	[smem:$0x3FB5] =	sst s8  }
0x11: {  	[smem:$0x3FB6] =	sst s9;
	s0 =	simm.s32 @!p0 $0x0  }
0x12: {  	s1 =	sld [smem:$0x3F9C];
	s0 =	simm.s32 @p0 $0x1  }
0x13: {  	[smem:$0x3FB7] =	sst s0;
	s0 =	simm.s32 @!p1 $0x0  }
0x14: {  	s2 =	sld [smem:$0x3F9B];
	s0 =	simm.s32 @p1 $0x1  }
0x15: {  	[smem:$0x3FB8] =	sst s0;
	s0 =	simm.s32 @!p2 $0x0  }
0x16: {  	s3 =	sld [smem:$0x3FDB];
	s0 =	simm.s32 @p2 $0x1  }
0x17: {  	s4 =	simm.s32 $0x1BF5;
	[smem:$0x3FBA] =	sst s0  }
0x18: {  	s0 =	sld [smem:$0x3F9D];
	_ =	swait.ge [sflag:s4], $0x0  }
0x19: {  	s7 =	sld [smem:$0x3F9E]  }
0x1a: {  	s8 =	sadd.s32 $0xFFFFE003, lr  }
0x1b: {  	s9 =	sadd.s32 $0xFFFFFEF7, lr;
	s5 =	simm.s32 $0xFFFFFFFF;
	p2 =	slt.u32 s8, $0xFFFFF086  }
0x1c: {  	p1 =	slt.u32 s9, $0xF7A;
	s5 =	simm.s32 @!p2 $0x0  }
0x1d: {  	s5 =	simm.s32 @p1 $0x1;
	p0 =	seq.s32 s7, s2  }
0x1e: {  	s7 =	smul.u32 @!p0 $0xF7A, s2;
	p2 =	seq.s32 @!p0 s5, $0x0  }
0x1f: {  	s9 =	smul.u32 $0xF7A, s1;
	s8 =	simm.s32 @!p0 $0x1BF5;
	p2 =	por !p2, p0  }
0x20: {  	[sflag:s8] =	ssyncset.s32 @!p0 $0xFFFFF086;
	s6 =	sadd.s32 @!p0 s3, s7;
	s7 =	simm.s32 @!p0 $0x108  }
0x21: {  	s3 =	sadd.s32 s3, s9;
	s6 =	sadd.s32 @!p0 $0x88, s6;
	s7 =	simm.s32 @p2 $0x1082  }
0x22: {  	[simem:s7], [sflag:s8] =	dma.local @!p0 [hbm:s6], $0xF7A  }
0x23: {  	s9 =	sor.u32 $0xD0000000, s2;
	s6 =	simm.s32 $0x108;
	_ =	swait.ge @!p0 [sflag:s8], $0x0  }
0x24: {  	s3 =	sadd.s32 $0x88, s3;
	s6 =	simm.s32 @!p1 $0x1082;
	[sflag:s4] =	ssyncset.s32 $0xFFFFF086  }
0x25: {  	[simem:s6], [sflag:s4] =	dma.local [hbm:s3], $0xF7A  }
0x26: {  	[smem:$0x3F9E] =	sst s1;
	(tag) =	ssettag s2;
	_ =	strace s9  }
0x27: {  	s1 =	sld [smem:$0x3FAE]  }
0x28: {  	s2 =	sld [smem:$0x3FAF]  }
0x29: {  	s4 =	sld [smem:$0x3FB1]  }
0x2a: {  	p0 =	seq.s32 s5, $0x0;
	s5 =	sld [smem:$0x3FB2]  }
0x2b: {  	s6 =	sld [smem:$0x3FB3]  }
0x2c: {  	s7 =	sld [smem:$0x3FB4]  }
0x2d: {  	s3 =	simm.s32 $0x108;
	s8 =	sld [smem:$0x3FB5]  }
0x2e: {  	s3 =	simm.s32 @!p0 $0x1082;
	s9 =	sld [smem:$0x3FB6]  }
0x2f: {  	lr =	sadd.s32 s0, s3;
	s0 =	sld [smem:$0x3FAD]  }
0x30: {  	s3 =	sld [smem:$0x3FB0]  }
0x31: {  	[smem:$0x3FB9] =	sst s10  }
0x32: {  	s10 =	sld [smem:$0x3FB7];
	_ =	sdelay $0x3  }
0x33: {  	p0 =	seq.s32 s10, $0x1;
	s10 =	sld [smem:$0x3FB9];
	_ =	sdelay $0x3  }
0x34: {  	[smem:$0x3FB9] =	sst s10  }
0x35: {  	s10 =	sld [smem:$0x3FB8];
	_ =	sdelay $0x3  }
0x36: {  	p1 =	seq.s32 s10, $0x1;
	s10 =	sld [smem:$0x3FB9];
	_ =	sdelay $0x3  }
0x37: {  	[smem:$0x3FB9] =	sst s10  }
0x38: {  	s10 =	sld [smem:$0x3FBA]  }
0x39: {  	_ = 	snop;
	(pc) =	sbr.ind lr, $3  }
0x3a: {  	_ = 	snop  }
0x3b: {  	_ = 	snop  }
0x3c: {  	p2 =	seq.s32 s10, $0x1;
	s10 =	sld [smem:$0x3FB9]  }
0x3d: {  	_ =	shalt  }
0x3e: {  	_ =	shalt  }
0x3f: {  	_ =	shalt  }
0x40: {  	_ =	shalt  }
0x41: {  	_ =	shalt  }
0x42: {  	_ =	shalt  }
0x43: {  	_ =	shalt  }
0x44: {  	_ =	shalt  }
0x45: {  	_ =	shalt  }
0x46: {  	_ =	shalt  }
0x47: {  	_ =	shalt  }
0x48: {  	_ =	shalt  }
0x49: {  	_ =	shalt  }
0x4a: {  	_ =	shalt  }
0x4b: {  	_ =	shalt  }
0x4c: {  	_ =	shalt  }
0x4d: {  	_ =	shalt  }
0x4e: {  	_ =	shalt  }
0x4f: {  	_ =	shalt  }
0x50: {  	_ =	shalt  }
0x51: {  	_ =	shalt  }
0x52: {  	_ =	shalt  }
0x53: {  	_ =	shalt  }
0x54: {  	_ =	shalt  }
0x55: {  	_ =	shalt  }
0x56: {  	_ =	shalt  }
0x57: {  	_ =	shalt  }
0x58: {  	_ =	shalt  }
0x59: {  	_ =	shalt  }
0x5a: {  	_ =	shalt  }
0x5b: {  	_ =	shalt  }
0x5c: {  	_ =	shalt  }
0x5d: {  	_ =	shalt  }
0x5e: {  	_ =	shalt  }
0x5f: {  	_ =	shalt  }
0x60: {  	_ =	shalt  }
0x61: {  	_ =	shalt  }
0x62: {  	_ =	shalt  }
0x63: {  	_ =	shalt  }
0x64: {  	_ =	shalt  }
0x65: {  	_ =	shalt  }
0x66: {  	_ =	shalt  }
0x67: {  	_ =	shalt  }
0x68: {  	_ =	shalt  }
0x69: {  	_ =	shalt  }
0x6a: {  	_ =	shalt  }
0x6b: {  	_ =	shalt  }
0x6c: {  	_ =	shalt  }
0x6d: {  	_ =	shalt  }
0x6e: {  	_ =	shalt  }
0x6f: {  	_ =	shalt  }
0x70: {  	_ =	shalt  }
0x71: {  	_ =	shalt  }
0x72: {  	_ =	shalt  }
0x73: {  	_ =	shalt  }
0x74: {  	_ =	shalt  }
0x75: {  	_ =	shalt  }
0x76: {  	_ =	shalt  }
0x77: {  	_ =	shalt  }
0x78: {  	_ =	shalt  }
0x79: {  	_ =	shalt  }
0x7a: {  	_ =	shalt  }
0x7b: {  	_ =	shalt  }
0x7c: {  	_ =	shalt  }
0x7d: {  	_ =	shalt  }
0x7e: {  	_ =	shalt  }
0x7f: {  	_ =	shalt  }
0x80: {  	_ =	shalt  }
0x81: {  	_ =	shalt  }
0x82: {  	_ =	shalt  }
0x83: {  	_ =	shalt  }
0x84: {  	_ =	shalt  }
0x85: {  	_ =	shalt  }
0x86: {  	_ =	shalt  }
0x87: {  	_ =	shalt  }
.Lfunc_end0:
.L_simem_size_0:
called_computation_lowered:
.L_overlay_start_0:
0x88: {  	s2 =	sld [smem:$0x3FD9]  }
0x89: {  	s3 =	sld [smem:$0x3FFE];
	_ =	sdelay $0x1  }
0x8a: {  	s1 =	srdreg.scid  }
0x8b: {  	s0 =	sand.u32 $0x1, s1  }
0x8c: {  	s18 =	sshll.u32 s0, $0xA;
	s2 =	sadd.s32 s3, s2  }
0x8d: {  	s2 =	sadd.s32 s2, s18  }
0x8e: {  	[smem:$0x3FC5] =	sst s2  }
0x8f: {  	_ = 	snop  }
0x90: {  	s2 =	sld [smem:$0x3FC9]  }
0x91: {  	s19 =	sld [smem:$0x3FC8]  }
0x92: {  	s4 =	sld [smem:$0x3FC7]  }
0x93: {  	s5 =	sld [smem:$0x3FD0];
	(tm) =	ssettm $0x1  }
0x94: {  	s6 =	sld [smem:$0x3FFB];
	_ =	sdelay $0x3  }
0x95: {  	_ =	strace s6  }
0x96: {  	s6 =	sld [smem:$0x3FFC];
	_ =	sdelay $0x3  }
0x97: {  	_ =	strace s6  }
0x98: {  	s6 =	sld [smem:$0x3FFD];
	_ =	sdelay $0x3  }
0x99: {  	_ =	strace s6  }
0x9a: {  	_ =	strace $0x8FFFFFFF  }
0x9b: {  	s20 =	sld [smem:$0x3FDB];
	_ =	sdelay $0x1  }
0x9c: {  	s7 =	simm.s32 $_scs_section_size  }
0x9d: {  	s8 =	simm.s32 $_size__tile_overlayer_lowered;
	s9 =	simm.s32 $_tile_overlayer_lowered  }
0x9e: {  	s23 =	simm.s32 $0x1BFF;
	s22 =	sshll.u32 s9, $0x1;
	s6 =	sadd.s32 s7, s20  }
0x9f: {  	s10 =	simm.s32 $0x0;
	s21 =	sshll.u32 s8, $0x1;
	s8 =	sadd.s32 s22, s6  }
0xa0: {  	[timem:s10], [sflag:s23] =	dma.local [hbm:s8], s21  }
0xa1: {  	_ =	swait.ge [sflag:s23], s21  }
0xa2: {  	s7 =	ssub.s32 $0x0, s21;
	[sflag:s23] =	ssyncset.done $0x0  }
0xa3: {  	[sflag:s23] =	ssyncadd.s32 s7;
	_ =	sdelay $0x1  }
0xa4: {  	s24 =	simm.s32 $0x1B8B  }
0xa5: {  	_ =	swait.ge [sflag:s24], $0x1  }
0xa6: {  	[sflag:s24] =	ssyncset.done $0x0  }
0xa7: {  	s25 =	simm.s32 $0x1B8E;
	[sflag:s24] =	ssyncadd.s32 $0xFFFFFFFF  }
0xa8: {  	s26 =	simm.s32 $execute0_lowered;
	[smem:$0x3FD2] =	sst s25  }
0xa9: {  	s7 =	sshll.u32 s26, $0x1;
	_ =	strace $0x80000046;
	[dreg:$0x1] =	wrdreg $0xFFFFFFFF  }
0xaa: {  	s28 =	simm.s32 $_size_execute0_lowered;
	s6 =	sadd.s32 s6, s7;
	[dreg:$0x0] =	wrdreg $0x0  }
0xab: {  	s7 =	sshll.u32 s28, $0x1;
	[dreg:$0x2] =	wrdreg s6  }
0xac: {  	[dreg:$0x3] =	wrdreg s7  }
0xad: {  	[dreg:$0x4] =	wrdreg $0xC0  }
0xae: {  	_ =	task [dreg:s10], $0x5FFFF  }
0xaf: {  	[dreg:$0x1] =	wrdreg $0xFFFFFFFF  }
0xb0: {  	[dreg:$0x0] =	wrdreg $0x60  }
0xb1: {  	[dreg:$0x2] =	wrdreg s2  }
0xb2: {  	[dreg:$0x3] =	wrdreg s19  }
0xb3: {  	[dreg:$0x4] =	wrdreg s4  }
0xb4: {  	[dreg:$0x5] =	wrdreg s5  }
0xb5: {  	[dreg:$0x6] =	wrdreg $0x9  }
0xb6: {  	_ =	task.clear_ibuf [dreg:s10], $0x7FFFF;
	_ =	strace $0x90000046  }
0xb7: {  	s29 =	simm.s32 $0x9;
	_ =	strace $0x80000048  }
0xb8: {  	_ =	swait.ge [sflag:s29], $0x1  }
0xb9: {  	[sflag:s29] =	ssyncadd.s32 $0xFFFFFFFF  }
0xba: {  	_ =	strace $0x90000048  }
0xbb: {  	_ =	sfence  }
0xbc: {  	s30 =	sld [smem:$0x0];
	_ =	sdelay $0x2  }
0xbd: {  	s31 =	sshll.u32 s1, $0xD;
	s1 =	sshrl.u32 s1, $0x2  }
0xbe: {  	s3 =	sand.u32 $0x4000, s31;
	s1 =	sadd.s32 s1, s30  }
0xbf: {  	s0 =	sor.u32 s3, s0;
	s1 =	sshll.u32 s1, $0x11  }
0xc0: {  	s0 =	sor.u32 s1, s0  }
0xc1: {  	s0 =	sadd.s32 $0x8F2B, s0  }
0xc2: {  	[sflag:s0] =	ssyncadd.remote.s32 $0x1  }
0xc3: {  	_ =	sfence.sel $0xFFFF  }
0xc4: {  	[dreg:$0x0] =	wrdreg $0xFFFFFFFF;
	(pc) =	sbr.abs _section_cstart, $3  }
0xc5: {  	[dreg:$0x1] =	wrdreg $0xFFFFFFFF  }
0xc6: {  	_ =	task.clear_ibuf [dreg:s10], $0x2FFFF;
	_ =	strace $0x9FFFFFFF  }
0xc7: {  	(tm) =	ssettm $0x7FFFFFFF  }
tec
execute0_lowered:
.L_overlay_start_1:
0x0: {  	(tag) =	ssettag $0x1  }
0x1: {  	s1 =	rddreg [dreg:$0x0]  }
0x2: {  	s2 =	rddreg [dreg:$0x1]  }
0x3: {  	s0 =	rddreg [dreg:$0x3]  }
0x4: {  	s3 =	srdreg.scid;
	s6 =	stileid.u32;
	s5 =	simm.s32 $0x0  }
0x5: {  	s28 =	simm.s32 $0xFC00;
	s30 =	simm.s32 $0x1;
	s31 =	simm.s32 $0x5  }
0x6: {  	s3 =	sand.u32 $0x1, s3;
	s6 =	sshll.u32 s6, $0x1;
	[smem:$0x7FF] =	sst s5  }
0x7: {  	s4 =	ssub.s32 $0x2, s3;
	s3 =	sor.u32 s3, s6;
	_ =	strace $0x80000047  }
0x8: {  	s18 =	sshll.u32 s3, $0x7;
	s8 =	sshll.u32 s3, $0xA;
	s3 =	sshll.u32 s3, $0x1  }
0x9: {  	s7 =	sshrl.u32 s4, $0x1;
	s9 =	sadd.s32 s18, s1;
	s0 =	sadd.s32 s0, s3  }
0xa: {  	s10 =	sadd.s32 s18, s2;
	s19 =	sadd.s32 $0x150000, s9;
	[dreg:$0xd] =	wrdreg s0  }
0xb: {  	s4 =	ssub.s32 s4, s7;
	s20 =	sadd.s32 $0x10000, s10;
	[dreg:$0x5] =	wrdreg s19  }
0xc: {  	s7 =	sand.u32 $0xC00, s8;
	s21 =	sadd.s32 $0x151000, s9;
	[dreg:$0x6] =	wrdreg s20  }
0xd: {  	s18 =	simm.s32 $0x16000;
	s22 =	sadd.s32 $0x11000, s10;
	[dreg:$0x7] =	wrdreg s21  }
0xe: {  	s3 =	simm.s32 $0x6;
	s23 =	sadd.s32 $0x152000, s9;
	[dreg:$0x8] =	wrdreg s22  }
0xf: {  	s24 =	sadd.s32 $0x12000, s10;
	s25 =	sadd.s32 $0x153000, s9;
	[dreg:$0x9] =	wrdreg s23  }
0x10: {  	s26 =	sadd.s32 $0x13000, s10;
	s29 =	smax.u32 s4, $0x1;
	[dreg:$0xa] =	wrdreg s24  }
.Ltmp0:
0x11: {  	s9 =	simm.s32 $0x9;
	[dreg:$0xb] =	wrdreg s25;
	(pc) =	sbr.rel .LBB2_1-.Ltmp0, $4  }
0x12: {  	s0 =	simm.s32 $0x2;
	s4 =	simm.s32 $0x3;
	[dreg:$0xc] =	wrdreg s26  }
0x13: {  	s10 =	simm.s32 $0x0;
	[dreg:$0xe] =	wrdreg s29;
	s20 =	simm.s32 $0x400  }
0x14: {  	s21 =	simm.s32 $0x40000;
	s23 =	simm.s32 $0x5400;
	s25 =	simm.s32 $0xA800  }
0x15: {  	v0 =	vlaneseq.u32;
	v1 =	vimm.s32 $0xFFFFFF81;
	s22 =	simm.s32 $0x7;
	s24 =	simm.s32 $0x4;
	s26 =	simm.s32 $0x8  }
.LBB2_12:
0x16: {  	[tilespmem:$0x16080] =	vst v2;
	s8 =	rddreg [dreg:$0xd];
	s9 =	simm.s32 $0x16080  }
0x17: {  	[hbm4b:s8+s5] =	stream.linear.scatter [tilespmem:s9], [sflag:$0x9], $0x10, $0x38;
	[tilespmem:$0x16100] =	vst v63  }
0x18: {  	s9 =	simm.s32 $0x9  }
0x19: {  	_ =	swait.ge [sflag:s9], $0x10  }
0x1a: {  	s10 =	rddreg [dreg:$0xf]  }
0x1b: {  	s29 =	rddreg [dreg:$0xe];
	s10 =	sadd.s32 $0x1, s10  }
0x1c: {  	p0 =	sne.s32 s10, s29  }
.Ltmp1:
0x1d: {  	_ = 	snop;
	(pc) =	sbr.rel @!p0 .LBB2_13-.Ltmp1, $3  }
0x1e: {  	_ =	sdelay $0x1  }
0x1f: {  	[sflag:s9] =	ssyncset.done $0x0  }
0x20: {  	[sflag:s9] =	ssyncadd.s32 $0xFFFFFFF0  }
.LBB2_1:
0x21: {  	[dreg:$0xf] =	wrdreg s10  }
0x22: {  	s8 =	rddreg [dreg:$0x2]  }
0x23: {  	[tilespmem:s18], [sflag:$0x9] =	stream.linear.gather [hbm4b:s8+s5], $0x80, $0x38;
	[tilespmem:$0x16100] =	vst v63  }
0x24: {  	_ =	swait.ge [sflag:s9], $0x80  }
0x25: {  	[sflag:s9] =	ssyncset.done $0x0  }
0x26: {  	s29 =	rddreg [dreg:$0x5];
	[sflag:s9] =	ssyncadd.s32 $0xFFFFFF80  }
0x27: {  	[tilespmem:s5], [sflag:$0x1] =	stream.strided.gather [hbm4b:s29+s20], $0x5400, s21, s20, $0x38;
	[tilespmem:$0x16100] =	vst v63  }
0x28: {  	s10 =	simm.s32 $0x15000;
	s9 =	rddreg [dreg:$0x6]  }
0x29: {  	[tilespmem:s10], [sflag:$0x5] =	stream.linear.gather [hbm4b:s9+s5], $0x400, $0x38;
	[tilespmem:$0x16100] =	vst v63  }
0x2a: {  	s11 =	rddreg [dreg:$0x7]  }
0x2b: {  	[tilespmem:s23], [sflag:$0x2] =	stream.strided.gather [hbm4b:s11+s20], $0x5400, s21, s20, $0x38;
	[tilespmem:$0x16100] =	vst v63  }
0x2c: {  	s13 =	simm.s32 $0x15400;
	s12 =	rddreg [dreg:$0x8]  }
0x2d: {  	[tilespmem:s13], [sflag:$0x6] =	stream.linear.gather [hbm4b:s12+s5], $0x400, $0x38;
	[tilespmem:$0x16100] =	vst v63  }
0x2e: {  	s14 =	rddreg [dreg:$0x9]  }
0x2f: {  	[tilespmem:s25], [sflag:$0x3] =	stream.strided.gather [hbm4b:s14+s20], $0x5400, s21, s20, $0x38;
	[tilespmem:$0x16100] =	vst v63  }
0x30: {  	s16 =	simm.s32 $0x15800;
	s15 =	rddreg [dreg:$0xa]  }
0x31: {  	[tilespmem:s16], [sflag:$0x7] =	stream.linear.gather [hbm4b:s15+s5], $0x400, $0x38;
	[tilespmem:$0x16100] =	vst v63  }
0x32: {  	s17 =	rddreg [dreg:$0xb]  }
0x33: {  	[tilespmem:s28], [sflag:$0x4] =	stream.strided.gather [hbm4b:s17+s20], $0x5400, s21, s20, $0x38;
	[tilespmem:$0x16100] =	vst v63  }
0x34: {  	s19 =	rddreg [dreg:$0xc];
	s29 =	simm.s32 $0x15C00;
	s9 =	simm.s32 $0x0  }
0x35: {  	v2 =	vimm.f32 $0.0e+00;
	[tilespmem:s29], [sflag:$0x8] =	stream.linear.gather [hbm4b:s19+s5], $0x400, $0x38;
	[tilespmem:$0x16100] =	vst v63  }
.LBB2_2:
0x36: {  	_ =	swait.ge [sflag:s30], $0x5400  }
0x37: {  	[sflag:s30] =	ssyncset.done $0x0  }
0x38: {  	s12 =	simm.s32 $0x0;
	[sflag:s30] =	ssyncadd.s32 $0xFFFFAC00  }
0x39: {  	s10 =	simm.s32 $0x0;
	s17 =	sand.u32 $0x3FFFFF80, s12;
	_ =	swait.ge [sflag:s31], $0x400  }
0x3a: {  	s13 =	sand.u32 $0x40, s10;
	s10 =	sadd.s32 $0x15000, s17;
	[sflag:s31] =	ssyncset.done $0x0  }
0x3b: {  	s14 =	sor.u32 $0x30, s13;
	s17 =	sor.u32 s13, s10;
	[sflag:s31] =	ssyncadd.s32 $0xFFFFFC00  }
0x3c: {  	s15 =	sor.u32 $0x10, s13;
	s11 =	sor.u32 s14, s10;
	v9 =	vld [tilespmem:s17+$0x0]  }
0x3d: {  	s16 =	sor.u32 $0x20, s13;
	s19 =	sor.u32 s15, s10;
	v7 =	vld [tilespmem:s11+$0x0]  }
0x3e: {  	s10 =	sor.u32 s16, s10;
	v8 =	vld [tilespmem:s19+$0x0]  }
0x3f: {  	v10 =	vld [tilespmem:s10+$0x0];
	_ =	sdelay $0x1  }
0x40: {  	v5 =	vshll.u32 v9, $0xA  }
0x41: {  	s29 =	sand.u32 $0xFFFFFF80, s12;
	s11 =	simm.s32 $0x40;
	s10 =	simm.s32 $0x40;
	v3 =	vshll.u32 v7, $0xA;
	v5 =	vor.u32 s13, v5  }
0x42: {  	s12 =	sand.u32 $0x40, s10;
	s19 =	sand.u32 $0x3FFFFF80, s11;
	v4 =	vshll.u32 v8, $0xA;
	v3 =	vor.u32 s14, v3;
	v5 =	vadd.s32 s29, v5  }
0x43: {  	s17 =	sor.u32 $0x30, s12;
	v6 =	vshll.u32 v10, $0xA;
	s13 =	sadd.s32 $0x15000, s19;
	v3 =	vadd.s32 s29, v3;
	v12 =	vor.u32 v0, v5  }
0x44: {  	v6 =	vor.u32 s16, v6;
	s16 =	sor.u32 $0x20, s12;
	s19 =	sor.u32 s17, s13;
	v11 =	vor.u32 v0, v3;
	v3 =	vor.u32 s15, v4  }
0x45: {  	s8 =	sor.u32 s16, s13;
	v4 =	vadd.s32 s29, v6;
	s15 =	sor.u32 $0x10, s12;
	v6 =	vld [tilespmem:s19+$0x0];
	v3 =	vadd.s32 s29, v3  }
0x46: {  	v5 =	vld [tilespmem:s8+$0x0];
	s29 =	sor.u32 s15, s13;
	v14 =	vor.u32 v0, v3  }
0x47: {  	v13 =	vor.u32 v0, v4;
	v4 =	vld [tilespmem:s29+$0x0]  }
0x48: {  	s19 =	sor.u32 s12, s13;
	v12 =	vld.idx.msk [tilespmem:v12+s5+$0x0], $0xffff  }
0x49: {  	v3 =	vld [tilespmem:s19+$0x0]  }
0x4a: {  	v11 =	vld.idx.msk [tilespmem:v11+s5+$0x0], $0xffff  }
0x4b: {  	v14 =	vld.idx.msk [tilespmem:v14+s5+$0x0], $0xffff  }
0x4c: {  	v13 =	vld.idx.msk [tilespmem:v13+s5+$0x0], $0xffff  }
0x4d: {  	v17 =	vadd.f32 $1.000000010e-10, v12  }
0x4e: {  	v15 =	vshll.u32 v6, $0xA;
	v16 =	vshll.u32 v4, $0xA  }
0x4f: {  	v18 =	vshll.u32 v3, $0xA;
	v19 =	vadd.f32 $1.000000010e-10, v11;
	v11 =	vand.u32 $0x7FFFFF, v17  }
0x50: {  	v16 =	vor.u32 s15, v16;
	v20 =	vadd.f32 $1.000000010e-10, v14;
	v11 =	vor.u32 $0x3F800000, v11  }
0x51: {  	v12 =	vshll.u32 v5, $0xA;
	v13 =	vadd.f32 $1.000000010e-10, v13;
	v21 =	vmul.f32 $5.000000000e-01, v11  }
0x52: {  	v14 =	vor.u32 s17, v15;
	v22 =	vand.u32 $0x7FFFFF, v20;
	vm0 =	vgt.f32 v11, $1.414213540e+00  }
0x53: {  	v15 =	vand.u32 $0x7FFFFF, v19;
	v22 =	vor.u32 $0x3F800000, v22;
	v21 =	vsel vm0, v21, v11  }
0x54: {  	v23 =	vand.u32 $0x7FFFFF, v13;
	v11 =	vmul.f32 $5.000000000e-01, v22;
	v24 =	vadd.f32 $1.000000000e+00, v21  }
0x55: {  	v15 =	vor.u32 $0x3F800000, v15;
	v23 =	vor.u32 $0x3F800000, v23;
	vm1 =	vgt.f32 v22, $1.414213540e+00  }
0x56: {  	v25 =	vmul.f32 $5.000000000e-01, v23;
	v22 =	vsel vm1, v11, v22;
	(erf) = vrcp.f32 v24  }
0x57: {  	vm2 =	vgt.f32 v23, $1.414213540e+00;
	v11 =	vmul.f32 $5.000000000e-01, v15;
	v26 =	vadd.f32 $1.000000000e+00, v22  }
0x58: {  	v12 =	vor.u32 s16, v12;
	vm3 =	vgt.f32 v15, $1.414213540e+00;
	v23 =	vsel vm2, v25, v23  }
0x59: {  	v24 =	vadd.f32 $1.000000000e+00, v23;
	v29 =	vsel vm3, v11, v15;
	(erf) = vrcp.f32 v26  }
0x5a: {  	v27 =	vsub.f32 $1.000000000e+00, v17;
	v28 =	vshra.s32 v17, $0x17;
	v11 =	vadd.f32 $1.000000000e+00, v29  }
0x5b: {  	v32 =	vsub.f32 $1.000000000e+00, v13;
	v31 =	vsel vm2, $0xFFFFFF82, v1;
	v15 =	vld.idx.msk [tilespmem:v7+s18+$0x0], $0xffff;
	(erf) = vrcp.f32 v24  }
0x5c: {  	s29 =	sand.u32 $0xFFFFFF80, s11;
	v25 =	vshra.s32 v13, $0x17;
	v7 =	vor.u32 s12, v18;
	v18 =	vld.idx.msk [tilespmem:v10+s18+$0x0], $0xffff;
	(erf) = vrcp.f32 v11  }
0x5d: {  	v10 =	vadd.s32 s29, v16;
	v16 =	vadd.s32 s29, v12;
	v7 =	vadd.s32 s29, v7;
	v26 =	vld.idx.msk [tilespmem:v9+s18+$0x0], $0xffff  }
0x5e: {  	v24 =	vld.idx.msk [tilespmem:v8+s18+$0x0], $0xffff;
	v8 =	vor.u32 v0, v10;
	v10 =	vor.u32 v0, v16;
	v16 =	vadd.f32 $-1.000000000e+00, v21  }
0x5f: {  	v12 =	vadd.s32 s29, v14;
	v11 =	vor.u32 v0, v7;
	v7 =	vsub.f32 $1.000000000e+00, v19;
	v13 =	vpop (erf)  }
0x60: {  	v14 =	vshra.s32 v19, $0x17;
	v16 =	vmul.f32 v13, v16;
	v13 =	vadd.f32 $-1.000000000e+00, v22  }
0x61: {  	v12 =	vor.u32 v0, v12;
	v21 =	vshra.s32 v20, $0x17;
	v9 =	vmul.f32 v7, v15  }
0x62: {  	v19 =	vsub.f32 $1.000000000e+00, v20;
	v30 =	vmul.f32 v27, v26;
	v20 =	vpop (erf);
	v26 =	vmul.f32 v16, v16  }
0x63: {  	v18 =	vmul.f32 v32, v18;
	v15 =	vadd.f32 $-1.000000000e+00, v23;
	v17 =	vmul.f32 v20, v13  }
0x64: {  	v23 =	vadd.f32 $-1.000000000e+00, v29;
	v22 =	vmul.f32 v19, v24;
	v13 =	vpop (erf);
	v33 =	vmul.f32 $2.857142980e-01, v26  }
0x65: {  	v29 =	vsel vm1, $0xFFFFFF82, v1;
	v24 =	vmul.f32 v17, v17;
	v15 =	vmul.f32 v13, v15;
	v34 =	vpop (erf)  }
0x66: {  	v20 =	vsel vm3, $0xFFFFFF82, v1;
	v13 =	vmul.f32 v18, v32;
	v18 =	vmul.f32 v34, v23  }
0x67: {  	v33 =	vadd.f32 $4.000000060e-01, v33;
	v63 =	vmul.f32 $2.857142980e-01, v24;
	v23 =	vmul.f32 v15, v15  }
0x68: {  	v19 =	vmul.f32 v22, v19;
	v32 =	vsel vm0, $0xFFFFFF82, v1;
	v22 =	vmul.f32 v18, v18  }
0x69: {  	s11 =	simm.s32 $0x4;
	v33 =	vmul.f32 v33, v26;
	v34 =	vadd.f32 $4.000000060e-01, v63;
	v35 =	vmul.f32 $2.857142980e-01, v23  }
.LBB2_3:
0x6a: {  	s11 =	sadd.s32 $0x4, s11;
	v27 =	vmul.f32 v30, v27;
	v25 =	vadd.s32 v25, v31;
	v30 =	vmul.f32 $2.857142980e-01, v22  }
0x6b: {  	s10 =	sadd.s32 $0x40, s10;
	s12 =	sshll.u32 s11, $0x4;
	p0 =	slt.u32 s11, $0x3C;
	v31 =	vadd.f32 $6.666666860e-01, v33;
	v33 =	vmul.f32 v34, v24;
	v34 =	vadd.f32 $4.000000060e-01, v35  }
0x6c: {  	v28 =	vadd.s32 v28, v32;
	s13 =	sand.u32 $0x40, s10;
	v25 =	vcvt.s32.f32 v25;
	s8 =	sand.u32 $0x3FFFFF80, s12;
	v30 =	vadd.f32 $4.000000060e-01, v30  }
0x6d: {  	s16 =	sor.u32 $0x30, s13;
	s8 =	sadd.s32 $0x15000, s8;
	v26 =	vmul.f32 v31, v26;
	v31 =	vadd.f32 $6.666666860e-01, v33;
	v32 =	vmul.f32 v34, v23  }
0x6e: {  	v21 =	vadd.s32 v21, v29;
	v28 =	vcvt.s32.f32 v28;
	s14 =	sor.u32 $0x20, s13;
	s17 =	sor.u32 s16, s8;
	v29 =	vmul.f32 v30, v22  }
0x6f: {  	s15 =	sor.u32 $0x10, s13;
	s19 =	sor.u32 s14, s8;
	v30 =	vld [tilespmem:s17+$0x0];
	v26 =	vadd.f32 $2.000000000e+00, v26;
	v24 =	vmul.f32 v31, v24;
	v31 =	vadd.f32 $6.666666860e-01, v32  }
0x70: {  	v21 =	vcvt.s32.f32 v21;
	v28 =	vmul.f32 $6.931471820e-01, v28;
	s17 =	sor.u32 s15, s8;
	v32 =	vld [tilespmem:s19+$0x0];
	v29 =	vadd.f32 $6.666666860e-01, v29  }
0x71: {  	s8 =	sor.u32 s13, s8;
	v33 =	vld [tilespmem:s17+$0x0];
	v16 =	vmul.f32 v26, v16;
	v24 =	vadd.f32 $2.000000000e+00, v24;
	v23 =	vmul.f32 v31, v23  }
0x72: {  	v14 =	vadd.s32 v14, v20;
	v21 =	vmul.f32 $6.931471820e-01, v21;
	v26 =	vld [tilespmem:s8+$0x0];
	v20 =	vmul.f32 v29, v22  }
0x73: {  	v12 =	vld.idx.msk [tilespmem:v12+s5+$0x0], $0xffff;
	v16 =	vadd.f32 v16, v28;
	v17 =	vmul.f32 v24, v17;
	v22 =	vadd.f32 $2.000000000e+00, v23  }
0x74: {  	v14 =	vcvt.s32.f32 v14;
	v23 =	vmul.f32 $6.931471820e-01, v25;
	v11 =	vld.idx.msk [tilespmem:v11+s5+$0x0], $0xffff;
	v20 =	vadd.f32 $2.000000000e+00, v20  }
0x75: {  	v10 =	vld.idx.msk [tilespmem:v10+s5+$0x0], $0xffff;
	v16 =	vmul.f32 v16, v27;
	v17 =	vadd.f32 v17, v21;
	v15 =	vmul.f32 v22, v15  }
0x76: {  	v14 =	vmul.f32 $6.931471820e-01, v14;
	v21 =	vshll.u32 v30, $0xA;
	v8 =	vld.idx.msk [tilespmem:v8+s5+$0x0], $0xffff;
	v18 =	vmul.f32 v20, v18  }
0x77: {  	v2 =	vsub.f32 v2, v16;
	v16 =	vmul.f32 v17, v19;
	v15 =	vadd.f32 v15, v23  }
0x78: {  	v7 =	vmul.f32 v9, v7;
	v17 =	vshll.u32 v33, $0xA;
	v19 =	vshll.u32 v32, $0xA  }
0x79: {  	v2 =	vsub.f32 v2, v16;
	v9 =	vmul.f32 v15, v13;
	v13 =	vadd.f32 v18, v14  }
0x7a: {  	v14 =	vshll.u32 v26, $0xA;
	v15 =	vor.u32 s16, v21;
	v18 =	vadd.f32 $1.000000010e-10, v11  }
0x7b: {  	v16 =	vadd.f32 $1.000000010e-10, v12;
	v2 =	vsub.f32 v2, v9;
	v7 =	vmul.f32 v13, v7  }
0x7c: {  	v20 =	vadd.f32 $1.000000010e-10, v10;
	v9 =	vand.u32 $0x7FFFFF, v18;
	v13 =	vadd.f32 $1.000000010e-10, v8  }
0x7d: {  	v8 =	vor.u32 $0x3F800000, v9;
	v9 =	vand.u32 $0x7FFFFF, v16;
	v2 =	vsub.f32 v2, v7  }
0x7e: {  	v11 =	vand.u32 $0x7FFFFF, v20;
	v7 =	vmul.f32 $5.000000000e-01, v8;
	v10 =	vand.u32 $0x7FFFFF, v13  }
0x7f: {  	vm0 =	vgt.f32 v8, $1.414213540e+00;
	v9 =	vor.u32 $0x3F800000, v9;
	v10 =	vor.u32 $0x3F800000, v10  }
0x80: {  	v21 =	vsel vm0, v7, v8;
	v7 =	vmul.f32 $5.000000000e-01, v10;
	v8 =	vor.u32 $0x3F800000, v11  }
0x81: {  	vm1 =	vgt.f32 v10, $1.414213540e+00;
	v11 =	vadd.f32 $1.000000000e+00, v21;
	v12 =	vmul.f32 $5.000000000e-01, v8  }
0x82: {  	vm2 =	vgt.f32 v8, $1.414213540e+00;
	v22 =	vsel vm1, v7, v10;
	v7 =	vmul.f32 $5.000000000e-01, v9  }
0x83: {  	v10 =	vadd.f32 $1.000000000e+00, v22;
	v23 =	vsel vm2, v12, v8;
	(erf) = vrcp.f32 v11  }
0x84: {  	vm3 =	vgt.f32 v9, $1.414213540e+00;
	v8 =	vor.u32 s14, v19;
	v11 =	vadd.f32 $1.000000000e+00, v23  }
0x85: {  	v12 =	vor.u32 s15, v17;
	v19 =	vsel vm3, v7, v9;
	v17 =	vld.idx.msk [tilespmem:v6+s18+$0x0], $0xffff;
	(erf) = vrcp.f32 v10;
	v6 =	vmovc v30  }
0x86: {  	s8 =	sand.u32 $0xFFFFFF80, s12;
	v7 =	vor.u32 s13, v14;
	v9 =	vadd.f32 $1.000000000e+00, v19;
	v24 =	vld.idx.msk [tilespmem:v5+s18+$0x0], $0xffff;
	(erf) = vrcp.f32 v11;
	v5 =	vmovc v32  }
0x87: {  	v14 =	vadd.s32 s8, v8;
	v8 =	vadd.s32 s8, v15;
	v10 =	vadd.s32 s8, v12;
	v15 =	vld.idx.msk [tilespmem:v4+s18+$0x0], $0xffff;
	v4 =	vmovc v33  }
0x88: {  	v7 =	vadd.s32 s8, v7;
	v12 =	vor.u32 v0, v8;
	v28 =	vld.idx.msk [tilespmem:v3+s18+$0x0], $0xffff;
	(erf) = vrcp.f32 v9;
	v3 =	vmovc v26  }
0x89: {  	v11 =	vor.u32 v0, v7;
	v8 =	vor.u32 v0, v10;
	v10 =	vor.u32 v0, v14  }
0x8a: {  	v32 =	vsub.f32 $1.000000000e+00, v20;
	v7 =	vsub.f32 $1.000000000e+00, v16;
	v14 =	vshra.s32 v16, $0x17  }
0x8b: {  	v25 =	vshra.s32 v20, $0x17;
	v16 =	vadd.f32 $-1.000000000e+00, v21;
	v33 =	vsub.f32 $1.000000000e+00, v13  }
0x8c: {  	v27 =	vsub.f32 $1.000000000e+00, v18;
	v21 =	vshra.s32 v13, $0x17;
	v9 =	vmul.f32 v7, v17;
	v13 =	vpop (erf)  }
0x8d: {  	v20 =	vadd.f32 $-1.000000000e+00, v22;
	v22 =	vmul.f32 v32, v24;
	v16 =	vmul.f32 v13, v16  }
0x8e: {  	v34 =	vmul.f32 v33, v15;
	v15 =	vadd.f32 $-1.000000000e+00, v23;
	v30 =	vmul.f32 v27, v28;
	v17 =	vpop (erf)  }
0x8f: {  	v28 =	vshra.s32 v18, $0x17;
	v26 =	vmul.f32 v16, v16;
	v17 =	vmul.f32 v17, v20;
	v13 =	vpop (erf)  }
0x90: {  	v18 =	vadd.f32 $-1.000000000e+00, v19;
	v20 =	vsel vm3, $0xFFFFFF82, v1;
	v15 =	vmul.f32 v13, v15  }
.Ltmp2:
0x91: {  	v31 =	vsel vm2, $0xFFFFFF82, v1;
	v19 =	vmul.f32 $2.857142980e-01, v26;
	v24 =	vmul.f32 v17, v17;
	v23 =	vpop (erf);
	(pc) =	sbr.rel @p0 .LBB2_3-.Ltmp2, $4  }
0x92: {  	v29 =	vsel vm1, $0xFFFFFF82, v1;
	v13 =	vmul.f32 v22, v32;
	v18 =	vmul.f32 v23, v18  }
0x93: {  	v23 =	vmul.f32 v15, v15;
	v35 =	vadd.f32 $4.000000060e-01, v19;
	v36 =	vmul.f32 $2.857142980e-01, v24  }
0x94: {  	v32 =	vsel vm0, $0xFFFFFF82, v1;
	v19 =	vmul.f32 v34, v33;
	v22 =	vmul.f32 v18, v18  }
0x95: {  	v33 =	vmul.f32 v35, v26;
	v34 =	vadd.f32 $4.000000060e-01, v36;
	v35 =	vmul.f32 $2.857142980e-01, v23  }
0x96: {  	_ =	sdelay $0x1  }
0x97: {  	v27 =	vmul.f32 v30, v27;
	v25 =	vadd.s32 v25, v31;
	v30 =	vmul.f32 $2.857142980e-01, v22  }
0x98: {  	v28 =	vadd.s32 v28, v32;
	v21 =	vadd.s32 v21, v29;
	v14 =	vadd.s32 v14, v20  }
0x99: {  	v12 =	vld.idx.msk [tilespmem:v12+s5+$0x0], $0xffff;
	v7 =	vmul.f32 v9, v7;
	v31 =	vadd.f32 $6.666666860e-01, v33;
	v56 =	vmul.f32 v34, v24  }
0x9a: {  	v11 =	vld.idx.msk [tilespmem:v11+s5+$0x0], $0xffff;
	v57 =	vadd.f32 $4.000000060e-01, v35;
	v25 =	vcvt.s32.f32 v25;
	v28 =	vcvt.s32.f32 v28  }
0x9b: {  	v8 =	vld.idx.msk [tilespmem:v8+s5+$0x0], $0xffff;
	v21 =	vcvt.s32.f32 v21;
	v14 =	vcvt.s32.f32 v14  }
0x9c: {  	v30 =	vadd.f32 $4.000000060e-01, v30;
	v26 =	vmul.f32 v31, v26;
	v58 =	vmul.f32 v57, v23  }
0x9d: {  	v10 =	vld.idx.msk [tilespmem:v10+s5+$0x0], $0xffff;
	v31 =	vadd.f32 $6.666666860e-01, v56;
	v28 =	vmul.f32 $6.931471820e-01, v28;
	v21 =	vmul.f32 $6.931471820e-01, v21  }
0x9e: {  	v29 =	vmul.f32 v30, v22;
	v26 =	vadd.f32 $2.000000000e+00, v26;
	v30 =	vadd.f32 $6.666666860e-01, v58  }
0x9f: {  	v24 =	vmul.f32 v31, v24;
	v11 =	vadd.f32 $1.000000010e-10, v11;
	v9 =	vadd.f32 $1.000000010e-10, v12  }
0xa0: {  	v14 =	vmul.f32 $6.931471820e-01, v14;
	v8 =	vadd.f32 $1.000000010e-10, v8;
	v29 =	vadd.f32 $6.666666860e-01, v29  }
0xa1: {  	v16 =	vmul.f32 v26, v16;
	v24 =	vadd.f32 $2.000000000e+00, v24;
	v23 =	vmul.f32 v30, v23  }
0xa2: {  	v10 =	vadd.f32 $1.000000010e-10, v10;
	v12 =	vand.u32 $0x7FFFFF, v11;
	v20 =	vmul.f32 v29, v22  }
0xa3: {  	v16 =	vadd.f32 v16, v28;
	v17 =	vmul.f32 v24, v17;
	v22 =	vadd.f32 $2.000000000e+00, v23  }
0xa4: {  	v12 =	vor.u32 $0x3F800000, v12;
	v23 =	vmul.f32 $6.931471820e-01, v25;
	v20 =	vadd.f32 $2.000000000e+00, v20  }
0xa5: {  	v16 =	vmul.f32 v16, v27;
	v17 =	vadd.f32 v17, v21;
	v15 =	vmul.f32 v22, v15  }
0xa6: {  	vm0 =	vgt.f32 v12, $1.414213540e+00;
	v18 =	vmul.f32 v20, v18;
	v20 =	vand.u32 $0x7FFFFF, v10  }
0xa7: {  	v2 =	vsub.f32 v2, v16;
	v16 =	vmul.f32 v17, v19;
	v15 =	vadd.f32 v15, v23  }
0xa8: {  	v17 =	vmul.f32 $5.000000000e-01, v12;
	v19 =	vand.u32 $0x7FFFFF, v8;
	v20 =	vor.u32 $0x3F800000, v20  }
0xa9: {  	v19 =	vor.u32 $0x3F800000, v19;
	v22 =	vmul.f32 $5.000000000e-01, v20;
	vm2 =	vgt.f32 v20, $1.414213540e+00  }
0xaa: {  	v2 =	vsub.f32 v2, v16;
	v12 =	vsel vm0, v17, v12;
	v17 =	vmul.f32 $5.000000000e-01, v19  }
0xab: {  	v16 =	vand.u32 $0x7FFFFF, v9;
	vm1 =	vgt.f32 v19, $1.414213540e+00;
	v21 =	vadd.f32 $1.000000000e+00, v12  }
0xac: {  	v16 =	vor.u32 $0x3F800000, v16;
	v20 =	vsel vm2, v22, v20;
	v17 =	vsel vm1, v17, v19  }
0xad: {  	v19 =	vmul.f32 $5.000000000e-01, v16;
	v23 =	vadd.f32 $1.000000000e+00, v17;
	(erf) = vrcp.f32 v21  }
0xae: {  	v13 =	vmul.f32 v15, v13;
	v15 =	vadd.f32 $1.000000000e+00, v20;
	vm3 =	vgt.f32 v16, $1.414213540e+00  }
0xaf: {  	v16 =	vsel vm3, v19, v16;
	(erf) = vrcp.f32 v23  }
0xb0: {  	v14 =	vadd.f32 v18, v14;
	v18 =	vld.idx.msk [tilespmem:v6+s18+$0x0], $0xffff;
	v6 =	vadd.f32 $1.000000000e+00, v16;
	(erf) = vrcp.f32 v15;
	_ =	sdelay $0x1  }
0xb1: {  	s10 =	sshll.u32 s9, $0x7;
	p0 =	seq.s32 s9, $0xB;
	v5 =	vld.idx.msk [tilespmem:v5+s18+$0x0], $0xffff;
	(erf) = vrcp.f32 v6  }
0xb2: {  	s8 =	sadd.s32 @!p0 $0x280, s10;
	v7 =	vmul.f32 v14, v7;
	v14 =	vsub.f32 $1.000000000e+00, v8;
	v2 =	vsub.f32 v2, v13;
	v13 =	vld.idx.msk [tilespmem:v4+s18+$0x0], $0xffff  }
0xb3: {  	s11 =	sand.u32 @!p0 $0x80, s8;
	v8 =	vshra.s32 v8, $0x17;
	v25 =	vsel vm1, $0xFFFFFF82, v1;
	v6 =	vsub.f32 $1.000000000e+00, v9  }
0xb4: {  	s8 =	sshrl.u32 @!p0 s8, $0x8;
	s11 =	sor.u32 @!p0 s6, s11;
	v12 =	vadd.f32 $-1.000000000e+00, v12;
	v8 =	vadd.s32 v8, v25;
	v17 =	vadd.f32 $-1.000000000e+00, v17  }
0xb5: {  	s12 =	smul.u32 @!p0 $0x540000, s8;
	s11 =	sshll.u32 @!p0 s11, $0xA;
	v4 =	vsub.f32 v2, v7;
	v2 =	vld.idx.msk [tilespmem:v3+s18+$0x0], $0xffff;
	v3 =	vsub.f32 $1.000000000e+00, v10;
	v7 =	vmul.f32 v6, v18;
	v18 =	vpop (erf)  }
0xb6: {  	s11 =	sand.u32 @!p0 $0x27000, s11;
	v8 =	vcvt.s32.f32 v8;
	v10 =	vshra.s32 v10, $0x17;
	v12 =	vmul.f32 v18, v12  }
0xb7: {  	s8 =	sshll.u32 @!p0 s8, $0x12;
	s12 =	sor.u32 @!p0 s12, s11;
	v5 =	vmul.f32 v3, v5;
	v13 =	vmul.f32 v14, v13;
	v18 =	vadd.f32 $-1.000000000e+00, v20;
	v19 =	vpop (erf)  }
0xb8: {  	s13 =	simm.s32 @!p0 $0x400;
	s8 =	sor.u32 @!p0 s8, s11;
	s12 =	sor.u32 @!p0 s7, s12;
	v16 =	vadd.f32 $-1.000000000e+00, v16;
	v20 =	vmul.f32 v12, v12;
	v17 =	vmul.f32 v19, v17;
	v19 =	vpop (erf)  }
0xb9: {  	s14 =	simm.s32 @!p0 $0x40000;
	s8 =	sor.u32 @!p0 s7, s8;
	s12 =	sshrl.u32 @!p0 s12, $0x3;
	v15 =	vsub.f32 $1.000000000e+00, v11;
	v26 =	vmul.f32 v5, v3;
	v18 =	vmul.f32 v19, v18  }
0xba: {  	s15 =	simm.s32 @!p0 $0x0;
	s8 =	sshrl.u32 @!p0 s8, $0x3;
	s12 =	sadd.s32 @!p0 s1, s12;
	v23 =	vsel vm2, $0xFFFFFF82, v1;
	v24 =	vpop (erf);
	v21 =	vmul.f32 $2.857142980e-01, v20;
	v22 =	vmul.f32 v17, v17  }
0xbb: {  	[tilespmem:s15], [sflag:$0x1] =	stream.strided.gather @!p0 [hbm4b:s12+s13], $0x5400, s14, s13, $0x38;
	v11 =	vshra.s32 v11, $0x17;
	v2 =	vmul.f32 v15, v2;
	v3 =	vmul.f32 v24, v16;
	[tilespmem:$0x16100] =	vst v63  }
0xbc: {  	s11 =	simm.s32 @!p0 $0x15000;
	s8 =	sadd.s32 @!p0 s2, s8;
	v5 =	vadd.f32 $4.000000060e-01, v21;
	v16 =	vmul.f32 $2.857142980e-01, v22;
	v21 =	vmul.f32 v18, v18  }
0xbd: {  	[tilespmem:s11], [sflag:$0x5] =	stream.linear.gather @!p0 [hbm4b:s8+s15], $0x400, $0x38;
	v10 =	vadd.s32 v10, v23;
	v13 =	vmul.f32 v13, v14;
	v14 =	vmul.f32 v3, v3;
	[tilespmem:$0x16100] =	vst v63  }
0xbe: {  	s13 =	simm.s32 $0x0;
	_ =	swait.ge [sflag:s0], $0x5400;
	v5 =	vmul.f32 v5, v20;
	v16 =	vadd.f32 $4.000000060e-01, v16;
	v27 =	vmul.f32 $2.857142980e-01, v21  }
0xbf: {  	s19 =	sand.u32 $0x3FFFFF80, s13;
	v2 =	vmul.f32 v2, v15;
	v24 =	vsel vm0, $0xFFFFFF82, v1;
	[sflag:s0] =	ssyncset.done $0x0;
	v15 =	vmul.f32 $2.857142980e-01, v14  }
0xc0: {  	s17 =	simm.s32 $0x0;
	[sflag:s0] =	ssyncadd.s32 $0xFFFFAC00;
	v5 =	vadd.f32 $6.666666860e-01, v5;
	v16 =	vmul.f32 v16, v22;
	v23 =	vadd.f32 $4.000000060e-01, v27  }
0xc1: {  	v8 =	vmul.f32 $6.931471820e-01, v8;
	s8 =	sand.u32 $0x40, s17;
	v11 =	vadd.s32 v11, v24;
	_ =	swait.ge [sflag:s3], $0x400;
	v15 =	vadd.f32 $4.000000060e-01, v15  }
0xc2: {  	s11 =	sadd.s32 $0x15400, s19;
	s15 =	sor.u32 $0x10, s8;
	[sflag:s3] =	ssyncset.done $0x0;
	v5 =	vmul.f32 v5, v20;
	v16 =	vadd.f32 $6.666666860e-01, v16;
	v20 =	vmul.f32 v23, v21  }
0xc3: {  	v9 =	vshra.s32 v9, $0x17;
	s29 =	sor.u32 $0x30, s8;
	s19 =	sor.u32 s15, s11;
	v11 =	vcvt.s32.f32 v11;
	[sflag:s3] =	ssyncadd.s32 $0xFFFFFC00;
	v15 =	vmul.f32 v15, v14  }
0xc4: {  	s17 =	sor.u32 s29, s11;
	v23 =	vld [tilespmem:s19+$0x0];
	v5 =	vadd.f32 $2.000000000e+00, v5;
	v16 =	vmul.f32 v16, v22;
	v20 =	vadd.f32 $6.666666860e-01, v20  }
0xc5: {  	v10 =	vcvt.s32.f32 v10;
	s16 =	sor.u32 $0x20, s8;
	v11 =	vmul.f32 $6.931471820e-01, v11;
	v22 =	vld [tilespmem:s17+$0x0];
	v15 =	vadd.f32 $6.666666860e-01, v15;
	s17 =	sor.u32 s8, s11  }
0xc6: {  	s11 =	sor.u32 s16, s11;
	v5 =	vmul.f32 v5, v12;
	v12 =	vadd.f32 $2.000000000e+00, v16;
	v16 =	vmul.f32 v20, v21;
	v20 =	vld [tilespmem:s17+$0x0]  }
0xc7: {  	v10 =	vmul.f32 $6.931471820e-01, v10;
	v19 =	vsel vm3, $0xFFFFFF82, v1;
	v14 =	vmul.f32 v15, v14;
	v15 =	vld [tilespmem:s11+$0x0]  }
0xc8: {  	v9 =	vadd.s32 v9, v19;
	v5 =	vadd.f32 v5, v11;
	v11 =	vmul.f32 v12, v17  }
0xc9: {  	v9 =	vcvt.s32.f32 v9;
	v12 =	vadd.f32 $2.000000000e+00, v16;
	v14 =	vadd.f32 $2.000000000e+00, v14  }
0xca: {  	v16 =	vmul.f32 v5, v2;
	v8 =	vadd.f32 v11, v8;
	v2 =	vshll.u32 v22, $0xA  }
0xcb: {  	s12 =	simm.s32 $0x40;
	s11 =	simm.s32 $0x40;
	s17 =	sand.u32 $0xFFFFFF80, s13;
	v5 =	vshll.u32 v23, $0xA;
	v11 =	vshll.u32 v20, $0xA;
	v2 =	vor.u32 s29, v2  }
0xcc: {  	s13 =	sand.u32 $0x40, s11;
	s29 =	sand.u32 $0x3FFFFF80, s12;
	v17 =	vshll.u32 v15, $0xA;
	v11 =	vor.u32 s8, v11;
	v2 =	vadd.s32 s17, v2  }
0xcd: {  	s19 =	sor.u32 $0x30, s13;
	s8 =	sadd.s32 $0x15400, s29;
	v17 =	vor.u32 s16, v17;
	v11 =	vadd.s32 s17, v11;
	v19 =	vor.u32 v0, v2  }
0xce: {  	s16 =	sor.u32 s19, s8;
	v2 =	vor.u32 s15, v5;
	v17 =	vadd.s32 s17, v17;
	s15 =	sor.u32 $0x10, s13;
	v11 =	vor.u32 v0, v11  }
0xcf: {  	s14 =	sor.u32 $0x20, s13;
	v12 =	vmul.f32 v12, v18;
	v5 =	vld [tilespmem:s16+$0x0];
	v18 =	vadd.s32 s17, v2;
	v17 =	vor.u32 v0, v17;
	s17 =	sor.u32 s15, s8  }
0xd0: {  	v9 =	vmul.f32 $6.931471820e-01, v9;
	v14 =	vmul.f32 v14, v3;
	s29 =	sor.u32 s14, s8;
	s8 =	sor.u32 s13, s8;
	v18 =	vor.u32 v0, v18;
	v3 =	vld [tilespmem:s17+$0x0]  }
0xd1: {  	v16 =	vsub.f32 v4, v16;
	v8 =	vmul.f32 v8, v13;
	v10 =	vadd.f32 v12, v10;
	v4 =	vld [tilespmem:s8+$0x0]  }
0xd2: {  	v6 =	vmul.f32 v7, v6;
	v7 =	vld.idx.msk [tilespmem:v19+s23+$0x0], $0xffff  }
0xd3: {  	v9 =	vadd.f32 v14, v9;
	v8 =	vsub.f32 v16, v8;
	v10 =	vmul.f32 v10, v26;
	v11 =	vld.idx.msk [tilespmem:v11+s23+$0x0], $0xffff  }
0xd4: {  	v12 =	vld.idx.msk [tilespmem:v17+s23+$0x0], $0xffff  }
0xd5: {  	v6 =	vmul.f32 v9, v6;
	v8 =	vsub.f32 v8, v10;
	v9 =	vld.idx.msk [tilespmem:v18+s23+$0x0], $0xffff;
	_ =	sdelay $0x1  }
0xd6: {  	v6 =	vsub.f32 v8, v6  }
0xd7: {  	v8 =	vshll.u32 v5, $0xA;
	v10 =	vshll.u32 v3, $0xA;
	v13 =	vadd.f32 $1.000000010e-10, v11  }
0xd8: {  	v14 =	vshll.u32 v4, $0xA;
	v8 =	vor.u32 s19, v8;
	v16 =	vadd.f32 $1.000000010e-10, v7  }
0xd9: {  	v17 =	vadd.f32 $1.000000010e-10, v12;
	v9 =	vadd.f32 $1.000000010e-10, v9;
	v7 =	vand.u32 $0x7FFFFF, v13  }
0xda: {  	v10 =	vor.u32 s15, v10;
	v12 =	vand.u32 $0x7FFFFF, v16;
	v7 =	vor.u32 $0x3F800000, v7  }
0xdb: {  	v21 =	vand.u32 $0x7FFFFF, v17;
	v19 =	vand.u32 $0x7FFFFF, v9;
	v18 =	vmul.f32 $5.000000000e-01, v7  }
0xdc: {  	v21 =	vor.u32 $0x3F800000, v21;
	vm12 =	vgt.f32 v7, $1.414213540e+00;
	v19 =	vor.u32 $0x3F800000, v19  }
0xdd: {  	v2 =	vld [tilespmem:s29+$0x0];
	v25 =	vmul.f32 $5.000000000e-01, v21;
	v18 =	vsel vm12, v18, v7;
	v7 =	vmul.f32 $5.000000000e-01, v19  }
0xde: {  	vm14 =	vgt.f32 v21, $1.414213540e+00;
	vm13 =	vgt.f32 v19, $1.414213540e+00;
	v24 =	vadd.f32 $1.000000000e+00, v18  }
0xdf: {  	v12 =	vor.u32 $0x3F800000, v12;
	v28 =	vsel vm14, v25, v21;
	v19 =	vsel vm13, v7, v19  }
0xe0: {  	s29 =	sand.u32 $0xFFFFFF80, s12;
	v7 =	vmul.f32 $5.000000000e-01, v12;
	v26 =	vadd.f32 $1.000000000e+00, v19;
	(erf) = vrcp.f32 v24  }
0xe1: {  	v20 =	vld.idx.msk [tilespmem:v20+s18+$0x0], $0xffff;
	v8 =	vadd.s32 s29, v8;
	vm15 =	vgt.f32 v12, $1.414213540e+00;
	v21 =	vadd.f32 $1.000000000e+00, v28  }
0xe2: {  	v11 =	vshll.u32 v2, $0xA;
	v24 =	vsel vm15, v7, v12;
	(erf) = vrcp.f32 v26  }
0xe3: {  	v7 =	vor.u32 s13, v14;
	v14 =	vadd.f32 $1.000000000e+00, v24;
	(erf) = vrcp.f32 v21  }
0xe4: {  	v10 =	vadd.s32 s29, v10;
	v11 =	vor.u32 s14, v11;
	v27 =	vsub.f32 $1.000000000e+00, v13  }
0xe5: {  	v22 =	vld.idx.msk [tilespmem:v22+s18+$0x0], $0xffff;
	v59 =	vsub.f32 $1.000000000e+00, v17;
	v60 =	vsub.f32 $1.000000000e+00, v9;
	(erf) = vrcp.f32 v14  }
0xe6: {  	v15 =	vld.idx.msk [tilespmem:v15+s18+$0x0], $0xffff;
	v30 =	vmul.f32 v27, v20;
	v31 =	vsel vm14, $0xFFFFFF82, v1;
	v7 =	vadd.s32 s29, v7  }
0xe7: {  	v25 =	vshra.s32 v17, $0x17;
	v21 =	vadd.s32 s29, v11;
	v11 =	vor.u32 v0, v7  }
0xe8: {  	v23 =	vld.idx.msk [tilespmem:v23+s18+$0x0], $0xffff;
	v7 =	vsub.f32 $1.000000000e+00, v16;
	v14 =	vshra.s32 v16, $0x17;
	v16 =	vadd.f32 $-1.000000000e+00, v18  }
0xe9: {  	v12 =	vor.u32 v0, v8;
	v8 =	vor.u32 v0, v10;
	v10 =	vor.u32 v0, v21;
	v17 =	vpop (erf)  }
0xea: {  	v21 =	vshra.s32 v9, $0x17;
	v16 =	vmul.f32 v17, v16;
	v17 =	vadd.f32 $-1.000000000e+00, v19  }
0xeb: {  	v18 =	vmul.f32 v59, v15;
	v15 =	vadd.f32 $-1.000000000e+00, v28;
	v9 =	vmul.f32 v7, v22;
	v20 =	vpop (erf)  }
0xec: {  	v28 =	vshra.s32 v13, $0x17;
	v26 =	vmul.f32 v16, v16;
	v17 =	vmul.f32 v20, v17;
	v13 =	vpop (erf)  }
0xed: {  	v22 =	vadd.f32 $-1.000000000e+00, v24;
	v19 =	vmul.f32 v60, v23;
	v15 =	vmul.f32 v13, v15  }
0xee: {  	v32 =	vsel vm12, $0xFFFFFF82, v1;
	v61 =	vpop (erf);
	v23 =	vmul.f32 $2.857142980e-01, v26;
	v24 =	vmul.f32 v17, v17  }
0xef: {  	v29 =	vsel vm13, $0xFFFFFF82, v1;
	v13 =	vmul.f32 v18, v59;
	v18 =	vmul.f32 v61, v22  }
0xf0: {  	v62 =	vadd.f32 $4.000000060e-01, v23;
	v63 =	vmul.f32 $2.857142980e-01, v24;
	v23 =	vmul.f32 v15, v15  }
0xf1: {  	v20 =	vsel vm15, $0xFFFFFF82, v1;
	v19 =	vmul.f32 v19, v60;
	v22 =	vmul.f32 v18, v18  }
0xf2: {  	s12 =	simm.s32 $0x4;
	v33 =	vmul.f32 v62, v26;
	v34 =	vadd.f32 $4.000000060e-01, v63;
	v35 =	vmul.f32 $2.857142980e-01, v23  }
.LBB2_5:
0xf3: {  	s12 =	sadd.s32 $0x4, s12;
	v27 =	vmul.f32 v30, v27;
	v25 =	vadd.s32 v25, v31;
	v30 =	vmul.f32 $2.857142980e-01, v22  }
0xf4: {  	s11 =	sadd.s32 $0x40, s11;
	s13 =	sshll.u32 s12, $0x4;
	p1 =	slt.u32 s12, $0x3C;
	v31 =	vadd.f32 $6.666666860e-01, v33;
	v33 =	vmul.f32 v34, v24;
	v34 =	vadd.f32 $4.000000060e-01, v35  }
0xf5: {  	v28 =	vadd.s32 v28, v32;
	s14 =	sand.u32 $0x40, s11;
	v25 =	vcvt.s32.f32 v25;
	s8 =	sand.u32 $0x3FFFFF80, s13;
	v30 =	vadd.f32 $4.000000060e-01, v30  }
0xf6: {  	s17 =	sor.u32 $0x30, s14;
	s8 =	sadd.s32 $0x15400, s8;
	v26 =	vmul.f32 v31, v26;
	v31 =	vadd.f32 $6.666666860e-01, v33;
	v32 =	vmul.f32 v34, v23  }
0xf7: {  	v21 =	vadd.s32 v21, v29;
	v28 =	vcvt.s32.f32 v28;
	s15 =	sor.u32 $0x20, s14;
	s19 =	sor.u32 s17, s8;
	v29 =	vmul.f32 v30, v22  }
0xf8: {  	s16 =	sor.u32 $0x10, s14;
	s29 =	sor.u32 s15, s8;
	v30 =	vld [tilespmem:s19+$0x0];
	v26 =	vadd.f32 $2.000000000e+00, v26;
	v24 =	vmul.f32 v31, v24;
	v31 =	vadd.f32 $6.666666860e-01, v32  }
0xf9: {  	v21 =	vcvt.s32.f32 v21;
	v28 =	vmul.f32 $6.931471820e-01, v28;
	s19 =	sor.u32 s16, s8;
	v32 =	vld [tilespmem:s29+$0x0];
	v29 =	vadd.f32 $6.666666860e-01, v29  }
0xfa: {  	s8 =	sor.u32 s14, s8;
	v33 =	vld [tilespmem:s19+$0x0];
	v16 =	vmul.f32 v26, v16;
	v24 =	vadd.f32 $2.000000000e+00, v24;
	v23 =	vmul.f32 v31, v23  }
0xfb: {  	v14 =	vadd.s32 v14, v20;
	v21 =	vmul.f32 $6.931471820e-01, v21;
	v26 =	vld [tilespmem:s8+$0x0];
	v20 =	vmul.f32 v29, v22  }
0xfc: {  	v12 =	vld.idx.msk [tilespmem:v12+s23+$0x0], $0xffff;
	v16 =	vadd.f32 v16, v28;
	v17 =	vmul.f32 v24, v17;
	v22 =	vadd.f32 $2.000000000e+00, v23  }
0xfd: {  	v14 =	vcvt.s32.f32 v14;
	v23 =	vmul.f32 $6.931471820e-01, v25;
	v11 =	vld.idx.msk [tilespmem:v11+s23+$0x0], $0xffff;
	v20 =	vadd.f32 $2.000000000e+00, v20  }
0xfe: {  	v10 =	vld.idx.msk [tilespmem:v10+s23+$0x0], $0xffff;
	v16 =	vmul.f32 v16, v27;
	v17 =	vadd.f32 v17, v21;
	v15 =	vmul.f32 v22, v15  }
0xff: {  	v14 =	vmul.f32 $6.931471820e-01, v14;
	v21 =	vshll.u32 v30, $0xA;
	v8 =	vld.idx.msk [tilespmem:v8+s23+$0x0], $0xffff;
	v18 =	vmul.f32 v20, v18  }
0x100: {  	v6 =	vsub.f32 v6, v16;
	v16 =	vmul.f32 v17, v19;
	v15 =	vadd.f32 v15, v23  }
0x101: {  	v7 =	vmul.f32 v9, v7;
	v17 =	vshll.u32 v33, $0xA;
	v19 =	vshll.u32 v32, $0xA  }
0x102: {  	v6 =	vsub.f32 v6, v16;
	v9 =	vmul.f32 v15, v13;
	v13 =	vadd.f32 v18, v14  }
0x103: {  	v14 =	vshll.u32 v26, $0xA;
	v15 =	vor.u32 s17, v21;
	v18 =	vadd.f32 $1.000000010e-10, v11  }
0x104: {  	v16 =	vadd.f32 $1.000000010e-10, v12;
	v6 =	vsub.f32 v6, v9;
	v7 =	vmul.f32 v13, v7  }
0x105: {  	v20 =	vadd.f32 $1.000000010e-10, v10;
	v9 =	vand.u32 $0x7FFFFF, v18;
	v13 =	vadd.f32 $1.000000010e-10, v8  }
0x106: {  	v8 =	vor.u32 $0x3F800000, v9;
	v9 =	vand.u32 $0x7FFFFF, v16;
	v6 =	vsub.f32 v6, v7  }
0x107: {  	v11 =	vand.u32 $0x7FFFFF, v20;
	v7 =	vmul.f32 $5.000000000e-01, v8;
	v10 =	vand.u32 $0x7FFFFF, v13  }
0x108: {  	vm0 =	vgt.f32 v8, $1.414213540e+00;
	v9 =	vor.u32 $0x3F800000, v9;
	v10 =	vor.u32 $0x3F800000, v10  }
0x109: {  	v21 =	vsel vm0, v7, v8;
	v7 =	vmul.f32 $5.000000000e-01, v10;
	v8 =	vor.u32 $0x3F800000, v11  }
0x10a: {  	vm1 =	vgt.f32 v10, $1.414213540e+00;
	v11 =	vadd.f32 $1.000000000e+00, v21;
	v12 =	vmul.f32 $5.000000000e-01, v8  }
0x10b: {  	vm2 =	vgt.f32 v8, $1.414213540e+00;
	v22 =	vsel vm1, v7, v10;
	v7 =	vmul.f32 $5.000000000e-01, v9  }
0x10c: {  	v10 =	vadd.f32 $1.000000000e+00, v22;
	v23 =	vsel vm2, v12, v8;
	(erf) = vrcp.f32 v11  }
0x10d: {  	vm3 =	vgt.f32 v9, $1.414213540e+00;
	v8 =	vor.u32 s15, v19;
	v11 =	vadd.f32 $1.000000000e+00, v23  }
0x10e: {  	v12 =	vor.u32 s16, v17;
	v19 =	vsel vm3, v7, v9;
	v17 =	vld.idx.msk [tilespmem:v5+s18+$0x0], $0xffff;
	(erf) = vrcp.f32 v10;
	v5 =	vmovc v30  }
0x10f: {  	s8 =	sand.u32 $0xFFFFFF80, s13;
	v7 =	vor.u32 s14, v14;
	v9 =	vadd.f32 $1.000000000e+00, v19;
	v24 =	vld.idx.msk [tilespmem:v2+s18+$0x0], $0xffff;
	(erf) = vrcp.f32 v11;
	v2 =	vmovc v32  }
0x110: {  	v14 =	vadd.s32 s8, v8;
	v8 =	vadd.s32 s8, v15;
	v10 =	vadd.s32 s8, v12;
	v15 =	vld.idx.msk [tilespmem:v3+s18+$0x0], $0xffff;
	v3 =	vmovc v33  }
0x111: {  	v7 =	vadd.s32 s8, v7;
	v12 =	vor.u32 v0, v8;
	v28 =	vld.idx.msk [tilespmem:v4+s18+$0x0], $0xffff;
	(erf) = vrcp.f32 v9;
	v4 =	vmovc v26  }
0x112: {  	v11 =	vor.u32 v0, v7;
	v8 =	vor.u32 v0, v10;
	v10 =	vor.u32 v0, v14  }
0x113: {  	v32 =	vsub.f32 $1.000000000e+00, v20;
	v7 =	vsub.f32 $1.000000000e+00, v16;
	v14 =	vshra.s32 v16, $0x17  }
0x114: {  	v25 =	vshra.s32 v20, $0x17;
	v16 =	vadd.f32 $-1.000000000e+00, v21;
	v33 =	vsub.f32 $1.000000000e+00, v13  }
0x115: {  	v27 =	vsub.f32 $1.000000000e+00, v18;
	v21 =	vshra.s32 v13, $0x17;
	v9 =	vmul.f32 v7, v17;
	v13 =	vpop (erf)  }
0x116: {  	v20 =	vadd.f32 $-1.000000000e+00, v22;
	v22 =	vmul.f32 v32, v24;
	v16 =	vmul.f32 v13, v16  }
0x117: {  	v34 =	vmul.f32 v33, v15;
	v15 =	vadd.f32 $-1.000000000e+00, v23;
	v30 =	vmul.f32 v27, v28;
	v17 =	vpop (erf)  }
0x118: {  	v28 =	vshra.s32 v18, $0x17;
	v26 =	vmul.f32 v16, v16;
	v17 =	vmul.f32 v17, v20;
	v13 =	vpop (erf)  }
0x119: {  	v18 =	vadd.f32 $-1.000000000e+00, v19;
	v20 =	vsel vm3, $0xFFFFFF82, v1;
	v15 =	vmul.f32 v13, v15  }
.Ltmp3:
0x11a: {  	v31 =	vsel vm2, $0xFFFFFF82, v1;
	v19 =	vmul.f32 $2.857142980e-01, v26;
	v24 =	vmul.f32 v17, v17;
	v23 =	vpop (erf);
	(pc) =	sbr.rel @p1 .LBB2_5-.Ltmp3, $4  }
0x11b: {  	v29 =	vsel vm1, $0xFFFFFF82, v1;
	v13 =	vmul.f32 v22, v32;
	v18 =	vmul.f32 v23, v18  }
0x11c: {  	v23 =	vmul.f32 v15, v15;
	v35 =	vadd.f32 $4.000000060e-01, v19;
	v36 =	vmul.f32 $2.857142980e-01, v24  }
0x11d: {  	v32 =	vsel vm0, $0xFFFFFF82, v1;
	v19 =	vmul.f32 v34, v33;
	v22 =	vmul.f32 v18, v18  }
0x11e: {  	v33 =	vmul.f32 v35, v26;
	v34 =	vadd.f32 $4.000000060e-01, v36;
	v35 =	vmul.f32 $2.857142980e-01, v23  }
0x11f: {  	_ =	sdelay $0x1  }
0x120: {  	v27 =	vmul.f32 v30, v27;
	v25 =	vadd.s32 v25, v31;
	v30 =	vmul.f32 $2.857142980e-01, v22  }
0x121: {  	v28 =	vadd.s32 v28, v32;
	v21 =	vadd.s32 v21, v29;
	v14 =	vadd.s32 v14, v20  }
0x122: {  	v12 =	vld.idx.msk [tilespmem:v12+s23+$0x0], $0xffff;
	v7 =	vmul.f32 v9, v7;
	v31 =	vadd.f32 $6.666666860e-01, v33;
	v56 =	vmul.f32 v34, v24  }
0x123: {  	v11 =	vld.idx.msk [tilespmem:v11+s23+$0x0], $0xffff;
	v57 =	vadd.f32 $4.000000060e-01, v35;
	v25 =	vcvt.s32.f32 v25;
	v28 =	vcvt.s32.f32 v28  }
0x124: {  	v8 =	vld.idx.msk [tilespmem:v8+s23+$0x0], $0xffff;
	v21 =	vcvt.s32.f32 v21;
	v14 =	vcvt.s32.f32 v14  }
0x125: {  	v30 =	vadd.f32 $4.000000060e-01, v30;
	v26 =	vmul.f32 v31, v26;
	v58 =	vmul.f32 v57, v23  }
0x126: {  	v10 =	vld.idx.msk [tilespmem:v10+s23+$0x0], $0xffff;
	v31 =	vadd.f32 $6.666666860e-01, v56;
	v28 =	vmul.f32 $6.931471820e-01, v28;
	v21 =	vmul.f32 $6.931471820e-01, v21  }
0x127: {  	v29 =	vmul.f32 v30, v22;
	v26 =	vadd.f32 $2.000000000e+00, v26;
	v30 =	vadd.f32 $6.666666860e-01, v58  }
0x128: {  	v24 =	vmul.f32 v31, v24;
	v11 =	vadd.f32 $1.000000010e-10, v11;
	v9 =	vadd.f32 $1.000000010e-10, v12  }
0x129: {  	v14 =	vmul.f32 $6.931471820e-01, v14;
	v8 =	vadd.f32 $1.000000010e-10, v8;
	v29 =	vadd.f32 $6.666666860e-01, v29  }
0x12a: {  	v16 =	vmul.f32 v26, v16;
	v24 =	vadd.f32 $2.000000000e+00, v24;
	v23 =	vmul.f32 v30, v23  }
0x12b: {  	v10 =	vadd.f32 $1.000000010e-10, v10;
	v12 =	vand.u32 $0x7FFFFF, v11;
	v20 =	vmul.f32 v29, v22  }
0x12c: {  	v16 =	vadd.f32 v16, v28;
	v17 =	vmul.f32 v24, v17;
	v22 =	vadd.f32 $2.000000000e+00, v23  }
0x12d: {  	v12 =	vor.u32 $0x3F800000, v12;
	v23 =	vmul.f32 $6.931471820e-01, v25;
	v20 =	vadd.f32 $2.000000000e+00, v20  }
0x12e: {  	v16 =	vmul.f32 v16, v27;
	v17 =	vadd.f32 v17, v21;
	v15 =	vmul.f32 v22, v15  }
0x12f: {  	vm0 =	vgt.f32 v12, $1.414213540e+00;
	v18 =	vmul.f32 v20, v18;
	v20 =	vand.u32 $0x7FFFFF, v10  }
0x130: {  	v6 =	vsub.f32 v6, v16;
	v16 =	vmul.f32 v17, v19;
	v15 =	vadd.f32 v15, v23  }
0x131: {  	v17 =	vmul.f32 $5.000000000e-01, v12;
	v19 =	vand.u32 $0x7FFFFF, v8;
	v20 =	vor.u32 $0x3F800000, v20  }
0x132: {  	v19 =	vor.u32 $0x3F800000, v19;
	v22 =	vmul.f32 $5.000000000e-01, v20;
	vm2 =	vgt.f32 v20, $1.414213540e+00  }
0x133: {  	v6 =	vsub.f32 v6, v16;
	v12 =	vsel vm0, v17, v12;
	v17 =	vmul.f32 $5.000000000e-01, v19  }
0x134: {  	v16 =	vand.u32 $0x7FFFFF, v9;
	vm1 =	vgt.f32 v19, $1.414213540e+00;
	v21 =	vadd.f32 $1.000000000e+00, v12  }
0x135: {  	v16 =	vor.u32 $0x3F800000, v16;
	v20 =	vsel vm2, v22, v20;
	v17 =	vsel vm1, v17, v19  }
0x136: {  	v19 =	vmul.f32 $5.000000000e-01, v16;
	v23 =	vadd.f32 $1.000000000e+00, v17;
	(erf) = vrcp.f32 v21  }
0x137: {  	v13 =	vmul.f32 v15, v13;
	v15 =	vadd.f32 $1.000000000e+00, v20;
	vm3 =	vgt.f32 v16, $1.414213540e+00  }
0x138: {  	v16 =	vsel vm3, v19, v16;
	(erf) = vrcp.f32 v23  }
0x139: {  	v5 =	vld.idx.msk [tilespmem:v5+s18+$0x0], $0xffff;
	v14 =	vadd.f32 v18, v14;
	v18 =	vadd.f32 $1.000000000e+00, v16;
	(erf) = vrcp.f32 v15  }
0x13a: {  	v3 =	vld.idx.msk [tilespmem:v3+s18+$0x0], $0xffff  }
0x13b: {  	v7 =	vmul.f32 v14, v7;
	v6 =	vsub.f32 v6, v13;
	(erf) = vrcp.f32 v18  }
0x13c: {  	s8 =	sadd.s32 @!p0 $0x2A0, s10;
	v2 =	vld.idx.msk [tilespmem:v2+s18+$0x0], $0xffff;
	v14 =	vsub.f32 $1.000000000e+00, v8  }
0x13d: {  	s11 =	sand.u32 @!p0 $0xA0, s8;
	v26 =	vsel vm0, $0xFFFFFF82, v1;
	v6 =	vsub.f32 v6, v7;
	v7 =	vsub.f32 $1.000000000e+00, v9  }
0x13e: {  	s8 =	sshrl.u32 @!p0 s8, $0x8;
	s11 =	sor.u32 @!p0 s6, s11;
	v12 =	vadd.f32 $-1.000000000e+00, v12;
	v25 =	vsel vm1, $0xFFFFFF82, v1;
	v13 =	vsub.f32 $1.000000000e+00, v10  }
0x13f: {  	s12 =	smul.u32 @!p0 $0x540000, s8;
	s11 =	sshll.u32 @!p0 s11, $0xA;
	v3 =	vmul.f32 v14, v3;
	v18 =	vshra.s32 v8, $0x17;
	v8 =	vmul.f32 v7, v5;
	v5 =	vpop (erf)  }
0x140: {  	s11 =	sand.u32 @!p0 $0x2F000, s11;
	v10 =	vshra.s32 v10, $0x17;
	v5 =	vmul.f32 v5, v12;
	v12 =	vadd.f32 $-1.000000000e+00, v17  }
0x141: {  	s8 =	sshll.u32 @!p0 s8, $0x12;
	s12 =	sor.u32 @!p0 s12, s11;
	v2 =	vmul.f32 v13, v2;
	v14 =	vmul.f32 v3, v14;
	v17 =	vadd.f32 $-1.000000000e+00, v20;
	v19 =	vpop (erf)  }
0x142: {  	v4 =	vld.idx.msk [tilespmem:v4+s18+$0x0], $0xffff;
	s13 =	simm.s32 @!p0 $0x400;
	s8 =	sor.u32 @!p0 s8, s11;
	s12 =	sor.u32 @!p0 s7, s12;
	v16 =	vadd.f32 $-1.000000000e+00, v16;
	v20 =	vmul.f32 v5, v5;
	v12 =	vmul.f32 v19, v12;
	v19 =	vpop (erf)  }
0x143: {  	s14 =	simm.s32 @!p0 $0x40000;
	s8 =	sor.u32 @!p0 s7, s8;
	s12 =	sshrl.u32 @!p0 s12, $0x3;
	v23 =	vsel vm2, $0xFFFFFF82, v1;
	v13 =	vmul.f32 v2, v13;
	v17 =	vmul.f32 v19, v17  }
0x144: {  	s15 =	simm.s32 @!p0 $0x5400;
	s8 =	sshrl.u32 @!p0 s8, $0x3;
	s12 =	sadd.s32 @!p0 s1, s12;
	v10 =	vadd.s32 v10, v23;
	v24 =	vpop (erf);
	v21 =	vmul.f32 $2.857142980e-01, v20;
	v22 =	vmul.f32 v12, v12  }
0x145: {  	[tilespmem:s15], [sflag:$0x2] =	stream.strided.gather @!p0 [hbm4b:s12+s13], $0x5400, s14, s13, $0x38;
	v15 =	vsub.f32 $1.000000000e+00, v11;
	v10 =	vcvt.s32.f32 v10;
	v16 =	vmul.f32 v24, v16;
	[tilespmem:$0x16100] =	vst v63  }
0x146: {  	s11 =	simm.s32 @!p0 $0x0;
	s8 =	sadd.s32 @!p0 s2, s8;
	s12 =	simm.s32 @!p0 $0x15400;
	v24 =	vmul.f32 v17, v17;
	v2 =	vadd.f32 $4.000000060e-01, v21;
	v21 =	vmul.f32 $2.857142980e-01, v22  }
0x147: {  	[tilespmem:s12], [sflag:$0x6] =	stream.linear.gather @!p0 [hbm4b:s8+s11], $0x400, $0x38;
	v11 =	vshra.s32 v11, $0x17;
	v4 =	vmul.f32 v15, v4;
	v3 =	vmul.f32 v16, v16;
	[tilespmem:$0x16100] =	vst v63  }
0x148: {  	_ =	swait.ge [sflag:s4], $0x5400;
	v27 =	vmul.f32 $2.857142980e-01, v24;
	v2 =	vmul.f32 v2, v20;
	v21 =	vadd.f32 $4.000000060e-01, v21  }
0x149: {  	v11 =	vadd.s32 v11, v26;
	v4 =	vmul.f32 v4, v15;
	[sflag:s4] =	ssyncset.done $0x0;
	v15 =	vmul.f32 $2.857142980e-01, v3  }
0x14a: {  	s17 =	simm.s32 $0x0;
	s13 =	simm.s32 $0x0;
	[sflag:s4] =	ssyncadd.s32 $0xFFFFAC00;
	v23 =	vadd.f32 $4.000000060e-01, v27;
	v2 =	vadd.f32 $6.666666860e-01, v2;
	v21 =	vmul.f32 v21, v22  }
0x14b: {  	s19 =	sand.u32 $0x3FFFFF80, s13;
	s8 =	sand.u32 $0x40, s17;
	v11 =	vcvt.s32.f32 v11;
	v18 =	vadd.s32 v18, v25;
	_ =	swait.ge [sflag:s22], $0x400;
	v15 =	vadd.f32 $4.000000060e-01, v15  }
0x14c: {  	s11 =	sadd.s32 $0x15800, s19;
	s15 =	sor.u32 $0x10, s8;
	[sflag:s22] =	ssyncset.done $0x0;
	v2 =	vmul.f32 v2, v20;
	v20 =	vadd.f32 $6.666666860e-01, v21;
	v21 =	vmul.f32 v23, v24  }
0x14d: {  	s29 =	sor.u32 $0x30, s8;
	s19 =	sor.u32 s15, s11;
	v9 =	vshra.s32 v9, $0x17;
	v18 =	vcvt.s32.f32 v18;
	[sflag:s22] =	ssyncadd.s32 $0xFFFFFC00;
	v15 =	vmul.f32 v15, v3  }
0x14e: {  	s17 =	sor.u32 s29, s11;
	v23 =	vld [tilespmem:s19+$0x0];
	v2 =	vadd.f32 $2.000000000e+00, v2;
	v20 =	vmul.f32 v20, v22;
	v21 =	vadd.f32 $6.666666860e-01, v21  }
0x14f: {  	s16 =	sor.u32 $0x20, s8;
	v10 =	vmul.f32 $6.931471820e-01, v10;
	v11 =	vmul.f32 $6.931471820e-01, v11;
	v22 =	vld [tilespmem:s17+$0x0];
	v15 =	vadd.f32 $6.666666860e-01, v15;
	s17 =	sor.u32 s8, s11  }
0x150: {  	s11 =	sor.u32 s16, s11;
	v2 =	vmul.f32 v2, v5;
	v5 =	vadd.f32 $2.000000000e+00, v20;
	v20 =	vmul.f32 v21, v24;
	v21 =	vld [tilespmem:s17+$0x0]  }
0x151: {  	v18 =	vmul.f32 $6.931471820e-01, v18;
	v19 =	vsel vm3, $0xFFFFFF82, v1;
	v3 =	vmul.f32 v15, v3;
	v15 =	vld [tilespmem:s11+$0x0]  }
0x152: {  	v9 =	vadd.s32 v9, v19;
	v2 =	vadd.f32 v2, v11;
	v5 =	vmul.f32 v5, v12  }
0x153: {  	v9 =	vcvt.s32.f32 v9;
	v11 =	vadd.f32 $2.000000000e+00, v20;
	v3 =	vadd.f32 $2.000000000e+00, v3  }
0x154: {  	v4 =	vmul.f32 v2, v4;
	v12 =	vadd.f32 v5, v18;
	v2 =	vshll.u32 v22, $0xA  }
0x155: {  	s12 =	simm.s32 $0x40;
	s11 =	simm.s32 $0x40;
	s17 =	sand.u32 $0xFFFFFF80, s13;
	v5 =	vshll.u32 v23, $0xA;
	v18 =	vshll.u32 v21, $0xA;
	v2 =	vor.u32 s29, v2  }
0x156: {  	s13 =	sand.u32 $0x40, s11;
	s29 =	sand.u32 $0x3FFFFF80, s12;
	v19 =	vshll.u32 v15, $0xA;
	v18 =	vor.u32 s8, v18;
	v2 =	vadd.s32 s17, v2  }
0x157: {  	s19 =	sor.u32 $0x30, s13;
	s8 =	sadd.s32 $0x15800, s29;
	v19 =	vor.u32 s16, v19;
	v18 =	vadd.s32 s17, v18;
	v20 =	vor.u32 v0, v2  }
0x158: {  	s16 =	sor.u32 s19, s8;
	v2 =	vor.u32 s15, v5;
	v19 =	vadd.s32 s17, v19;
	s15 =	sor.u32 $0x10, s13;
	v18 =	vor.u32 v0, v18  }
0x159: {  	s14 =	sor.u32 $0x20, s13;
	v11 =	vmul.f32 v11, v17;
	v5 =	vld [tilespmem:s16+$0x0];
	v17 =	vadd.s32 s17, v2;
	v19 =	vor.u32 v0, v19;
	s17 =	sor.u32 s15, s8  }
0x15a: {  	v9 =	vmul.f32 $6.931471820e-01, v9;
	v16 =	vmul.f32 v3, v16;
	s29 =	sor.u32 s14, s8;
	s8 =	sor.u32 s13, s8;
	v17 =	vor.u32 v0, v17;
	v3 =	vld [tilespmem:s17+$0x0]  }
0x15b: {  	v6 =	vsub.f32 v6, v4;
	v12 =	vmul.f32 v12, v14;
	v10 =	vadd.f32 v11, v10;
	v4 =	vld [tilespmem:s8+$0x0]  }
0x15c: {  	v7 =	vmul.f32 v8, v7;
	v8 =	vld.idx.msk [tilespmem:v20+s25+$0x0], $0xffff  }
0x15d: {  	v9 =	vadd.f32 v16, v9;
	v6 =	vsub.f32 v6, v12;
	v10 =	vmul.f32 v10, v13;
	v11 =	vld.idx.msk [tilespmem:v18+s25+$0x0], $0xffff  }
0x15e: {  	v12 =	vld.idx.msk [tilespmem:v19+s25+$0x0], $0xffff  }
0x15f: {  	v7 =	vmul.f32 v9, v7;
	v6 =	vsub.f32 v6, v10;
	v9 =	vld.idx.msk [tilespmem:v17+s25+$0x0], $0xffff;
	_ =	sdelay $0x1  }
0x160: {  	v6 =	vsub.f32 v6, v7  }
0x161: {  	v7 =	vshll.u32 v5, $0xA;
	v10 =	vshll.u32 v3, $0xA;
	v13 =	vadd.f32 $1.000000010e-10, v11  }
0x162: {  	v14 =	vshll.u32 v4, $0xA;
	v7 =	vor.u32 s19, v7;
	v16 =	vadd.f32 $1.000000010e-10, v8  }
0x163: {  	v17 =	vadd.f32 $1.000000010e-10, v12;
	v9 =	vadd.f32 $1.000000010e-10, v9;
	v8 =	vand.u32 $0x7FFFFF, v13  }
0x164: {  	v10 =	vor.u32 s15, v10;
	v12 =	vand.u32 $0x7FFFFF, v16;
	v8 =	vor.u32 $0x3F800000, v8  }
0x165: {  	v20 =	vand.u32 $0x7FFFFF, v17;
	v19 =	vand.u32 $0x7FFFFF, v9;
	v18 =	vmul.f32 $5.000000000e-01, v8  }
0x166: {  	v20 =	vor.u32 $0x3F800000, v20;
	vm12 =	vgt.f32 v8, $1.414213540e+00;
	v19 =	vor.u32 $0x3F800000, v19  }
0x167: {  	v2 =	vld [tilespmem:s29+$0x0];
	v25 =	vmul.f32 $5.000000000e-01, v20;
	v18 =	vsel vm12, v18, v8;
	v8 =	vmul.f32 $5.000000000e-01, v19  }
0x168: {  	vm14 =	vgt.f32 v20, $1.414213540e+00;
	vm13 =	vgt.f32 v19, $1.414213540e+00;
	v24 =	vadd.f32 $1.000000000e+00, v18  }
0x169: {  	v12 =	vor.u32 $0x3F800000, v12;
	v20 =	vsel vm14, v25, v20;
	v19 =	vsel vm13, v8, v19  }
0x16a: {  	s29 =	sand.u32 $0xFFFFFF80, s12;
	v8 =	vmul.f32 $5.000000000e-01, v12;
	v26 =	vadd.f32 $1.000000000e+00, v19;
	(erf) = vrcp.f32 v24  }
0x16b: {  	v7 =	vadd.s32 s29, v7;
	vm15 =	vgt.f32 v12, $1.414213540e+00;
	v24 =	vadd.f32 $1.000000000e+00, v20  }
0x16c: {  	v11 =	vshll.u32 v2, $0xA;
	v29 =	vsel vm15, v8, v12;
	(erf) = vrcp.f32 v26  }
0x16d: {  	v8 =	vor.u32 s13, v14;
	v14 =	vadd.f32 $1.000000000e+00, v29;
	(erf) = vrcp.f32 v24  }
0x16e: {  	v22 =	vld.idx.msk [tilespmem:v22+s18+$0x0], $0xffff;
	v10 =	vadd.s32 s29, v10;
	v11 =	vor.u32 s14, v11;
	v59 =	vsub.f32 $1.000000000e+00, v17  }
0x16f: {  	v15 =	vld.idx.msk [tilespmem:v15+s18+$0x0], $0xffff;
	v27 =	vsub.f32 $1.000000000e+00, v13;
	v28 =	vshra.s32 v13, $0x17;
	(erf) = vrcp.f32 v14  }
0x170: {  	v60 =	vsub.f32 $1.000000000e+00, v9;
	v31 =	vsel vm14, $0xFFFFFF82, v1;
	v32 =	vsel vm12, $0xFFFFFF82, v1;
	v26 =	vld.idx.msk [tilespmem:v21+s18+$0x0], $0xffff  }
0x171: {  	v25 =	vshra.s32 v17, $0x17;
	v12 =	vor.u32 v0, v7;
	v7 =	vsub.f32 $1.000000000e+00, v16  }
0x172: {  	v23 =	vld.idx.msk [tilespmem:v23+s18+$0x0], $0xffff;
	v8 =	vadd.s32 s29, v8;
	v14 =	vshra.s32 v16, $0x17;
	v16 =	vadd.f32 $-1.000000000e+00, v18  }
0x173: {  	v21 =	vshra.s32 v9, $0x17;
	v24 =	vadd.s32 s29, v11;
	v11 =	vor.u32 v0, v8;
	v17 =	vpop (erf)  }
0x174: {  	v9 =	vmul.f32 v7, v22;
	v16 =	vmul.f32 v17, v16;
	v17 =	vadd.f32 $-1.000000000e+00, v19  }
0x175: {  	v18 =	vmul.f32 v59, v15;
	v15 =	vadd.f32 $-1.000000000e+00, v20;
	v30 =	vmul.f32 v27, v26;
	v20 =	vpop (erf)  }
0x176: {  	v8 =	vor.u32 v0, v10;
	v26 =	vmul.f32 v16, v16;
	v17 =	vmul.f32 v20, v17;
	v13 =	vpop (erf)  }
0x177: {  	v22 =	vadd.f32 $-1.000000000e+00, v29;
	v19 =	vmul.f32 v60, v23;
	v15 =	vmul.f32 v13, v15  }
0x178: {  	v10 =	vor.u32 v0, v24;
	v61 =	vpop (erf);
	v23 =	vmul.f32 $2.857142980e-01, v26;
	v24 =	vmul.f32 v17, v17  }
0x179: {  	v29 =	vsel vm13, $0xFFFFFF82, v1;
	v13 =	vmul.f32 v18, v59;
	v18 =	vmul.f32 v61, v22  }
0x17a: {  	v62 =	vadd.f32 $4.000000060e-01, v23;
	v63 =	vmul.f32 $2.857142980e-01, v24;
	v23 =	vmul.f32 v15, v15  }
0x17b: {  	v20 =	vsel vm15, $0xFFFFFF82, v1;
	v19 =	vmul.f32 v19, v60;
	v22 =	vmul.f32 v18, v18  }
0x17c: {  	s12 =	simm.s32 $0x4;
	v33 =	vmul.f32 v62, v26;
	v34 =	vadd.f32 $4.000000060e-01, v63;
	v35 =	vmul.f32 $2.857142980e-01, v23  }
.LBB2_7:
0x17d: {  	s12 =	sadd.s32 $0x4, s12;
	v27 =	vmul.f32 v30, v27;
	v25 =	vadd.s32 v25, v31;
	v30 =	vmul.f32 $2.857142980e-01, v22  }
0x17e: {  	s11 =	sadd.s32 $0x40, s11;
	s13 =	sshll.u32 s12, $0x4;
	p1 =	slt.u32 s12, $0x3C;
	v31 =	vadd.f32 $6.666666860e-01, v33;
	v33 =	vmul.f32 v34, v24;
	v34 =	vadd.f32 $4.000000060e-01, v35  }
0x17f: {  	v28 =	vadd.s32 v28, v32;
	s14 =	sand.u32 $0x40, s11;
	v25 =	vcvt.s32.f32 v25;
	s8 =	sand.u32 $0x3FFFFF80, s13;
	v30 =	vadd.f32 $4.000000060e-01, v30  }
0x180: {  	s17 =	sor.u32 $0x30, s14;
	s8 =	sadd.s32 $0x15800, s8;
	v26 =	vmul.f32 v31, v26;
	v31 =	vadd.f32 $6.666666860e-01, v33;
	v32 =	vmul.f32 v34, v23  }
0x181: {  	v21 =	vadd.s32 v21, v29;
	v28 =	vcvt.s32.f32 v28;
	s15 =	sor.u32 $0x20, s14;
	s19 =	sor.u32 s17, s8;
	v29 =	vmul.f32 v30, v22  }
0x182: {  	s16 =	sor.u32 $0x10, s14;
	s29 =	sor.u32 s15, s8;
	v30 =	vld [tilespmem:s19+$0x0];
	v26 =	vadd.f32 $2.000000000e+00, v26;
	v24 =	vmul.f32 v31, v24;
	v31 =	vadd.f32 $6.666666860e-01, v32  }
0x183: {  	v21 =	vcvt.s32.f32 v21;
	v28 =	vmul.f32 $6.931471820e-01, v28;
	s19 =	sor.u32 s16, s8;
	v32 =	vld [tilespmem:s29+$0x0];
	v29 =	vadd.f32 $6.666666860e-01, v29  }
0x184: {  	s8 =	sor.u32 s14, s8;
	v33 =	vld [tilespmem:s19+$0x0];
	v16 =	vmul.f32 v26, v16;
	v24 =	vadd.f32 $2.000000000e+00, v24;
	v23 =	vmul.f32 v31, v23  }
0x185: {  	v14 =	vadd.s32 v14, v20;
	v21 =	vmul.f32 $6.931471820e-01, v21;
	v26 =	vld [tilespmem:s8+$0x0];
	v20 =	vmul.f32 v29, v22  }
0x186: {  	v12 =	vld.idx.msk [tilespmem:v12+s25+$0x0], $0xffff;
	v16 =	vadd.f32 v16, v28;
	v17 =	vmul.f32 v24, v17;
	v22 =	vadd.f32 $2.000000000e+00, v23  }
0x187: {  	v14 =	vcvt.s32.f32 v14;
	v23 =	vmul.f32 $6.931471820e-01, v25;
	v11 =	vld.idx.msk [tilespmem:v11+s25+$0x0], $0xffff;
	v20 =	vadd.f32 $2.000000000e+00, v20  }
0x188: {  	v10 =	vld.idx.msk [tilespmem:v10+s25+$0x0], $0xffff;
	v16 =	vmul.f32 v16, v27;
	v17 =	vadd.f32 v17, v21;
	v15 =	vmul.f32 v22, v15  }
0x189: {  	v14 =	vmul.f32 $6.931471820e-01, v14;
	v21 =	vshll.u32 v30, $0xA;
	v8 =	vld.idx.msk [tilespmem:v8+s25+$0x0], $0xffff;
	v18 =	vmul.f32 v20, v18  }
0x18a: {  	v6 =	vsub.f32 v6, v16;
	v16 =	vmul.f32 v17, v19;
	v15 =	vadd.f32 v15, v23  }
0x18b: {  	v7 =	vmul.f32 v9, v7;
	v17 =	vshll.u32 v33, $0xA;
	v19 =	vshll.u32 v32, $0xA  }
0x18c: {  	v6 =	vsub.f32 v6, v16;
	v9 =	vmul.f32 v15, v13;
	v13 =	vadd.f32 v18, v14  }
0x18d: {  	v14 =	vshll.u32 v26, $0xA;
	v15 =	vor.u32 s17, v21;
	v18 =	vadd.f32 $1.000000010e-10, v11  }
0x18e: {  	v16 =	vadd.f32 $1.000000010e-10, v12;
	v6 =	vsub.f32 v6, v9;
	v7 =	vmul.f32 v13, v7  }
0x18f: {  	v20 =	vadd.f32 $1.000000010e-10, v10;
	v9 =	vand.u32 $0x7FFFFF, v18;
	v13 =	vadd.f32 $1.000000010e-10, v8  }
0x190: {  	v8 =	vor.u32 $0x3F800000, v9;
	v9 =	vand.u32 $0x7FFFFF, v16;
	v6 =	vsub.f32 v6, v7  }
0x191: {  	v11 =	vand.u32 $0x7FFFFF, v20;
	v7 =	vmul.f32 $5.000000000e-01, v8;
	v10 =	vand.u32 $0x7FFFFF, v13  }
0x192: {  	vm0 =	vgt.f32 v8, $1.414213540e+00;
	v9 =	vor.u32 $0x3F800000, v9;
	v10 =	vor.u32 $0x3F800000, v10  }
0x193: {  	v21 =	vsel vm0, v7, v8;
	v7 =	vmul.f32 $5.000000000e-01, v10;
	v8 =	vor.u32 $0x3F800000, v11  }
0x194: {  	vm1 =	vgt.f32 v10, $1.414213540e+00;
	v11 =	vadd.f32 $1.000000000e+00, v21;
	v12 =	vmul.f32 $5.000000000e-01, v8  }
0x195: {  	vm2 =	vgt.f32 v8, $1.414213540e+00;
	v22 =	vsel vm1, v7, v10;
	v7 =	vmul.f32 $5.000000000e-01, v9  }
0x196: {  	v10 =	vadd.f32 $1.000000000e+00, v22;
	v23 =	vsel vm2, v12, v8;
	(erf) = vrcp.f32 v11  }
0x197: {  	vm3 =	vgt.f32 v9, $1.414213540e+00;
	v8 =	vor.u32 s15, v19;
	v11 =	vadd.f32 $1.000000000e+00, v23  }
0x198: {  	v12 =	vor.u32 s16, v17;
	v19 =	vsel vm3, v7, v9;
	v17 =	vld.idx.msk [tilespmem:v5+s18+$0x0], $0xffff;
	(erf) = vrcp.f32 v10;
	v5 =	vmovc v30  }
0x199: {  	s8 =	sand.u32 $0xFFFFFF80, s13;
	v7 =	vor.u32 s14, v14;
	v9 =	vadd.f32 $1.000000000e+00, v19;
	v24 =	vld.idx.msk [tilespmem:v2+s18+$0x0], $0xffff;
	(erf) = vrcp.f32 v11;
	v2 =	vmovc v32  }
0x19a: {  	v14 =	vadd.s32 s8, v8;
	v8 =	vadd.s32 s8, v15;
	v10 =	vadd.s32 s8, v12;
	v15 =	vld.idx.msk [tilespmem:v3+s18+$0x0], $0xffff;
	v3 =	vmovc v33  }
0x19b: {  	v7 =	vadd.s32 s8, v7;
	v12 =	vor.u32 v0, v8;
	v28 =	vld.idx.msk [tilespmem:v4+s18+$0x0], $0xffff;
	(erf) = vrcp.f32 v9;
	v4 =	vmovc v26  }
0x19c: {  	v11 =	vor.u32 v0, v7;
	v8 =	vor.u32 v0, v10;
	v10 =	vor.u32 v0, v14  }
0x19d: {  	v32 =	vsub.f32 $1.000000000e+00, v20;
	v7 =	vsub.f32 $1.000000000e+00, v16;
	v14 =	vshra.s32 v16, $0x17  }
0x19e: {  	v25 =	vshra.s32 v20, $0x17;
	v16 =	vadd.f32 $-1.000000000e+00, v21;
	v33 =	vsub.f32 $1.000000000e+00, v13  }
0x19f: {  	v27 =	vsub.f32 $1.000000000e+00, v18;
	v21 =	vshra.s32 v13, $0x17;
	v9 =	vmul.f32 v7, v17;
	v13 =	vpop (erf)  }
0x1a0: {  	v20 =	vadd.f32 $-1.000000000e+00, v22;
	v22 =	vmul.f32 v32, v24;
	v16 =	vmul.f32 v13, v16  }
0x1a1: {  	v34 =	vmul.f32 v33, v15;
	v15 =	vadd.f32 $-1.000000000e+00, v23;
	v30 =	vmul.f32 v27, v28;
	v17 =	vpop (erf)  }
0x1a2: {  	v28 =	vshra.s32 v18, $0x17;
	v26 =	vmul.f32 v16, v16;
	v17 =	vmul.f32 v17, v20;
	v13 =	vpop (erf)  }
0x1a3: {  	v18 =	vadd.f32 $-1.000000000e+00, v19;
	v20 =	vsel vm3, $0xFFFFFF82, v1;
	v15 =	vmul.f32 v13, v15  }
.Ltmp4:
0x1a4: {  	v31 =	vsel vm2, $0xFFFFFF82, v1;
	v19 =	vmul.f32 $2.857142980e-01, v26;
	v24 =	vmul.f32 v17, v17;
	v23 =	vpop (erf);
	(pc) =	sbr.rel @p1 .LBB2_7-.Ltmp4, $4  }
0x1a5: {  	v29 =	vsel vm1, $0xFFFFFF82, v1;
	v13 =	vmul.f32 v22, v32;
	v18 =	vmul.f32 v23, v18  }
0x1a6: {  	v23 =	vmul.f32 v15, v15;
	v35 =	vadd.f32 $4.000000060e-01, v19;
	v36 =	vmul.f32 $2.857142980e-01, v24  }
0x1a7: {  	v32 =	vsel vm0, $0xFFFFFF82, v1;
	v19 =	vmul.f32 v34, v33;
	v22 =	vmul.f32 v18, v18  }
0x1a8: {  	v33 =	vmul.f32 v35, v26;
	v34 =	vadd.f32 $4.000000060e-01, v36;
	v35 =	vmul.f32 $2.857142980e-01, v23  }
0x1a9: {  	_ =	sdelay $0x1  }
0x1aa: {  	v27 =	vmul.f32 v30, v27;
	v25 =	vadd.s32 v25, v31;
	v30 =	vmul.f32 $2.857142980e-01, v22  }
0x1ab: {  	v28 =	vadd.s32 v28, v32;
	v21 =	vadd.s32 v21, v29;
	v14 =	vadd.s32 v14, v20  }
0x1ac: {  	v12 =	vld.idx.msk [tilespmem:v12+s25+$0x0], $0xffff;
	v7 =	vmul.f32 v9, v7;
	v31 =	vadd.f32 $6.666666860e-01, v33;
	v56 =	vmul.f32 v34, v24  }
0x1ad: {  	v11 =	vld.idx.msk [tilespmem:v11+s25+$0x0], $0xffff;
	v57 =	vadd.f32 $4.000000060e-01, v35;
	v25 =	vcvt.s32.f32 v25;
	v28 =	vcvt.s32.f32 v28  }
0x1ae: {  	v8 =	vld.idx.msk [tilespmem:v8+s25+$0x0], $0xffff;
	v21 =	vcvt.s32.f32 v21;
	v14 =	vcvt.s32.f32 v14  }
0x1af: {  	v30 =	vadd.f32 $4.000000060e-01, v30;
	v26 =	vmul.f32 v31, v26;
	v58 =	vmul.f32 v57, v23  }
0x1b0: {  	v10 =	vld.idx.msk [tilespmem:v10+s25+$0x0], $0xffff;
	v31 =	vadd.f32 $6.666666860e-01, v56;
	v28 =	vmul.f32 $6.931471820e-01, v28;
	v21 =	vmul.f32 $6.931471820e-01, v21  }
0x1b1: {  	v29 =	vmul.f32 v30, v22;
	v26 =	vadd.f32 $2.000000000e+00, v26;
	v30 =	vadd.f32 $6.666666860e-01, v58  }
0x1b2: {  	v24 =	vmul.f32 v31, v24;
	v11 =	vadd.f32 $1.000000010e-10, v11;
	v9 =	vadd.f32 $1.000000010e-10, v12  }
0x1b3: {  	v14 =	vmul.f32 $6.931471820e-01, v14;
	v8 =	vadd.f32 $1.000000010e-10, v8;
	v29 =	vadd.f32 $6.666666860e-01, v29  }
0x1b4: {  	v16 =	vmul.f32 v26, v16;
	v24 =	vadd.f32 $2.000000000e+00, v24;
	v23 =	vmul.f32 v30, v23  }
0x1b5: {  	v10 =	vadd.f32 $1.000000010e-10, v10;
	v12 =	vand.u32 $0x7FFFFF, v11;
	v20 =	vmul.f32 v29, v22  }
0x1b6: {  	v16 =	vadd.f32 v16, v28;
	v17 =	vmul.f32 v24, v17;
	v22 =	vadd.f32 $2.000000000e+00, v23  }
0x1b7: {  	v12 =	vor.u32 $0x3F800000, v12;
	v23 =	vmul.f32 $6.931471820e-01, v25;
	v20 =	vadd.f32 $2.000000000e+00, v20  }
0x1b8: {  	v16 =	vmul.f32 v16, v27;
	v17 =	vadd.f32 v17, v21;
	v15 =	vmul.f32 v22, v15  }
0x1b9: {  	vm0 =	vgt.f32 v12, $1.414213540e+00;
	v18 =	vmul.f32 v20, v18;
	v20 =	vand.u32 $0x7FFFFF, v10  }
0x1ba: {  	v6 =	vsub.f32 v6, v16;
	v16 =	vmul.f32 v17, v19;
	v15 =	vadd.f32 v15, v23  }
0x1bb: {  	v17 =	vmul.f32 $5.000000000e-01, v12;
	v19 =	vand.u32 $0x7FFFFF, v8;
	v20 =	vor.u32 $0x3F800000, v20  }
0x1bc: {  	v19 =	vor.u32 $0x3F800000, v19;
	v22 =	vmul.f32 $5.000000000e-01, v20;
	vm2 =	vgt.f32 v20, $1.414213540e+00  }
0x1bd: {  	v6 =	vsub.f32 v6, v16;
	v12 =	vsel vm0, v17, v12;
	v17 =	vmul.f32 $5.000000000e-01, v19  }
0x1be: {  	v16 =	vand.u32 $0x7FFFFF, v9;
	vm1 =	vgt.f32 v19, $1.414213540e+00;
	v21 =	vadd.f32 $1.000000000e+00, v12  }
0x1bf: {  	v16 =	vor.u32 $0x3F800000, v16;
	v20 =	vsel vm2, v22, v20;
	v17 =	vsel vm1, v17, v19  }
0x1c0: {  	v19 =	vmul.f32 $5.000000000e-01, v16;
	v23 =	vadd.f32 $1.000000000e+00, v17;
	(erf) = vrcp.f32 v21  }
0x1c1: {  	v13 =	vmul.f32 v15, v13;
	v15 =	vadd.f32 $1.000000000e+00, v20;
	vm3 =	vgt.f32 v16, $1.414213540e+00  }
0x1c2: {  	v16 =	vsel vm3, v19, v16;
	(erf) = vrcp.f32 v23  }
0x1c3: {  	v14 =	vadd.f32 v18, v14;
	v18 =	vld.idx.msk [tilespmem:v5+s18+$0x0], $0xffff;
	v5 =	vadd.f32 $1.000000000e+00, v16;
	(erf) = vrcp.f32 v15;
	_ =	sdelay $0x1  }
0x1c4: {  	v3 =	vld.idx.msk [tilespmem:v3+s18+$0x0], $0xffff;
	v7 =	vmul.f32 v14, v7;
	v6 =	vsub.f32 v6, v13;
	(erf) = vrcp.f32 v5  }
0x1c5: {  	s8 =	sadd.s32 @!p0 $0x2C0, s10;
	v2 =	vld.idx.msk [tilespmem:v2+s18+$0x0], $0xffff;
	v12 =	vadd.f32 $-1.000000000e+00, v12  }
0x1c6: {  	s11 =	sand.u32 @!p0 $0xC0, s8;
	v26 =	vsel vm0, $0xFFFFFF82, v1;
	v5 =	vsub.f32 v6, v7;
	v6 =	vsub.f32 $1.000000000e+00, v9  }
0x1c7: {  	s8 =	sshrl.u32 @!p0 s8, $0x8;
	s11 =	sor.u32 @!p0 s6, s11;
	v14 =	vsub.f32 $1.000000000e+00, v8;
	v8 =	vshra.s32 v8, $0x17;
	v25 =	vsel vm1, $0xFFFFFF82, v1  }
0x1c8: {  	s12 =	smul.u32 @!p0 $0x540000, s8;
	s11 =	sshll.u32 @!p0 s11, $0xA;
	v13 =	vsub.f32 $1.000000000e+00, v10;
	v8 =	vadd.s32 v8, v25;
	v7 =	vmul.f32 v6, v18;
	v18 =	vpop (erf)  }
0x1c9: {  	s11 =	sand.u32 @!p0 $0x37000, s11;
	v17 =	vadd.f32 $-1.000000000e+00, v17;
	v3 =	vmul.f32 v14, v3;
	v12 =	vmul.f32 v18, v12  }
0x1ca: {  	s8 =	sshll.u32 @!p0 s8, $0x12;
	s12 =	sor.u32 @!p0 s12, s11;
	v8 =	vcvt.s32.f32 v8;
	v2 =	vmul.f32 v13, v2;
	v18 =	vadd.f32 $-1.000000000e+00, v20;
	v19 =	vpop (erf)  }
0x1cb: {  	v4 =	vld.idx.msk [tilespmem:v4+s18+$0x0], $0xffff;
	s13 =	simm.s32 @!p0 $0x400;
	s8 =	sor.u32 @!p0 s8, s11;
	s12 =	sor.u32 @!p0 s7, s12;
	v10 =	vshra.s32 v10, $0x17;
	v20 =	vmul.f32 v12, v12;
	v17 =	vmul.f32 v19, v17;
	v19 =	vpop (erf)  }
0x1cc: {  	s14 =	simm.s32 @!p0 $0x40000;
	s8 =	sor.u32 @!p0 s7, s8;
	s12 =	sshrl.u32 @!p0 s12, $0x3;
	v16 =	vadd.f32 $-1.000000000e+00, v16;
	v14 =	vmul.f32 v3, v14;
	v18 =	vmul.f32 v19, v18  }
0x1cd: {  	s15 =	simm.s32 @!p0 $0xA800;
	s8 =	sshrl.u32 @!p0 s8, $0x3;
	s12 =	sadd.s32 @!p0 s1, s12;
	v23 =	vsel vm2, $0xFFFFFF82, v1;
	v24 =	vpop (erf);
	v21 =	vmul.f32 $2.857142980e-01, v20;
	v22 =	vmul.f32 v17, v17  }
0x1ce: {  	[tilespmem:s15], [sflag:$0x3] =	stream.strided.gather @!p0 [hbm4b:s12+s13], $0x5400, s14, s13, $0x38;
	v15 =	vsub.f32 $1.000000000e+00, v11;
	v13 =	vmul.f32 v2, v13;
	v16 =	vmul.f32 v24, v16;
	[tilespmem:$0x16100] =	vst v63  }
0x1cf: {  	s11 =	simm.s32 @!p0 $0x0;
	s8 =	sadd.s32 @!p0 s2, s8;
	s12 =	simm.s32 @!p0 $0x15800;
	v24 =	vmul.f32 v18, v18;
	v2 =	vadd.f32 $4.000000060e-01, v21;
	v21 =	vmul.f32 $2.857142980e-01, v22  }
0x1d0: {  	[tilespmem:s12], [sflag:$0x7] =	stream.linear.gather @!p0 [hbm4b:s8+s11], $0x400, $0x38;
	v11 =	vshra.s32 v11, $0x17;
	v4 =	vmul.f32 v15, v4;
	v3 =	vmul.f32 v16, v16;
	[tilespmem:$0x16100] =	vst v63  }
0x1d1: {  	_ =	swait.ge [sflag:s24], $0x5400;
	v27 =	vmul.f32 $2.857142980e-01, v24;
	v2 =	vmul.f32 v2, v20;
	v21 =	vadd.f32 $4.000000060e-01, v21  }
0x1d2: {  	v10 =	vadd.s32 v10, v23;
	v4 =	vmul.f32 v4, v15;
	[sflag:s24] =	ssyncset.done $0x0;
	v15 =	vmul.f32 $2.857142980e-01, v3  }
0x1d3: {  	s17 =	simm.s32 $0x0;
	s13 =	simm.s32 $0x0;
	[sflag:s24] =	ssyncadd.s32 $0xFFFFAC00;
	v23 =	vadd.f32 $4.000000060e-01, v27;
	v2 =	vadd.f32 $6.666666860e-01, v2;
	v21 =	vmul.f32 v21, v22  }
0x1d4: {  	s19 =	sand.u32 $0x3FFFFF80, s13;
	s8 =	sand.u32 $0x40, s17;
	v11 =	vadd.s32 v11, v26;
	v10 =	vcvt.s32.f32 v10;
	_ =	swait.ge [sflag:s26], $0x400;
	v15 =	vadd.f32 $4.000000060e-01, v15  }
0x1d5: {  	s11 =	sadd.s32 $0x15C00, s19;
	s15 =	sor.u32 $0x10, s8;
	[sflag:s26] =	ssyncset.done $0x0;
	v2 =	vmul.f32 v2, v20;
	v20 =	vadd.f32 $6.666666860e-01, v21;
	v21 =	vmul.f32 v23, v24  }
0x1d6: {  	s29 =	sor.u32 $0x30, s8;
	s19 =	sor.u32 s15, s11;
	v9 =	vshra.s32 v9, $0x17;
	v11 =	vcvt.s32.f32 v11;
	[sflag:s26] =	ssyncadd.s32 $0xFFFFFC00;
	v15 =	vmul.f32 v15, v3  }
0x1d7: {  	s17 =	sor.u32 s29, s11;
	v23 =	vld [tilespmem:s19+$0x0];
	v2 =	vadd.f32 $2.000000000e+00, v2;
	v20 =	vmul.f32 v20, v22;
	v21 =	vadd.f32 $6.666666860e-01, v21  }
0x1d8: {  	s16 =	sor.u32 $0x20, s8;
	v11 =	vmul.f32 $6.931471820e-01, v11;
	v19 =	vsel vm3, $0xFFFFFF82, v1;
	v22 =	vld [tilespmem:s17+$0x0];
	v15 =	vadd.f32 $6.666666860e-01, v15;
	s17 =	sor.u32 s8, s11  }
0x1d9: {  	s11 =	sor.u32 s16, s11;
	v2 =	vmul.f32 v2, v12;
	v12 =	vadd.f32 $2.000000000e+00, v20;
	v20 =	vmul.f32 v21, v24;
	v21 =	vld [tilespmem:s17+$0x0]  }
0x1da: {  	v8 =	vmul.f32 $6.931471820e-01, v8;
	v9 =	vadd.s32 v9, v19;
	v3 =	vmul.f32 v15, v3;
	v15 =	vld [tilespmem:s11+$0x0]  }
0x1db: {  	v10 =	vmul.f32 $6.931471820e-01, v10;
	v9 =	vcvt.s32.f32 v9;
	v2 =	vadd.f32 v2, v11  }
0x1dc: {  	v11 =	vmul.f32 v12, v17;
	v12 =	vadd.f32 $2.000000000e+00, v20;
	v17 =	vadd.f32 $2.000000000e+00, v3  }
0x1dd: {  	v3 =	vshll.u32 v23, $0xA;
	v19 =	vmul.f32 v2, v4;
	v2 =	vshll.u32 v22, $0xA  }
0x1de: {  	s12 =	simm.s32 $0x40;
	s11 =	simm.s32 $0x40;
	s17 =	sand.u32 $0xFFFFFF80, s13;
	v8 =	vadd.f32 v11, v8;
	v4 =	vshll.u32 v21, $0xA;
	v2 =	vor.u32 s29, v2  }
0x1df: {  	s13 =	sand.u32 $0x40, s11;
	s29 =	sand.u32 $0x3FFFFF80, s12;
	v11 =	vshll.u32 v15, $0xA;
	v4 =	vor.u32 s8, v4;
	v2 =	vadd.s32 s17, v2  }
0x1e0: {  	s19 =	sor.u32 $0x30, s13;
	s8 =	sadd.s32 $0x15C00, s29;
	v11 =	vor.u32 s16, v11;
	v4 =	vadd.s32 s17, v4;
	v20 =	vor.u32 v0, v2  }
0x1e1: {  	v3 =	vor.u32 s15, v3;
	s15 =	sor.u32 $0x10, s13;
	s16 =	sor.u32 s19, s8;
	v11 =	vadd.s32 s17, v11;
	v24 =	vor.u32 v0, v4  }
0x1e2: {  	s14 =	sor.u32 $0x20, s13;
	v12 =	vmul.f32 v12, v18;
	v2 =	vld [tilespmem:s16+$0x0];
	v4 =	vadd.s32 s17, v3;
	v11 =	vor.u32 v0, v11;
	s17 =	sor.u32 s15, s8  }
0x1e3: {  	v9 =	vmul.f32 $6.931471820e-01, v9;
	v16 =	vmul.f32 v17, v16;
	s29 =	sor.u32 s14, s8;
	s8 =	sor.u32 s13, s8;
	v17 =	vor.u32 v0, v4;
	v4 =	vld [tilespmem:s17+$0x0]  }
0x1e4: {  	v18 =	vsub.f32 v5, v19;
	v8 =	vmul.f32 v8, v14;
	v10 =	vadd.f32 v12, v10;
	v5 =	vld [tilespmem:s8+$0x0]  }
0x1e5: {  	v6 =	vmul.f32 v7, v6;
	v7 =	vld.idx.msk [tilespmem:v20+s28+$0x0], $0xffff  }
0x1e6: {  	v9 =	vadd.f32 v16, v9;
	v8 =	vsub.f32 v18, v8;
	v10 =	vmul.f32 v10, v13;
	v12 =	vld.idx.msk [tilespmem:v24+s28+$0x0], $0xffff  }
0x1e7: {  	v11 =	vld.idx.msk [tilespmem:v11+s28+$0x0], $0xffff  }
0x1e8: {  	v6 =	vmul.f32 v9, v6;
	v8 =	vsub.f32 v8, v10;
	v9 =	vld.idx.msk [tilespmem:v17+s28+$0x0], $0xffff;
	_ =	sdelay $0x1  }
0x1e9: {  	v6 =	vsub.f32 v8, v6  }
0x1ea: {  	v8 =	vshll.u32 v2, $0xA;
	v10 =	vshll.u32 v4, $0xA;
	v13 =	vadd.f32 $1.000000010e-10, v12  }
0x1eb: {  	v14 =	vshll.u32 v5, $0xA;
	v8 =	vor.u32 s19, v8;
	v16 =	vadd.f32 $1.000000010e-10, v7  }
0x1ec: {  	v17 =	vadd.f32 $1.000000010e-10, v11;
	v9 =	vadd.f32 $1.000000010e-10, v9;
	v7 =	vand.u32 $0x7FFFFF, v13  }
0x1ed: {  	v10 =	vor.u32 s15, v10;
	v11 =	vand.u32 $0x7FFFFF, v16;
	v7 =	vor.u32 $0x3F800000, v7  }
0x1ee: {  	v20 =	vand.u32 $0x7FFFFF, v17;
	v19 =	vand.u32 $0x7FFFFF, v9;
	v18 =	vmul.f32 $5.000000000e-01, v7  }
0x1ef: {  	v20 =	vor.u32 $0x3F800000, v20;
	vm12 =	vgt.f32 v7, $1.414213540e+00;
	v19 =	vor.u32 $0x3F800000, v19  }
0x1f0: {  	v25 =	vmul.f32 $5.000000000e-01, v20;
	v18 =	vsel vm12, v18, v7;
	v7 =	vmul.f32 $5.000000000e-01, v19  }
0x1f1: {  	v3 =	vld [tilespmem:s29+$0x0];
	vm14 =	vgt.f32 v20, $1.414213540e+00;
	vm13 =	vgt.f32 v19, $1.414213540e+00;
	v24 =	vadd.f32 $1.000000000e+00, v18  }
0x1f2: {  	v11 =	vor.u32 $0x3F800000, v11;
	v20 =	vsel vm14, v25, v20;
	v19 =	vsel vm13, v7, v19  }
0x1f3: {  	s29 =	sand.u32 $0xFFFFFF80, s12;
	v7 =	vmul.f32 $5.000000000e-01, v11;
	v26 =	vadd.f32 $1.000000000e+00, v19;
	(erf) = vrcp.f32 v24  }
0x1f4: {  	v8 =	vadd.s32 s29, v8;
	vm15 =	vgt.f32 v11, $1.414213540e+00;
	v24 =	vadd.f32 $1.000000000e+00, v20  }
0x1f5: {  	v10 =	vadd.s32 s29, v10;
	v29 =	vsel vm15, v7, v11;
	(erf) = vrcp.f32 v26  }
0x1f6: {  	v12 =	vshll.u32 v3, $0xA;
	v11 =	vadd.f32 $1.000000000e+00, v29;
	(erf) = vrcp.f32 v24  }
0x1f7: {  	v22 =	vld.idx.msk [tilespmem:v22+s18+$0x0], $0xffff;
	v12 =	vor.u32 s14, v12;
	v59 =	vsub.f32 $1.000000000e+00, v17;
	v27 =	vsub.f32 $1.000000000e+00, v13  }
0x1f8: {  	v15 =	vld.idx.msk [tilespmem:v15+s18+$0x0], $0xffff;
	v28 =	vshra.s32 v13, $0x17;
	v7 =	vor.u32 s13, v14;
	(erf) = vrcp.f32 v11  }
0x1f9: {  	v14 =	vadd.s32 s29, v12;
	v12 =	vor.u32 v0, v8;
	v8 =	vor.u32 v0, v10;
	v24 =	vld.idx.msk [tilespmem:v21+s18+$0x0], $0xffff  }
0x1fa: {  	v7 =	vadd.s32 s29, v7;
	v10 =	vor.u32 v0, v14;
	v14 =	vshra.s32 v16, $0x17  }
0x1fb: {  	v23 =	vld.idx.msk [tilespmem:v23+s18+$0x0], $0xffff;
	v11 =	vor.u32 v0, v7;
	v7 =	vsub.f32 $1.000000000e+00, v16;
	v16 =	vadd.f32 $-1.000000000e+00, v18  }
0x1fc: {  	v60 =	vsub.f32 $1.000000000e+00, v9;
	v25 =	vshra.s32 v17, $0x17;
	v21 =	vshra.s32 v9, $0x17;
	v17 =	vpop (erf)  }
0x1fd: {  	v18 =	vmul.f32 v59, v15;
	v16 =	vmul.f32 v17, v16;
	v17 =	vadd.f32 $-1.000000000e+00, v19  }
0x1fe: {  	v15 =	vadd.f32 $-1.000000000e+00, v20;
	v9 =	vmul.f32 v7, v22;
	v30 =	vmul.f32 v27, v24;
	v20 =	vpop (erf)  }
0x1ff: {  	v31 =	vsel vm14, $0xFFFFFF82, v1;
	v26 =	vmul.f32 v16, v16;
	v17 =	vmul.f32 v20, v17;
	v13 =	vpop (erf)  }
0x200: {  	v22 =	vadd.f32 $-1.000000000e+00, v29;
	v19 =	vmul.f32 v60, v23;
	v15 =	vmul.f32 v13, v15  }
0x201: {  	v32 =	vsel vm12, $0xFFFFFF82, v1;
	v61 =	vpop (erf);
	v23 =	vmul.f32 $2.857142980e-01, v26;
	v24 =	vmul.f32 v17, v17  }
0x202: {  	v29 =	vsel vm13, $0xFFFFFF82, v1;
	v13 =	vmul.f32 v18, v59;
	v18 =	vmul.f32 v61, v22  }
0x203: {  	v62 =	vadd.f32 $4.000000060e-01, v23;
	v63 =	vmul.f32 $2.857142980e-01, v24;
	v23 =	vmul.f32 v15, v15  }
0x204: {  	v20 =	vsel vm15, $0xFFFFFF82, v1;
	v19 =	vmul.f32 v19, v60;
	v22 =	vmul.f32 v18, v18  }
0x205: {  	s12 =	simm.s32 $0x4;
	v33 =	vmul.f32 v62, v26;
	v34 =	vadd.f32 $4.000000060e-01, v63;
	v35 =	vmul.f32 $2.857142980e-01, v23  }
.LBB2_9:
0x206: {  	s12 =	sadd.s32 $0x4, s12;
	v27 =	vmul.f32 v30, v27;
	v25 =	vadd.s32 v25, v31;
	v30 =	vmul.f32 $2.857142980e-01, v22  }
0x207: {  	s11 =	sadd.s32 $0x40, s11;
	s13 =	sshll.u32 s12, $0x4;
	p1 =	slt.u32 s12, $0x3C;
	v31 =	vadd.f32 $6.666666860e-01, v33;
	v33 =	vmul.f32 v34, v24;
	v34 =	vadd.f32 $4.000000060e-01, v35  }
0x208: {  	v28 =	vadd.s32 v28, v32;
	s14 =	sand.u32 $0x40, s11;
	v25 =	vcvt.s32.f32 v25;
	s8 =	sand.u32 $0x3FFFFF80, s13;
	v30 =	vadd.f32 $4.000000060e-01, v30  }
0x209: {  	s17 =	sor.u32 $0x30, s14;
	s8 =	sadd.s32 $0x15C00, s8;
	v26 =	vmul.f32 v31, v26;
	v31 =	vadd.f32 $6.666666860e-01, v33;
	v32 =	vmul.f32 v34, v23  }
0x20a: {  	v21 =	vadd.s32 v21, v29;
	v28 =	vcvt.s32.f32 v28;
	s15 =	sor.u32 $0x20, s14;
	s19 =	sor.u32 s17, s8;
	v29 =	vmul.f32 v30, v22  }
0x20b: {  	s16 =	sor.u32 $0x10, s14;
	s29 =	sor.u32 s15, s8;
	v30 =	vld [tilespmem:s19+$0x0];
	v26 =	vadd.f32 $2.000000000e+00, v26;
	v24 =	vmul.f32 v31, v24;
	v31 =	vadd.f32 $6.666666860e-01, v32  }
0x20c: {  	v21 =	vcvt.s32.f32 v21;
	v28 =	vmul.f32 $6.931471820e-01, v28;
	s19 =	sor.u32 s16, s8;
	v32 =	vld [tilespmem:s29+$0x0];
	v29 =	vadd.f32 $6.666666860e-01, v29  }
0x20d: {  	s8 =	sor.u32 s14, s8;
	v33 =	vld [tilespmem:s19+$0x0];
	v16 =	vmul.f32 v26, v16;
	v24 =	vadd.f32 $2.000000000e+00, v24;
	v23 =	vmul.f32 v31, v23  }
0x20e: {  	v14 =	vadd.s32 v14, v20;
	v21 =	vmul.f32 $6.931471820e-01, v21;
	v26 =	vld [tilespmem:s8+$0x0];
	v20 =	vmul.f32 v29, v22  }
0x20f: {  	v12 =	vld.idx.msk [tilespmem:v12+s28+$0x0], $0xffff;
	v16 =	vadd.f32 v16, v28;
	v17 =	vmul.f32 v24, v17;
	v22 =	vadd.f32 $2.000000000e+00, v23  }
0x210: {  	v14 =	vcvt.s32.f32 v14;
	v23 =	vmul.f32 $6.931471820e-01, v25;
	v11 =	vld.idx.msk [tilespmem:v11+s28+$0x0], $0xffff;
	v20 =	vadd.f32 $2.000000000e+00, v20  }
0x211: {  	v10 =	vld.idx.msk [tilespmem:v10+s28+$0x0], $0xffff;
	v16 =	vmul.f32 v16, v27;
	v17 =	vadd.f32 v17, v21;
	v15 =	vmul.f32 v22, v15  }
0x212: {  	v14 =	vmul.f32 $6.931471820e-01, v14;
	v21 =	vshll.u32 v30, $0xA;
	v8 =	vld.idx.msk [tilespmem:v8+s28+$0x0], $0xffff;
	v18 =	vmul.f32 v20, v18  }
0x213: {  	v6 =	vsub.f32 v6, v16;
	v16 =	vmul.f32 v17, v19;
	v15 =	vadd.f32 v15, v23  }
0x214: {  	v7 =	vmul.f32 v9, v7;
	v17 =	vshll.u32 v33, $0xA;
	v19 =	vshll.u32 v32, $0xA  }
0x215: {  	v6 =	vsub.f32 v6, v16;
	v9 =	vmul.f32 v15, v13;
	v13 =	vadd.f32 v18, v14  }
0x216: {  	v14 =	vshll.u32 v26, $0xA;
	v15 =	vor.u32 s17, v21;
	v18 =	vadd.f32 $1.000000010e-10, v11  }
0x217: {  	v16 =	vadd.f32 $1.000000010e-10, v12;
	v6 =	vsub.f32 v6, v9;
	v7 =	vmul.f32 v13, v7  }
0x218: {  	v20 =	vadd.f32 $1.000000010e-10, v10;
	v9 =	vand.u32 $0x7FFFFF, v18;
	v13 =	vadd.f32 $1.000000010e-10, v8  }
0x219: {  	v8 =	vor.u32 $0x3F800000, v9;
	v9 =	vand.u32 $0x7FFFFF, v16;
	v6 =	vsub.f32 v6, v7  }
0x21a: {  	v11 =	vand.u32 $0x7FFFFF, v20;
	v7 =	vmul.f32 $5.000000000e-01, v8;
	v10 =	vand.u32 $0x7FFFFF, v13  }
0x21b: {  	vm0 =	vgt.f32 v8, $1.414213540e+00;
	v9 =	vor.u32 $0x3F800000, v9;
	v10 =	vor.u32 $0x3F800000, v10  }
0x21c: {  	v21 =	vsel vm0, v7, v8;
	v7 =	vmul.f32 $5.000000000e-01, v10;
	v8 =	vor.u32 $0x3F800000, v11  }
0x21d: {  	vm1 =	vgt.f32 v10, $1.414213540e+00;
	v11 =	vadd.f32 $1.000000000e+00, v21;
	v12 =	vmul.f32 $5.000000000e-01, v8  }
0x21e: {  	vm2 =	vgt.f32 v8, $1.414213540e+00;
	v22 =	vsel vm1, v7, v10;
	v7 =	vmul.f32 $5.000000000e-01, v9  }
0x21f: {  	v10 =	vadd.f32 $1.000000000e+00, v22;
	v23 =	vsel vm2, v12, v8;
	(erf) = vrcp.f32 v11  }
0x220: {  	vm3 =	vgt.f32 v9, $1.414213540e+00;
	v8 =	vor.u32 s15, v19;
	v11 =	vadd.f32 $1.000000000e+00, v23  }
0x221: {  	v12 =	vor.u32 s16, v17;
	v19 =	vsel vm3, v7, v9;
	v17 =	vld.idx.msk [tilespmem:v2+s18+$0x0], $0xffff;
	(erf) = vrcp.f32 v10;
	v2 =	vmovc v30  }
0x222: {  	s8 =	sand.u32 $0xFFFFFF80, s13;
	v7 =	vor.u32 s14, v14;
	v9 =	vadd.f32 $1.000000000e+00, v19;
	v24 =	vld.idx.msk [tilespmem:v3+s18+$0x0], $0xffff;
	(erf) = vrcp.f32 v11;
	v3 =	vmovc v32  }
0x223: {  	v14 =	vadd.s32 s8, v8;
	v8 =	vadd.s32 s8, v15;
	v10 =	vadd.s32 s8, v12;
	v15 =	vld.idx.msk [tilespmem:v4+s18+$0x0], $0xffff;
	v4 =	vmovc v33  }
0x224: {  	v7 =	vadd.s32 s8, v7;
	v12 =	vor.u32 v0, v8;
	v28 =	vld.idx.msk [tilespmem:v5+s18+$0x0], $0xffff;
	(erf) = vrcp.f32 v9;
	v5 =	vmovc v26  }
0x225: {  	v11 =	vor.u32 v0, v7;
	v8 =	vor.u32 v0, v10;
	v10 =	vor.u32 v0, v14  }
0x226: {  	v32 =	vsub.f32 $1.000000000e+00, v20;
	v7 =	vsub.f32 $1.000000000e+00, v16;
	v14 =	vshra.s32 v16, $0x17  }
0x227: {  	v25 =	vshra.s32 v20, $0x17;
	v16 =	vadd.f32 $-1.000000000e+00, v21;
	v33 =	vsub.f32 $1.000000000e+00, v13  }
0x228: {  	v27 =	vsub.f32 $1.000000000e+00, v18;
	v21 =	vshra.s32 v13, $0x17;
	v9 =	vmul.f32 v7, v17;
	v13 =	vpop (erf)  }
0x229: {  	v20 =	vadd.f32 $-1.000000000e+00, v22;
	v22 =	vmul.f32 v32, v24;
	v16 =	vmul.f32 v13, v16  }
0x22a: {  	v34 =	vmul.f32 v33, v15;
	v15 =	vadd.f32 $-1.000000000e+00, v23;
	v30 =	vmul.f32 v27, v28;
	v17 =	vpop (erf)  }
0x22b: {  	v28 =	vshra.s32 v18, $0x17;
	v26 =	vmul.f32 v16, v16;
	v17 =	vmul.f32 v17, v20;
	v13 =	vpop (erf)  }
0x22c: {  	v18 =	vadd.f32 $-1.000000000e+00, v19;
	v20 =	vsel vm3, $0xFFFFFF82, v1;
	v15 =	vmul.f32 v13, v15  }
.Ltmp5:
0x22d: {  	v31 =	vsel vm2, $0xFFFFFF82, v1;
	v19 =	vmul.f32 $2.857142980e-01, v26;
	v24 =	vmul.f32 v17, v17;
	v23 =	vpop (erf);
	(pc) =	sbr.rel @p1 .LBB2_9-.Ltmp5, $4  }
0x22e: {  	v29 =	vsel vm1, $0xFFFFFF82, v1;
	v13 =	vmul.f32 v22, v32;
	v18 =	vmul.f32 v23, v18  }
0x22f: {  	v23 =	vmul.f32 v15, v15;
	v35 =	vadd.f32 $4.000000060e-01, v19;
	v36 =	vmul.f32 $2.857142980e-01, v24  }
0x230: {  	v32 =	vsel vm0, $0xFFFFFF82, v1;
	v19 =	vmul.f32 v34, v33;
	v22 =	vmul.f32 v18, v18  }
0x231: {  	v33 =	vmul.f32 v35, v26;
	v34 =	vadd.f32 $4.000000060e-01, v36;
	v35 =	vmul.f32 $2.857142980e-01, v23  }
0x232: {  	_ =	sdelay $0x2  }
0x233: {  	v27 =	vmul.f32 v30, v27  }
0x234: {  	v25 =	vadd.s32 v25, v31;
	v44 =	vmul.f32 $2.857142980e-01, v22;
	v28 =	vadd.s32 v28, v32;
	v12 =	vld.idx.msk [tilespmem:v12+s28+$0x0], $0xffff  }
0x235: {  	v21 =	vadd.s32 v21, v29;
	v14 =	vadd.s32 v14, v20;
	v11 =	vld.idx.msk [tilespmem:v11+s28+$0x0], $0xffff;
	v7 =	vmul.f32 v9, v7  }
0x236: {  	v10 =	vld.idx.msk [tilespmem:v10+s28+$0x0], $0xffff;
	v45 =	vadd.f32 $6.666666860e-01, v33;
	v46 =	vmul.f32 v34, v24;
	v25 =	vcvt.s32.f32 v25  }
0x237: {  	v8 =	vld.idx.msk [tilespmem:v8+s28+$0x0], $0xffff;
	v47 =	vadd.f32 $4.000000060e-01, v35;
	v28 =	vcvt.s32.f32 v28;
	v21 =	vcvt.s32.f32 v21  }
0x238: {  	v14 =	vcvt.s32.f32 v14;
	v30 =	vadd.f32 $4.000000060e-01, v44;
	v26 =	vmul.f32 v45, v26  }
0x239: {  	v48 =	vadd.f32 $6.666666860e-01, v46;
	v49 =	vmul.f32 v47, v23;
	v28 =	vmul.f32 $6.931471820e-01, v28  }
0x23a: {  	v21 =	vmul.f32 $6.931471820e-01, v21;
	v50 =	vmul.f32 v30, v22;
	v26 =	vadd.f32 $2.000000000e+00, v26  }
0x23b: {  	v51 =	vmul.f32 v48, v24;
	v11 =	vadd.f32 $1.000000010e-10, v11;
	v58 =	vadd.f32 $1.000000010e-10, v12  }
0x23c: {  	v56 =	vmul.f32 $6.931471820e-01, v25;
	v8 =	vadd.f32 $1.000000010e-10, v8;
	v10 =	vadd.f32 $1.000000010e-10, v10  }
0x23d: {  	v14 =	vmul.f32 $6.931471820e-01, v14;
	v29 =	vadd.f32 $6.666666860e-01, v50;
	v24 =	vadd.f32 $2.000000000e+00, v51  }
0x23e: {  	v16 =	vmul.f32 v26, v16;
	v59 =	vand.u32 $0x7FFFFF, v11;
	v60 =	vand.u32 $0x7FFFFF, v58  }
0x23f: {  	v54 =	vmul.f32 v29, v22;
	v12 =	vor.u32 $0x3F800000, v59;
	v17 =	vmul.f32 v24, v17  }
0x240: {  	v62 =	vand.u32 $0x7FFFFF, v8;
	v16 =	vadd.f32 v16, v28;
	v61 =	vmul.f32 $5.000000000e-01, v12  }
0x241: {  	vm0 =	vgt.f32 v12, $1.414213540e+00;
	v20 =	vadd.f32 $2.000000000e+00, v54;
	v17 =	vadd.f32 v17, v21  }
0x242: {  	v63 =	vand.u32 $0x7FFFFF, v10;
	v16 =	vmul.f32 v16, v27;
	v12 =	vsel vm0, v61, v12  }
0x243: {  	v18 =	vmul.f32 v20, v18;
	v57 =	vmul.f32 v17, v19;
	v19 =	vor.u32 $0x3F800000, v62  }
0x244: {  	v20 =	vor.u32 $0x3F800000, v63;
	v25 =	vadd.f32 $1.000000000e+00, v12;
	v24 =	vmul.f32 $5.000000000e-01, v19  }
0x245: {  	v6 =	vsub.f32 v6, v16;
	v16 =	vor.u32 $0x3F800000, v60;
	vm1 =	vgt.f32 v19, $1.414213540e+00  }
0x246: {  	v26 =	vmul.f32 $5.000000000e-01, v20;
	(erf) = vrcp.f32 v25;
	v17 =	vsel vm1, v24, v19  }
0x247: {  	v2 =	vld.idx.msk [tilespmem:v2+s18+$0x0], $0xffff;
	vm2 =	vgt.f32 v20, $1.414213540e+00;
	v27 =	vmul.f32 $5.000000000e-01, v16;
	v28 =	vadd.f32 $1.000000000e+00, v17  }
0x248: {  	v3 =	vld.idx.msk [tilespmem:v3+s18+$0x0], $0xffff;
	v52 =	vadd.f32 $6.666666860e-01, v49;
	vm3 =	vgt.f32 v16, $1.414213540e+00;
	v20 =	vsel vm2, v26, v20  }
0x249: {  	v4 =	vld.idx.msk [tilespmem:v4+s18+$0x0], $0xffff;
	v29 =	vadd.f32 $1.000000000e+00, v20;
	v16 =	vsel vm3, v27, v16;
	(erf) = vrcp.f32 v28  }
0x24a: {  	v5 =	vld.idx.msk [tilespmem:v5+s18+$0x0], $0xffff;
	v53 =	vmul.f32 v52, v23;
	v31 =	vsub.f32 $1.000000000e+00, v10;
	v30 =	vadd.f32 $1.000000000e+00, v16  }
0x24b: {  	v32 =	vsub.f32 $1.000000000e+00, v58;
	v9 =	vshra.s32 v58, $0x17;
	(erf) = vrcp.f32 v29  }
0x24c: {  	v33 =	vsub.f32 $1.000000000e+00, v8;
	v10 =	vshra.s32 v10, $0x17;
	(erf) = vrcp.f32 v30  }
0x24d: {  	v34 =	vsub.f32 $1.000000000e+00, v11;
	v55 =	vadd.f32 $2.000000000e+00, v53;
	v2 =	vmul.f32 v32, v2  }
0x24e: {  	v3 =	vmul.f32 v31, v3;
	v4 =	vmul.f32 v33, v4;
	v12 =	vadd.f32 $-1.000000000e+00, v12  }
0x24f: {  	v11 =	vshra.s32 v11, $0x17;
	v5 =	vmul.f32 v34, v5;
	v15 =	vmul.f32 v55, v15;
	v35 =	vpop (erf)  }
0x250: {  	v50 =	vsel vm0, $0xFFFFFF82, v1;
	v4 =	vmul.f32 v4, v33;
	v12 =	vmul.f32 v35, v12  }
0x251: {  	v5 =	vmul.f32 v5, v34;
	v11 =	vadd.s32 v11, v50;
	v17 =	vadd.f32 $-1.000000000e+00, v17  }
0x252: {  	v8 =	vshra.s32 v8, $0x17;
	v11 =	vcvt.s32.f32 v11;
	v38 =	vmul.f32 v12, v12;
	v37 =	vpop (erf)  }
0x253: {  	v15 =	vadd.f32 v15, v56;
	v36 =	vadd.f32 $-1.000000000e+00, v20;
	v17 =	vmul.f32 v37, v17  }
0x254: {  	v14 =	vadd.f32 v18, v14;
	v16 =	vadd.f32 $-1.000000000e+00, v16;
	v41 =	vmul.f32 $2.857142980e-01, v38;
	v39 =	vpop (erf)  }
0x255: {  	v43 =	vsel vm2, $0xFFFFFF82, v1;
	v18 =	vmul.f32 v39, v36;
	v44 =	vpop (erf);
	v42 =	vmul.f32 v17, v17  }
0x256: {  	v11 =	vmul.f32 $6.931471820e-01, v11;
	v47 =	vadd.f32 $4.000000060e-01, v41;
	v46 =	vmul.f32 v44, v16  }
0x257: {  	v6 =	vsub.f32 v6, v57;
	v49 =	vmul.f32 v18, v18;
	v48 =	vmul.f32 $2.857142980e-01, v42  }
0x258: {  	v13 =	vmul.f32 v15, v13;
	v40 =	vsel vm3, $0xFFFFFF82, v1;
	v16 =	vmul.f32 v47, v38  }
0x259: {  	v51 =	vmul.f32 v46, v46;
	v52 =	vmul.f32 $2.857142980e-01, v49;
	v21 =	vadd.f32 $4.000000060e-01, v48  }
0x25a: {  	v10 =	vadd.s32 v10, v43;
	v7 =	vmul.f32 v14, v7;
	v16 =	vadd.f32 $6.666666860e-01, v16  }
0x25b: {  	v53 =	vmul.f32 $2.857142980e-01, v51;
	v54 =	vadd.f32 $4.000000060e-01, v52;
	v21 =	vmul.f32 v21, v42  }
0x25c: {  	v45 =	vsel vm1, $0xFFFFFF82, v1;
	v10 =	vcvt.s32.f32 v10;
	v16 =	vmul.f32 v16, v38  }
0x25d: {  	v15 =	vadd.f32 $4.000000060e-01, v53;
	v56 =	vmul.f32 v54, v49;
	v55 =	vadd.f32 $6.666666860e-01, v21  }
0x25e: {  	v8 =	vadd.s32 v8, v45;
	v9 =	vadd.s32 v9, v40;
	v16 =	vadd.f32 $2.000000000e+00, v16  }
0x25f: {  	v15 =	vmul.f32 v15, v51;
	v21 =	vadd.f32 $6.666666860e-01, v56;
	v20 =	vmul.f32 v55, v42  }
0x260: {  	v6 =	vsub.f32 v6, v13;
	v8 =	vcvt.s32.f32 v8;
	v12 =	vmul.f32 v16, v12  }
0x261: {  	v15 =	vadd.f32 $6.666666860e-01, v15;
	v58 =	vmul.f32 v21, v49;
	v57 =	vadd.f32 $2.000000000e+00, v20  }
0x262: {  	v9 =	vcvt.s32.f32 v9;
	v8 =	vmul.f32 $6.931471820e-01, v8;
	v11 =	vadd.f32 v12, v11  }
0x263: {  	v14 =	vmul.f32 v15, v51;
	v60 =	vadd.f32 $2.000000000e+00, v58;
	v59 =	vmul.f32 v57, v17  }
0x264: {  	v10 =	vmul.f32 $6.931471820e-01, v10;
	v6 =	vsub.f32 v6, v7;
	v5 =	vmul.f32 v11, v5  }
0x265: {  	v14 =	vadd.f32 $2.000000000e+00, v14;
	v61 =	vmul.f32 v60, v18;
	v8 =	vadd.f32 v59, v8  }
0x266: {  	v3 =	vmul.f32 v3, v31;
	v9 =	vmul.f32 $6.931471820e-01, v9;
	v5 =	vsub.f32 v6, v5  }
0x267: {  	v7 =	vmul.f32 v14, v46;
	v62 =	vadd.f32 v61, v10;
	v4 =	vmul.f32 v8, v4  }
0x268: {  	v2 =	vmul.f32 v2, v32  }
0x269: {  	v63 =	vadd.f32 v7, v9;
	v3 =	vmul.f32 v62, v3;
	v4 =	vsub.f32 v5, v4  }
.Ltmp6:
0x26a: {  	_ = 	snop;
	(pc) =	sbr.rel @p0 .LBB2_12-.Ltmp6, $2  }
0x26b: {  	v2 =	vmul.f32 v63, v2;
	v3 =	vsub.f32 v4, v3;
	_ =	sdelay $0x1  }
0x26c: {  	v2 =	vsub.f32 v3, v2;
	_ =	sdelay $0x1  }
0x26d: {  	s8 =	sadd.s32 $0x2E0, s10  }
0x26e: {  	s10 =	sand.u32 $0xE0, s8  }
0x26f: {  	s8 =	sshrl.u32 s8, $0x8;
	s10 =	sor.u32 s6, s10  }
0x270: {  	s11 =	smul.u32 $0x540000, s8;
	s10 =	sshll.u32 s10, $0xA  }
0x271: {  	s10 =	sand.u32 $0x3F000, s10  }
0x272: {  	s8 =	sshll.u32 s8, $0x12;
	s11 =	sor.u32 s11, s10  }
0x273: {  	s8 =	sor.u32 s8, s10;
	s11 =	sor.u32 s7, s11  }
.Ltmp7:
0x274: {  	s8 =	sor.u32 s7, s8;
	s11 =	sshrl.u32 s11, $0x3;
	(pc) =	sbr.rel .LBB2_2-.Ltmp7, $4  }
0x275: {  	s8 =	sshrl.u32 s8, $0x3;
	s11 =	sadd.s32 s1, s11  }
0x276: {  	[tilespmem:s28], [sflag:$0x4] =	stream.strided.gather [hbm4b:s11+s20], $0x5400, s21, s20, $0x38;
	[tilespmem:$0x16100] =	vst v63  }
0x277: {  	s29 =	simm.s32 $0x15C00;
	s9 =	sadd.s32 $0x1, s9;
	s8 =	sadd.s32 s2, s8  }
0x278: {  	[tilespmem:s29], [sflag:$0x8] =	stream.linear.gather [hbm4b:s8+s5], $0x400, $0x38;
	[tilespmem:$0x16100] =	vst v63  }
.LBB2_13:
0x279: {  	_ =	sfence.sel $0x180000  }
0x27a: {  	[bflag:$0x0] =	sbarrier.arrive $0xFFFF  }
0x27b: {  	_ =	strace $0x90000047  }
0x27c: {  	s0 =	stileid.u32;
	[bflag:$0x2] =	sbarrier.arrive $0xFFFF  }
0x27d: {  	p0 =	sne.s32 s0, $0x0;
	s0 =	rddreg [dreg:$0x4]  }
0x27e: {  	s0 =	sadd.s32 @!p0 $0x100000, s0  }
0x27f: {  	[sflag:s0] =	ssyncadd.tile.s32 @!p0 $0x1;
	_ =	shalt  }
.Lfunc_end2:
_tile_overlayer_lowered:
.L_overlay_start_2:
0x280: {  	(tag) =	ssettag $0x2  }
0x281: {  	s0 =	rddreg [dreg:$0x0];
	s2 =	stileid.u32  }
0x282: {  	s1 =	rddreg [dreg:$0x1];
	p0 =	sne.s32 s2, $0x0  }
0x283: {  	s3 =	rddreg [dreg:$0x2];
	[bflag:$0x3] =	sbarrier.arrive $0xFFFF;
	s2 =	simm.s32 @!p0 $0x1C09  }
0x284: {  	[timem:s3], [sflag:s2] =	dma.local @!p0 [hbm:s0], s1  }
0x285: {  	s0 =	simm.s32 @!p0 $0x9  }
0x286: {  	_ =	swait.ge @!p0 [sflag:s0], s1  }
0x287: {  	s1 =	ssub.s32 @!p0 $0x0, s1;
	[sflag:s0] =	ssyncset.done @!p0 $0x0  }
0x288: {  	[sflag:s0] =	ssyncadd.s32 @!p0 s1  }
0x289: {  	[bflag:$0x3] =	sbarrier.arrive $0xFFFF  }
0x28a: {  	_ =	shalt  }

</sc_bundles>
